<compile_context>
chip_gen: v7x
topology: tpu7x:2x2x1
jax: 0.10.2.dev20260603
libtpu: 0.0.44.dev20260713+nightly
codegen_flags: <defaults>
</compile_context>

<pallas_src>
import functools

import jax
import jax.numpy as jnp
from jax import lax
from jax.experimental import pallas as pl
from jax.experimental.pallas import tpu as pltpu
from jax.experimental.pallas import tpu_sc as plsc

_NTILE = 32
_K = 80
_ZR = 128


def _pad_rows(n):
    return -(-n // (16 * _ZR)) * (16 * _ZR)


def _num_chunks(e):
    nch = -(-e // (_NTILE * _K))
    while nch % 4 != 1:
        nch += 1
    return nch


def _scatter_rows(n, nch, w):
    npad = _pad_rows(n)
    rpt = npad // 16
    nz = rpt // _ZR
    mesh = plsc.VectorSubcoreMesh(core_axis_name="c", subcore_axis_name="s")

    @functools.partial(
        pl.kernel,
        mesh=mesh,
        out_type=jax.ShapeDtypeStruct((2, npad, w), jnp.float32),
        scratch_types=[
            pltpu.VMEM((nch, _K), jnp.int32),
            pltpu.VMEM((nch, _K), jnp.int32),
            pltpu.VMEM((4, _K, w), jnp.float32),
            pltpu.VMEM((_ZR, w), jnp.float32),
            pltpu.VMEM_SHARED((npad, w), jnp.float32),
            [pltpu.SemaphoreType.DMA] * 4,
            [pltpu.SemaphoreType.DMA] * 4,
            pltpu.SemaphoreType.DMA,
        ],
        compiler_params=pltpu.CompilerParams(use_tc_tiling_on_sc=False),
    )
    def k(g_hbm, src_hbm, dst_hbm, out_hbm, src_v, dst_v, rows_v, zer_v, acc_sh,
          gs, ss, isem):
        c = lax.axis_index("c")
        s = lax.axis_index("s")
        wid = c * 16 + s

        icp0 = pltpu.async_copy(src_hbm.at[wid], src_v, isem)
        icp1 = pltpu.async_copy(dst_hbm.at[wid], dst_v, isem)

        def zero_row(i, carry):
            for j in range(w // 16):
                zer_v[i, pl.ds(j * 16, 16)] = jnp.zeros((16,), jnp.float32)
            return carry
        lax.fori_loop(0, _ZR, zero_row, 0)

        base = s * rpt
        for r in range(nz):
            pltpu.sync_copy(zer_v, acc_sh.at[pl.ds(base + r * _ZR, _ZR)])
        icp0.wait()
        icp1.wait()
        plsc.subcore_barrier()

        def drain_g(b):
            pltpu.make_async_copy(g_hbm.at[pl.ds(0, _K)], rows_v.at[b], gs[b]).wait()

        def drain_s(b):
            pltpu.make_async_copy(g_hbm.at[pl.ds(0, _K)], rows_v.at[b], ss[b]).wait()

        pltpu.async_copy(g_hbm.at[src_v.at[0]], rows_v.at[0], gs[0])
        pltpu.async_copy(g_hbm.at[src_v.at[1]], rows_v.at[1], gs[1])

        nround = (nch - 1) // 4

        def round_body(p, carry):
            i0 = 4 * p
            for b in range(4):
                i = i0 + b
                bp = (b + 2) % 4
                if b < 2:
                    @pl.when(p >= 1)
                    def _():
                        drain_s(bp)
                    pltpu.async_copy(g_hbm.at[src_v.at[i + 2]], rows_v.at[bp], gs[bp])
                elif b == 2:
                    drain_s(bp)
                    pltpu.async_copy(g_hbm.at[src_v.at[i + 2]], rows_v.at[bp], gs[bp])
                else:
                    @pl.when(p < nround - 1)
                    def _():
                        drain_s(bp)
                        pltpu.async_copy(g_hbm.at[src_v.at[i + 2]], rows_v.at[bp], gs[bp])
                drain_g(b)
                pltpu.async_copy(rows_v.at[b], acc_sh.at[dst_v.at[i]], ss[b], add=True)
            return carry
        lax.fori_loop(0, nround, round_body, 0)

        drain_g(0)
        pltpu.async_copy(rows_v.at[0], acc_sh.at[dst_v.at[nch - 1]], ss[0], add=True)
        for b in range(4):
            drain_s(b)

        plsc.subcore_barrier()
        for r in range(nz):
            pltpu.sync_copy(acc_sh.at[pl.ds(base + r * _ZR, _ZR)],
                            out_hbm.at[c, pl.ds(base + r * _ZR, _ZR)])

    return k


def _deg_rows(n, nch, w):
    npad = _pad_rows(n)
    rpt = npad // 16
    nz = rpt // _ZR
    mesh = plsc.VectorSubcoreMesh(core_axis_name="c", subcore_axis_name="s")

    @functools.partial(
        pl.kernel,
        mesh=mesh,
        out_type=jax.ShapeDtypeStruct((2, npad, w), jnp.float32),
        scratch_types=[
            pltpu.VMEM((nch, _K), jnp.int32),
            pltpu.VMEM((_K, w), jnp.float32),
            pltpu.VMEM((_ZR, w), jnp.float32),
            pltpu.VMEM_SHARED((npad, w), jnp.float32),
            pltpu.SemaphoreType.DMA,
            [pltpu.SemaphoreType.DMA] * 2,
        ],
        compiler_params=pltpu.CompilerParams(use_tc_tiling_on_sc=False),
    )
    def k(dst_hbm, out_hbm, dst_v, ones_v, zer_v, acc_sh, isem, ss):
        c = lax.axis_index("c")
        s = lax.axis_index("s")
        wid = c * 16 + s
        icp = pltpu.async_copy(dst_hbm.at[wid], dst_v, isem)

        def zero_row(i, carry):
            for j in range(w // 16):
                zer_v[i, pl.ds(j * 16, 16)] = jnp.zeros((16,), jnp.float32)
            return carry
        lax.fori_loop(0, _ZR, zero_row, 0)

        def one_row(i, carry):
            for j in range(w // 16):
                ones_v[i, pl.ds(j * 16, 16)] = jnp.ones((16,), jnp.float32)
            return carry
        lax.fori_loop(0, _K, one_row, 0)

        base = s * rpt
        for r in range(nz):
            pltpu.sync_copy(zer_v, acc_sh.at[pl.ds(base + r * _ZR, _ZR)])
        icp.wait()
        plsc.subcore_barrier()

        def drain_s(b):
            pltpu.make_async_copy(out_hbm.at[0, pl.ds(0, _K)], ones_v, ss[b]).wait()

        def pair(p, carry):
            for b in range(2):
                @pl.when(p >= 1)
                def _():
                    drain_s(b)
                pltpu.async_copy(ones_v, acc_sh.at[dst_v.at[2 * p + b]], ss[b], add=True)
            return carry
        lax.fori_loop(0, nch // 2, pair, 0)
        drain_s(0)
        pltpu.async_copy(ones_v, acc_sh.at[dst_v.at[nch - 1]], ss[0], add=True)
        for b in range(2):
            drain_s(b)

        plsc.subcore_barrier()
        for r in range(nz):
            pltpu.sync_copy(acc_sh.at[pl.ds(base + r * _ZR, _ZR)],
                            out_hbm.at[c, pl.ds(base + r * _ZR, _ZR)])

    return k


def _tc_prep(degp, x, W1):
    n = x.shape[0]
    npad = _pad_rows(n)
    h = W1.shape[1]

    def body(degp_ref, x_ref, w1_ref, dinv_ref, g1_ref):
        deg = degp_ref[0, 0:n, 0:1] + degp_ref[1, 0:n, 0:1] + 1.0
        dinv = lax.rsqrt(deg)
        dinv_ref[...] = dinv
        g1_ref[0:n, :] = dinv * jnp.dot(x_ref[...], w1_ref[...],
                                        preferred_element_type=jnp.float32)
        g1_ref[n:npad, :] = jnp.zeros((npad - n, h), jnp.float32)

    return pl.pallas_call(
        body,
        out_shape=(jax.ShapeDtypeStruct((n, 1), jnp.float32),
                   jax.ShapeDtypeStruct((npad, h), jnp.float32)),
    )(degp, x, W1)


def _tc_mid(sp, g, dinv, b, gam, bet, W):
    n = dinv.shape[0]
    npad, h = g.shape
    hn = W.shape[1]

    def body(sp_ref, g_ref, dinv_ref, b_ref, gam_ref, bet_ref, w_ref, gout_ref):
        dinv = dinv_ref[...]
        t = dinv * (sp_ref[0, 0:n, :] + sp_ref[1, 0:n, :] + g_ref[0:n, :]) + b_ref[...]
        mu = jnp.mean(t, axis=0, keepdims=True)
        xc = t - mu
        var = jnp.mean(xc * xc, axis=0, keepdims=True)
        hh = jnp.maximum(gam_ref[...] * xc * lax.rsqrt(var + 1e-5) + bet_ref[...], 0.0)
        gout_ref[0:n, :] = dinv * jnp.dot(hh, w_ref[...],
                                          preferred_element_type=jnp.float32)
        gout_ref[n:npad, :] = jnp.zeros((npad - n, hn), jnp.float32)

    return pl.pallas_call(
        body,
        out_shape=jax.ShapeDtypeStruct((npad, hn), jnp.float32),
    )(sp, g, dinv, b, gam, bet, W)


def _tc_final(sp, g, dinv, b, gam, bet, batch2, Wl1, bl1, Wl2, bl2, G):
    n = dinv.shape[0]
    out = Wl2.shape[1]

    def body(sp_ref, g_ref, dinv_ref, b_ref, gam_ref, bet_ref, batch_ref,
             wl1_ref, bl1_ref, wl2_ref, bl2_ref, out_ref):
        dinv = dinv_ref[...]
        t = dinv * (sp_ref[0, 0:n, :] + sp_ref[1, 0:n, :] + g_ref[0:n, :]) + b_ref[...]
        mu = jnp.mean(t, axis=0, keepdims=True)
        xc = t - mu
        var = jnp.mean(xc * xc, axis=0, keepdims=True)
        hh = jnp.maximum(gam_ref[...] * xc * lax.rsqrt(var + 1e-5) + bet_ref[...], 0.0)

        gids = lax.broadcasted_iota(jnp.int32, (1, G), 1)
        m = (batch_ref[...] == gids).astype(jnp.float32)
        psum = lax.dot_general(m, hh, (((0,), (0,)), ((), ())),
                               preferred_element_type=jnp.float32)
        cnt = lax.dot_general(m, jnp.ones((n, 1), jnp.float32),
                              (((0,), (0,)), ((), ())),
                              preferred_element_type=jnp.float32)
        pooled = psum / jnp.maximum(cnt, 1.0)
        z = jnp.maximum(jnp.dot(pooled, wl1_ref[...],
                                preferred_element_type=jnp.float32) + bl1_ref[...], 0.0)
        out_ref[...] = jnp.dot(z, wl2_ref[...],
                               preferred_element_type=jnp.float32) + bl2_ref[...]

    return pl.pallas_call(
        body,
        out_shape=jax.ShapeDtypeStruct((G, out), jnp.float32),
    )(sp, g, dinv, b, gam, bet, batch2, Wl1, bl1, Wl2, bl2)


def kernel(x, edge_index, batch, W1, b1, g1, beta1, W2, b2, g2, beta2,
           W3, b3, g3, beta3, Wl1, bl1, Wl2, bl2):
    n, din = x.shape
    e = edge_index.shape[1]
    h = W1.shape[1]
    G = 64

    npad = _pad_rows(n)
    nch = _num_chunks(e)
    cap = _NTILE * nch * _K
    fill = n + jnp.arange(cap - e, dtype=jnp.int32) % (npad - n)
    src3 = jnp.concatenate([edge_index[0], fill]).reshape(_NTILE, nch, _K)
    dst3 = jnp.concatenate([edge_index[1], fill]).reshape(_NTILE, nch, _K)

    degp = _deg_rows(n, nch, 16)(dst3)
    dinv, gcur = _tc_prep(degp, x, W1)

    scat = _scatter_rows(n, nch, h)
    b1r, gam1, bet1 = b1.reshape(1, h), g1.reshape(1, h), beta1.reshape(1, h)
    b2r, gam2, bet2 = b2.reshape(1, h), g2.reshape(1, h), beta2.reshape(1, h)
    b3r, gam3, bet3 = b3.reshape(1, h), g3.reshape(1, h), beta3.reshape(1, h)

    sp = scat(gcur, src3, dst3)
    gcur = _tc_mid(sp, gcur, dinv, b1r, gam1, bet1, W2)
    sp = scat(gcur, src3, dst3)
    gcur = _tc_mid(sp, gcur, dinv, b2r, gam2, bet2, W3)
    sp = scat(gcur, src3, dst3)

    batch2 = batch.reshape(n, 1)
    return _tc_final(sp, gcur, dinv, b3r, gam3, bet3, batch2,
                     Wl1, bl1.reshape(1, -1), Wl2, bl2.reshape(1, -1), G)

# --- scband reference (transcript-rebuilt; emitter-appended) ---
"""Pipeline reference for scband-tower-gnn-38594576122130 (READ-ONLY COPY).

The authoritative reference and input builder live on the scoring server;
editing this copy changes nothing except your own understanding.
"""

import jax, jax.numpy as jnp
import numpy as np

N = 10000
E = 320000
DIN = 128
H = 64
OUT = 2
G = 64


def setup_inputs(seed: int = 0) -> dict:
    key = jax.random.key(seed)
    ks = jax.random.split(key, 20)
    x = jax.random.normal(ks[0], (N, DIN), dtype=jnp.float32)
    edge_index = jax.random.randint(ks[1], (2, E), 0, N, dtype=jnp.int32)
    batch = jnp.sort(jax.random.randint(ks[2], (N,), 0, G, dtype=jnp.int32))
    def lin(k, fan_in, shape):
        return jax.random.normal(k, shape, dtype=jnp.float32) * (1.0 / np.sqrt(fan_in))
    W1 = lin(ks[3], DIN, (DIN, H)); b1 = jnp.zeros((H,), jnp.float32)
    W2 = lin(ks[4], H, (H, H));     b2 = jnp.zeros((H,), jnp.float32)
    W3 = lin(ks[5], H, (H, H));     b3 = jnp.zeros((H,), jnp.float32)
    g1 = jnp.ones((H,), jnp.float32); beta1 = jnp.zeros((H,), jnp.float32)
    g2 = jnp.ones((H,), jnp.float32); beta2 = jnp.zeros((H,), jnp.float32)
    g3 = jnp.ones((H,), jnp.float32); beta3 = jnp.zeros((H,), jnp.float32)
    Wl1 = lin(ks[6], H, (H, 64));   bl1 = jnp.zeros((64,), jnp.float32)
    Wl2 = lin(ks[7], 64, (64, OUT)); bl2 = jnp.zeros((OUT,), jnp.float32)
    return {"x": x, "edge_index": edge_index, "batch": batch,
            "W1": W1, "b1": b1, "g1": g1, "beta1": beta1,
            "W2": W2, "b2": b2, "g2": g2, "beta2": beta2,
            "W3": W3, "b3": b3, "g3": g3, "beta3": beta3,
            "Wl1": Wl1, "bl1": bl1, "Wl2": Wl2, "bl2": bl2}


def _gcn_conv(x, W, b, src, dst, norm):
    h = x @ W
    msg = h[src] * norm[:, None]
    out = jnp.zeros((x.shape[0], h.shape[1]), h.dtype).at[dst].add(msg)
    return out + b


def _batchnorm(x, g, b, eps=1e-5):
    mu = jnp.mean(x, axis=0)
    var = jnp.mean((x - mu) ** 2, axis=0)
    return g * (x - mu) * jax.lax.rsqrt(var + eps) + b


def reference(x, edge_index, batch, W1, b1, g1, beta1, W2, b2, g2, beta2, W3, b3, g3, beta3, Wl1, bl1, Wl2, bl2):
    n = x.shape[0]
    loop = jnp.arange(n, dtype=edge_index.dtype)
    src = jnp.concatenate([edge_index[0], loop])
    dst = jnp.concatenate([edge_index[1], loop])
    deg = jnp.zeros((n,), x.dtype).at[dst].add(1.0)
    dinv = jax.lax.rsqrt(jnp.clip(deg, 1.0, None))
    norm = dinv[src] * dinv[dst]

    h = jax.nn.relu(_batchnorm(_gcn_conv(x, W1, b1, src, dst, norm), g1, beta1))
    h = jax.nn.relu(_batchnorm(_gcn_conv(h, W2, b2, src, dst, norm), g2, beta2))
    h = jax.nn.relu(_batchnorm(_gcn_conv(h, W3, b3, src, dst, norm), g3, beta3))

    sums = jax.ops.segment_sum(h, batch, num_segments=G)
    cnt = jax.ops.segment_sum(jnp.ones((n,), h.dtype), batch, num_segments=G)
    pooled = sums / jnp.clip(cnt, 1.0, None)[:, None]

    z = jax.nn.relu(pooled @ Wl1 + bl1)
    return z @ Wl2 + bl2

if __name__ == "__main__":
    import jax
    _d = setup_inputs()
    print(jax.jit(kernel)(*tuple(_d.values())))

</pallas_src>

<mosaic_0001>
#map = affine_map<(d0, d1) -> (0, 0)>
#map1 = affine_map<(d0, d1) -> (0, 0, 0)>
module attributes {stable_mosaic.version = 14 : i64} {
  func.func @k(%arg0: i32, %arg1: i32, %arg2: memref<10240x64xf32, #tpu.memory_space<hbm>>, %arg3: memref<32x125x80xi32, #tpu.memory_space<hbm>>, %arg4: memref<32x125x80xi32, #tpu.memory_space<hbm>>, %arg5: memref<2x10240x64xf32, #tpu.memory_space<hbm>>, %arg6: memref<125x80xi32, #tpu.memory_space<vmem>>, %arg7: memref<125x80xi32, #tpu.memory_space<vmem>>, %arg8: memref<4x80x64xf32, #tpu.memory_space<vmem>>, %arg9: memref<128x64xf32, #tpu.memory_space<vmem>>, %arg10: memref<10240x64xf32, #tpu.memory_space<vmem_shared>>, %arg11: memref<!tpu.dma_semaphore, #tpu.memory_space<semaphore_mem>>, %arg12: memref<!tpu.dma_semaphore, #tpu.memory_space<semaphore_mem>>, %arg13: memref<!tpu.dma_semaphore, #tpu.memory_space<semaphore_mem>>, %arg14: memref<!tpu.dma_semaphore, #tpu.memory_space<semaphore_mem>>, %arg15: memref<!tpu.dma_semaphore, #tpu.memory_space<semaphore_mem>>, %arg16: memref<!tpu.dma_semaphore, #tpu.memory_space<semaphore_mem>>, %arg17: memref<!tpu.dma_semaphore, #tpu.memory_space<semaphore_mem>>, %arg18: memref<!tpu.dma_semaphore, #tpu.memory_space<semaphore_mem>>, %arg19: memref<!tpu.dma_semaphore, #tpu.memory_space<semaphore_mem>>) attributes {dimension_semantics = [#tpu.dimension_semantics<core_parallel>, #tpu.dimension_semantics<subcore_parallel>], iteration_bounds = array<i64: 2, 16>, scalar_prefetch = 0 : i64, scratch_operands = 14 : i64, tpu.core_type = #tpu.core_type<sc_vector_subcore>, window_params = [{transform_indices = #map}, {transform_indices = #map1}, {transform_indices = #map1}, {transform_indices = #map1}]} {
    %mul3A = arith.constant 16 : i32
    %mul3A_0 = arith.muli %arg0, %mul3A : i32
    %add3A = arith.addi %mul3A_0, %arg1 : i32
    %dma_start3A = arith.constant 0 : i32
    %dma_start3A_1 = arith.constant 0 : i32
    %dma_start3A_2 = tpu.memref_slice %arg3[%add3A, %dma_start3A, %dma_start3A_1] : memref<32x125x80xi32, #tpu.memory_space<hbm>> -> memref<1x125x80xi32, #tpu.memory_space<hbm>>
    %dma_start3A_3 = tpu.memref_squeeze %dma_start3A_2 : memref<1x125x80xi32, #tpu.memory_space<hbm>> -> memref<125x80xi32, #tpu.memory_space<hbm>>
    %dma_start3A_4 = arith.constant 0 : i32
    %dma_start3A_5 = arith.constant 0 : i32
    %dma_start3A_6 = tpu.memref_slice %arg3[%add3A, %dma_start3A_4, %dma_start3A_5] : memref<32x125x80xi32, #tpu.memory_space<hbm>> -> memref<1x125x80xi32, #tpu.memory_space<hbm>>
    %dma_start3A_7 = tpu.memref_squeeze %dma_start3A_6 : memref<1x125x80xi32, #tpu.memory_space<hbm>> -> memref<125x80xi32, #tpu.memory_space<hbm>>
    tpu.enqueue_dma source(%dma_start3A_7 : memref<125x80xi32, #tpu.memory_space<hbm>>) target(%arg6 : memref<125x80xi32, #tpu.memory_space<vmem>>) target_semaphore(%arg19 : memref<!tpu.dma_semaphore, #tpu.memory_space<semaphore_mem>>)
    %dma_start3A_8 = arith.constant 0 : i32
    %dma_start3A_9 = arith.constant 0 : i32
    %dma_start3A_10 = tpu.memref_slice %arg4[%add3A, %dma_start3A_8, %dma_start3A_9] : memref<32x125x80xi32, #tpu.memory_space<hbm>> -> memref<1x125x80xi32, #tpu.memory_space<hbm>>
    %dma_start3A_11 = tpu.memref_squeeze %dma_start3A_10 : memref<1x125x80xi32, #tpu.memory_space<hbm>> -> memref<125x80xi32, #tpu.memory_space<hbm>>
    %dma_start3A_12 = arith.constant 0 : i32
    %dma_start3A_13 = arith.constant 0 : i32
    %dma_start3A_14 = tpu.memref_slice %arg4[%add3A, %dma_start3A_12, %dma_start3A_13] : memref<32x125x80xi32, #tpu.memory_space<hbm>> -> memref<1x125x80xi32, #tpu.memory_space<hbm>>
    %dma_start3A_15 = tpu.memref_squeeze %dma_start3A_14 : memref<1x125x80xi32, #tpu.memory_space<hbm>> -> memref<125x80xi32, #tpu.memory_space<hbm>>
    tpu.enqueue_dma source(%dma_start3A_15 : memref<125x80xi32, #tpu.memory_space<hbm>>) target(%arg7 : memref<125x80xi32, #tpu.memory_space<vmem>>) target_semaphore(%arg19 : memref<!tpu.dma_semaphore, #tpu.memory_space<semaphore_mem>>)
    %scan3A = arith.constant 0 : i32
    %scan3A_16 = arith.constant 0 : i32
    %scan3A_17 = arith.constant 128 : i32
    %scan3A_18 = arith.addi %scan3A_16, %scan3A_17 : i32
    %scan3A_19 = arith.constant 1 : i32
    scf.for %scan3A_186 = %scan3A_16 to %scan3A_18 step %scan3A_19  : i32 {
      %broadcast_in_dim3A = arith.constant 0.000000e+00 : f32
      %broadcast_in_dim3A_187 = vector.broadcast %broadcast_in_dim3A : f32 to vector<16xf32>
      %swap3A = arith.index_cast %scan3A_186 : i32 to index
      %swap3A_188 = arith.constant 0 : index
      %swap3A_189 = tpu.vector_load %arg9[%swap3A, %swap3A_188] {strides = array<i32>} : memref<128x64xf32, #tpu.memory_space<vmem>>, vector<1x16xf32>,
      %swap3A_190 = vector.shape_cast %swap3A_189 : vector<1x16xf32> to vector<16xf32>
      %swap3A_191 = vector.shape_cast %broadcast_in_dim3A_187 : vector<16xf32> to vector<1x16xf32>
      tpu.vector_store %arg9[%swap3A, %swap3A_188], %swap3A_191 {strides = array<i32>} : memref<128x64xf32, #tpu.memory_space<vmem>>, vector<1x16xf32>,
      %broadcast_in_dim3A_192 = arith.constant 0.000000e+00 : f32
      %broadcast_in_dim3A_193 = vector.broadcast %broadcast_in_dim3A_192 : f32 to vector<16xf32>
      %swap3A_194 = arith.index_cast %scan3A_186 : i32 to index
      %swap3A_195 = arith.constant 16 : index
      %swap3A_196 = tpu.vector_load %arg9[%swap3A_194, %swap3A_195] {strides = array<i32>} : memref<128x64xf32, #tpu.memory_space<vmem>>, vector<1x16xf32>,
      %swap3A_197 = vector.shape_cast %swap3A_196 : vector<1x16xf32> to vector<16xf32>
      %swap3A_198 = vector.shape_cast %broadcast_in_dim3A_193 : vector<16xf32> to vector<1x16xf32>
      tpu.vector_store %arg9[%swap3A_194, %swap3A_195], %swap3A_198 {strides = array<i32>} : memref<128x64xf32, #tpu.memory_space<vmem>>, vector<1x16xf32>,
      %broadcast_in_dim3A_199 = arith.constant 0.000000e+00 : f32
      %broadcast_in_dim3A_200 = vector.broadcast %broadcast_in_dim3A_199 : f32 to vector<16xf32>
      %swap3A_201 = arith.index_cast %scan3A_186 : i32 to index
      %swap3A_202 = arith.constant 32 : index
      %swap3A_203 = tpu.vector_load %arg9[%swap3A_201, %swap3A_202] {strides = array<i32>} : memref<128x64xf32, #tpu.memory_space<vmem>>, vector<1x16xf32>,
      %swap3A_204 = vector.shape_cast %swap3A_203 : vector<1x16xf32> to vector<16xf32>
      %swap3A_205 = vector.shape_cast %broadcast_in_dim3A_200 : vector<16xf32> to vector<1x16xf32>
      tpu.vector_store %arg9[%swap3A_201, %swap3A_202], %swap3A_205 {strides = array<i32>} : memref<128x64xf32, #tpu.memory_space<vmem>>, vector<1x16xf32>,
      %broadcast_in_dim3A_206 = arith.constant 0.000000e+00 : f32
      %broadcast_in_dim3A_207 = vector.broadcast %broadcast_in_dim3A_206 : f32 to vector<16xf32>
      %swap3A_208 = arith.index_cast %scan3A_186 : i32 to index
      %swap3A_209 = arith.constant 48 : index
      %swap3A_210 = tpu.vector_load %arg9[%swap3A_208, %swap3A_209] {strides = array<i32>} : memref<128x64xf32, #tpu.memory_space<vmem>>, vector<1x16xf32>,
      %swap3A_211 = vector.shape_cast %swap3A_210 : vector<1x16xf32> to vector<16xf32>
      %swap3A_212 = vector.shape_cast %broadcast_in_dim3A_207 : vector<16xf32> to vector<1x16xf32>
      tpu.vector_store %arg9[%swap3A_208, %swap3A_209], %swap3A_212 {strides = array<i32>} : memref<128x64xf32, #tpu.memory_space<vmem>>, vector<1x16xf32>,
    }
    %scan3A_20 = arith.constant 128 : i32
    %mul3A_21 = arith.constant 640 : i32
    %mul3A_22 = arith.muli %arg1, %mul3A_21 : i32
    %add3A_23 = arith.constant 0 : i32
    %add3A_24 = arith.addi %mul3A_22, %add3A_23 : i32
    "tpu.region"() ({
      %run_scoped3A = tpu.sem_alloc : memref<!tpu.dma_semaphore, #tpu.memory_space<semaphore_mem>>
      %dma_start3A_186 = arith.constant 0 : i32
      %dma_start3A_187 = tpu.memref_slice %arg10[%add3A_24, %dma_start3A_186] : memref<10240x64xf32, #tpu.memory_space<vmem_shared>> -> memref<128x64xf32, #tpu.memory_space<vmem_shared>>
      %dma_start3A_188 = arith.constant 0 : i32
      %dma_start3A_189 = tpu.memref_slice %arg10[%add3A_24, %dma_start3A_188] : memref<10240x64xf32, #tpu.memory_space<vmem_shared>> -> memref<128x64xf32, #tpu.memory_space<vmem_shared>>
      tpu.enqueue_dma source(%arg9 : memref<128x64xf32, #tpu.memory_space<vmem>>) target(%dma_start3A_189 : memref<128x64xf32, #tpu.memory_space<vmem_shared>>) target_semaphore(%run_scoped3A : memref<!tpu.dma_semaphore, #tpu.memory_space<semaphore_mem>>)
      %dma_wait3A_190 = arith.constant 0 : i32
      %dma_wait3A_191 = tpu.memref_slice %arg10[%add3A_24, %dma_wait3A_190] : memref<10240x64xf32, #tpu.memory_space<vmem_shared>> -> memref<128x64xf32, #tpu.memory_space<vmem_shared>>
      %dma_wait3A_192 = arith.constant 0 : i32
      %dma_wait3A_193 = tpu.memref_slice %arg10[%add3A_24, %dma_wait3A_192] : memref<10240x64xf32, #tpu.memory_space<vmem_shared>> -> memref<128x64xf32, #tpu.memory_space<vmem_shared>>
      tpu.wait_dma2 semaphore(%run_scoped3A : memref<!tpu.dma_semaphore, #tpu.memory_space<semaphore_mem>>) src(%arg9 : memref<128x64xf32, #tpu.memory_space<vmem>>) dst(%dma_wait3A_193 : memref<128x64xf32, #tpu.memory_space<vmem_shared>>)
      tpu.yield
    }) : () -> ()
    %add3A_25 = arith.constant 128 : i32
    %add3A_26 = arith.addi %mul3A_22, %add3A_25 : i32
    "tpu.region"() ({
      %run_scoped3A = tpu.sem_alloc : memref<!tpu.dma_semaphore, #tpu.memory_space<semaphore_mem>>
      %dma_start3A_186 = arith.constant 0 : i32
      %dma_start3A_187 = tpu.memref_slice %arg10[%add3A_26, %dma_start3A_186] : memref<10240x64xf32, #tpu.memory_space<vmem_shared>> -> memref<128x64xf32, #tpu.memory_space<vmem_shared>>
      %dma_start3A_188 = arith.constant 0 : i32
      %dma_start3A_189 = tpu.memref_slice %arg10[%add3A_26, %dma_start3A_188] : memref<10240x64xf32, #tpu.memory_space<vmem_shared>> -> memref<128x64xf32, #tpu.memory_space<vmem_shared>>
      tpu.enqueue_dma source(%arg9 : memref<128x64xf32, #tpu.memory_space<vmem>>) target(%dma_start3A_189 : memref<128x64xf32, #tpu.memory_space<vmem_shared>>) target_semaphore(%run_scoped3A : memref<!tpu.dma_semaphore, #tpu.memory_space<semaphore_mem>>)
      %dma_wait3A_190 = arith.constant 0 : i32
      %dma_wait3A_191 = tpu.memref_slice %arg10[%add3A_26, %dma_wait3A_190] : memref<10240x64xf32, #tpu.memory_space<vmem_shared>> -> memref<128x64xf32, #tpu.memory_space<vmem_shared>>
      %dma_wait3A_192 = arith.constant 0 : i32
      %dma_wait3A_193 = tpu.memref_slice %arg10[%add3A_26, %dma_wait3A_192] : memref<10240x64xf32, #tpu.memory_space<vmem_shared>> -> memref<128x64xf32, #tpu.memory_space<vmem_shared>>
      tpu.wait_dma2 semaphore(%run_scoped3A : memref<!tpu.dma_semaphore, #tpu.memory_space<semaphore_mem>>) src(%arg9 : memref<128x64xf32, #tpu.memory_space<vmem>>) dst(%dma_wait3A_193 : memref<128x64xf32, #tpu.memory_space<vmem_shared>>)
      tpu.yield
    }) : () -> ()
    %add3A_27 = arith.constant 256 : i32
    %add3A_28 = arith.addi %mul3A_22, %add3A_27 : i32
    "tpu.region"() ({
      %run_scoped3A = tpu.sem_alloc : memref<!tpu.dma_semaphore, #tpu.memory_space<semaphore_mem>>
      %dma_start3A_186 = arith.constant 0 : i32
      %dma_start3A_187 = tpu.memref_slice %arg10[%add3A_28, %dma_start3A_186] : memref<10240x64xf32, #tpu.memory_space<vmem_shared>> -> memref<128x64xf32, #tpu.memory_space<vmem_shared>>
      %dma_start3A_188 = arith.constant 0 : i32
      %dma_start3A_189 = tpu.memref_slice %arg10[%add3A_28, %dma_start3A_188] : memref<10240x64xf32, #tpu.memory_space<vmem_shared>> -> memref<128x64xf32, #tpu.memory_space<vmem_shared>>
      tpu.enqueue_dma source(%arg9 : memref<128x64xf32, #tpu.memory_space<vmem>>) target(%dma_start3A_189 : memref<128x64xf32, #tpu.memory_space<vmem_shared>>) target_semaphore(%run_scoped3A : memref<!tpu.dma_semaphore, #tpu.memory_space<semaphore_mem>>)
      %dma_wait3A_190 = arith.constant 0 : i32
      %dma_wait3A_191 = tpu.memref_slice %arg10[%add3A_28, %dma_wait3A_190] : memref<10240x64xf32, #tpu.memory_space<vmem_shared>> -> memref<128x64xf32, #tpu.memory_space<vmem_shared>>
      %dma_wait3A_192 = arith.constant 0 : i32
      %dma_wait3A_193 = tpu.memref_slice %arg10[%add3A_28, %dma_wait3A_192] : memref<10240x64xf32, #tpu.memory_space<vmem_shared>> -> memref<128x64xf32, #tpu.memory_space<vmem_shared>>
      tpu.wait_dma2 semaphore(%run_scoped3A : memref<!tpu.dma_semaphore, #tpu.memory_space<semaphore_mem>>) src(%arg9 : memref<128x64xf32, #tpu.memory_space<vmem>>) dst(%dma_wait3A_193 : memref<128x64xf32, #tpu.memory_space<vmem_shared>>)
      tpu.yield
    }) : () -> ()
    %add3A_29 = arith.constant 384 : i32
    %add3A_30 = arith.addi %mul3A_22, %add3A_29 : i32
    "tpu.region"() ({
      %run_scoped3A = tpu.sem_alloc : memref<!tpu.dma_semaphore, #tpu.memory_space<semaphore_mem>>
      %dma_start3A_186 = arith.constant 0 : i32
      %dma_start3A_187 = tpu.memref_slice %arg10[%add3A_30, %dma_start3A_186] : memref<10240x64xf32, #tpu.memory_space<vmem_shared>> -> memref<128x64xf32, #tpu.memory_space<vmem_shared>>
      %dma_start3A_188 = arith.constant 0 : i32
      %dma_start3A_189 = tpu.memref_slice %arg10[%add3A_30, %dma_start3A_188] : memref<10240x64xf32, #tpu.memory_space<vmem_shared>> -> memref<128x64xf32, #tpu.memory_space<vmem_shared>>
      tpu.enqueue_dma source(%arg9 : memref<128x64xf32, #tpu.memory_space<vmem>>) target(%dma_start3A_189 : memref<128x64xf32, #tpu.memory_space<vmem_shared>>) target_semaphore(%run_scoped3A : memref<!tpu.dma_semaphore, #tpu.memory_space<semaphore_mem>>)
      %dma_wait3A_190 = arith.constant 0 : i32
      %dma_wait3A_191 = tpu.memref_slice %arg10[%add3A_30, %dma_wait3A_190] : memref<10240x64xf32, #tpu.memory_space<vmem_shared>> -> memref<128x64xf32, #tpu.memory_space<vmem_shared>>
      %dma_wait3A_192 = arith.constant 0 : i32
      %dma_wait3A_193 = tpu.memref_slice %arg10[%add3A_30, %dma_wait3A_192] : memref<10240x64xf32, #tpu.memory_space<vmem_shared>> -> memref<128x64xf32, #tpu.memory_space<vmem_shared>>
      tpu.wait_dma2 semaphore(%run_scoped3A : memref<!tpu.dma_semaphore, #tpu.memory_space<semaphore_mem>>) src(%arg9 : memref<128x64xf32, #tpu.memory_space<vmem>>) dst(%dma_wait3A_193 : memref<128x64xf32, #tpu.memory_space<vmem_shared>>)
      tpu.yield
    }) : () -> ()
    %add3A_31 = arith.constant 512 : i32
    %add3A_32 = arith.addi %mul3A_22, %add3A_31 : i32
    "tpu.region"() ({
      %run_scoped3A = tpu.sem_alloc : memref<!tpu.dma_semaphore, #tpu.memory_space<semaphore_mem>>
      %dma_start3A_186 = arith.constant 0 : i32
      %dma_start3A_187 = tpu.memref_slice %arg10[%add3A_32, %dma_start3A_186] : memref<10240x64xf32, #tpu.memory_space<vmem_shared>> -> memref<128x64xf32, #tpu.memory_space<vmem_shared>>
      %dma_start3A_188 = arith.constant 0 : i32
      %dma_start3A_189 = tpu.memref_slice %arg10[%add3A_32, %dma_start3A_188] : memref<10240x64xf32, #tpu.memory_space<vmem_shared>> -> memref<128x64xf32, #tpu.memory_space<vmem_shared>>
      tpu.enqueue_dma source(%arg9 : memref<128x64xf32, #tpu.memory_space<vmem>>) target(%dma_start3A_189 : memref<128x64xf32, #tpu.memory_space<vmem_shared>>) target_semaphore(%run_scoped3A : memref<!tpu.dma_semaphore, #tpu.memory_space<semaphore_mem>>)
      %dma_wait3A_190 = arith.constant 0 : i32
      %dma_wait3A_191 = tpu.memref_slice %arg10[%add3A_32, %dma_wait3A_190] : memref<10240x64xf32, #tpu.memory_space<vmem_shared>> -> memref<128x64xf32, #tpu.memory_space<vmem_shared>>
      %dma_wait3A_192 = arith.constant 0 : i32
      %dma_wait3A_193 = tpu.memref_slice %arg10[%add3A_32, %dma_wait3A_192] : memref<10240x64xf32, #tpu.memory_space<vmem_shared>> -> memref<128x64xf32, #tpu.memory_space<vmem_shared>>
      tpu.wait_dma2 semaphore(%run_scoped3A : memref<!tpu.dma_semaphore, #tpu.memory_space<semaphore_mem>>) src(%arg9 : memref<128x64xf32, #tpu.memory_space<vmem>>) dst(%dma_wait3A_193 : memref<128x64xf32, #tpu.memory_space<vmem_shared>>)
      tpu.yield
    }) : () -> ()
    %dma_wait3A = arith.constant 0 : i32
    %dma_wait3A_33 = arith.constant 0 : i32
    %dma_wait3A_34 = tpu.memref_slice %arg3[%add3A, %dma_wait3A, %dma_wait3A_33] : memref<32x125x80xi32, #tpu.memory_space<hbm>> -> memref<1x125x80xi32, #tpu.memory_space<hbm>>
    %dma_wait3A_35 = tpu.memref_squeeze %dma_wait3A_34 : memref<1x125x80xi32, #tpu.memory_space<hbm>> -> memref<125x80xi32, #tpu.memory_space<hbm>>
    %dma_wait3A_36 = arith.constant 0 : i32
    %dma_wait3A_37 = arith.constant 0 : i32
    %dma_wait3A_38 = tpu.memref_slice %arg3[%add3A, %dma_wait3A_36, %dma_wait3A_37] : memref<32x125x80xi32, #tpu.memory_space<hbm>> -> memref<1x125x80xi32, #tpu.memory_space<hbm>>
    %dma_wait3A_39 = tpu.memref_squeeze %dma_wait3A_38 : memref<1x125x80xi32, #tpu.memory_space<hbm>> -> memref<125x80xi32, #tpu.memory_space<hbm>>
    tpu.wait_dma2 semaphore(%arg19 : memref<!tpu.dma_semaphore, #tpu.memory_space<semaphore_mem>>) src(%dma_wait3A_39 : memref<125x80xi32, #tpu.memory_space<hbm>>) dst(%arg6 : memref<125x80xi32, #tpu.memory_space<vmem>>)
    %dma_wait3A_40 = arith.constant 0 : i32
    %dma_wait3A_41 = arith.constant 0 : i32
    %dma_wait3A_42 = tpu.memref_slice %arg4[%add3A, %dma_wait3A_40, %dma_wait3A_41] : memref<32x125x80xi32, #tpu.memory_space<hbm>> -> memref<1x125x80xi32, #tpu.memory_space<hbm>>
    %dma_wait3A_43 = tpu.memref_squeeze %dma_wait3A_42 : memref<1x125x80xi32, #tpu.memory_space<hbm>> -> memref<125x80xi32, #tpu.memory_space<hbm>>
    %dma_wait3A_44 = arith.constant 0 : i32
    %dma_wait3A_45 = arith.constant 0 : i32
    %dma_wait3A_46 = tpu.memref_slice %arg4[%add3A, %dma_wait3A_44, %dma_wait3A_45] : memref<32x125x80xi32, #tpu.memory_space<hbm>> -> memref<1x125x80xi32, #tpu.memory_space<hbm>>
    %dma_wait3A_47 = tpu.memref_squeeze %dma_wait3A_46 : memref<1x125x80xi32, #tpu.memory_space<hbm>> -> memref<125x80xi32, #tpu.memory_space<hbm>>
    tpu.wait_dma2 semaphore(%arg19 : memref<!tpu.dma_semaphore, #tpu.memory_space<semaphore_mem>>) src(%dma_wait3A_47 : memref<125x80xi32, #tpu.memory_space<hbm>>) dst(%arg7 : memref<125x80xi32, #tpu.memory_space<vmem>>)
    %barrier3A = arith.constant 0 : index
    tpu.barrier barrier_id(%barrier3A)
    %dma_start3A_48 = arith.constant 0 : i32
    %dma_start3A_49 = arith.constant 0 : i32
    %dma_start3A_50 = arith.constant 0 : i32
    %dma_start3A_51 = arith.constant 0 : i32
    %dma_start3A_52 = tpu.memref_slice %arg8[%dma_start3A_49, %dma_start3A_50, %dma_start3A_51] : memref<4x80x64xf32, #tpu.memory_space<vmem>> -> memref<1x80x64xf32, #tpu.memory_space<vmem>>
    %dma_start3A_53 = tpu.memref_squeeze %dma_start3A_52 : memref<1x80x64xf32, #tpu.memory_space<vmem>> -> memref<80x64xf32, #tpu.memory_space<vmem>>
    %dma_start3A_54 = arith.constant 0 : i32
    %dma_start3A_55 = tpu.memref_slice %arg6[%dma_start3A_48, %dma_start3A_54] : memref<125x80xi32, #tpu.memory_space<vmem>> -> memref<1x80xi32, #tpu.memory_space<vmem>>
    %dma_start3A_56 = tpu.memref_squeeze %dma_start3A_55 : memref<1x80xi32, #tpu.memory_space<vmem>> -> memref<80xi32, #tpu.memory_space<vmem>>
    %dma_start3A_57 = arith.constant 0 : i32
    %dma_start3A_58 = arith.constant 0 : i32
    %dma_start3A_59 = tpu.memref_slice %arg2[%dma_start3A_57, %dma_start3A_58] : memref<10240x64xf32, #tpu.memory_space<hbm>> -> memref<10240x64xf32, #tpu.memory_space<hbm>>
    tpu.enqueue_indirect_dma source(%dma_start3A_59 : memref<10240x64xf32, #tpu.memory_space<hbm>>) target(%dma_start3A_53 : memref<80x64xf32, #tpu.memory_space<vmem>>) offsets(%dma_start3A_56 : memref<80xi32, #tpu.memory_space<vmem>>) semaphore(%arg11 : memref<!tpu.dma_semaphore, #tpu.memory_space<semaphore_mem>>)
    %dma_start3A_60 = arith.constant 1 : i32
    %dma_start3A_61 = arith.constant 1 : i32
    %dma_start3A_62 = arith.constant 0 : i32
    %dma_start3A_63 = arith.constant 0 : i32
    %dma_start3A_64 = tpu.memref_slice %arg8[%dma_start3A_61, %dma_start3A_62, %dma_start3A_63] : memref<4x80x64xf32, #tpu.memory_space<vmem>> -> memref<1x80x64xf32, #tpu.memory_space<vmem>>
    %dma_start3A_65 = tpu.memref_squeeze %dma_start3A_64 : memref<1x80x64xf32, #tpu.memory_space<vmem>> -> memref<80x64xf32, #tpu.memory_space<vmem>>
    %dma_start3A_66 = arith.constant 0 : i32
    %dma_start3A_67 = tpu.memref_slice %arg6[%dma_start3A_60, %dma_start3A_66] : memref<125x80xi32, #tpu.memory_space<vmem>> -> memref<1x80xi32, #tpu.memory_space<vmem>>
    %dma_start3A_68 = tpu.memref_squeeze %dma_start3A_67 : memref<1x80xi32, #tpu.memory_space<vmem>> -> memref<80xi32, #tpu.memory_space<vmem>>
    %dma_start3A_69 = arith.constant 0 : i32
    %dma_start3A_70 = arith.constant 0 : i32
    %dma_start3A_71 = tpu.memref_slice %arg2[%dma_start3A_69, %dma_start3A_70] : memref<10240x64xf32, #tpu.memory_space<hbm>> -> memref<10240x64xf32, #tpu.memory_space<hbm>>
    tpu.enqueue_indirect_dma source(%dma_start3A_71 : memref<10240x64xf32, #tpu.memory_space<hbm>>) target(%dma_start3A_65 : memref<80x64xf32, #tpu.memory_space<vmem>>) offsets(%dma_start3A_68 : memref<80xi32, #tpu.memory_space<vmem>>) semaphore(%arg12 : memref<!tpu.dma_semaphore, #tpu.memory_space<semaphore_mem>>)
    %scan3A_72 = arith.constant 0 : i32
    %scan3A_73 = arith.constant 0 : i32
    %scan3A_74 = arith.constant 31 : i32
    %scan3A_75 = arith.addi %scan3A_73, %scan3A_74 : i32
    %scan3A_76 = arith.constant 1 : i32
    scf.for %scan3A_186 = %scan3A_73 to %scan3A_75 step %scan3A_76  : i32 {
      %mul3A_187 = arith.constant 4 : i32
      %mul3A_188 = arith.muli %mul3A_187, %scan3A_186 : i32
      %add3A_189 = arith.constant 0 : i32
      %add3A_190 = arith.addi %mul3A_188, %add3A_189 : i32
      %ge3A = arith.constant 1 : i32
      %ge3A_191 = arith.cmpi sge, %scan3A_186, %ge3A : i32
      %convert_element_type3A = arith.extui %ge3A_191 : i1 to i32
      %cond3A = arith.constant 0 : i32
      %cond3A_192 = arith.cmpi ne, %convert_element_type3A, %cond3A : i32
      scf.if %cond3A_192 {
        %dma_wait3A_366 = arith.constant 2 : i32
        %dma_wait3A_367 = arith.constant 0 : i32
        %dma_wait3A_368 = arith.constant 0 : i32
        %dma_wait3A_369 = tpu.memref_slice %arg8[%dma_wait3A_366, %dma_wait3A_367, %dma_wait3A_368] : memref<4x80x64xf32, #tpu.memory_space<vmem>> -> memref<1x80x64xf32, #tpu.memory_space<vmem>>
        %dma_wait3A_370 = tpu.memref_squeeze %dma_wait3A_369 : memref<1x80x64xf32, #tpu.memory_space<vmem>> -> memref<80x64xf32, #tpu.memory_space<vmem>>
        %dma_wait3A_371 = arith.constant 0 : i32
        %dma_wait3A_372 = arith.constant 0 : i32
        %dma_wait3A_373 = tpu.memref_slice %arg2[%dma_wait3A_371, %dma_wait3A_372] : memref<10240x64xf32, #tpu.memory_space<hbm>> -> memref<80x64xf32, #tpu.memory_space<hbm>>
        %dma_wait3A_374 = arith.constant 0 : i32
        %dma_wait3A_375 = arith.constant 0 : i32
        %dma_wait3A_376 = tpu.memref_slice %arg8[%dma_wait3A_366, %dma_wait3A_374, %dma_wait3A_375] : memref<4x80x64xf32, #tpu.memory_space<vmem>> -> memref<1x80x64xf32, #tpu.memory_space<vmem>>
        %dma_wait3A_377 = tpu.memref_squeeze %dma_wait3A_376 : memref<1x80x64xf32, #tpu.memory_space<vmem>> -> memref<80x64xf32, #tpu.memory_space<vmem>>
        %dma_wait3A_378 = arith.constant 0 : i32
        %dma_wait3A_379 = arith.constant 0 : i32
        %dma_wait3A_380 = tpu.memref_slice %arg2[%dma_wait3A_378, %dma_wait3A_379] : memref<10240x64xf32, #tpu.memory_space<hbm>> -> memref<80x64xf32, #tpu.memory_space<hbm>>
        tpu.wait_dma2 semaphore(%arg17 : memref<!tpu.dma_semaphore, #tpu.memory_space<semaphore_mem>>) src(%dma_wait3A_380 : memref<80x64xf32, #tpu.memory_space<hbm>>) dst(%dma_wait3A_377 : memref<80x64xf32, #tpu.memory_space<vmem>>)
      } else {
      }
      %add3A_193 = arith.constant 2 : i32
      %add3A_194 = arith.addi %add3A_190, %add3A_193 : i32
      %dma_start3A_195 = arith.constant 2 : i32
      %dma_start3A_196 = arith.constant 0 : i32
      %dma_start3A_197 = arith.constant 0 : i32
      %dma_start3A_198 = tpu.memref_slice %arg8[%dma_start3A_195, %dma_start3A_196, %dma_start3A_197] : memref<4x80x64xf32, #tpu.memory_space<vmem>> -> memref<1x80x64xf32, #tpu.memory_space<vmem>>
      %dma_start3A_199 = tpu.memref_squeeze %dma_start3A_198 : memref<1x80x64xf32, #tpu.memory_space<vmem>> -> memref<80x64xf32, #tpu.memory_space<vmem>>
      %dma_start3A_200 = arith.constant 0 : i32
      %dma_start3A_201 = tpu.memref_slice %arg6[%add3A_194, %dma_start3A_200] : memref<125x80xi32, #tpu.memory_space<vmem>> -> memref<1x80xi32, #tpu.memory_space<vmem>>
      %dma_start3A_202 = tpu.memref_squeeze %dma_start3A_201 : memref<1x80xi32, #tpu.memory_space<vmem>> -> memref<80xi32, #tpu.memory_space<vmem>>
      %dma_start3A_203 = arith.constant 0 : i32
      %dma_start3A_204 = arith.constant 0 : i32
      %dma_start3A_205 = tpu.memref_slice %arg2[%dma_start3A_203, %dma_start3A_204] : memref<10240x64xf32, #tpu.memory_space<hbm>> -> memref<10240x64xf32, #tpu.memory_space<hbm>>
      tpu.enqueue_indirect_dma source(%dma_start3A_205 : memref<10240x64xf32, #tpu.memory_space<hbm>>) target(%dma_start3A_199 : memref<80x64xf32, #tpu.memory_space<vmem>>) offsets(%dma_start3A_202 : memref<80xi32, #tpu.memory_space<vmem>>) semaphore(%arg13 : memref<!tpu.dma_semaphore, #tpu.memory_space<semaphore_mem>>)
      %dma_wait3A_206 = arith.constant 0 : i32
      %dma_wait3A_207 = arith.constant 0 : i32
      %dma_wait3A_208 = arith.constant 0 : i32
      %dma_wait3A_209 = tpu.memref_slice %arg8[%dma_wait3A_206, %dma_wait3A_207, %dma_wait3A_208] : memref<4x80x64xf32, #tpu.memory_space<vmem>> -> memref<1x80x64xf32, #tpu.memory_space<vmem>>
      %dma_wait3A_210 = tpu.memref_squeeze %dma_wait3A_209 : memref<1x80x64xf32, #tpu.memory_space<vmem>> -> memref<80x64xf32, #tpu.memory_space<vmem>>
      %dma_wait3A_211 = arith.constant 0 : i32
      %dma_wait3A_212 = arith.constant 0 : i32
      %dma_wait3A_213 = tpu.memref_slice %arg2[%dma_wait3A_211, %dma_wait3A_212] : memref<10240x64xf32, #tpu.memory_space<hbm>> -> memref<80x64xf32, #tpu.memory_space<hbm>>
      %dma_wait3A_214 = arith.constant 0 : i32
      %dma_wait3A_215 = arith.constant 0 : i32
      %dma_wait3A_216 = tpu.memref_slice %arg8[%dma_wait3A_206, %dma_wait3A_214, %dma_wait3A_215] : memref<4x80x64xf32, #tpu.memory_space<vmem>> -> memref<1x80x64xf32, #tpu.memory_space<vmem>>
      %dma_wait3A_217 = tpu.memref_squeeze %dma_wait3A_216 : memref<1x80x64xf32, #tpu.memory_space<vmem>> -> memref<80x64xf32, #tpu.memory_space<vmem>>
      %dma_wait3A_218 = arith.constant 0 : i32
      %dma_wait3A_219 = arith.constant 0 : i32
      %dma_wait3A_220 = tpu.memref_slice %arg2[%dma_wait3A_218, %dma_wait3A_219] : memref<10240x64xf32, #tpu.memory_space<hbm>> -> memref<80x64xf32, #tpu.memory_space<hbm>>
      tpu.wait_dma2 semaphore(%arg11 : memref<!tpu.dma_semaphore, #tpu.memory_space<semaphore_mem>>) src(%dma_wait3A_220 : memref<80x64xf32, #tpu.memory_space<hbm>>) dst(%dma_wait3A_217 : memref<80x64xf32, #tpu.memory_space<vmem>>)
      %dma_start3A_221 = arith.constant 0 : i32
      %dma_start3A_222 = arith.constant 0 : i32
      %dma_start3A_223 = arith.constant 0 : i32
      %dma_start3A_224 = tpu.memref_slice %arg8[%dma_start3A_221, %dma_start3A_222, %dma_start3A_223] : memref<4x80x64xf32, #tpu.memory_space<vmem>> -> memref<1x80x64xf32, #tpu.memory_space<vmem>>
      %dma_start3A_225 = tpu.memref_squeeze %dma_start3A_224 : memref<1x80x64xf32, #tpu.memory_space<vmem>> -> memref<80x64xf32, #tpu.memory_space<vmem>>
      %dma_start3A_226 = arith.constant 0 : i32
      %dma_start3A_227 = tpu.memref_slice %arg7[%add3A_190, %dma_start3A_226] : memref<125x80xi32, #tpu.memory_space<vmem>> -> memref<1x80xi32, #tpu.memory_space<vmem>>
      %dma_start3A_228 = tpu.memref_squeeze %dma_start3A_227 : memref<1x80xi32, #tpu.memory_space<vmem>> -> memref<80xi32, #tpu.memory_space<vmem>>
      %dma_start3A_229 = arith.constant 0 : i32
      %dma_start3A_230 = arith.constant 0 : i32
      %dma_start3A_231 = tpu.memref_slice %arg10[%dma_start3A_229, %dma_start3A_230] : memref<10240x64xf32, #tpu.memory_space<vmem_shared>> -> memref<10240x64xf32, #tpu.memory_space<vmem_shared>>
      tpu.enqueue_indirect_dma source(%dma_start3A_225 : memref<80x64xf32, #tpu.memory_space<vmem>>) target(%dma_start3A_231 : memref<10240x64xf32, #tpu.memory_space<vmem_shared>>) offsets(%dma_start3A_228 : memref<80xi32, #tpu.memory_space<vmem>>) semaphore(%arg15 : memref<!tpu.dma_semaphore, #tpu.memory_space<semaphore_mem>>) {add = true}
      %add3A_232 = arith.constant 1 : i32
      %add3A_233 = arith.addi %mul3A_188, %add3A_232 : i32
      %ge3A_234 = arith.constant 1 : i32
      %ge3A_235 = arith.cmpi sge, %scan3A_186, %ge3A_234 : i32
      %convert_element_type3A_236 = arith.extui %ge3A_235 : i1 to i32
      %cond3A_237 = arith.constant 0 : i32
      %cond3A_238 = arith.cmpi ne, %convert_element_type3A_236, %cond3A_237 : i32
      scf.if %cond3A_238 {
        %dma_wait3A_366 = arith.constant 3 : i32
        %dma_wait3A_367 = arith.constant 0 : i32
        %dma_wait3A_368 = arith.constant 0 : i32
        %dma_wait3A_369 = tpu.memref_slice %arg8[%dma_wait3A_366, %dma_wait3A_367, %dma_wait3A_368] : memref<4x80x64xf32, #tpu.memory_space<vmem>> -> memref<1x80x64xf32, #tpu.memory_space<vmem>>
        %dma_wait3A_370 = tpu.memref_squeeze %dma_wait3A_369 : memref<1x80x64xf32, #tpu.memory_space<vmem>> -> memref<80x64xf32, #tpu.memory_space<vmem>>
        %dma_wait3A_371 = arith.constant 0 : i32
        %dma_wait3A_372 = arith.constant 0 : i32
        %dma_wait3A_373 = tpu.memref_slice %arg2[%dma_wait3A_371, %dma_wait3A_372] : memref<10240x64xf32, #tpu.memory_space<hbm>> -> memref<80x64xf32, #tpu.memory_space<hbm>>
        %dma_wait3A_374 = arith.constant 0 : i32
        %dma_wait3A_375 = arith.constant 0 : i32
        %dma_wait3A_376 = tpu.memref_slice %arg8[%dma_wait3A_366, %dma_wait3A_374, %dma_wait3A_375] : memref<4x80x64xf32, #tpu.memory_space<vmem>> -> memref<1x80x64xf32, #tpu.memory_space<vmem>>
        %dma_wait3A_377 = tpu.memref_squeeze %dma_wait3A_376 : memref<1x80x64xf32, #tpu.memory_space<vmem>> -> memref<80x64xf32, #tpu.memory_space<vmem>>
        %dma_wait3A_378 = arith.constant 0 : i32
        %dma_wait3A_379 = arith.constant 0 : i32
        %dma_wait3A_380 = tpu.memref_slice %arg2[%dma_wait3A_378, %dma_wait3A_379] : memref<10240x64xf32, #tpu.memory_space<hbm>> -> memref<80x64xf32, #tpu.memory_space<hbm>>
        tpu.wait_dma2 semaphore(%arg18 : memref<!tpu.dma_semaphore, #tpu.memory_space<semaphore_mem>>) src(%dma_wait3A_380 : memref<80x64xf32, #tpu.memory_space<hbm>>) dst(%dma_wait3A_377 : memref<80x64xf32, #tpu.memory_space<vmem>>)
      } else {
      }
      %add3A_239 = arith.constant 2 : i32
      %add3A_240 = arith.addi %add3A_233, %add3A_239 : i32
      %dma_start3A_241 = arith.constant 3 : i32
      %dma_start3A_242 = arith.constant 0 : i32
      %dma_start3A_243 = arith.constant 0 : i32
      %dma_start3A_244 = tpu.memref_slice %arg8[%dma_start3A_241, %dma_start3A_242, %dma_start3A_243] : memref<4x80x64xf32, #tpu.memory_space<vmem>> -> memref<1x80x64xf32, #tpu.memory_space<vmem>>
      %dma_start3A_245 = tpu.memref_squeeze %dma_start3A_244 : memref<1x80x64xf32, #tpu.memory_space<vmem>> -> memref<80x64xf32, #tpu.memory_space<vmem>>
      %dma_start3A_246 = arith.constant 0 : i32
      %dma_start3A_247 = tpu.memref_slice %arg6[%add3A_240, %dma_start3A_246] : memref<125x80xi32, #tpu.memory_space<vmem>> -> memref<1x80xi32, #tpu.memory_space<vmem>>
      %dma_start3A_248 = tpu.memref_squeeze %dma_start3A_247 : memref<1x80xi32, #tpu.memory_space<vmem>> -> memref<80xi32, #tpu.memory_space<vmem>>
      %dma_start3A_249 = arith.constant 0 : i32
      %dma_start3A_250 = arith.constant 0 : i32
      %dma_start3A_251 = tpu.memref_slice %arg2[%dma_start3A_249, %dma_start3A_250] : memref<10240x64xf32, #tpu.memory_space<hbm>> -> memref<10240x64xf32, #tpu.memory_space<hbm>>
      tpu.enqueue_indirect_dma source(%dma_start3A_251 : memref<10240x64xf32, #tpu.memory_space<hbm>>) target(%dma_start3A_245 : memref<80x64xf32, #tpu.memory_space<vmem>>) offsets(%dma_start3A_248 : memref<80xi32, #tpu.memory_space<vmem>>) semaphore(%arg14 : memref<!tpu.dma_semaphore, #tpu.memory_space<semaphore_mem>>)
      %dma_wait3A_252 = arith.constant 1 : i32
      %dma_wait3A_253 = arith.constant 0 : i32
      %dma_wait3A_254 = arith.constant 0 : i32
      %dma_wait3A_255 = tpu.memref_slice %arg8[%dma_wait3A_252, %dma_wait3A_253, %dma_wait3A_254] : memref<4x80x64xf32, #tpu.memory_space<vmem>> -> memref<1x80x64xf32, #tpu.memory_space<vmem>>
      %dma_wait3A_256 = tpu.memref_squeeze %dma_wait3A_255 : memref<1x80x64xf32, #tpu.memory_space<vmem>> -> memref<80x64xf32, #tpu.memory_space<vmem>>
      %dma_wait3A_257 = arith.constant 0 : i32
      %dma_wait3A_258 = arith.constant 0 : i32
      %dma_wait3A_259 = tpu.memref_slice %arg2[%dma_wait3A_257, %dma_wait3A_258] : memref<10240x64xf32, #tpu.memory_space<hbm>> -> memref<80x64xf32, #tpu.memory_space<hbm>>
      %dma_wait3A_260 = arith.constant 0 : i32
      %dma_wait3A_261 = arith.constant 0 : i32
      %dma_wait3A_262 = tpu.memref_slice %arg8[%dma_wait3A_252, %dma_wait3A_260, %dma_wait3A_261] : memref<4x80x64xf32, #tpu.memory_space<vmem>> -> memref<1x80x64xf32, #tpu.memory_space<vmem>>
      %dma_wait3A_263 = tpu.memref_squeeze %dma_wait3A_262 : memref<1x80x64xf32, #tpu.memory_space<vmem>> -> memref<80x64xf32, #tpu.memory_space<vmem>>
      %dma_wait3A_264 = arith.constant 0 : i32
      %dma_wait3A_265 = arith.constant 0 : i32
      %dma_wait3A_266 = tpu.memref_slice %arg2[%dma_wait3A_264, %dma_wait3A_265] : memref<10240x64xf32, #tpu.memory_space<hbm>> -> memref<80x64xf32, #tpu.memory_space<hbm>>
      tpu.wait_dma2 semaphore(%arg12 : memref<!tpu.dma_semaphore, #tpu.memory_space<semaphore_mem>>) src(%dma_wait3A_266 : memref<80x64xf32, #tpu.memory_space<hbm>>) dst(%dma_wait3A_263 : memref<80x64xf32, #tpu.memory_space<vmem>>)
      %dma_start3A_267 = arith.constant 1 : i32
      %dma_start3A_268 = arith.constant 0 : i32
      %dma_start3A_269 = arith.constant 0 : i32
      %dma_start3A_270 = tpu.memref_slice %arg8[%dma_start3A_267, %dma_start3A_268, %dma_start3A_269] : memref<4x80x64xf32, #tpu.memory_space<vmem>> -> memref<1x80x64xf32, #tpu.memory_space<vmem>>
      %dma_start3A_271 = tpu.memref_squeeze %dma_start3A_270 : memref<1x80x64xf32, #tpu.memory_space<vmem>> -> memref<80x64xf32, #tpu.memory_space<vmem>>
      %dma_start3A_272 = arith.constant 0 : i32
      %dma_start3A_273 = tpu.memref_slice %arg7[%add3A_233, %dma_start3A_272] : memref<125x80xi32, #tpu.memory_space<vmem>> -> memref<1x80xi32, #tpu.memory_space<vmem>>
      %dma_start3A_274 = tpu.memref_squeeze %dma_start3A_273 : memref<1x80xi32, #tpu.memory_space<vmem>> -> memref<80xi32, #tpu.memory_space<vmem>>
      %dma_start3A_275 = arith.constant 0 : i32
      %dma_start3A_276 = arith.constant 0 : i32
      %dma_start3A_277 = tpu.memref_slice %arg10[%dma_start3A_275, %dma_start3A_276] : memref<10240x64xf32, #tpu.memory_space<vmem_shared>> -> memref<10240x64xf32, #tpu.memory_space<vmem_shared>>
      tpu.enqueue_indirect_dma source(%dma_start3A_271 : memref<80x64xf32, #tpu.memory_space<vmem>>) target(%dma_start3A_277 : memref<10240x64xf32, #tpu.memory_space<vmem_shared>>) offsets(%dma_start3A_274 : memref<80xi32, #tpu.memory_space<vmem>>) semaphore(%arg16 : memref<!tpu.dma_semaphore, #tpu.memory_space<semaphore_mem>>) {add = true}
      %add3A_278 = arith.constant 2 : i32
      %add3A_279 = arith.addi %mul3A_188, %add3A_278 : i32
      %dma_wait3A_280 = arith.constant 0 : i32
      %dma_wait3A_281 = arith.constant 0 : i32
      %dma_wait3A_282 = arith.constant 0 : i32
      %dma_wait3A_283 = tpu.memref_slice %arg8[%dma_wait3A_280, %dma_wait3A_281, %dma_wait3A_282] : memref<4x80x64xf32, #tpu.memory_space<vmem>> -> memref<1x80x64xf32, #tpu.memory_space<vmem>>
      %dma_wait3A_284 = tpu.memref_squeeze %dma_wait3A_283 : memref<1x80x64xf32, #tpu.memory_space<vmem>> -> memref<80x64xf32, #tpu.memory_space<vmem>>
      %dma_wait3A_285 = arith.constant 0 : i32
      %dma_wait3A_286 = arith.constant 0 : i32
      %dma_wait3A_287 = tpu.memref_slice %arg2[%dma_wait3A_285, %dma_wait3A_286] : memref<10240x64xf32, #tpu.memory_space<hbm>> -> memref<80x64xf32, #tpu.memory_space<hbm>>
      %dma_wait3A_288 = arith.constant 0 : i32
      %dma_wait3A_289 = arith.constant 0 : i32
      %dma_wait3A_290 = tpu.memref_slice %arg8[%dma_wait3A_280, %dma_wait3A_288, %dma_wait3A_289] : memref<4x80x64xf32, #tpu.memory_space<vmem>> -> memref<1x80x64xf32, #tpu.memory_space<vmem>>
      %dma_wait3A_291 = tpu.memref_squeeze %dma_wait3A_290 : memref<1x80x64xf32, #tpu.memory_space<vmem>> -> memref<80x64xf32, #tpu.memory_space<vmem>>
      %dma_wait3A_292 = arith.constant 0 : i32
      %dma_wait3A_293 = arith.constant 0 : i32
      %dma_wait3A_294 = tpu.memref_slice %arg2[%dma_wait3A_292, %dma_wait3A_293] : memref<10240x64xf32, #tpu.memory_space<hbm>> -> memref<80x64xf32, #tpu.memory_space<hbm>>
      tpu.wait_dma2 semaphore(%arg15 : memref<!tpu.dma_semaphore, #tpu.memory_space<semaphore_mem>>) src(%dma_wait3A_294 : memref<80x64xf32, #tpu.memory_space<hbm>>) dst(%dma_wait3A_291 : memref<80x64xf32, #tpu.memory_space<vmem>>)
      %add3A_295 = arith.constant 2 : i32
      %add3A_296 = arith.addi %add3A_279, %add3A_295 : i32
      %dma_start3A_297 = arith.constant 0 : i32
      %dma_start3A_298 = arith.constant 0 : i32
      %dma_start3A_299 = arith.constant 0 : i32
      %dma_start3A_300 = tpu.memref_slice %arg8[%dma_start3A_297, %dma_start3A_298, %dma_start3A_299] : memref<4x80x64xf32, #tpu.memory_space<vmem>> -> memref<1x80x64xf32, #tpu.memory_space<vmem>>
      %dma_start3A_301 = tpu.memref_squeeze %dma_start3A_300 : memref<1x80x64xf32, #tpu.memory_space<vmem>> -> memref<80x64xf32, #tpu.memory_space<vmem>>
      %dma_start3A_302 = arith.constant 0 : i32
      %dma_start3A_303 = tpu.memref_slice %arg6[%add3A_296, %dma_start3A_302] : memref<125x80xi32, #tpu.memory_space<vmem>> -> memref<1x80xi32, #tpu.memory_space<vmem>>
      %dma_start3A_304 = tpu.memref_squeeze %dma_start3A_303 : memref<1x80xi32, #tpu.memory_space<vmem>> -> memref<80xi32, #tpu.memory_space<vmem>>
      %dma_start3A_305 = arith.constant 0 : i32
      %dma_start3A_306 = arith.constant 0 : i32
      %dma_start3A_307 = tpu.memref_slice %arg2[%dma_start3A_305, %dma_start3A_306] : memref<10240x64xf32, #tpu.memory_space<hbm>> -> memref<10240x64xf32, #tpu.memory_space<hbm>>
      tpu.enqueue_indirect_dma source(%dma_start3A_307 : memref<10240x64xf32, #tpu.memory_space<hbm>>) target(%dma_start3A_301 : memref<80x64xf32, #tpu.memory_space<vmem>>) offsets(%dma_start3A_304 : memref<80xi32, #tpu.memory_space<vmem>>) semaphore(%arg11 : memref<!tpu.dma_semaphore, #tpu.memory_space<semaphore_mem>>)
      %dma_wait3A_308 = arith.constant 2 : i32
      %dma_wait3A_309 = arith.constant 0 : i32
      %dma_wait3A_310 = arith.constant 0 : i32
      %dma_wait3A_311 = tpu.memref_slice %arg8[%dma_wait3A_308, %dma_wait3A_309, %dma_wait3A_310] : memref<4x80x64xf32, #tpu.memory_space<vmem>> -> memref<1x80x64xf32, #tpu.memory_space<vmem>>
      %dma_wait3A_312 = tpu.memref_squeeze %dma_wait3A_311 : memref<1x80x64xf32, #tpu.memory_space<vmem>> -> memref<80x64xf32, #tpu.memory_space<vmem>>
      %dma_wait3A_313 = arith.constant 0 : i32
      %dma_wait3A_314 = arith.constant 0 : i32
      %dma_wait3A_315 = tpu.memref_slice %arg2[%dma_wait3A_313, %dma_wait3A_314] : memref<10240x64xf32, #tpu.memory_space<hbm>> -> memref<80x64xf32, #tpu.memory_space<hbm>>
      %dma_wait3A_316 = arith.constant 0 : i32
      %dma_wait3A_317 = arith.constant 0 : i32
      %dma_wait3A_318 = tpu.memref_slice %arg8[%dma_wait3A_308, %dma_wait3A_316, %dma_wait3A_317] : memref<4x80x64xf32, #tpu.memory_space<vmem>> -> memref<1x80x64xf32, #tpu.memory_space<vmem>>
      %dma_wait3A_319 = tpu.memref_squeeze %dma_wait3A_318 : memref<1x80x64xf32, #tpu.memory_space<vmem>> -> memref<80x64xf32, #tpu.memory_space<vmem>>
      %dma_wait3A_320 = arith.constant 0 : i32
      %dma_wait3A_321 = arith.constant 0 : i32
      %dma_wait3A_322 = tpu.memref_slice %arg2[%dma_wait3A_320, %dma_wait3A_321] : memref<10240x64xf32, #tpu.memory_space<hbm>> -> memref<80x64xf32, #tpu.memory_space<hbm>>
      tpu.wait_dma2 semaphore(%arg13 : memref<!tpu.dma_semaphore, #tpu.memory_space<semaphore_mem>>) src(%dma_wait3A_322 : memref<80x64xf32, #tpu.memory_space<hbm>>) dst(%dma_wait3A_319 : memref<80x64xf32, #tpu.memory_space<vmem>>)
      %dma_start3A_323 = arith.constant 2 : i32
      %dma_start3A_324 = arith.constant 0 : i32
      %dma_start3A_325 = arith.constant 0 : i32
      %dma_start3A_326 = tpu.memref_slice %arg8[%dma_start3A_323, %dma_start3A_324, %dma_start3A_325] : memref<4x80x64xf32, #tpu.memory_space<vmem>> -> memref<1x80x64xf32, #tpu.memory_space<vmem>>
      %dma_start3A_327 = tpu.memref_squeeze %dma_start3A_326 : memref<1x80x64xf32, #tpu.memory_space<vmem>> -> memref<80x64xf32, #tpu.memory_space<vmem>>
      %dma_start3A_328 = arith.constant 0 : i32
      %dma_start3A_329 = tpu.memref_slice %arg7[%add3A_279, %dma_start3A_328] : memref<125x80xi32, #tpu.memory_space<vmem>> -> memref<1x80xi32, #tpu.memory_space<vmem>>
      %dma_start3A_330 = tpu.memref_squeeze %dma_start3A_329 : memref<1x80xi32, #tpu.memory_space<vmem>> -> memref<80xi32, #tpu.memory_space<vmem>>
      %dma_start3A_331 = arith.constant 0 : i32
      %dma_start3A_332 = arith.constant 0 : i32
      %dma_start3A_333 = tpu.memref_slice %arg10[%dma_start3A_331, %dma_start3A_332] : memref<10240x64xf32, #tpu.memory_space<vmem_shared>> -> memref<10240x64xf32, #tpu.memory_space<vmem_shared>>
      tpu.enqueue_indirect_dma source(%dma_start3A_327 : memref<80x64xf32, #tpu.memory_space<vmem>>) target(%dma_start3A_333 : memref<10240x64xf32, #tpu.memory_space<vmem_shared>>) offsets(%dma_start3A_330 : memref<80xi32, #tpu.memory_space<vmem>>) semaphore(%arg17 : memref<!tpu.dma_semaphore, #tpu.memory_space<semaphore_mem>>) {add = true}
      %add3A_334 = arith.constant 3 : i32
      %add3A_335 = arith.addi %mul3A_188, %add3A_334 : i32
      %lt3A = arith.constant 30 : i32
      %lt3A_336 = arith.cmpi slt, %scan3A_186, %lt3A : i32
      %convert_element_type3A_337 = arith.extui %lt3A_336 : i1 to i32
      %cond3A_338 = arith.constant 0 : i32
      %cond3A_339 = arith.cmpi ne, %convert_element_type3A_337, %cond3A_338 : i32
      scf.if %cond3A_339 {
        %dma_wait3A_366 = arith.constant 1 : i32
        %dma_wait3A_367 = arith.constant 0 : i32
        %dma_wait3A_368 = arith.constant 0 : i32
        %dma_wait3A_369 = tpu.memref_slice %arg8[%dma_wait3A_366, %dma_wait3A_367, %dma_wait3A_368] : memref<4x80x64xf32, #tpu.memory_space<vmem>> -> memref<1x80x64xf32, #tpu.memory_space<vmem>>
        %dma_wait3A_370 = tpu.memref_squeeze %dma_wait3A_369 : memref<1x80x64xf32, #tpu.memory_space<vmem>> -> memref<80x64xf32, #tpu.memory_space<vmem>>
        %dma_wait3A_371 = arith.constant 0 : i32
        %dma_wait3A_372 = arith.constant 0 : i32
        %dma_wait3A_373 = tpu.memref_slice %arg2[%dma_wait3A_371, %dma_wait3A_372] : memref<10240x64xf32, #tpu.memory_space<hbm>> -> memref<80x64xf32, #tpu.memory_space<hbm>>
        %dma_wait3A_374 = arith.constant 0 : i32
        %dma_wait3A_375 = arith.constant 0 : i32
        %dma_wait3A_376 = tpu.memref_slice %arg8[%dma_wait3A_366, %dma_wait3A_374, %dma_wait3A_375] : memref<4x80x64xf32, #tpu.memory_space<vmem>> -> memref<1x80x64xf32, #tpu.memory_space<vmem>>
        %dma_wait3A_377 = tpu.memref_squeeze %dma_wait3A_376 : memref<1x80x64xf32, #tpu.memory_space<vmem>> -> memref<80x64xf32, #tpu.memory_space<vmem>>
        %dma_wait3A_378 = arith.constant 0 : i32
        %dma_wait3A_379 = arith.constant 0 : i32
        %dma_wait3A_380 = tpu.memref_slice %arg2[%dma_wait3A_378, %dma_wait3A_379] : memref<10240x64xf32, #tpu.memory_space<hbm>> -> memref<80x64xf32, #tpu.memory_space<hbm>>
        tpu.wait_dma2 semaphore(%arg16 : memref<!tpu.dma_semaphore, #tpu.memory_space<semaphore_mem>>) src(%dma_wait3A_380 : memref<80x64xf32, #tpu.memory_space<hbm>>) dst(%dma_wait3A_377 : memref<80x64xf32, #tpu.memory_space<vmem>>)
        %add3A_381 = arith.constant 2 : i32
        %add3A_382 = arith.addi %add3A_335, %add3A_381 : i32
        %dma_start3A_383 = arith.constant 1 : i32
        %dma_start3A_384 = arith.constant 0 : i32
        %dma_start3A_385 = arith.constant 0 : i32
        %dma_start3A_386 = tpu.memref_slice %arg8[%dma_start3A_383, %dma_start3A_384, %dma_start3A_385] : memref<4x80x64xf32, #tpu.memory_space<vmem>> -> memref<1x80x64xf32, #tpu.memory_space<vmem>>
        %dma_start3A_387 = tpu.memref_squeeze %dma_start3A_386 : memref<1x80x64xf32, #tpu.memory_space<vmem>> -> memref<80x64xf32, #tpu.memory_space<vmem>>
        %dma_start3A_388 = arith.constant 0 : i32
        %dma_start3A_389 = tpu.memref_slice %arg6[%add3A_382, %dma_start3A_388] : memref<125x80xi32, #tpu.memory_space<vmem>> -> memref<1x80xi32, #tpu.memory_space<vmem>>
        %dma_start3A_390 = tpu.memref_squeeze %dma_start3A_389 : memref<1x80xi32, #tpu.memory_space<vmem>> -> memref<80xi32, #tpu.memory_space<vmem>>
        %dma_start3A_391 = arith.constant 0 : i32
        %dma_start3A_392 = arith.constant 0 : i32
        %dma_start3A_393 = tpu.memref_slice %arg2[%dma_start3A_391, %dma_start3A_392] : memref<10240x64xf32, #tpu.memory_space<hbm>> -> memref<10240x64xf32, #tpu.memory_space<hbm>>
        tpu.enqueue_indirect_dma source(%dma_start3A_393 : memref<10240x64xf32, #tpu.memory_space<hbm>>) target(%dma_start3A_387 : memref<80x64xf32, #tpu.memory_space<vmem>>) offsets(%dma_start3A_390 : memref<80xi32, #tpu.memory_space<vmem>>) semaphore(%arg12 : memref<!tpu.dma_semaphore, #tpu.memory_space<semaphore_mem>>)
      } else {
      }
      %dma_wait3A_340 = arith.constant 3 : i32
      %dma_wait3A_341 = arith.constant 0 : i32
      %dma_wait3A_342 = arith.constant 0 : i32
      %dma_wait3A_343 = tpu.memref_slice %arg8[%dma_wait3A_340, %dma_wait3A_341, %dma_wait3A_342] : memref<4x80x64xf32, #tpu.memory_space<vmem>> -> memref<1x80x64xf32, #tpu.memory_space<vmem>>
      %dma_wait3A_344 = tpu.memref_squeeze %dma_wait3A_343 : memref<1x80x64xf32, #tpu.memory_space<vmem>> -> memref<80x64xf32, #tpu.memory_space<vmem>>
      %dma_wait3A_345 = arith.constant 0 : i32
      %dma_wait3A_346 = arith.constant 0 : i32
      %dma_wait3A_347 = tpu.memref_slice %arg2[%dma_wait3A_345, %dma_wait3A_346] : memref<10240x64xf32, #tpu.memory_space<hbm>> -> memref<80x64xf32, #tpu.memory_space<hbm>>
      %dma_wait3A_348 = arith.constant 0 : i32
      %dma_wait3A_349 = arith.constant 0 : i32
      %dma_wait3A_350 = tpu.memref_slice %arg8[%dma_wait3A_340, %dma_wait3A_348, %dma_wait3A_349] : memref<4x80x64xf32, #tpu.memory_space<vmem>> -> memref<1x80x64xf32, #tpu.memory_space<vmem>>
      %dma_wait3A_351 = tpu.memref_squeeze %dma_wait3A_350 : memref<1x80x64xf32, #tpu.memory_space<vmem>> -> memref<80x64xf32, #tpu.memory_space<vmem>>
      %dma_wait3A_352 = arith.constant 0 : i32
      %dma_wait3A_353 = arith.constant 0 : i32
      %dma_wait3A_354 = tpu.memref_slice %arg2[%dma_wait3A_352, %dma_wait3A_353] : memref<10240x64xf32, #tpu.memory_space<hbm>> -> memref<80x64xf32, #tpu.memory_space<hbm>>
      tpu.wait_dma2 semaphore(%arg14 : memref<!tpu.dma_semaphore, #tpu.memory_space<semaphore_mem>>) src(%dma_wait3A_354 : memref<80x64xf32, #tpu.memory_space<hbm>>) dst(%dma_wait3A_351 : memref<80x64xf32, #tpu.memory_space<vmem>>)
      %dma_start3A_355 = arith.constant 3 : i32
      %dma_start3A_356 = arith.constant 0 : i32
      %dma_start3A_357 = arith.constant 0 : i32
      %dma_start3A_358 = tpu.memref_slice %arg8[%dma_start3A_355, %dma_start3A_356, %dma_start3A_357] : memref<4x80x64xf32, #tpu.memory_space<vmem>> -> memref<1x80x64xf32, #tpu.memory_space<vmem>>
      %dma_start3A_359 = tpu.memref_squeeze %dma_start3A_358 : memref<1x80x64xf32, #tpu.memory_space<vmem>> -> memref<80x64xf32, #tpu.memory_space<vmem>>
      %dma_start3A_360 = arith.constant 0 : i32
      %dma_start3A_361 = tpu.memref_slice %arg7[%add3A_335, %dma_start3A_360] : memref<125x80xi32, #tpu.memory_space<vmem>> -> memref<1x80xi32, #tpu.memory_space<vmem>>
      %dma_start3A_362 = tpu.memref_squeeze %dma_start3A_361 : memref<1x80xi32, #tpu.memory_space<vmem>> -> memref<80xi32, #tpu.memory_space<vmem>>
      %dma_start3A_363 = arith.constant 0 : i32
      %dma_start3A_364 = arith.constant 0 : i32
      %dma_start3A_365 = tpu.memref_slice %arg10[%dma_start3A_363, %dma_start3A_364] : memref<10240x64xf32, #tpu.memory_space<vmem_shared>> -> memref<10240x64xf32, #tpu.memory_space<vmem_shared>>
      tpu.enqueue_indirect_dma source(%dma_start3A_359 : memref<80x64xf32, #tpu.memory_space<vmem>>) target(%dma_start3A_365 : memref<10240x64xf32, #tpu.memory_space<vmem_shared>>) offsets(%dma_start3A_362 : memref<80xi32, #tpu.memory_space<vmem>>) semaphore(%arg18 : memref<!tpu.dma_semaphore, #tpu.memory_space<semaphore_mem>>) {add = true}
    }
    %scan3A_77 = arith.constant 31 : i32
    %dma_wait3A_78 = arith.constant 0 : i32
    %dma_wait3A_79 = arith.constant 0 : i32
    %dma_wait3A_80 = arith.constant 0 : i32
    %dma_wait3A_81 = tpu.memref_slice %arg8[%dma_wait3A_78, %dma_wait3A_79, %dma_wait3A_80] : memref<4x80x64xf32, #tpu.memory_space<vmem>> -> memref<1x80x64xf32, #tpu.memory_space<vmem>>
    %dma_wait3A_82 = tpu.memref_squeeze %dma_wait3A_81 : memref<1x80x64xf32, #tpu.memory_space<vmem>> -> memref<80x64xf32, #tpu.memory_space<vmem>>
    %dma_wait3A_83 = arith.constant 0 : i32
    %dma_wait3A_84 = arith.constant 0 : i32
    %dma_wait3A_85 = tpu.memref_slice %arg2[%dma_wait3A_83, %dma_wait3A_84] : memref<10240x64xf32, #tpu.memory_space<hbm>> -> memref<80x64xf32, #tpu.memory_space<hbm>>
    %dma_wait3A_86 = arith.constant 0 : i32
    %dma_wait3A_87 = arith.constant 0 : i32
    %dma_wait3A_88 = tpu.memref_slice %arg8[%dma_wait3A_78, %dma_wait3A_86, %dma_wait3A_87] : memref<4x80x64xf32, #tpu.memory_space<vmem>> -> memref<1x80x64xf32, #tpu.memory_space<vmem>>
    %dma_wait3A_89 = tpu.memref_squeeze %dma_wait3A_88 : memref<1x80x64xf32, #tpu.memory_space<vmem>> -> memref<80x64xf32, #tpu.memory_space<vmem>>
    %dma_wait3A_90 = arith.constant 0 : i32
    %dma_wait3A_91 = arith.constant 0 : i32
    %dma_wait3A_92 = tpu.memref_slice %arg2[%dma_wait3A_90, %dma_wait3A_91] : memref<10240x64xf32, #tpu.memory_space<hbm>> -> memref<80x64xf32, #tpu.memory_space<hbm>>
    tpu.wait_dma2 semaphore(%arg11 : memref<!tpu.dma_semaphore, #tpu.memory_space<semaphore_mem>>) src(%dma_wait3A_92 : memref<80x64xf32, #tpu.memory_space<hbm>>) dst(%dma_wait3A_89 : memref<80x64xf32, #tpu.memory_space<vmem>>)
    %dma_start3A_93 = arith.constant 0 : i32
    %dma_start3A_94 = arith.constant 124 : i32
    %dma_start3A_95 = arith.constant 0 : i32
    %dma_start3A_96 = arith.constant 0 : i32
    %dma_start3A_97 = tpu.memref_slice %arg8[%dma_start3A_93, %dma_start3A_95, %dma_start3A_96] : memref<4x80x64xf32, #tpu.memory_space<vmem>> -> memref<1x80x64xf32, #tpu.memory_space<vmem>>
    %dma_start3A_98 = tpu.memref_squeeze %dma_start3A_97 : memref<1x80x64xf32, #tpu.memory_space<vmem>> -> memref<80x64xf32, #tpu.memory_space<vmem>>
    %dma_start3A_99 = arith.constant 0 : i32
    %dma_start3A_100 = tpu.memref_slice %arg7[%dma_start3A_94, %dma_start3A_99] : memref<125x80xi32, #tpu.memory_space<vmem>> -> memref<1x80xi32, #tpu.memory_space<vmem>>
    %dma_start3A_101 = tpu.memref_squeeze %dma_start3A_100 : memref<1x80xi32, #tpu.memory_space<vmem>> -> memref<80xi32, #tpu.memory_space<vmem>>
    %dma_start3A_102 = arith.constant 0 : i32
    %dma_start3A_103 = arith.constant 0 : i32
    %dma_start3A_104 = tpu.memref_slice %arg10[%dma_start3A_102, %dma_start3A_103] : memref<10240x64xf32, #tpu.memory_space<vmem_shared>> -> memref<10240x64xf32, #tpu.memory_space<vmem_shared>>
    tpu.enqueue_indirect_dma source(%dma_start3A_98 : memref<80x64xf32, #tpu.memory_space<vmem>>) target(%dma_start3A_104 : memref<10240x64xf32, #tpu.memory_space<vmem_shared>>) offsets(%dma_start3A_101 : memref<80xi32, #tpu.memory_space<vmem>>) semaphore(%arg15 : memref<!tpu.dma_semaphore, #tpu.memory_space<semaphore_mem>>) {add = true}
    %dma_wait3A_105 = arith.constant 0 : i32
    %dma_wait3A_106 = arith.constant 0 : i32
    %dma_wait3A_107 = arith.constant 0 : i32
    %dma_wait3A_108 = tpu.memref_slice %arg8[%dma_wait3A_105, %dma_wait3A_106, %dma_wait3A_107] : memref<4x80x64xf32, #tpu.memory_space<vmem>> -> memref<1x80x64xf32, #tpu.memory_space<vmem>>
    %dma_wait3A_109 = tpu.memref_squeeze %dma_wait3A_108 : memref<1x80x64xf32, #tpu.memory_space<vmem>> -> memref<80x64xf32, #tpu.memory_space<vmem>>
    %dma_wait3A_110 = arith.constant 0 : i32
    %dma_wait3A_111 = arith.constant 0 : i32
    %dma_wait3A_112 = tpu.memref_slice %arg2[%dma_wait3A_110, %dma_wait3A_111] : memref<10240x64xf32, #tpu.memory_space<hbm>> -> memref<80x64xf32, #tpu.memory_space<hbm>>
    %dma_wait3A_113 = arith.constant 0 : i32
    %dma_wait3A_114 = arith.constant 0 : i32
    %dma_wait3A_115 = tpu.memref_slice %arg8[%dma_wait3A_105, %dma_wait3A_113, %dma_wait3A_114] : memref<4x80x64xf32, #tpu.memory_space<vmem>> -> memref<1x80x64xf32, #tpu.memory_space<vmem>>
    %dma_wait3A_116 = tpu.memref_squeeze %dma_wait3A_115 : memref<1x80x64xf32, #tpu.memory_space<vmem>> -> memref<80x64xf32, #tpu.memory_space<vmem>>
    %dma_wait3A_117 = arith.constant 0 : i32
    %dma_wait3A_118 = arith.constant 0 : i32
    %dma_wait3A_119 = tpu.memref_slice %arg2[%dma_wait3A_117, %dma_wait3A_118] : memref<10240x64xf32, #tpu.memory_space<hbm>> -> memref<80x64xf32, #tpu.memory_space<hbm>>
    tpu.wait_dma2 semaphore(%arg15 : memref<!tpu.dma_semaphore, #tpu.memory_space<semaphore_mem>>) src(%dma_wait3A_119 : memref<80x64xf32, #tpu.memory_space<hbm>>) dst(%dma_wait3A_116 : memref<80x64xf32, #tpu.memory_space<vmem>>)
    %dma_wait3A_120 = arith.constant 1 : i32
    %dma_wait3A_121 = arith.constant 0 : i32
    %dma_wait3A_122 = arith.constant 0 : i32
    %dma_wait3A_123 = tpu.memref_slice %arg8[%dma_wait3A_120, %dma_wait3A_121, %dma_wait3A_122] : memref<4x80x64xf32, #tpu.memory_space<vmem>> -> memref<1x80x64xf32, #tpu.memory_space<vmem>>
    %dma_wait3A_124 = tpu.memref_squeeze %dma_wait3A_123 : memref<1x80x64xf32, #tpu.memory_space<vmem>> -> memref<80x64xf32, #tpu.memory_space<vmem>>
    %dma_wait3A_125 = arith.constant 0 : i32
    %dma_wait3A_126 = arith.constant 0 : i32
    %dma_wait3A_127 = tpu.memref_slice %arg2[%dma_wait3A_125, %dma_wait3A_126] : memref<10240x64xf32, #tpu.memory_space<hbm>> -> memref<80x64xf32, #tpu.memory_space<hbm>>
    %dma_wait3A_128 = arith.constant 0 : i32
    %dma_wait3A_129 = arith.constant 0 : i32
    %dma_wait3A_130 = tpu.memref_slice %arg8[%dma_wait3A_120, %dma_wait3A_128, %dma_wait3A_129] : memref<4x80x64xf32, #tpu.memory_space<vmem>> -> memref<1x80x64xf32, #tpu.memory_space<vmem>>
    %dma_wait3A_131 = tpu.memref_squeeze %dma_wait3A_130 : memref<1x80x64xf32, #tpu.memory_space<vmem>> -> memref<80x64xf32, #tpu.memory_space<vmem>>
    %dma_wait3A_132 = arith.constant 0 : i32
    %dma_wait3A_133 = arith.constant 0 : i32
    %dma_wait3A_134 = tpu.memref_slice %arg2[%dma_wait3A_132, %dma_wait3A_133] : memref<10240x64xf32, #tpu.memory_space<hbm>> -> memref<80x64xf32, #tpu.memory_space<hbm>>
    tpu.wait_dma2 semaphore(%arg16 : memref<!tpu.dma_semaphore, #tpu.memory_space<semaphore_mem>>) src(%dma_wait3A_134 : memref<80x64xf32, #tpu.memory_space<hbm>>) dst(%dma_wait3A_131 : memref<80x64xf32, #tpu.memory_space<vmem>>)
    %dma_wait3A_135 = arith.constant 2 : i32
    %dma_wait3A_136 = arith.constant 0 : i32
    %dma_wait3A_137 = arith.constant 0 : i32
    %dma_wait3A_138 = tpu.memref_slice %arg8[%dma_wait3A_135, %dma_wait3A_136, %dma_wait3A_137] : memref<4x80x64xf32, #tpu.memory_space<vmem>> -> memref<1x80x64xf32, #tpu.memory_space<vmem>>
    %dma_wait3A_139 = tpu.memref_squeeze %dma_wait3A_138 : memref<1x80x64xf32, #tpu.memory_space<vmem>> -> memref<80x64xf32, #tpu.memory_space<vmem>>
    %dma_wait3A_140 = arith.constant 0 : i32
    %dma_wait3A_141 = arith.constant 0 : i32
    %dma_wait3A_142 = tpu.memref_slice %arg2[%dma_wait3A_140, %dma_wait3A_141] : memref<10240x64xf32, #tpu.memory_space<hbm>> -> memref<80x64xf32, #tpu.memory_space<hbm>>
    %dma_wait3A_143 = arith.constant 0 : i32
    %dma_wait3A_144 = arith.constant 0 : i32
    %dma_wait3A_145 = tpu.memref_slice %arg8[%dma_wait3A_135, %dma_wait3A_143, %dma_wait3A_144] : memref<4x80x64xf32, #tpu.memory_space<vmem>> -> memref<1x80x64xf32, #tpu.memory_space<vmem>>
    %dma_wait3A_146 = tpu.memref_squeeze %dma_wait3A_145 : memref<1x80x64xf32, #tpu.memory_space<vmem>> -> memref<80x64xf32, #tpu.memory_space<vmem>>
    %dma_wait3A_147 = arith.constant 0 : i32
    %dma_wait3A_148 = arith.constant 0 : i32
    %dma_wait3A_149 = tpu.memref_slice %arg2[%dma_wait3A_147, %dma_wait3A_148] : memref<10240x64xf32, #tpu.memory_space<hbm>> -> memref<80x64xf32, #tpu.memory_space<hbm>>
    tpu.wait_dma2 semaphore(%arg17 : memref<!tpu.dma_semaphore, #tpu.memory_space<semaphore_mem>>) src(%dma_wait3A_149 : memref<80x64xf32, #tpu.memory_space<hbm>>) dst(%dma_wait3A_146 : memref<80x64xf32, #tpu.memory_space<vmem>>)
    %dma_wait3A_150 = arith.constant 3 : i32
    %dma_wait3A_151 = arith.constant 0 : i32
    %dma_wait3A_152 = arith.constant 0 : i32
    %dma_wait3A_153 = tpu.memref_slice %arg8[%dma_wait3A_150, %dma_wait3A_151, %dma_wait3A_152] : memref<4x80x64xf32, #tpu.memory_space<vmem>> -> memref<1x80x64xf32, #tpu.memory_space<vmem>>
    %dma_wait3A_154 = tpu.memref_squeeze %dma_wait3A_153 : memref<1x80x64xf32, #tpu.memory_space<vmem>> -> memref<80x64xf32, #tpu.memory_space<vmem>>
    %dma_wait3A_155 = arith.constant 0 : i32
    %dma_wait3A_156 = arith.constant 0 : i32
    %dma_wait3A_157 = tpu.memref_slice %arg2[%dma_wait3A_155, %dma_wait3A_156] : memref<10240x64xf32, #tpu.memory_space<hbm>> -> memref<80x64xf32, #tpu.memory_space<hbm>>
    %dma_wait3A_158 = arith.constant 0 : i32
    %dma_wait3A_159 = arith.constant 0 : i32
    %dma_wait3A_160 = tpu.memref_slice %arg8[%dma_wait3A_150, %dma_wait3A_158, %dma_wait3A_159] : memref<4x80x64xf32, #tpu.memory_space<vmem>> -> memref<1x80x64xf32, #tpu.memory_space<vmem>>
    %dma_wait3A_161 = tpu.memref_squeeze %dma_wait3A_160 : memref<1x80x64xf32, #tpu.memory_space<vmem>> -> memref<80x64xf32, #tpu.memory_space<vmem>>
    %dma_wait3A_162 = arith.constant 0 : i32
    %dma_wait3A_163 = arith.constant 0 : i32
    %dma_wait3A_164 = tpu.memref_slice %arg2[%dma_wait3A_162, %dma_wait3A_163] : memref<10240x64xf32, #tpu.memory_space<hbm>> -> memref<80x64xf32, #tpu.memory_space<hbm>>
    tpu.wait_dma2 semaphore(%arg18 : memref<!tpu.dma_semaphore, #tpu.memory_space<semaphore_mem>>) src(%dma_wait3A_164 : memref<80x64xf32, #tpu.memory_space<hbm>>) dst(%dma_wait3A_161 : memref<80x64xf32, #tpu.memory_space<vmem>>)
    %barrier3A_165 = arith.constant 0 : index
    tpu.barrier barrier_id(%barrier3A_165)
    %add3A_166 = arith.constant 0 : i32
    %add3A_167 = arith.addi %mul3A_22, %add3A_166 : i32
    %add3A_168 = arith.constant 0 : i32
    %add3A_169 = arith.addi %mul3A_22, %add3A_168 : i32
    "tpu.region"() ({
      %run_scoped3A = tpu.sem_alloc : memref<!tpu.dma_semaphore, #tpu.memory_space<semaphore_mem>>
      %dma_start3A_186 = arith.constant 0 : i32
      %dma_start3A_187 = tpu.memref_slice %arg5[%arg0, %add3A_169, %dma_start3A_186] : memref<2x10240x64xf32, #tpu.memory_space<hbm>> -> memref<1x128x64xf32, #tpu.memory_space<hbm>>
      %dma_start3A_188 = tpu.memref_squeeze %dma_start3A_187 : memref<1x128x64xf32, #tpu.memory_space<hbm>> -> memref<128x64xf32, #tpu.memory_space<hbm>>
      %dma_start3A_189 = arith.constant 0 : i32
      %dma_start3A_190 = tpu.memref_slice %arg10[%add3A_167, %dma_start3A_189] : memref<10240x64xf32, #tpu.memory_space<vmem_shared>> -> memref<128x64xf32, #tpu.memory_space<vmem_shared>>
      tpu.enqueue_dma source(%dma_start3A_190 : memref<128x64xf32, #tpu.memory_space<vmem_shared>>) target(%dma_start3A_188 : memref<128x64xf32, #tpu.memory_space<hbm>>) target_semaphore(%run_scoped3A : memref<!tpu.dma_semaphore, #tpu.memory_space<semaphore_mem>>)
      %dma_wait3A_191 = arith.constant 0 : i32
      %dma_wait3A_192 = tpu.memref_slice %arg5[%arg0, %add3A_169, %dma_wait3A_191] : memref<2x10240x64xf32, #tpu.memory_space<hbm>> -> memref<1x128x64xf32, #tpu.memory_space<hbm>>
      %dma_wait3A_193 = tpu.memref_squeeze %dma_wait3A_192 : memref<1x128x64xf32, #tpu.memory_space<hbm>> -> memref<128x64xf32, #tpu.memory_space<hbm>>
      %dma_wait3A_194 = arith.constant 0 : i32
      %dma_wait3A_195 = tpu.memref_slice %arg10[%add3A_167, %dma_wait3A_194] : memref<10240x64xf32, #tpu.memory_space<vmem_shared>> -> memref<128x64xf32, #tpu.memory_space<vmem_shared>>
      tpu.wait_dma2 semaphore(%run_scoped3A : memref<!tpu.dma_semaphore, #tpu.memory_space<semaphore_mem>>) src(%dma_wait3A_195 : memref<128x64xf32, #tpu.memory_space<vmem_shared>>) dst(%dma_wait3A_193 : memref<128x64xf32, #tpu.memory_space<hbm>>)
      tpu.yield
    }) : () -> ()
    %add3A_170 = arith.constant 128 : i32
    %add3A_171 = arith.addi %mul3A_22, %add3A_170 : i32
    %add3A_172 = arith.constant 128 : i32
    %add3A_173 = arith.addi %mul3A_22, %add3A_172 : i32
    "tpu.region"() ({
      %run_scoped3A = tpu.sem_alloc : memref<!tpu.dma_semaphore, #tpu.memory_space<semaphore_mem>>
      %dma_start3A_186 = arith.constant 0 : i32
      %dma_start3A_187 = tpu.memref_slice %arg5[%arg0, %add3A_173, %dma_start3A_186] : memref<2x10240x64xf32, #tpu.memory_space<hbm>> -> memref<1x128x64xf32, #tpu.memory_space<hbm>>
      %dma_start3A_188 = tpu.memref_squeeze %dma_start3A_187 : memref<1x128x64xf32, #tpu.memory_space<hbm>> -> memref<128x64xf32, #tpu.memory_space<hbm>>
      %dma_start3A_189 = arith.constant 0 : i32
      %dma_start3A_190 = tpu.memref_slice %arg10[%add3A_171, %dma_start3A_189] : memref<10240x64xf32, #tpu.memory_space<vmem_shared>> -> memref<128x64xf32, #tpu.memory_space<vmem_shared>>
      tpu.enqueue_dma source(%dma_start3A_190 : memref<128x64xf32, #tpu.memory_space<vmem_shared>>) target(%dma_start3A_188 : memref<128x64xf32, #tpu.memory_space<hbm>>) target_semaphore(%run_scoped3A : memref<!tpu.dma_semaphore, #tpu.memory_space<semaphore_mem>>)
      %dma_wait3A_191 = arith.constant 0 : i32
      %dma_wait3A_192 = tpu.memref_slice %arg5[%arg0, %add3A_173, %dma_wait3A_191] : memref<2x10240x64xf32, #tpu.memory_space<hbm>> -> memref<1x128x64xf32, #tpu.memory_space<hbm>>
      %dma_wait3A_193 = tpu.memref_squeeze %dma_wait3A_192 : memref<1x128x64xf32, #tpu.memory_space<hbm>> -> memref<128x64xf32, #tpu.memory_space<hbm>>
      %dma_wait3A_194 = arith.constant 0 : i32
      %dma_wait3A_195 = tpu.memref_slice %arg10[%add3A_171, %dma_wait3A_194] : memref<10240x64xf32, #tpu.memory_space<vmem_shared>> -> memref<128x64xf32, #tpu.memory_space<vmem_shared>>
      tpu.wait_dma2 semaphore(%run_scoped3A : memref<!tpu.dma_semaphore, #tpu.memory_space<semaphore_mem>>) src(%dma_wait3A_195 : memref<128x64xf32, #tpu.memory_space<vmem_shared>>) dst(%dma_wait3A_193 : memref<128x64xf32, #tpu.memory_space<hbm>>)
      tpu.yield
    }) : () -> ()
    %add3A_174 = arith.constant 256 : i32
    %add3A_175 = arith.addi %mul3A_22, %add3A_174 : i32
    %add3A_176 = arith.constant 256 : i32
    %add3A_177 = arith.addi %mul3A_22, %add3A_176 : i32
    "tpu.region"() ({
      %run_scoped3A = tpu.sem_alloc : memref<!tpu.dma_semaphore, #tpu.memory_space<semaphore_mem>>
      %dma_start3A_186 = arith.constant 0 : i32
      %dma_start3A_187 = tpu.memref_slice %arg5[%arg0, %add3A_177, %dma_start3A_186] : memref<2x10240x64xf32, #tpu.memory_space<hbm>> -> memref<1x128x64xf32, #tpu.memory_space<hbm>>
      %dma_start3A_188 = tpu.memref_squeeze %dma_start3A_187 : memref<1x128x64xf32, #tpu.memory_space<hbm>> -> memref<128x64xf32, #tpu.memory_space<hbm>>
      %dma_start3A_189 = arith.constant 0 : i32
      %dma_start3A_190 = tpu.memref_slice %arg10[%add3A_175, %dma_start3A_189] : memref<10240x64xf32, #tpu.memory_space<vmem_shared>> -> memref<128x64xf32, #tpu.memory_space<vmem_shared>>
      tpu.enqueue_dma source(%dma_start3A_190 : memref<128x64xf32, #tpu.memory_space<vmem_shared>>) target(%dma_start3A_188 : memref<128x64xf32, #tpu.memory_space<hbm>>) target_semaphore(%run_scoped3A : memref<!tpu.dma_semaphore, #tpu.memory_space<semaphore_mem>>)
      %dma_wait3A_191 = arith.constant 0 : i32
      %dma_wait3A_192 = tpu.memref_slice %arg5[%arg0, %add3A_177, %dma_wait3A_191] : memref<2x10240x64xf32, #tpu.memory_space<hbm>> -> memref<1x128x64xf32, #tpu.memory_space<hbm>>
      %dma_wait3A_193 = tpu.memref_squeeze %dma_wait3A_192 : memref<1x128x64xf32, #tpu.memory_space<hbm>> -> memref<128x64xf32, #tpu.memory_space<hbm>>
      %dma_wait3A_194 = arith.constant 0 : i32
      %dma_wait3A_195 = tpu.memref_slice %arg10[%add3A_175, %dma_wait3A_194] : memref<10240x64xf32, #tpu.memory_space<vmem_shared>> -> memref<128x64xf32, #tpu.memory_space<vmem_shared>>
      tpu.wait_dma2 semaphore(%run_scoped3A : memref<!tpu.dma_semaphore, #tpu.memory_space<semaphore_mem>>) src(%dma_wait3A_195 : memref<128x64xf32, #tpu.memory_space<vmem_shared>>) dst(%dma_wait3A_193 : memref<128x64xf32, #tpu.memory_space<hbm>>)
      tpu.yield
    }) : () -> ()
    %add3A_178 = arith.constant 384 : i32
    %add3A_179 = arith.addi %mul3A_22, %add3A_178 : i32
    %add3A_180 = arith.constant 384 : i32
    %add3A_181 = arith.addi %mul3A_22, %add3A_180 : i32
    "tpu.region"() ({
      %run_scoped3A = tpu.sem_alloc : memref<!tpu.dma_semaphore, #tpu.memory_space<semaphore_mem>>
      %dma_start3A_186 = arith.constant 0 : i32
      %dma_start3A_187 = tpu.memref_slice %arg5[%arg0, %add3A_181, %dma_start3A_186] : memref<2x10240x64xf32, #tpu.memory_space<hbm>> -> memref<1x128x64xf32, #tpu.memory_space<hbm>>
      %dma_start3A_188 = tpu.memref_squeeze %dma_start3A_187 : memref<1x128x64xf32, #tpu.memory_space<hbm>> -> memref<128x64xf32, #tpu.memory_space<hbm>>
      %dma_start3A_189 = arith.constant 0 : i32
      %dma_start3A_190 = tpu.memref_slice %arg10[%add3A_179, %dma_start3A_189] : memref<10240x64xf32, #tpu.memory_space<vmem_shared>> -> memref<128x64xf32, #tpu.memory_space<vmem_shared>>
      tpu.enqueue_dma source(%dma_start3A_190 : memref<128x64xf32, #tpu.memory_space<vmem_shared>>) target(%dma_start3A_188 : memref<128x64xf32, #tpu.memory_space<hbm>>) target_semaphore(%run_scoped3A : memref<!tpu.dma_semaphore, #tpu.memory_space<semaphore_mem>>)
      %dma_wait3A_191 = arith.constant 0 : i32
      %dma_wait3A_192 = tpu.memref_slice %arg5[%arg0, %add3A_181, %dma_wait3A_191] : memref<2x10240x64xf32, #tpu.memory_space<hbm>> -> memref<1x128x64xf32, #tpu.memory_space<hbm>>
      %dma_wait3A_193 = tpu.memref_squeeze %dma_wait3A_192 : memref<1x128x64xf32, #tpu.memory_space<hbm>> -> memref<128x64xf32, #tpu.memory_space<hbm>>
      %dma_wait3A_194 = arith.constant 0 : i32
      %dma_wait3A_195 = tpu.memref_slice %arg10[%add3A_179, %dma_wait3A_194] : memref<10240x64xf32, #tpu.memory_space<vmem_shared>> -> memref<128x64xf32, #tpu.memory_space<vmem_shared>>
      tpu.wait_dma2 semaphore(%run_scoped3A : memref<!tpu.dma_semaphore, #tpu.memory_space<semaphore_mem>>) src(%dma_wait3A_195 : memref<128x64xf32, #tpu.memory_space<vmem_shared>>) dst(%dma_wait3A_193 : memref<128x64xf32, #tpu.memory_space<hbm>>)
      tpu.yield
    }) : () -> ()
    %add3A_182 = arith.constant 512 : i32
    %add3A_183 = arith.addi %mul3A_22, %add3A_182 : i32
    %add3A_184 = arith.constant 512 : i32
    %add3A_185 = arith.addi %mul3A_22, %add3A_184 : i32
    "tpu.region"() ({
      %run_scoped3A = tpu.sem_alloc : memref<!tpu.dma_semaphore, #tpu.memory_space<semaphore_mem>>
      %dma_start3A_186 = arith.constant 0 : i32
      %dma_start3A_187 = tpu.memref_slice %arg5[%arg0, %add3A_185, %dma_start3A_186] : memref<2x10240x64xf32, #tpu.memory_space<hbm>> -> memref<1x128x64xf32, #tpu.memory_space<hbm>>
      %dma_start3A_188 = tpu.memref_squeeze %dma_start3A_187 : memref<1x128x64xf32, #tpu.memory_space<hbm>> -> memref<128x64xf32, #tpu.memory_space<hbm>>
      %dma_start3A_189 = arith.constant 0 : i32
      %dma_start3A_190 = tpu.memref_slice %arg10[%add3A_183, %dma_start3A_189] : memref<10240x64xf32, #tpu.memory_space<vmem_shared>> -> memref<128x64xf32, #tpu.memory_space<vmem_shared>>
      tpu.enqueue_dma source(%dma_start3A_190 : memref<128x64xf32, #tpu.memory_space<vmem_shared>>) target(%dma_start3A_188 : memref<128x64xf32, #tpu.memory_space<hbm>>) target_semaphore(%run_scoped3A : memref<!tpu.dma_semaphore, #tpu.memory_space<semaphore_mem>>)
      %dma_wait3A_191 = arith.constant 0 : i32
      %dma_wait3A_192 = tpu.memref_slice %arg5[%arg0, %add3A_185, %dma_wait3A_191] : memref<2x10240x64xf32, #tpu.memory_space<hbm>> -> memref<1x128x64xf32, #tpu.memory_space<hbm>>
      %dma_wait3A_193 = tpu.memref_squeeze %dma_wait3A_192 : memref<1x128x64xf32, #tpu.memory_space<hbm>> -> memref<128x64xf32, #tpu.memory_space<hbm>>
      %dma_wait3A_194 = arith.constant 0 : i32
      %dma_wait3A_195 = tpu.memref_slice %arg10[%add3A_183, %dma_wait3A_194] : memref<10240x64xf32, #tpu.memory_space<vmem_shared>> -> memref<128x64xf32, #tpu.memory_space<vmem_shared>>
      tpu.wait_dma2 semaphore(%run_scoped3A : memref<!tpu.dma_semaphore, #tpu.memory_space<semaphore_mem>>) src(%dma_wait3A_195 : memref<128x64xf32, #tpu.memory_space<vmem_shared>>) dst(%dma_wait3A_193 : memref<128x64xf32, #tpu.memory_space<hbm>>)
      tpu.yield
    }) : () -> ()
    return
  }
}

#map = affine_map<(d0, d1) -> (0, 0)>
#map1 = affine_map<(d0, d1) -> (0, 0, 0)>
module attributes {stable_mosaic.version = 14 : i64} {
  func.func @k(%arg0: i32, %arg1: i32, %arg2: memref<10240x64xf32, #tpu.memory_space<hbm>>, %arg3: memref<32x125x80xi32, #tpu.memory_space<hbm>>, %arg4: memref<32x125x80xi32, #tpu.memory_space<hbm>>, %arg5: memref<2x10240x64xf32, #tpu.memory_space<hbm>>, %arg6: memref<125x80xi32, #tpu.memory_space<vmem>>, %arg7: memref<125x80xi32, #tpu.memory_space<vmem>>, %arg8: memref<4x80x64xf32, #tpu.memory_space<vmem>>, %arg9: memref<128x64xf32, #tpu.memory_space<vmem>>, %arg10: memref<10240x64xf32, #tpu.memory_space<vmem_shared>>, %arg11: memref<!tpu.dma_semaphore, #tpu.memory_space<semaphore_mem>>, %arg12: memref<!tpu.dma_semaphore, #tpu.memory_space<semaphore_mem>>, %arg13: memref<!tpu.dma_semaphore, #tpu.memory_space<semaphore_mem>>, %arg14: memref<!tpu.dma_semaphore, #tpu.memory_space<semaphore_mem>>, %arg15: memref<!tpu.dma_semaphore, #tpu.memory_space<semaphore_mem>>, %arg16: memref<!tpu.dma_semaphore, #tpu.memory_space<semaphore_mem>>, %arg17: memref<!tpu.dma_semaphore, #tpu.memory_space<semaphore_mem>>, %arg18: memref<!tpu.dma_semaphore, #tpu.memory_space<semaphore_mem>>, %arg19: memref<!tpu.dma_semaphore, #tpu.memory_space<semaphore_mem>>) attributes {dimension_semantics = [#tpu.dimension_semantics<core_parallel>, #tpu.dimension_semantics<subcore_parallel>], iteration_bounds = array<i64: 2, 16>, scalar_prefetch = 0 : i64, scratch_operands = 14 : i64, tpu.core_type = #tpu.core_type<sc_vector_subcore>, window_params = [{transform_indices = #map}, {transform_indices = #map1}, {transform_indices = #map1}, {transform_indices = #map1}]} {
    %mul3A = arith.constant 16 : i32
    %mul3A_0 = arith.muli %arg0, %mul3A : i32
    %add3A = arith.addi %mul3A_0, %arg1 : i32
    %dma_start3A = arith.constant 0 : i32
    %dma_start3A_1 = arith.constant 0 : i32
    %dma_start3A_2 = tpu.memref_slice %arg3[%add3A, %dma_start3A, %dma_start3A_1] : memref<32x125x80xi32, #tpu.memory_space<hbm>> -> memref<1x125x80xi32, #tpu.memory_space<hbm>>
    %dma_start3A_3 = tpu.memref_squeeze %dma_start3A_2 : memref<1x125x80xi32, #tpu.memory_space<hbm>> -> memref<125x80xi32, #tpu.memory_space<hbm>>
    %dma_start3A_4 = arith.constant 0 : i32
    %dma_start3A_5 = arith.constant 0 : i32
    %dma_start3A_6 = tpu.memref_slice %arg3[%add3A, %dma_start3A_4, %dma_start3A_5] : memref<32x125x80xi32, #tpu.memory_space<hbm>> -> memref<1x125x80xi32, #tpu.memory_space<hbm>>
    %dma_start3A_7 = tpu.memref_squeeze %dma_start3A_6 : memref<1x125x80xi32, #tpu.memory_space<hbm>> -> memref<125x80xi32, #tpu.memory_space<hbm>>
    tpu.enqueue_dma source(%dma_start3A_7 : memref<125x80xi32, #tpu.memory_space<hbm>>) target(%arg6 : memref<125x80xi32, #tpu.memory_space<vmem>>) target_semaphore(%arg19 : memref<!tpu.dma_semaphore, #tpu.memory_space<semaphore_mem>>)
    %dma_start3A_8 = arith.constant 0 : i32
    %dma_start3A_9 = arith.constant 0 : i32
    %dma_start3A_10 = tpu.memref_slice %arg4[%add3A, %dma_start3A_8, %dma_start3A_9] : memref<32x125x80xi32, #tpu.memory_space<hbm>> -> memref<1x125x80xi32, #tpu.memory_space<hbm>>
    %dma_start3A_11 = tpu.memref_squeeze %dma_start3A_10 : memref<1x125x80xi32, #tpu.memory_space<hbm>> -> memref<125x80xi32, #tpu.memory_space<hbm>>
    %dma_start3A_12 = arith.constant 0 : i32
    %dma_start3A_13 = arith.constant 0 : i32
    %dma_start3A_14 = tpu.memref_slice %arg4[%add3A, %dma_start3A_12, %dma_start3A_13] : memref<32x125x80xi32, #tpu.memory_space<hbm>> -> memref<1x125x80xi32, #tpu.memory_space<hbm>>
    %dma_start3A_15 = tpu.memref_squeeze %dma_start3A_14 : memref<1x125x80xi32, #tpu.memory_space<hbm>> -> memref<125x80xi32, #tpu.memory_space<hbm>>
    tpu.enqueue_dma source(%dma_start3A_15 : memref<125x80xi32, #tpu.memory_space<hbm>>) target(%arg7 : memref<125x80xi32, #tpu.memory_space<vmem>>) target_semaphore(%arg19 : memref<!tpu.dma_semaphore, #tpu.memory_space<semaphore_mem>>)
    %scan3A = arith.constant 0 : i32
    %scan3A_16 = arith.constant 0 : i32
    %scan3A_17 = arith.constant 128 : i32
    %scan3A_18 = arith.addi %scan3A_16, %scan3A_17 : i32
    %scan3A_19 = arith.constant 1 : i32
    scf.for %scan3A_186 = %scan3A_16 to %scan3A_18 step %scan3A_19  : i32 {
      %broadcast_in_dim3A = arith.constant 0.000000e+00 : f32
      %broadcast_in_dim3A_187 = vector.broadcast %broadcast_in_dim3A : f32 to vector<16xf32>
      %swap3A = arith.index_cast %scan3A_186 : i32 to index
      %swap3A_188 = arith.constant 0 : index
      %swap3A_189 = tpu.vector_load %arg9[%swap3A, %swap3A_188] {strides = array<i32>} : memref<128x64xf32, #tpu.memory_space<vmem>>, vector<1x16xf32>,
      %swap3A_190 = vector.shape_cast %swap3A_189 : vector<1x16xf32> to vector<16xf32>
      %swap3A_191 = vector.shape_cast %broadcast_in_dim3A_187 : vector<16xf32> to vector<1x16xf32>
      tpu.vector_store %arg9[%swap3A, %swap3A_188], %swap3A_191 {strides = array<i32>} : memref<128x64xf32, #tpu.memory_space<vmem>>, vector<1x16xf32>,
      %broadcast_in_dim3A_192 = arith.constant 0.000000e+00 : f32
      %broadcast_in_dim3A_193 = vector.broadcast %broadcast_in_dim3A_192 : f32 to vector<16xf32>
      %swap3A_194 = arith.index_cast %scan3A_186 : i32 to index
      %swap3A_195 = arith.constant 16 : index
      %swap3A_196 = tpu.vector_load %arg9[%swap3A_194, %swap3A_195] {strides = array<i32>} : memref<128x64xf32, #tpu.memory_space<vmem>>, vector<1x16xf32>,
      %swap3A_197 = vector.shape_cast %swap3A_196 : vector<1x16xf32> to vector<16xf32>
      %swap3A_198 = vector.shape_cast %broadcast_in_dim3A_193 : vector<16xf32> to vector<1x16xf32>
      tpu.vector_store %arg9[%swap3A_194, %swap3A_195], %swap3A_198 {strides = array<i32>} : memref<128x64xf32, #tpu.memory_space<vmem>>, vector<1x16xf32>,
      %broadcast_in_dim3A_199 = arith.constant 0.000000e+00 : f32
      %broadcast_in_dim3A_200 = vector.broadcast %broadcast_in_dim3A_199 : f32 to vector<16xf32>
      %swap3A_201 = arith.index_cast %scan3A_186 : i32 to index
      %swap3A_202 = arith.constant 32 : index
      %swap3A_203 = tpu.vector_load %arg9[%swap3A_201, %swap3A_202] {strides = array<i32>} : memref<128x64xf32, #tpu.memory_space<vmem>>, vector<1x16xf32>,
      %swap3A_204 = vector.shape_cast %swap3A_203 : vector<1x16xf32> to vector<16xf32>
      %swap3A_205 = vector.shape_cast %broadcast_in_dim3A_200 : vector<16xf32> to vector<1x16xf32>
      tpu.vector_store %arg9[%swap3A_201, %swap3A_202], %swap3A_205 {strides = array<i32>} : memref<128x64xf32, #tpu.memory_space<vmem>>, vector<1x16xf32>,
      %broadcast_in_dim3A_206 = arith.constant 0.000000e+00 : f32
      %broadcast_in_dim3A_207 = vector.broadcast %broadcast_in_dim3A_206 : f32 to vector<16xf32>
      %swap3A_208 = arith.index_cast %scan3A_186 : i32 to index
      %swap3A_209 = arith.constant 48 : index
      %swap3A_210 = tpu.vector_load %arg9[%swap3A_208, %swap3A_209] {strides = array<i32>} : memref<128x64xf32, #tpu.memory_space<vmem>>, vector<1x16xf32>,
      %swap3A_211 = vector.shape_cast %swap3A_210 : vector<1x16xf32> to vector<16xf32>
      %swap3A_212 = vector.shape_cast %broadcast_in_dim3A_207 : vector<16xf32> to vector<1x16xf32>
      tpu.vector_store %arg9[%swap3A_208, %swap3A_209], %swap3A_212 {strides = array<i32>} : memref<128x64xf32, #tpu.memory_space<vmem>>, vector<1x16xf32>,
    }
    %scan3A_20 = arith.constant 128 : i32
    %mul3A_21 = arith.constant 640 : i32
    %mul3A_22 = arith.muli %arg1, %mul3A_21 : i32
    %add3A_23 = arith.constant 0 : i32
    %add3A_24 = arith.addi %mul3A_22, %add3A_23 : i32
    "tpu.region"() ({
      %run_scoped3A = tpu.sem_alloc : memref<!tpu.dma_semaphore, #tpu.memory_space<semaphore_mem>>
      %dma_start3A_186 = arith.constant 0 : i32
      %dma_start3A_187 = tpu.memref_slice %arg10[%add3A_24, %dma_start3A_186] : memref<10240x64xf32, #tpu.memory_space<vmem_shared>> -> memref<128x64xf32, #tpu.memory_space<vmem_shared>>
      %dma_start3A_188 = arith.constant 0 : i32
      %dma_start3A_189 = tpu.memref_slice %arg10[%add3A_24, %dma_start3A_188] : memref<10240x64xf32, #tpu.memory_space<vmem_shared>> -> memref<128x64xf32, #tpu.memory_space<vmem_shared>>
      tpu.enqueue_dma source(%arg9 : memref<128x64xf32, #tpu.memory_space<vmem>>) target(%dma_start3A_189 : memref<128x64xf32, #tpu.memory_space<vmem_shared>>) target_semaphore(%run_scoped3A : memref<!tpu.dma_semaphore, #tpu.memory_space<semaphore_mem>>)
      %dma_wait3A_190 = arith.constant 0 : i32
      %dma_wait3A_191 = tpu.memref_slice %arg10[%add3A_24, %dma_wait3A_190] : memref<10240x64xf32, #tpu.memory_space<vmem_shared>> -> memref<128x64xf32, #tpu.memory_space<vmem_shared>>
      %dma_wait3A_192 = arith.constant 0 : i32
      %dma_wait3A_193 = tpu.memref_slice %arg10[%add3A_24, %dma_wait3A_192] : memref<10240x64xf32, #tpu.memory_space<vmem_shared>> -> memref<128x64xf32, #tpu.memory_space<vmem_shared>>
      tpu.wait_dma2 semaphore(%run_scoped3A : memref<!tpu.dma_semaphore, #tpu.memory_space<semaphore_mem>>) src(%arg9 : memref<128x64xf32, #tpu.memory_space<vmem>>) dst(%dma_wait3A_193 : memref<128x64xf32, #tpu.memory_space<vmem_shared>>)
      tpu.yield
    }) : () -> ()
    %add3A_25 = arith.constant 128 : i32
    %add3A_26 = arith.addi %mul3A_22, %add3A_25 : i32
    "tpu.region"() ({
      %run_scoped3A = tpu.sem_alloc : memref<!tpu.dma_semaphore, #tpu.memory_space<semaphore_mem>>
      %dma_start3A_186 = arith.constant 0 : i32
      %dma_start3A_187 = tpu.memref_slice %arg10[%add3A_26, %dma_start3A_186] : memref<10240x64xf32, #tpu.memory_space<vmem_shared>> -> memref<128x64xf32, #tpu.memory_space<vmem_shared>>
      %dma_start3A_188 = arith.constant 0 : i32
      %dma_start3A_189 = tpu.memref_slice %arg10[%add3A_26, %dma_start3A_188] : memref<10240x64xf32, #tpu.memory_space<vmem_shared>> -> memref<128x64xf32, #tpu.memory_space<vmem_shared>>
      tpu.enqueue_dma source(%arg9 : memref<128x64xf32, #tpu.memory_space<vmem>>) target(%dma_start3A_189 : memref<128x64xf32, #tpu.memory_space<vmem_shared>>) target_semaphore(%run_scoped3A : memref<!tpu.dma_semaphore, #tpu.memory_space<semaphore_mem>>)
      %dma_wait3A_190 = arith.constant 0 : i32
      %dma_wait3A_191 = tpu.memref_slice %arg10[%add3A_26, %dma_wait3A_190] : memref<10240x64xf32, #tpu.memory_space<vmem_shared>> -> memref<128x64xf32, #tpu.memory_space<vmem_shared>>
      %dma_wait3A_192 = arith.constant 0 : i32
      %dma_wait3A_193 = tpu.memref_slice %arg10[%add3A_26, %dma_wait3A_192] : memref<10240x64xf32, #tpu.memory_space<vmem_shared>> -> memref<128x64xf32, #tpu.memory_space<vmem_shared>>
      tpu.wait_dma2 semaphore(%run_scoped3A : memref<!tpu.dma_semaphore, #tpu.memory_space<semaphore_mem>>) src(%arg9 : memref<128x64xf32, #tpu.memory_space<vmem>>) dst(%dma_wait3A_193 : memref<128x64xf32, #tpu.memory_space<vmem_shared>>)
      tpu.yield
    }) : () -> ()
    %add3A_27 = arith.constant 256 : i32
    %add3A_28 = arith.addi %mul3A_22, %add3A_27 : i32
    "tpu.region"() ({
      %run_scoped3A = tpu.sem_alloc : memref<!tpu.dma_semaphore, #tpu.memory_space<semaphore_mem>>
      %dma_start3A_186 = arith.constant 0 : i32
      %dma_start3A_187 = tpu.memref_slice %arg10[%add3A_28, %dma_start3A_186] : memref<10240x64xf32, #tpu.memory_space<vmem_shared>> -> memref<128x64xf32, #tpu.memory_space<vmem_shared>>
      %dma_start3A_188 = arith.constant 0 : i32
      %dma_start3A_189 = tpu.memref_slice %arg10[%add3A_28, %dma_start3A_188] : memref<10240x64xf32, #tpu.memory_space<vmem_shared>> -> memref<128x64xf32, #tpu.memory_space<vmem_shared>>
      tpu.enqueue_dma source(%arg9 : memref<128x64xf32, #tpu.memory_space<vmem>>) target(%dma_start3A_189 : memref<128x64xf32, #tpu.memory_space<vmem_shared>>) target_semaphore(%run_scoped3A : memref<!tpu.dma_semaphore, #tpu.memory_space<semaphore_mem>>)
      %dma_wait3A_190 = arith.constant 0 : i32
      %dma_wait3A_191 = tpu.memref_slice %arg10[%add3A_28, %dma_wait3A_190] : memref<10240x64xf32, #tpu.memory_space<vmem_shared>> -> memref<128x64xf32, #tpu.memory_space<vmem_shared>>
      %dma_wait3A_192 = arith.constant 0 : i32
      %dma_wait3A_193 = tpu.memref_slice %arg10[%add3A_28, %dma_wait3A_192] : memref<10240x64xf32, #tpu.memory_space<vmem_shared>> -> memref<128x64xf32, #tpu.memory_space<vmem_shared>>
      tpu.wait_dma2 semaphore(%run_scoped3A : memref<!tpu.dma_semaphore, #tpu.memory_space<semaphore_mem>>) src(%arg9 : memref<128x64xf32, #tpu.memory_space<vmem>>) dst(%dma_wait3A_193 : memref<128x64xf32, #tpu.memory_space<vmem_shared>>)
      tpu.yield
    }) : () -> ()
    %add3A_29 = arith.constant 384 : i32
    %add3A_30 = arith.addi %mul3A_22, %add3A_29 : i32
    "tpu.region"() ({
      %run_scoped3A = tpu.sem_alloc : memref<!tpu.dma_semaphore, #tpu.memory_space<semaphore_mem>>
      %dma_start3A_186 = arith.constant 0 : i32
      %dma_start3A_187 = tpu.memref_slice %arg10[%add3A_30, %dma_start3A_186] : memref<10240x64xf32, #tpu.memory_space<vmem_shared>> -> memref<128x64xf32, #tpu.memory_space<vmem_shared>>
      %dma_start3A_188 = arith.constant 0 : i32
      %dma_start3A_189 = tpu.memref_slice %arg10[%add3A_30, %dma_start3A_188] : memref<10240x64xf32, #tpu.memory_space<vmem_shared>> -> memref<128x64xf32, #tpu.memory_space<vmem_shared>>
      tpu.enqueue_dma source(%arg9 : memref<128x64xf32, #tpu.memory_space<vmem>>) target(%dma_start3A_189 : memref<128x64xf32, #tpu.memory_space<vmem_shared>>) target_semaphore(%run_scoped3A : memref<!tpu.dma_semaphore, #tpu.memory_space<semaphore_mem>>)
      %dma_wait3A_190 = arith.constant 0 : i32
      %dma_wait3A_191 = tpu.memref_slice %arg10[%add3A_30, %dma_wait3A_190] : memref<10240x64xf32, #tpu.memory_space<vmem_shared>> -> memref<128x64xf32, #tpu.memory_space<vmem_shared>>
      %dma_wait3A_192 = arith.constant 0 : i32
      %dma_wait3A_193 = tpu.memref_slice %arg10[%add3A_30, %dma_wait3A_192] : memref<10240x64xf32, #tpu.memory_space<vmem_shared>> -> memref<128x64xf32, #tpu.memory_space<vmem_shared>>
      tpu.wait_dma2 semaphore(%run_scoped3A : memref<!tpu.dma_semaphore, #tpu.memory_space<semaphore_mem>>) src(%arg9 : memref<128x64xf32, #tpu.memory_space<vmem>>) dst(%dma_wait3A_193 : memref<128x64xf32, #tpu.memory_space<vmem_shared>>)
      tpu.yield
    }) : () -> ()
    %add3A_31 = arith.constant 512 : i32
    %add3A_32 = arith.addi %mul3A_22, %add3A_31 : i32
    "tpu.region"() ({
      %run_scoped3A = tpu.sem_alloc : memref<!tpu.dma_semaphore, #tpu.memory_space<semaphore_mem>>
      %dma_start3A_186 = arith.constant 0 : i32
      %dma_start3A_187 = tpu.memref_slice %arg10[%add3A_32, %dma_start3A_186] : memref<10240x64xf32, #tpu.memory_space<vmem_shared>> -> memref<128x64xf32, #tpu.memory_space<vmem_shared>>
      %dma_start3A_188 = arith.constant 0 : i32
      %dma_start3A_189 = tpu.memref_slice %arg10[%add3A_32, %dma_start3A_188] : memref<10240x64xf32, #tpu.memory_space<vmem_shared>> -> memref<128x64xf32, #tpu.memory_space<vmem_shared>>
      tpu.enqueue_dma source(%arg9 : memref<128x64xf32, #tpu.memory_space<vmem>>) target(%dma_start3A_189 : memref<128x64xf32, #tpu.memory_space<vmem_shared>>) target_semaphore(%run_scoped3A : memref<!tpu.dma_semaphore, #tpu.memory_space<semaphore_mem>>)
      %dma_wait3A_190 = arith.constant 0 : i32
      %dma_wait3A_191 = tpu.memref_slice %arg10[%add3A_32, %dma_wait3A_190] : memref<10240x64xf32, #tpu.memory_space<vmem_shared>> -> memref<128x64xf32, #tpu.memory_space<vmem_shared>>
      %dma_wait3A_192 = arith.constant 0 : i32
      %dma_wait3A_193 = tpu.memref_slice %arg10[%add3A_32, %dma_wait3A_192] : memref<10240x64xf32, #tpu.memory_space<vmem_shared>> -> memref<128x64xf32, #tpu.memory_space<vmem_shared>>
      tpu.wait_dma2 semaphore(%run_scoped3A : memref<!tpu.dma_semaphore, #tpu.memory_space<semaphore_mem>>) src(%arg9 : memref<128x64xf32, #tpu.memory_space<vmem>>) dst(%dma_wait3A_193 : memref<128x64xf32, #tpu.memory_space<vmem_shared>>)
      tpu.yield
    }) : () -> ()
    %dma_wait3A = arith.constant 0 : i32
    %dma_wait3A_33 = arith.constant 0 : i32
    %dma_wait3A_34 = tpu.memref_slice %arg3[%add3A, %dma_wait3A, %dma_wait3A_33] : memref<32x125x80xi32, #tpu.memory_space<hbm>> -> memref<1x125x80xi32, #tpu.memory_space<hbm>>
    %dma_wait3A_35 = tpu.memref_squeeze %dma_wait3A_34 : memref<1x125x80xi32, #tpu.memory_space<hbm>> -> memref<125x80xi32, #tpu.memory_space<hbm>>
    %dma_wait3A_36 = arith.constant 0 : i32
    %dma_wait3A_37 = arith.constant 0 : i32
    %dma_wait3A_38 = tpu.memref_slice %arg3[%add3A, %dma_wait3A_36, %dma_wait3A_37] : memref<32x125x80xi32, #tpu.memory_space<hbm>> -> memref<1x125x80xi32, #tpu.memory_space<hbm>>
    %dma_wait3A_39 = tpu.memref_squeeze %dma_wait3A_38 : memref<1x125x80xi32, #tpu.memory_space<hbm>> -> memref<125x80xi32, #tpu.memory_space<hbm>>
    tpu.wait_dma2 semaphore(%arg19 : memref<!tpu.dma_semaphore, #tpu.memory_space<semaphore_mem>>) src(%dma_wait3A_39 : memref<125x80xi32, #tpu.memory_space<hbm>>) dst(%arg6 : memref<125x80xi32, #tpu.memory_space<vmem>>)
    %dma_wait3A_40 = arith.constant 0 : i32
    %dma_wait3A_41 = arith.constant 0 : i32
    %dma_wait3A_42 = tpu.memref_slice %arg4[%add3A, %dma_wait3A_40, %dma_wait3A_41] : memref<32x125x80xi32, #tpu.memory_space<hbm>> -> memref<1x125x80xi32, #tpu.memory_space<hbm>>
    %dma_wait3A_43 = tpu.memref_squeeze %dma_wait3A_42 : memref<1x125x80xi32, #tpu.memory_space<hbm>> -> memref<125x80xi32, #tpu.memory_space<hbm>>
    %dma_wait3A_44 = arith.constant 0 : i32
    %dma_wait3A_45 = arith.constant 0 : i32
    %dma_wait3A_46 = tpu.memref_slice %arg4[%add3A, %dma_wait3A_44, %dma_wait3A_45] : memref<32x125x80xi32, #tpu.memory_space<hbm>> -> memref<1x125x80xi32, #tpu.memory_space<hbm>>
    %dma_wait3A_47 = tpu.memref_squeeze %dma_wait3A_46 : memref<1x125x80xi32, #tpu.memory_space<hbm>> -> memref<125x80xi32, #tpu.memory_space<hbm>>
    tpu.wait_dma2 semaphore(%arg19 : memref<!tpu.dma_semaphore, #tpu.memory_space<semaphore_mem>>) src(%dma_wait3A_47 : memref<125x80xi32, #tpu.memory_space<hbm>>) dst(%arg7 : memref<125x80xi32, #tpu.memory_space<vmem>>)
    %barrier3A = arith.constant 0 : index
    tpu.barrier barrier_id(%barrier3A)
    %dma_start3A_48 = arith.constant 0 : i32
    %dma_start3A_49 = arith.constant 0 : i32
    %dma_start3A_50 = arith.constant 0 : i32
    %dma_start3A_51 = arith.constant 0 : i32
    %dma_start3A_52 = tpu.memref_slice %arg8[%dma_start3A_49, %dma_start3A_50, %dma_start3A_51] : memref<4x80x64xf32, #tpu.memory_space<vmem>> -> memref<1x80x64xf32, #tpu.memory_space<vmem>>
    %dma_start3A_53 = tpu.memref_squeeze %dma_start3A_52 : memref<1x80x64xf32, #tpu.memory_space<vmem>> -> memref<80x64xf32, #tpu.memory_space<vmem>>
    %dma_start3A_54 = arith.constant 0 : i32
    %dma_start3A_55 = tpu.memref_slice %arg6[%dma_start3A_48, %dma_start3A_54] : memref<125x80xi32, #tpu.memory_space<vmem>> -> memref<1x80xi32, #tpu.memory_space<vmem>>
    %dma_start3A_56 = tpu.memref_squeeze %dma_start3A_55 : memref<1x80xi32, #tpu.memory_space<vmem>> -> memref<80xi32, #tpu.memory_space<vmem>>
    %dma_start3A_57 = arith.constant 0 : i32
    %dma_start3A_58 = arith.constant 0 : i32
    %dma_start3A_59 = tpu.memref_slice %arg2[%dma_start3A_57, %dma_start3A_58] : memref<10240x64xf32, #tpu.memory_space<hbm>> -> memref<10240x64xf32, #tpu.memory_space<hbm>>
    tpu.enqueue_indirect_dma source(%dma_start3A_59 : memref<10240x64xf32, #tpu.memory_space<hbm>>) target(%dma_start3A_53 : memref<80x64xf32, #tpu.memory_space<vmem>>) offsets(%dma_start3A_56 : memref<80xi32, #tpu.memory_space<vmem>>) semaphore(%arg11 : memref<!tpu.dma_semaphore, #tpu.memory_space<semaphore_mem>>)
    %dma_start3A_60 = arith.constant 1 : i32
    %dma_start3A_61 = arith.constant 1 : i32
    %dma_start3A_62 = arith.constant 0 : i32
    %dma_start3A_63 = arith.constant 0 : i32
    %dma_start3A_64 = tpu.memref_slice %arg8[%dma_start3A_61, %dma_start3A_62, %dma_start3A_63] : memref<4x80x64xf32, #tpu.memory_space<vmem>> -> memref<1x80x64xf32, #tpu.memory_space<vmem>>
    %dma_start3A_65 = tpu.memref_squeeze %dma_start3A_64 : memref<1x80x64xf32, #tpu.memory_space<vmem>> -> memref<80x64xf32, #tpu.memory_space<vmem>>
    %dma_start3A_66 = arith.constant 0 : i32
    %dma_start3A_67 = tpu.memref_slice %arg6[%dma_start3A_60, %dma_start3A_66] : memref<125x80xi32, #tpu.memory_space<vmem>> -> memref<1x80xi32, #tpu.memory_space<vmem>>
    %dma_start3A_68 = tpu.memref_squeeze %dma_start3A_67 : memref<1x80xi32, #tpu.memory_space<vmem>> -> memref<80xi32, #tpu.memory_space<vmem>>
    %dma_start3A_69 = arith.constant 0 : i32
    %dma_start3A_70 = arith.constant 0 : i32
    %dma_start3A_71 = tpu.memref_slice %arg2[%dma_start3A_69, %dma_start3A_70] : memref<10240x64xf32, #tpu.memory_space<hbm>> -> memref<10240x64xf32, #tpu.memory_space<hbm>>
    tpu.enqueue_indirect_dma source(%dma_start3A_71 : memref<10240x64xf32, #tpu.memory_space<hbm>>) target(%dma_start3A_65 : memref<80x64xf32, #tpu.memory_space<vmem>>) offsets(%dma_start3A_68 : memref<80xi32, #tpu.memory_space<vmem>>) semaphore(%arg12 : memref<!tpu.dma_semaphore, #tpu.memory_space<semaphore_mem>>)
    %scan3A_72 = arith.constant 0 : i32
    %scan3A_73 = arith.constant 0 : i32
    %scan3A_74 = arith.constant 31 : i32
    %scan3A_75 = arith.addi %scan3A_73, %scan3A_74 : i32
    %scan3A_76 = arith.constant 1 : i32
    scf.for %scan3A_186 = %scan3A_73 to %scan3A_75 step %scan3A_76  : i32 {
      %mul3A_187 = arith.constant 4 : i32
      %mul3A_188 = arith.muli %mul3A_187, %scan3A_186 : i32
      %add3A_189 = arith.constant 0 : i32
      %add3A_190 = arith.addi %mul3A_188, %add3A_189 : i32
      %ge3A = arith.constant 1 : i32
      %ge3A_191 = arith.cmpi sge, %scan3A_186, %ge3A : i32
      %convert_element_type3A = arith.extui %ge3A_191 : i1 to i32
      %cond3A = arith.constant 0 : i32
      %cond3A_192 = arith.cmpi ne, %convert_element_type3A, %cond3A : i32
      scf.if %cond3A_192 {
        %dma_wait3A_366 = arith.constant 2 : i32
        %dma_wait3A_367 = arith.constant 0 : i32
        %dma_wait3A_368 = arith.constant 0 : i32
        %dma_wait3A_369 = tpu.memref_slice %arg8[%dma_wait3A_366, %dma_wait3A_367, %dma_wait3A_368] : memref<4x80x64xf32, #tpu.memory_space<vmem>> -> memref<1x80x64xf32, #tpu.memory_space<vmem>>
        %dma_wait3A_370 = tpu.memref_squeeze %dma_wait3A_369 : memref<1x80x64xf32, #tpu.memory_space<vmem>> -> memref<80x64xf32, #tpu.memory_space<vmem>>
        %dma_wait3A_371 = arith.constant 0 : i32
        %dma_wait3A_372 = arith.constant 0 : i32
        %dma_wait3A_373 = tpu.memref_slice %arg2[%dma_wait3A_371, %dma_wait3A_372] : memref<10240x64xf32, #tpu.memory_space<hbm>> -> memref<80x64xf32, #tpu.memory_space<hbm>>
        %dma_wait3A_374 = arith.constant 0 : i32
        %dma_wait3A_375 = arith.constant 0 : i32
        %dma_wait3A_376 = tpu.memref_slice %arg8[%dma_wait3A_366, %dma_wait3A_374, %dma_wait3A_375] : memref<4x80x64xf32, #tpu.memory_space<vmem>> -> memref<1x80x64xf32, #tpu.memory_space<vmem>>
        %dma_wait3A_377 = tpu.memref_squeeze %dma_wait3A_376 : memref<1x80x64xf32, #tpu.memory_space<vmem>> -> memref<80x64xf32, #tpu.memory_space<vmem>>
        %dma_wait3A_378 = arith.constant 0 : i32
        %dma_wait3A_379 = arith.constant 0 : i32
        %dma_wait3A_380 = tpu.memref_slice %arg2[%dma_wait3A_378, %dma_wait3A_379] : memref<10240x64xf32, #tpu.memory_space<hbm>> -> memref<80x64xf32, #tpu.memory_space<hbm>>
        tpu.wait_dma2 semaphore(%arg17 : memref<!tpu.dma_semaphore, #tpu.memory_space<semaphore_mem>>) src(%dma_wait3A_380 : memref<80x64xf32, #tpu.memory_space<hbm>>) dst(%dma_wait3A_377 : memref<80x64xf32, #tpu.memory_space<vmem>>)
      } else {
      }
      %add3A_193 = arith.constant 2 : i32
      %add3A_194 = arith.addi %add3A_190, %add3A_193 : i32
      %dma_start3A_195 = arith.constant 2 : i32
      %dma_start3A_196 = arith.constant 0 : i32
      %dma_start3A_197 = arith.constant 0 : i32
      %dma_start3A_198 = tpu.memref_slice %arg8[%dma_start3A_195, %dma_start3A_196, %dma_start3A_197] : memref<4x80x64xf32, #tpu.memory_space<vmem>> -> memref<1x80x64xf32, #tpu.memory_space<vmem>>
      %dma_start3A_199 = tpu.memref_squeeze %dma_start3A_198 : memref<1x80x64xf32, #tpu.memory_space<vmem>> -> memref<80x64xf32, #tpu.memory_space<vmem>>
      %dma_start3A_200 = arith.constant 0 : i32
      %dma_start3A_201 = tpu.memref_slice %arg6[%add3A_194, %dma_start3A_200] : memref<125x80xi32, #tpu.memory_space<vmem>> -> memref<1x80xi32, #tpu.memory_space<vmem>>
      %dma_start3A_202 = tpu.memref_squeeze %dma_start3A_201 : memref<1x80xi32, #tpu.memory_space<vmem>> -> memref<80xi32, #tpu.memory_space<vmem>>
      %dma_start3A_203 = arith.constant 0 : i32
      %dma_start3A_204 = arith.constant 0 : i32
      %dma_start3A_205 = tpu.memref_slice %arg2[%dma_start3A_203, %dma_start3A_204] : memref<10240x64xf32, #tpu.memory_space<hbm>> -> memref<10240x64xf32, #tpu.memory_space<hbm>>
      tpu.enqueue_indirect_dma source(%dma_start3A_205 : memref<10240x64xf32, #tpu.memory_space<hbm>>) target(%dma_start3A_199 : memref<80x64xf32, #tpu.memory_space<vmem>>) offsets(%dma_start3A_202 : memref<80xi32, #tpu.memory_space<vmem>>) semaphore(%arg13 : memref<!tpu.dma_semaphore, #tpu.memory_space<semaphore_mem>>)
      %dma_wait3A_206 = arith.constant 0 : i32
      %dma_wait3A_207 = arith.constant 0 : i32
      %dma_wait3A_208 = arith.constant 0 : i32
      %dma_wait3A_209 = tpu.memref_slice %arg8[%dma_wait3A_206, %dma_wait3A_207, %dma_wait3A_208] : memref<4x80x64xf32, #tpu.memory_space<vmem>> -> memref<1x80x64xf32, #tpu.memory_space<vmem>>
      %dma_wait3A_210 = tpu.memref_squeeze %dma_wait3A_209 : memref<1x80x64xf32, #tpu.memory_space<vmem>> -> memref<80x64xf32, #tpu.memory_space<vmem>>
      %dma_wait3A_211 = arith.constant 0 : i32
      %dma_wait3A_212 = arith.constant 0 : i32
      %dma_wait3A_213 = tpu.memref_slice %arg2[%dma_wait3A_211, %dma_wait3A_212] : memref<10240x64xf32, #tpu.memory_space<hbm>> -> memref<80x64xf32, #tpu.memory_space<hbm>>
      %dma_wait3A_214 = arith.constant 0 : i32
      %dma_wait3A_215 = arith.constant 0 : i32
      %dma_wait3A_216 = tpu.memref_slice %arg8[%dma_wait3A_206, %dma_wait3A_214, %dma_wait3A_215] : memref<4x80x64xf32, #tpu.memory_space<vmem>> -> memref<1x80x64xf32, #tpu.memory_space<vmem>>
      %dma_wait3A_217 = tpu.memref_squeeze %dma_wait3A_216 : memref<1x80x64xf32, #tpu.memory_space<vmem>> -> memref<80x64xf32, #tpu.memory_space<vmem>>
      %dma_wait3A_218 = arith.constant 0 : i32
      %dma_wait3A_219 = arith.constant 0 : i32
      %dma_wait3A_220 = tpu.memref_slice %arg2[%dma_wait3A_218, %dma_wait3A_219] : memref<10240x64xf32, #tpu.memory_space<hbm>> -> memref<80x64xf32, #tpu.memory_space<hbm>>
      tpu.wait_dma2 semaphore(%arg11 : memref<!tpu.dma_semaphore, #tpu.memory_space<semaphore_mem>>) src(%dma_wait3A_220 : memref<80x64xf32, #tpu.memory_space<hbm>>) dst(%dma_wait3A_217 : memref<80x64xf32, #tpu.memory_space<vmem>>)
      %dma_start3A_221 = arith.constant 0 : i32
      %dma_start3A_222 = arith.constant 0 : i32
      %dma_start3A_223 = arith.constant 0 : i32
      %dma_start3A_224 = tpu.memref_slice %arg8[%dma_start3A_221, %dma_start3A_222, %dma_start3A_223] : memref<4x80x64xf32, #tpu.memory_space<vmem>> -> memref<1x80x64xf32, #tpu.memory_space<vmem>>
      %dma_start3A_225 = tpu.memref_squeeze %dma_start3A_224 : memref<1x80x64xf32, #tpu.memory_space<vmem>> -> memref<80x64xf32, #tpu.memory_space<vmem>>
      %dma_start3A_226 = arith.constant 0 : i32
      %dma_start3A_227 = tpu.memref_slice %arg7[%add3A_190, %dma_start3A_226] : memref<125x80xi32, #tpu.memory_space<vmem>> -> memref<1x80xi32, #tpu.memory_space<vmem>>
      %dma_start3A_228 = tpu.memref_squeeze %dma_start3A_227 : memref<1x80xi32, #tpu.memory_space<vmem>> -> memref<80xi32, #tpu.memory_space<vmem>>
      %dma_start3A_229 = arith.constant 0 : i32
      %dma_start3A_230 = arith.constant 0 : i32
      %dma_start3A_231 = tpu.memref_slice %arg10[%dma_start3A_229, %dma_start3A_230] : memref<10240x64xf32, #tpu.memory_space<vmem_shared>> -> memref<10240x64xf32, #tpu.memory_space<vmem_shared>>
      tpu.enqueue_indirect_dma source(%dma_start3A_225 : memref<80x64xf32, #tpu.memory_space<vmem>>) target(%dma_start3A_231 : memref<10240x64xf32, #tpu.memory_space<vmem_shared>>) offsets(%dma_start3A_228 : memref<80xi32, #tpu.memory_space<vmem>>) semaphore(%arg15 : memref<!tpu.dma_semaphore, #tpu.memory_space<semaphore_mem>>) {add = true}
      %add3A_232 = arith.constant 1 : i32
      %add3A_233 = arith.addi %mul3A_188, %add3A_232 : i32
      %ge3A_234 = arith.constant 1 : i32
      %ge3A_235 = arith.cmpi sge, %scan3A_186, %ge3A_234 : i32
      %convert_element_type3A_236 = arith.extui %ge3A_235 : i1 to i32
      %cond3A_237 = arith.constant 0 : i32
      %cond3A_238 = arith.cmpi ne, %convert_element_type3A_236, %cond3A_237 : i32
      scf.if %cond3A_238 {
        %dma_wait3A_366 = arith.constant 3 : i32
        %dma_wait3A_367 = arith.constant 0 : i32
        %dma_wait3A_368 = arith.constant 0 : i32
        %dma_wait3A_369 = tpu.memref_slice %arg8[%dma_wait3A_366, %dma_wait3A_367, %dma_wait3A_368] : memref<4x80x64xf32, #tpu.memory_space<vmem>> -> memref<1x80x64xf32, #tpu.memory_space<vmem>>
        %dma_wait3A_370 = tpu.memref_squeeze %dma_wait3A_369 : memref<1x80x64xf32, #tpu.memory_space<vmem>> -> memref<80x64xf32, #tpu.memory_space<vmem>>
        %dma_wait3A_371 = arith.constant 0 : i32
        %dma_wait3A_372 = arith.constant 0 : i32
        %dma_wait3A_373 = tpu.memref_slice %arg2[%dma_wait3A_371, %dma_wait3A_372] : memref<10240x64xf32, #tpu.memory_space<hbm>> -> memref<80x64xf32, #tpu.memory_space<hbm>>
        %dma_wait3A_374 = arith.constant 0 : i32
        %dma_wait3A_375 = arith.constant 0 : i32
        %dma_wait3A_376 = tpu.memref_slice %arg8[%dma_wait3A_366, %dma_wait3A_374, %dma_wait3A_375] : memref<4x80x64xf32, #tpu.memory_space<vmem>> -> memref<1x80x64xf32, #tpu.memory_space<vmem>>
        %dma_wait3A_377 = tpu.memref_squeeze %dma_wait3A_376 : memref<1x80x64xf32, #tpu.memory_space<vmem>> -> memref<80x64xf32, #tpu.memory_space<vmem>>
        %dma_wait3A_378 = arith.constant 0 : i32
        %dma_wait3A_379 = arith.constant 0 : i32
        %dma_wait3A_380 = tpu.memref_slice %arg2[%dma_wait3A_378, %dma_wait3A_379] : memref<10240x64xf32, #tpu.memory_space<hbm>> -> memref<80x64xf32, #tpu.memory_space<hbm>>
        tpu.wait_dma2 semaphore(%arg18 : memref<!tpu.dma_semaphore, #tpu.memory_space<semaphore_mem>>) src(%dma_wait3A_380 : memref<80x64xf32, #tpu.memory_space<hbm>>) dst(%dma_wait3A_377 : memref<80x64xf32, #tpu.memory_space<vmem>>)
      } else {
      }
      %add3A_239 = arith.constant 2 : i32
      %add3A_240 = arith.addi %add3A_233, %add3A_239 : i32
      %dma_start3A_241 = arith.constant 3 : i32
      %dma_start3A_242 = arith.constant 0 : i32
      %dma_start3A_243 = arith.constant 0 : i32
      %dma_start3A_244 = tpu.memref_slice %arg8[%dma_start3A_241, %dma_start3A_242, %dma_start3A_243] : memref<4x80x64xf32, #tpu.memory_space<vmem>> -> memref<1x80x64xf32, #tpu.memory_space<vmem>>
      %dma_start3A_245 = tpu.memref_squeeze %dma_start3A_244 : memref<1x80x64xf32, #tpu.memory_space<vmem>> -> memref<80x64xf32, #tpu.memory_space<vmem>>
      %dma_start3A_246 = arith.constant 0 : i32
      %dma_start3A_247 = tpu.memref_slice %arg6[%add3A_240, %dma_start3A_246] : memref<125x80xi32, #tpu.memory_space<vmem>> -> memref<1x80xi32, #tpu.memory_space<vmem>>
      %dma_start3A_248 = tpu.memref_squeeze %dma_start3A_247 : memref<1x80xi32, #tpu.memory_space<vmem>> -> memref<80xi32, #tpu.memory_space<vmem>>
      %dma_start3A_249 = arith.constant 0 : i32
      %dma_start3A_250 = arith.constant 0 : i32
      %dma_start3A_251 = tpu.memref_slice %arg2[%dma_start3A_249, %dma_start3A_250] : memref<10240x64xf32, #tpu.memory_space<hbm>> -> memref<10240x64xf32, #tpu.memory_space<hbm>>
      tpu.enqueue_indirect_dma source(%dma_start3A_251 : memref<10240x64xf32, #tpu.memory_space<hbm>>) target(%dma_start3A_245 : memref<80x64xf32, #tpu.memory_space<vmem>>) offsets(%dma_start3A_248 : memref<80xi32, #tpu.memory_space<vmem>>) semaphore(%arg14 : memref<!tpu.dma_semaphore, #tpu.memory_space<semaphore_mem>>)
      %dma_wait3A_252 = arith.constant 1 : i32
      %dma_wait3A_253 = arith.constant 0 : i32
      %dma_wait3A_254 = arith.constant 0 : i32
      %dma_wait3A_255 = tpu.memref_slice %arg8[%dma_wait3A_252, %dma_wait3A_253, %dma_wait3A_254] : memref<4x80x64xf32, #tpu.memory_space<vmem>> -> memref<1x80x64xf32, #tpu.memory_space<vmem>>
      %dma_wait3A_256 = tpu.memref_squeeze %dma_wait3A_255 : memref<1x80x64xf32, #tpu.memory_space<vmem>> -> memref<80x64xf32, #tpu.memory_space<vmem>>
      %dma_wait3A_257 = arith.constant 0 : i32
      %dma_wait3A_258 = arith.constant 0 : i32
      %dma_wait3A_259 = tpu.memref_slice %arg2[%dma_wait3A_257, %dma_wait3A_258] : memref<10240x64xf32, #tpu.memory_space<hbm>> -> memref<80x64xf32, #tpu.memory_space<hbm>>
      %dma_wait3A_260 = arith.constant 0 : i32
      %dma_wait3A_261 = arith.constant 0 : i32
      %dma_wait3A_262 = tpu.memref_slice %arg8[%dma_wait3A_252, %dma_wait3A_260, %dma_wait3A_261] : memref<4x80x64xf32, #tpu.memory_space<vmem>> -> memref<1x80x64xf32, #tpu.memory_space<vmem>>
      %dma_wait3A_263 = tpu.memref_squeeze %dma_wait3A_262 : memref<1x80x64xf32, #tpu.memory_space<vmem>> -> memref<80x64xf32, #tpu.memory_space<vmem>>
      %dma_wait3A_264 = arith.constant 0 : i32
      %dma_wait3A_265 = arith.constant 0 : i32
      %dma_wait3A_266 = tpu.memref_slice %arg2[%dma_wait3A_264, %dma_wait3A_265] : memref<10240x64xf32, #tpu.memory_space<hbm>> -> memref<80x64xf32, #tpu.memory_space<hbm>>
      tpu.wait_dma2 semaphore(%arg12 : memref<!tpu.dma_semaphore, #tpu.memory_space<semaphore_mem>>) src(%dma_wait3A_266 : memref<80x64xf32, #tpu.memory_space<hbm>>) dst(%dma_wait3A_263 : memref<80x64xf32, #tpu.memory_space<vmem>>)
      %dma_start3A_267 = arith.constant 1 : i32
      %dma_start3A_268 = arith.constant 0 : i32
      %dma_start3A_269 = arith.constant 0 : i32
      %dma_start3A_270 = tpu.memref_slice %arg8[%dma_start3A_267, %dma_start3A_268, %dma_start3A_269] : memref<4x80x64xf32, #tpu.memory_space<vmem>> -> memref<1x80x64xf32, #tpu.memory_space<vmem>>
      %dma_start3A_271 = tpu.memref_squeeze %dma_start3A_270 : memref<1x80x64xf32, #tpu.memory_space<vmem>> -> memref<80x64xf32, #tpu.memory_space<vmem>>
      %dma_start3A_272 = arith.constant 0 : i32
      %dma_start3A_273 = tpu.memref_slice %arg7[%add3A_233, %dma_start3A_272] : memref<125x80xi32, #tpu.memory_space<vmem>> -> memref<1x80xi32, #tpu.memory_space<vmem>>
      %dma_start3A_274 = tpu.memref_squeeze %dma_start3A_273 : memref<1x80xi32, #tpu.memory_space<vmem>> -> memref<80xi32, #tpu.memory_space<vmem>>
      %dma_start3A_275 = arith.constant 0 : i32
      %dma_start3A_276 = arith.constant 0 : i32
      %dma_start3A_277 = tpu.memref_slice %arg10[%dma_start3A_275, %dma_start3A_276] : memref<10240x64xf32, #tpu.memory_space<vmem_shared>> -> memref<10240x64xf32, #tpu.memory_space<vmem_shared>>
      tpu.enqueue_indirect_dma source(%dma_start3A_271 : memref<80x64xf32, #tpu.memory_space<vmem>>) target(%dma_start3A_277 : memref<10240x64xf32, #tpu.memory_space<vmem_shared>>) offsets(%dma_start3A_274 : memref<80xi32, #tpu.memory_space<vmem>>) semaphore(%arg16 : memref<!tpu.dma_semaphore, #tpu.memory_space<semaphore_mem>>) {add = true}
      %add3A_278 = arith.constant 2 : i32
      %add3A_279 = arith.addi %mul3A_188, %add3A_278 : i32
      %dma_wait3A_280 = arith.constant 0 : i32
      %dma_wait3A_281 = arith.constant 0 : i32
      %dma_wait3A_282 = arith.constant 0 : i32
      %dma_wait3A_283 = tpu.memref_slice %arg8[%dma_wait3A_280, %dma_wait3A_281, %dma_wait3A_282] : memref<4x80x64xf32, #tpu.memory_space<vmem>> -> memref<1x80x64xf32, #tpu.memory_space<vmem>>
      %dma_wait3A_284 = tpu.memref_squeeze %dma_wait3A_283 : memref<1x80x64xf32, #tpu.memory_space<vmem>> -> memref<80x64xf32, #tpu.memory_space<vmem>>
      %dma_wait3A_285 = arith.constant 0 : i32
      %dma_wait3A_286 = arith.constant 0 : i32
      %dma_wait3A_287 = tpu.memref_slice %arg2[%dma_wait3A_285, %dma_wait3A_286] : memref<10240x64xf32, #tpu.memory_space<hbm>> -> memref<80x64xf32, #tpu.memory_space<hbm>>
      %dma_wait3A_288 = arith.constant 0 : i32
      %dma_wait3A_289 = arith.constant 0 : i32
      %dma_wait3A_290 = tpu.memref_slice %arg8[%dma_wait3A_280, %dma_wait3A_288, %dma_wait3A_289] : memref<4x80x64xf32, #tpu.memory_space<vmem>> -> memref<1x80x64xf32, #tpu.memory_space<vmem>>
      %dma_wait3A_291 = tpu.memref_squeeze %dma_wait3A_290 : memref<1x80x64xf32, #tpu.memory_space<vmem>> -> memref<80x64xf32, #tpu.memory_space<vmem>>
      %dma_wait3A_292 = arith.constant 0 : i32
      %dma_wait3A_293 = arith.constant 0 : i32
      %dma_wait3A_294 = tpu.memref_slice %arg2[%dma_wait3A_292, %dma_wait3A_293] : memref<10240x64xf32, #tpu.memory_space<hbm>> -> memref<80x64xf32, #tpu.memory_space<hbm>>
      tpu.wait_dma2 semaphore(%arg15 : memref<!tpu.dma_semaphore, #tpu.memory_space<semaphore_mem>>) src(%dma_wait3A_294 : memref<80x64xf32, #tpu.memory_space<hbm>>) dst(%dma_wait3A_291 : memref<80x64xf32, #tpu.memory_space<vmem>>)
      %add3A_295 = arith.constant 2 : i32
      %add3A_296 = arith.addi %add3A_279, %add3A_295 : i32
      %dma_start3A_297 = arith.constant 0 : i32
      %dma_start3A_298 = arith.constant 0 : i32
      %dma_start3A_299 = arith.constant 0 : i32
      %dma_start3A_300 = tpu.memref_slice %arg8[%dma_start3A_297, %dma_start3A_298, %dma_start3A_299] : memref<4x80x64xf32, #tpu.memory_space<vmem>> -> memref<1x80x64xf32, #tpu.memory_space<vmem>>
      %dma_start3A_301 = tpu.memref_squeeze %dma_start3A_300 : memref<1x80x64xf32, #tpu.memory_space<vmem>> -> memref<80x64xf32, #tpu.memory_space<vmem>>
      %dma_start3A_302 = arith.constant 0 : i32
      %dma_start3A_303 = tpu.memref_slice %arg6[%add3A_296, %dma_start3A_302] : memref<125x80xi32, #tpu.memory_space<vmem>> -> memref<1x80xi32, #tpu.memory_space<vmem>>
      %dma_start3A_304 = tpu.memref_squeeze %dma_start3A_303 : memref<1x80xi32, #tpu.memory_space<vmem>> -> memref<80xi32, #tpu.memory_space<vmem>>
      %dma_start3A_305 = arith.constant 0 : i32
      %dma_start3A_306 = arith.constant 0 : i32
      %dma_start3A_307 = tpu.memref_slice %arg2[%dma_start3A_305, %dma_start3A_306] : memref<10240x64xf32, #tpu.memory_space<hbm>> -> memref<10240x64xf32, #tpu.memory_space<hbm>>
      tpu.enqueue_indirect_dma source(%dma_start3A_307 : memref<10240x64xf32, #tpu.memory_space<hbm>>) target(%dma_start3A_301 : memref<80x64xf32, #tpu.memory_space<vmem>>) offsets(%dma_start3A_304 : memref<80xi32, #tpu.memory_space<vmem>>) semaphore(%arg11 : memref<!tpu.dma_semaphore, #tpu.memory_space<semaphore_mem>>)
      %dma_wait3A_308 = arith.constant 2 : i32
      %dma_wait3A_309 = arith.constant 0 : i32
      %dma_wait3A_310 = arith.constant 0 : i32
      %dma_wait3A_311 = tpu.memref_slice %arg8[%dma_wait3A_308, %dma_wait3A_309, %dma_wait3A_310] : memref<4x80x64xf32, #tpu.memory_space<vmem>> -> memref<1x80x64xf32, #tpu.memory_space<vmem>>
      %dma_wait3A_312 = tpu.memref_squeeze %dma_wait3A_311 : memref<1x80x64xf32, #tpu.memory_space<vmem>> -> memref<80x64xf32, #tpu.memory_space<vmem>>
      %dma_wait3A_313 = arith.constant 0 : i32
      %dma_wait3A_314 = arith.constant 0 : i32
      %dma_wait3A_315 = tpu.memref_slice %arg2[%dma_wait3A_313, %dma_wait3A_314] : memref<10240x64xf32, #tpu.memory_space<hbm>> -> memref<80x64xf32, #tpu.memory_space<hbm>>
      %dma_wait3A_316 = arith.constant 0 : i32
      %dma_wait3A_317 = arith.constant 0 : i32
      %dma_wait3A_318 = tpu.memref_slice %arg8[%dma_wait3A_308, %dma_wait3A_316, %dma_wait3A_317] : memref<4x80x64xf32, #tpu.memory_space<vmem>> -> memref<1x80x64xf32, #tpu.memory_space<vmem>>
      %dma_wait3A_319 = tpu.memref_squeeze %dma_wait3A_318 : memref<1x80x64xf32, #tpu.memory_space<vmem>> -> memref<80x64xf32, #tpu.memory_space<vmem>>
      %dma_wait3A_320 = arith.constant 0 : i32
      %dma_wait3A_321 = arith.constant 0 : i32
      %dma_wait3A_322 = tpu.memref_slice %arg2[%dma_wait3A_320, %dma_wait3A_321] : memref<10240x64xf32, #tpu.memory_space<hbm>> -> memref<80x64xf32, #tpu.memory_space<hbm>>
      tpu.wait_dma2 semaphore(%arg13 : memref<!tpu.dma_semaphore, #tpu.memory_space<semaphore_mem>>) src(%dma_wait3A_322 : memref<80x64xf32, #tpu.memory_space<hbm>>) dst(%dma_wait3A_319 : memref<80x64xf32, #tpu.memory_space<vmem>>)
      %dma_start3A_323 = arith.constant 2 : i32
      %dma_start3A_324 = arith.constant 0 : i32
      %dma_start3A_325 = arith.constant 0 : i32
      %dma_start3A_326 = tpu.memref_slice %arg8[%dma_start3A_323, %dma_start3A_324, %dma_start3A_325] : memref<4x80x64xf32, #tpu.memory_space<vmem>> -> memref<1x80x64xf32, #tpu.memory_space<vmem>>
      %dma_start3A_327 = tpu.memref_squeeze %dma_start3A_326 : memref<1x80x64xf32, #tpu.memory_space<vmem>> -> memref<80x64xf32, #tpu.memory_space<vmem>>
      %dma_start3A_328 = arith.constant 0 : i32
      %dma_start3A_329 = tpu.memref_slice %arg7[%add3A_279, %dma_start3A_328] : memref<125x80xi32, #tpu.memory_space<vmem>> -> memref<1x80xi32, #tpu.memory_space<vmem>>
      %dma_start3A_330 = tpu.memref_squeeze %dma_start3A_329 : memref<1x80xi32, #tpu.memory_space<vmem>> -> memref<80xi32, #tpu.memory_space<vmem>>
      %dma_start3A_331 = arith.constant 0 : i32
      %dma_start3A_332 = arith.constant 0 : i32
      %dma_start3A_333 = tpu.memref_slice %arg10[%dma_start3A_331, %dma_start3A_332] : memref<10240x64xf32, #tpu.memory_space<vmem_shared>> -> memref<10240x64xf32, #tpu.memory_space<vmem_shared>>
      tpu.enqueue_indirect_dma source(%dma_start3A_327 : memref<80x64xf32, #tpu.memory_space<vmem>>) target(%dma_start3A_333 : memref<10240x64xf32, #tpu.memory_space<vmem_shared>>) offsets(%dma_start3A_330 : memref<80xi32, #tpu.memory_space<vmem>>) semaphore(%arg17 : memref<!tpu.dma_semaphore, #tpu.memory_space<semaphore_mem>>) {add = true}
      %add3A_334 = arith.constant 3 : i32
      %add3A_335 = arith.addi %mul3A_188, %add3A_334 : i32
      %lt3A = arith.constant 30 : i32
      %lt3A_336 = arith.cmpi slt, %scan3A_186, %lt3A : i32
      %convert_element_type3A_337 = arith.extui %lt3A_336 : i1 to i32
      %cond3A_338 = arith.constant 0 : i32
      %cond3A_339 = arith.cmpi ne, %convert_element_type3A_337, %cond3A_338 : i32
      scf.if %cond3A_339 {
        %dma_wait3A_366 = arith.constant 1 : i32
        %dma_wait3A_367 = arith.constant 0 : i32
        %dma_wait3A_368 = arith.constant 0 : i32
        %dma_wait3A_369 = tpu.memref_slice %arg8[%dma_wait3A_366, %dma_wait3A_367, %dma_wait3A_368] : memref<4x80x64xf32, #tpu.memory_space<vmem>> -> memref<1x80x64xf32, #tpu.memory_space<vmem>>
        %dma_wait3A_370 = tpu.memref_squeeze %dma_wait3A_369 : memref<1x80x64xf32, #tpu.memory_space<vmem>> -> memref<80x64xf32, #tpu.memory_space<vmem>>
        %dma_wait3A_371 = arith.constant 0 : i32
        %dma_wait3A_372 = arith.constant 0 : i32
        %dma_wait3A_373 = tpu.memref_slice %arg2[%dma_wait3A_371, %dma_wait3A_372] : memref<10240x64xf32, #tpu.memory_space<hbm>> -> memref<80x64xf32, #tpu.memory_space<hbm>>
        %dma_wait3A_374 = arith.constant 0 : i32
        %dma_wait3A_375 = arith.constant 0 : i32
        %dma_wait3A_376 = tpu.memref_slice %arg8[%dma_wait3A_366, %dma_wait3A_374, %dma_wait3A_375] : memref<4x80x64xf32, #tpu.memory_space<vmem>> -> memref<1x80x64xf32, #tpu.memory_space<vmem>>
        %dma_wait3A_377 = tpu.memref_squeeze %dma_wait3A_376 : memref<1x80x64xf32, #tpu.memory_space<vmem>> -> memref<80x64xf32, #tpu.memory_space<vmem>>
        %dma_wait3A_378 = arith.constant 0 : i32
        %dma_wait3A_379 = arith.constant 0 : i32
        %dma_wait3A_380 = tpu.memref_slice %arg2[%dma_wait3A_378, %dma_wait3A_379] : memref<10240x64xf32, #tpu.memory_space<hbm>> -> memref<80x64xf32, #tpu.memory_space<hbm>>
        tpu.wait_dma2 semaphore(%arg16 : memref<!tpu.dma_semaphore, #tpu.memory_space<semaphore_mem>>) src(%dma_wait3A_380 : memref<80x64xf32, #tpu.memory_space<hbm>>) dst(%dma_wait3A_377 : memref<80x64xf32, #tpu.memory_space<vmem>>)
        %add3A_381 = arith.constant 2 : i32
        %add3A_382 = arith.addi %add3A_335, %add3A_381 : i32
        %dma_start3A_383 = arith.constant 1 : i32
        %dma_start3A_384 = arith.constant 0 : i32
        %dma_start3A_385 = arith.constant 0 : i32
        %dma_start3A_386 = tpu.memref_slice %arg8[%dma_start3A_383, %dma_start3A_384, %dma_start3A_385] : memref<4x80x64xf32, #tpu.memory_space<vmem>> -> memref<1x80x64xf32, #tpu.memory_space<vmem>>
        %dma_start3A_387 = tpu.memref_squeeze %dma_start3A_386 : memref<1x80x64xf32, #tpu.memory_space<vmem>> -> memref<80x64xf32, #tpu.memory_space<vmem>>
        %dma_start3A_388 = arith.constant 0 : i32
        %dma_start3A_389 = tpu.memref_slice %arg6[%add3A_382, %dma_start3A_388] : memref<125x80xi32, #tpu.memory_space<vmem>> -> memref<1x80xi32, #tpu.memory_space<vmem>>
        %dma_start3A_390 = tpu.memref_squeeze %dma_start3A_389 : memref<1x80xi32, #tpu.memory_space<vmem>> -> memref<80xi32, #tpu.memory_space<vmem>>
        %dma_start3A_391 = arith.constant 0 : i32
        %dma_start3A_392 = arith.constant 0 : i32
        %dma_start3A_393 = tpu.memref_slice %arg2[%dma_start3A_391, %dma_start3A_392] : memref<10240x64xf32, #tpu.memory_space<hbm>> -> memref<10240x64xf32, #tpu.memory_space<hbm>>
        tpu.enqueue_indirect_dma source(%dma_start3A_393 : memref<10240x64xf32, #tpu.memory_space<hbm>>) target(%dma_start3A_387 : memref<80x64xf32, #tpu.memory_space<vmem>>) offsets(%dma_start3A_390 : memref<80xi32, #tpu.memory_space<vmem>>) semaphore(%arg12 : memref<!tpu.dma_semaphore, #tpu.memory_space<semaphore_mem>>)
      } else {
      }
      %dma_wait3A_340 = arith.constant 3 : i32
      %dma_wait3A_341 = arith.constant 0 : i32
      %dma_wait3A_342 = arith.constant 0 : i32
      %dma_wait3A_343 = tpu.memref_slice %arg8[%dma_wait3A_340, %dma_wait3A_341, %dma_wait3A_342] : memref<4x80x64xf32, #tpu.memory_space<vmem>> -> memref<1x80x64xf32, #tpu.memory_space<vmem>>
      %dma_wait3A_344 = tpu.memref_squeeze %dma_wait3A_343 : memref<1x80x64xf32, #tpu.memory_space<vmem>> -> memref<80x64xf32, #tpu.memory_space<vmem>>
      %dma_wait3A_345 = arith.constant 0 : i32
      %dma_wait3A_346 = arith.constant 0 : i32
      %dma_wait3A_347 = tpu.memref_slice %arg2[%dma_wait3A_345, %dma_wait3A_346] : memref<10240x64xf32, #tpu.memory_space<hbm>> -> memref<80x64xf32, #tpu.memory_space<hbm>>
      %dma_wait3A_348 = arith.constant 0 : i32
      %dma_wait3A_349 = arith.constant 0 : i32
      %dma_wait3A_350 = tpu.memref_slice %arg8[%dma_wait3A_340, %dma_wait3A_348, %dma_wait3A_349] : memref<4x80x64xf32, #tpu.memory_space<vmem>> -> memref<1x80x64xf32, #tpu.memory_space<vmem>>
      %dma_wait3A_351 = tpu.memref_squeeze %dma_wait3A_350 : memref<1x80x64xf32, #tpu.memory_space<vmem>> -> memref<80x64xf32, #tpu.memory_space<vmem>>
      %dma_wait3A_352 = arith.constant 0 : i32
      %dma_wait3A_353 = arith.constant 0 : i32
      %dma_wait3A_354 = tpu.memref_slice %arg2[%dma_wait3A_352, %dma_wait3A_353] : memref<10240x64xf32, #tpu.memory_space<hbm>> -> memref<80x64xf32, #tpu.memory_space<hbm>>
      tpu.wait_dma2 semaphore(%arg14 : memref<!tpu.dma_semaphore, #tpu.memory_space<semaphore_mem>>) src(%dma_wait3A_354 : memref<80x64xf32, #tpu.memory_space<hbm>>) dst(%dma_wait3A_351 : memref<80x64xf32, #tpu.memory_space<vmem>>)
      %dma_start3A_355 = arith.constant 3 : i32
      %dma_start3A_356 = arith.constant 0 : i32
      %dma_start3A_357 = arith.constant 0 : i32
      %dma_start3A_358 = tpu.memref_slice %arg8[%dma_start3A_355, %dma_start3A_356, %dma_start3A_357] : memref<4x80x64xf32, #tpu.memory_space<vmem>> -> memref<1x80x64xf32, #tpu.memory_space<vmem>>
      %dma_start3A_359 = tpu.memref_squeeze %dma_start3A_358 : memref<1x80x64xf32, #tpu.memory_space<vmem>> -> memref<80x64xf32, #tpu.memory_space<vmem>>
      %dma_start3A_360 = arith.constant 0 : i32
      %dma_start3A_361 = tpu.memref_slice %arg7[%add3A_335, %dma_start3A_360] : memref<125x80xi32, #tpu.memory_space<vmem>> -> memref<1x80xi32, #tpu.memory_space<vmem>>
      %dma_start3A_362 = tpu.memref_squeeze %dma_start3A_361 : memref<1x80xi32, #tpu.memory_space<vmem>> -> memref<80xi32, #tpu.memory_space<vmem>>
      %dma_start3A_363 = arith.constant 0 : i32
      %dma_start3A_364 = arith.constant 0 : i32
      %dma_start3A_365 = tpu.memref_slice %arg10[%dma_start3A_363, %dma_start3A_364] : memref<10240x64xf32, #tpu.memory_space<vmem_shared>> -> memref<10240x64xf32, #tpu.memory_space<vmem_shared>>
      tpu.enqueue_indirect_dma source(%dma_start3A_359 : memref<80x64xf32, #tpu.memory_space<vmem>>) target(%dma_start3A_365 : memref<10240x64xf32, #tpu.memory_space<vmem_shared>>) offsets(%dma_start3A_362 : memref<80xi32, #tpu.memory_space<vmem>>) semaphore(%arg18 : memref<!tpu.dma_semaphore, #tpu.memory_space<semaphore_mem>>) {add = true}
    }
    %scan3A_77 = arith.constant 31 : i32
    %dma_wait3A_78 = arith.constant 0 : i32
    %dma_wait3A_79 = arith.constant 0 : i32
    %dma_wait3A_80 = arith.constant 0 : i32
    %dma_wait3A_81 = tpu.memref_slice %arg8[%dma_wait3A_78, %dma_wait3A_79, %dma_wait3A_80] : memref<4x80x64xf32, #tpu.memory_space<vmem>> -> memref<1x80x64xf32, #tpu.memory_space<vmem>>
    %dma_wait3A_82 = tpu.memref_squeeze %dma_wait3A_81 : memref<1x80x64xf32, #tpu.memory_space<vmem>> -> memref<80x64xf32, #tpu.memory_space<vmem>>
    %dma_wait3A_83 = arith.constant 0 : i32
    %dma_wait3A_84 = arith.constant 0 : i32
    %dma_wait3A_85 = tpu.memref_slice %arg2[%dma_wait3A_83, %dma_wait3A_84] : memref<10240x64xf32, #tpu.memory_space<hbm>> -> memref<80x64xf32, #tpu.memory_space<hbm>>
    %dma_wait3A_86 = arith.constant 0 : i32
    %dma_wait3A_87 = arith.constant 0 : i32
    %dma_wait3A_88 = tpu.memref_slice %arg8[%dma_wait3A_78, %dma_wait3A_86, %dma_wait3A_87] : memref<4x80x64xf32, #tpu.memory_space<vmem>> -> memref<1x80x64xf32, #tpu.memory_space<vmem>>
    %dma_wait3A_89 = tpu.memref_squeeze %dma_wait3A_88 : memref<1x80x64xf32, #tpu.memory_space<vmem>> -> memref<80x64xf32, #tpu.memory_space<vmem>>
    %dma_wait3A_90 = arith.constant 0 : i32
    %dma_wait3A_91 = arith.constant 0 : i32
    %dma_wait3A_92 = tpu.memref_slice %arg2[%dma_wait3A_90, %dma_wait3A_91] : memref<10240x64xf32, #tpu.memory_space<hbm>> -> memref<80x64xf32, #tpu.memory_space<hbm>>
    tpu.wait_dma2 semaphore(%arg11 : memref<!tpu.dma_semaphore, #tpu.memory_space<semaphore_mem>>) src(%dma_wait3A_92 : memref<80x64xf32, #tpu.memory_space<hbm>>) dst(%dma_wait3A_89 : memref<80x64xf32, #tpu.memory_space<vmem>>)
    %dma_start3A_93 = arith.constant 0 : i32
    %dma_start3A_94 = arith.constant 124 : i32
    %dma_start3A_95 = arith.constant 0 : i32
    %dma_start3A_96 = arith.constant 0 : i32
    %dma_start3A_97 = tpu.memref_slice %arg8[%dma_start3A_93, %dma_start3A_95, %dma_start3A_96] : memref<4x80x64xf32, #tpu.memory_space<vmem>> -> memref<1x80x64xf32, #tpu.memory_space<vmem>>
    %dma_start3A_98 = tpu.memref_squeeze %dma_start3A_97 : memref<1x80x64xf32, #tpu.memory_space<vmem>> -> memref<80x64xf32, #tpu.memory_space<vmem>>
    %dma_start3A_99 = arith.constant 0 : i32
    %dma_start3A_100 = tpu.memref_slice %arg7[%dma_start3A_94, %dma_start3A_99] : memref<125x80xi32, #tpu.memory_space<vmem>> -> memref<1x80xi32, #tpu.memory_space<vmem>>
    %dma_start3A_101 = tpu.memref_squeeze %dma_start3A_100 : memref<1x80xi32, #tpu.memory_space<vmem>> -> memref<80xi32, #tpu.memory_space<vmem>>
    %dma_start3A_102 = arith.constant 0 : i32
    %dma_start3A_103 = arith.constant 0 : i32
    %dma_start3A_104 = tpu.memref_slice %arg10[%dma_start3A_102, %dma_start3A_103] : memref<10240x64xf32, #tpu.memory_space<vmem_shared>> -> memref<10240x64xf32, #tpu.memory_space<vmem_shared>>
    tpu.enqueue_indirect_dma source(%dma_start3A_98 : memref<80x64xf32, #tpu.memory_space<vmem>>) target(%dma_start3A_104 : memref<10240x64xf32, #tpu.memory_space<vmem_shared>>) offsets(%dma_start3A_101 : memref<80xi32, #tpu.memory_space<vmem>>) semaphore(%arg15 : memref<!tpu.dma_semaphore, #tpu.memory_space<semaphore_mem>>) {add = true}
    %dma_wait3A_105 = arith.constant 0 : i32
    %dma_wait3A_106 = arith.constant 0 : i32
    %dma_wait3A_107 = arith.constant 0 : i32
    %dma_wait3A_108 = tpu.memref_slice %arg8[%dma_wait3A_105, %dma_wait3A_106, %dma_wait3A_107] : memref<4x80x64xf32, #tpu.memory_space<vmem>> -> memref<1x80x64xf32, #tpu.memory_space<vmem>>
    %dma_wait3A_109 = tpu.memref_squeeze %dma_wait3A_108 : memref<1x80x64xf32, #tpu.memory_space<vmem>> -> memref<80x64xf32, #tpu.memory_space<vmem>>
    %dma_wait3A_110 = arith.constant 0 : i32
    %dma_wait3A_111 = arith.constant 0 : i32
    %dma_wait3A_112 = tpu.memref_slice %arg2[%dma_wait3A_110, %dma_wait3A_111] : memref<10240x64xf32, #tpu.memory_space<hbm>> -> memref<80x64xf32, #tpu.memory_space<hbm>>
    %dma_wait3A_113 = arith.constant 0 : i32
    %dma_wait3A_114 = arith.constant 0 : i32
    %dma_wait3A_115 = tpu.memref_slice %arg8[%dma_wait3A_105, %dma_wait3A_113, %dma_wait3A_114] : memref<4x80x64xf32, #tpu.memory_space<vmem>> -> memref<1x80x64xf32, #tpu.memory_space<vmem>>
    %dma_wait3A_116 = tpu.memref_squeeze %dma_wait3A_115 : memref<1x80x64xf32, #tpu.memory_space<vmem>> -> memref<80x64xf32, #tpu.memory_space<vmem>>
    %dma_wait3A_117 = arith.constant 0 : i32
    %dma_wait3A_118 = arith.constant 0 : i32
    %dma_wait3A_119 = tpu.memref_slice %arg2[%dma_wait3A_117, %dma_wait3A_118] : memref<10240x64xf32, #tpu.memory_space<hbm>> -> memref<80x64xf32, #tpu.memory_space<hbm>>
    tpu.wait_dma2 semaphore(%arg15 : memref<!tpu.dma_semaphore, #tpu.memory_space<semaphore_mem>>) src(%dma_wait3A_119 : memref<80x64xf32, #tpu.memory_space<hbm>>) dst(%dma_wait3A_116 : memref<80x64xf32, #tpu.memory_space<vmem>>)
    %dma_wait3A_120 = arith.constant 1 : i32
    %dma_wait3A_121 = arith.constant 0 : i32
    %dma_wait3A_122 = arith.constant 0 : i32
    %dma_wait3A_123 = tpu.memref_slice %arg8[%dma_wait3A_120, %dma_wait3A_121, %dma_wait3A_122] : memref<4x80x64xf32, #tpu.memory_space<vmem>> -> memref<1x80x64xf32, #tpu.memory_space<vmem>>
    %dma_wait3A_124 = tpu.memref_squeeze %dma_wait3A_123 : memref<1x80x64xf32, #tpu.memory_space<vmem>> -> memref<80x64xf32, #tpu.memory_space<vmem>>
    %dma_wait3A_125 = arith.constant 0 : i32
    %dma_wait3A_126 = arith.constant 0 : i32
    %dma_wait3A_127 = tpu.memref_slice %arg2[%dma_wait3A_125, %dma_wait3A_126] : memref<10240x64xf32, #tpu.memory_space<hbm>> -> memref<80x64xf32, #tpu.memory_space<hbm>>
    %dma_wait3A_128 = arith.constant 0 : i32
    %dma_wait3A_129 = arith.constant 0 : i32
    %dma_wait3A_130 = tpu.memref_slice %arg8[%dma_wait3A_120, %dma_wait3A_128, %dma_wait3A_129] : memref<4x80x64xf32, #tpu.memory_space<vmem>> -> memref<1x80x64xf32, #tpu.memory_space<vmem>>
    %dma_wait3A_131 = tpu.memref_squeeze %dma_wait3A_130 : memref<1x80x64xf32, #tpu.memory_space<vmem>> -> memref<80x64xf32, #tpu.memory_space<vmem>>
    %dma_wait3A_132 = arith.constant 0 : i32
    %dma_wait3A_133 = arith.constant 0 : i32
    %dma_wait3A_134 = tpu.memref_slice %arg2[%dma_wait3A_132, %dma_wait3A_133] : memref<10240x64xf32, #tpu.memory_space<hbm>> -> memref<80x64xf32, #tpu.memory_space<hbm>>
    tpu.wait_dma2 semaphore(%arg16 : memref<!tpu.dma_semaphore, #tpu.memory_space<semaphore_mem>>) src(%dma_wait3A_134 : memref<80x64xf32, #tpu.memory_space<hbm>>) dst(%dma_wait3A_131 : memref<80x64xf32, #tpu.memory_space<vmem>>)
    %dma_wait3A_135 = arith.constant 2 : i32
    %dma_wait3A_136 = arith.constant 0 : i32
    %dma_wait3A_137 = arith.constant 0 : i32
    %dma_wait3A_138 = tpu.memref_slice %arg8[%dma_wait3A_135, %dma_wait3A_136, %dma_wait3A_137] : memref<4x80x64xf32, #tpu.memory_space<vmem>> -> memref<1x80x64xf32, #tpu.memory_space<vmem>>
    %dma_wait3A_139 = tpu.memref_squeeze %dma_wait3A_138 : memref<1x80x64xf32, #tpu.memory_space<vmem>> -> memref<80x64xf32, #tpu.memory_space<vmem>>
    %dma_wait3A_140 = arith.constant 0 : i32
    %dma_wait3A_141 = arith.constant 0 : i32
    %dma_wait3A_142 = tpu.memref_slice %arg2[%dma_wait3A_140, %dma_wait3A_141] : memref<10240x64xf32, #tpu.memory_space<hbm>> -> memref<80x64xf32, #tpu.memory_space<hbm>>
    %dma_wait3A_143 = arith.constant 0 : i32
    %dma_wait3A_144 = arith.constant 0 : i32
    %dma_wait3A_145 = tpu.memref_slice %arg8[%dma_wait3A_135, %dma_wait3A_143, %dma_wait3A_144] : memref<4x80x64xf32, #tpu.memory_space<vmem>> -> memref<1x80x64xf32, #tpu.memory_space<vmem>>
    %dma_wait3A_146 = tpu.memref_squeeze %dma_wait3A_145 : memref<1x80x64xf32, #tpu.memory_space<vmem>> -> memref<80x64xf32, #tpu.memory_space<vmem>>
    %dma_wait3A_147 = arith.constant 0 : i32
    %dma_wait3A_148 = arith.constant 0 : i32
    %dma_wait3A_149 = tpu.memref_slice %arg2[%dma_wait3A_147, %dma_wait3A_148] : memref<10240x64xf32, #tpu.memory_space<hbm>> -> memref<80x64xf32, #tpu.memory_space<hbm>>
    tpu.wait_dma2 semaphore(%arg17 : memref<!tpu.dma_semaphore, #tpu.memory_space<semaphore_mem>>) src(%dma_wait3A_149 : memref<80x64xf32, #tpu.memory_space<hbm>>) dst(%dma_wait3A_146 : memref<80x64xf32, #tpu.memory_space<vmem>>)
    %dma_wait3A_150 = arith.constant 3 : i32
    %dma_wait3A_151 = arith.constant 0 : i32
    %dma_wait3A_152 = arith.constant 0 : i32
    %dma_wait3A_153 = tpu.memref_slice %arg8[%dma_wait3A_150, %dma_wait3A_151, %dma_wait3A_152] : memref<4x80x64xf32, #tpu.memory_space<vmem>> -> memref<1x80x64xf32, #tpu.memory_space<vmem>>
    %dma_wait3A_154 = tpu.memref_squeeze %dma_wait3A_153 : memref<1x80x64xf32, #tpu.memory_space<vmem>> -> memref<80x64xf32, #tpu.memory_space<vmem>>
    %dma_wait3A_155 = arith.constant 0 : i32
    %dma_wait3A_156 = arith.constant 0 : i32
    %dma_wait3A_157 = tpu.memref_slice %arg2[%dma_wait3A_155, %dma_wait3A_156] : memref<10240x64xf32, #tpu.memory_space<hbm>> -> memref<80x64xf32, #tpu.memory_space<hbm>>
    %dma_wait3A_158 = arith.constant 0 : i32
    %dma_wait3A_159 = arith.constant 0 : i32
    %dma_wait3A_160 = tpu.memref_slice %arg8[%dma_wait3A_150, %dma_wait3A_158, %dma_wait3A_159] : memref<4x80x64xf32, #tpu.memory_space<vmem>> -> memref<1x80x64xf32, #tpu.memory_space<vmem>>
    %dma_wait3A_161 = tpu.memref_squeeze %dma_wait3A_160 : memref<1x80x64xf32, #tpu.memory_space<vmem>> -> memref<80x64xf32, #tpu.memory_space<vmem>>
    %dma_wait3A_162 = arith.constant 0 : i32
    %dma_wait3A_163 = arith.constant 0 : i32
    %dma_wait3A_164 = tpu.memref_slice %arg2[%dma_wait3A_162, %dma_wait3A_163] : memref<10240x64xf32, #tpu.memory_space<hbm>> -> memref<80x64xf32, #tpu.memory_space<hbm>>
    tpu.wait_dma2 semaphore(%arg18 : memref<!tpu.dma_semaphore, #tpu.memory_space<semaphore_mem>>) src(%dma_wait3A_164 : memref<80x64xf32, #tpu.memory_space<hbm>>) dst(%dma_wait3A_161 : memref<80x64xf32, #tpu.memory_space<vmem>>)
    %barrier3A_165 = arith.constant 0 : index
    tpu.barrier barrier_id(%barrier3A_165)
    %add3A_166 = arith.constant 0 : i32
    %add3A_167 = arith.addi %mul3A_22, %add3A_166 : i32
    %add3A_168 = arith.constant 0 : i32
    %add3A_169 = arith.addi %mul3A_22, %add3A_168 : i32
    "tpu.region"() ({
      %run_scoped3A = tpu.sem_alloc : memref<!tpu.dma_semaphore, #tpu.memory_space<semaphore_mem>>
      %dma_start3A_186 = arith.constant 0 : i32
      %dma_start3A_187 = tpu.memref_slice %arg5[%arg0, %add3A_169, %dma_start3A_186] : memref<2x10240x64xf32, #tpu.memory_space<hbm>> -> memref<1x128x64xf32, #tpu.memory_space<hbm>>
      %dma_start3A_188 = tpu.memref_squeeze %dma_start3A_187 : memref<1x128x64xf32, #tpu.memory_space<hbm>> -> memref<128x64xf32, #tpu.memory_space<hbm>>
      %dma_start3A_189 = arith.constant 0 : i32
      %dma_start3A_190 = tpu.memref_slice %arg10[%add3A_167, %dma_start3A_189] : memref<10240x64xf32, #tpu.memory_space<vmem_shared>> -> memref<128x64xf32, #tpu.memory_space<vmem_shared>>
      tpu.enqueue_dma source(%dma_start3A_190 : memref<128x64xf32, #tpu.memory_space<vmem_shared>>) target(%dma_start3A_188 : memref<128x64xf32, #tpu.memory_space<hbm>>) target_semaphore(%run_scoped3A : memref<!tpu.dma_semaphore, #tpu.memory_space<semaphore_mem>>)
      %dma_wait3A_191 = arith.constant 0 : i32
      %dma_wait3A_192 = tpu.memref_slice %arg5[%arg0, %add3A_169, %dma_wait3A_191] : memref<2x10240x64xf32, #tpu.memory_space<hbm>> -> memref<1x128x64xf32, #tpu.memory_space<hbm>>
      %dma_wait3A_193 = tpu.memref_squeeze %dma_wait3A_192 : memref<1x128x64xf32, #tpu.memory_space<hbm>> -> memref<128x64xf32, #tpu.memory_space<hbm>>
      %dma_wait3A_194 = arith.constant 0 : i32
      %dma_wait3A_195 = tpu.memref_slice %arg10[%add3A_167, %dma_wait3A_194] : memref<10240x64xf32, #tpu.memory_space<vmem_shared>> -> memref<128x64xf32, #tpu.memory_space<vmem_shared>>
      tpu.wait_dma2 semaphore(%run_scoped3A : memref<!tpu.dma_semaphore, #tpu.memory_space<semaphore_mem>>) src(%dma_wait3A_195 : memref<128x64xf32, #tpu.memory_space<vmem_shared>>) dst(%dma_wait3A_193 : memref<128x64xf32, #tpu.memory_space<hbm>>)
      tpu.yield
    }) : () -> ()
    %add3A_170 = arith.constant 128 : i32
    %add3A_171 = arith.addi %mul3A_22, %add3A_170 : i32
    %add3A_172 = arith.constant 128 : i32
    %add3A_173 = arith.addi %mul3A_22, %add3A_172 : i32
    "tpu.region"() ({
      %run_scoped3A = tpu.sem_alloc : memref<!tpu.dma_semaphore, #tpu.memory_space<semaphore_mem>>
      %dma_start3A_186 = arith.constant 0 : i32
      %dma_start3A_187 = tpu.memref_slice %arg5[%arg0, %add3A_173, %dma_start3A_186] : memref<2x10240x64xf32, #tpu.memory_space<hbm>> -> memref<1x128x64xf32, #tpu.memory_space<hbm>>
      %dma_start3A_188 = tpu.memref_squeeze %dma_start3A_187 : memref<1x128x64xf32, #tpu.memory_space<hbm>> -> memref<128x64xf32, #tpu.memory_space<hbm>>
      %dma_start3A_189 = arith.constant 0 : i32
      %dma_start3A_190 = tpu.memref_slice %arg10[%add3A_171, %dma_start3A_189] : memref<10240x64xf32, #tpu.memory_space<vmem_shared>> -> memref<128x64xf32, #tpu.memory_space<vmem_shared>>
      tpu.enqueue_dma source(%dma_start3A_190 : memref<128x64xf32, #tpu.memory_space<vmem_shared>>) target(%dma_start3A_188 : memref<128x64xf32, #tpu.memory_space<hbm>>) target_semaphore(%run_scoped3A : memref<!tpu.dma_semaphore, #tpu.memory_space<semaphore_mem>>)
      %dma_wait3A_191 = arith.constant 0 : i32
      %dma_wait3A_192 = tpu.memref_slice %arg5[%arg0, %add3A_173, %dma_wait3A_191] : memref<2x10240x64xf32, #tpu.memory_space<hbm>> -> memref<1x128x64xf32, #tpu.memory_space<hbm>>
      %dma_wait3A_193 = tpu.memref_squeeze %dma_wait3A_192 : memref<1x128x64xf32, #tpu.memory_space<hbm>> -> memref<128x64xf32, #tpu.memory_space<hbm>>
      %dma_wait3A_194 = arith.constant 0 : i32
      %dma_wait3A_195 = tpu.memref_slice %arg10[%add3A_171, %dma_wait3A_194] : memref<10240x64xf32, #tpu.memory_space<vmem_shared>> -> memref<128x64xf32, #tpu.memory_space<vmem_shared>>
      tpu.wait_dma2 semaphore(%run_scoped3A : memref<!tpu.dma_semaphore, #tpu.memory_space<semaphore_mem>>) src(%dma_wait3A_195 : memref<128x64xf32, #tpu.memory_space<vmem_shared>>) dst(%dma_wait3A_193 : memref<128x64xf32, #tpu.memory_space<hbm>>)
      tpu.yield
    }) : () -> ()
    %add3A_174 = arith.constant 256 : i32
    %add3A_175 = arith.addi %mul3A_22, %add3A_174 : i32
    %add3A_176 = arith.constant 256 : i32
    %add3A_177 = arith.addi %mul3A_22, %add3A_176 : i32
    "tpu.region"() ({
      %run_scoped3A = tpu.sem_alloc : memref<!tpu.dma_semaphore, #tpu.memory_space<semaphore_mem>>
      %dma_start3A_186 = arith.constant 0 : i32
      %dma_start3A_187 = tpu.memref_slice %arg5[%arg0, %add3A_177, %dma_start3A_186] : memref<2x10240x64xf32, #tpu.memory_space<hbm>> -> memref<1x128x64xf32, #tpu.memory_space<hbm>>
      %dma_start3A_188 = tpu.memref_squeeze %dma_start3A_187 : memref<1x128x64xf32, #tpu.memory_space<hbm>> -> memref<128x64xf32, #tpu.memory_space<hbm>>
      %dma_start3A_189 = arith.constant 0 : i32
      %dma_start3A_190 = tpu.memref_slice %arg10[%add3A_175, %dma_start3A_189] : memref<10240x64xf32, #tpu.memory_space<vmem_shared>> -> memref<128x64xf32, #tpu.memory_space<vmem_shared>>
      tpu.enqueue_dma source(%dma_start3A_190 : memref<128x64xf32, #tpu.memory_space<vmem_shared>>) target(%dma_start3A_188 : memref<128x64xf32, #tpu.memory_space<hbm>>) target_semaphore(%run_scoped3A : memref<!tpu.dma_semaphore, #tpu.memory_space<semaphore_mem>>)
      %dma_wait3A_191 = arith.constant 0 : i32
      %dma_wait3A_192 = tpu.memref_slice %arg5[%arg0, %add3A_177, %dma_wait3A_191] : memref<2x10240x64xf32, #tpu.memory_space<hbm>> -> memref<1x128x64xf32, #tpu.memory_space<hbm>>
      %dma_wait3A_193 = tpu.memref_squeeze %dma_wait3A_192 : memref<1x128x64xf32, #tpu.memory_space<hbm>> -> memref<128x64xf32, #tpu.memory_space<hbm>>
      %dma_wait3A_194 = arith.constant 0 : i32
      %dma_wait3A_195 = tpu.memref_slice %arg10[%add3A_175, %dma_wait3A_194] : memref<10240x64xf32, #tpu.memory_space<vmem_shared>> -> memref<128x64xf32, #tpu.memory_space<vmem_shared>>
      tpu.wait_dma2 semaphore(%run_scoped3A : memref<!tpu.dma_semaphore, #tpu.memory_space<semaphore_mem>>) src(%dma_wait3A_195 : memref<128x64xf32, #tpu.memory_space<vmem_shared>>) dst(%dma_wait3A_193 : memref<128x64xf32, #tpu.memory_space<hbm>>)
      tpu.yield
    }) : () -> ()
    %add3A_178 = arith.constant 384 : i32
    %add3A_179 = arith.addi %mul3A_22, %add3A_178 : i32
    %add3A_180 = arith.constant 384 : i32
    %add3A_181 = arith.addi %mul3A_22, %add3A_180 : i32
    "tpu.region"() ({
      %run_scoped3A = tpu.sem_alloc : memref<!tpu.dma_semaphore, #tpu.memory_space<semaphore_mem>>
      %dma_start3A_186 = arith.constant 0 : i32
      %dma_start3A_187 = tpu.memref_slice %arg5[%arg0, %add3A_181, %dma_start3A_186] : memref<2x10240x64xf32, #tpu.memory_space<hbm>> -> memref<1x128x64xf32, #tpu.memory_space<hbm>>
      %dma_start3A_188 = tpu.memref_squeeze %dma_start3A_187 : memref<1x128x64xf32, #tpu.memory_space<hbm>> -> memref<128x64xf32, #tpu.memory_space<hbm>>
      %dma_start3A_189 = arith.constant 0 : i32
      %dma_start3A_190 = tpu.memref_slice %arg10[%add3A_179, %dma_start3A_189] : memref<10240x64xf32, #tpu.memory_space<vmem_shared>> -> memref<128x64xf32, #tpu.memory_space<vmem_shared>>
      tpu.enqueue_dma source(%dma_start3A_190 : memref<128x64xf32, #tpu.memory_space<vmem_shared>>) target(%dma_start3A_188 : memref<128x64xf32, #tpu.memory_space<hbm>>) target_semaphore(%run_scoped3A : memref<!tpu.dma_semaphore, #tpu.memory_space<semaphore_mem>>)
      %dma_wait3A_191 = arith.constant 0 : i32
      %dma_wait3A_192 = tpu.memref_slice %arg5[%arg0, %add3A_181, %dma_wait3A_191] : memref<2x10240x64xf32, #tpu.memory_space<hbm>> -> memref<1x128x64xf32, #tpu.memory_space<hbm>>
      %dma_wait3A_193 = tpu.memref_squeeze %dma_wait3A_192 : memref<1x128x64xf32, #tpu.memory_space<hbm>> -> memref<128x64xf32, #tpu.memory_space<hbm>>
      %dma_wait3A_194 = arith.constant 0 : i32
      %dma_wait3A_195 = tpu.memref_slice %arg10[%add3A_179, %dma_wait3A_194] : memref<10240x64xf32, #tpu.memory_space<vmem_shared>> -> memref<128x64xf32, #tpu.memory_space<vmem_shared>>
      tpu.wait_dma2 semaphore(%run_scoped3A : memref<!tpu.dma_semaphore, #tpu.memory_space<semaphore_mem>>) src(%dma_wait3A_195 : memref<128x64xf32, #tpu.memory_space<vmem_shared>>) dst(%dma_wait3A_193 : memref<128x64xf32, #tpu.memory_space<hbm>>)
      tpu.yield
    }) : () -> ()
    %add3A_182 = arith.constant 512 : i32
    %add3A_183 = arith.addi %mul3A_22, %add3A_182 : i32
    %add3A_184 = arith.constant 512 : i32
    %add3A_185 = arith.addi %mul3A_22, %add3A_184 : i32
    "tpu.region"() ({
      %run_scoped3A = tpu.sem_alloc : memref<!tpu.dma_semaphore, #tpu.memory_space<semaphore_mem>>
      %dma_start3A_186 = arith.constant 0 : i32
      %dma_start3A_187 = tpu.memref_slice %arg5[%arg0, %add3A_185, %dma_start3A_186] : memref<2x10240x64xf32, #tpu.memory_space<hbm>> -> memref<1x128x64xf32, #tpu.memory_space<hbm>>
      %dma_start3A_188 = tpu.memref_squeeze %dma_start3A_187 : memref<1x128x64xf32, #tpu.memory_space<hbm>> -> memref<128x64xf32, #tpu.memory_space<hbm>>
      %dma_start3A_189 = arith.constant 0 : i32
      %dma_start3A_190 = tpu.memref_slice %arg10[%add3A_183, %dma_start3A_189] : memref<10240x64xf32, #tpu.memory_space<vmem_shared>> -> memref<128x64xf32, #tpu.memory_space<vmem_shared>>
      tpu.enqueue_dma source(%dma_start3A_190 : memref<128x64xf32, #tpu.memory_space<vmem_shared>>) target(%dma_start3A_188 : memref<128x64xf32, #tpu.memory_space<hbm>>) target_semaphore(%run_scoped3A : memref<!tpu.dma_semaphore, #tpu.memory_space<semaphore_mem>>)
      %dma_wait3A_191 = arith.constant 0 : i32
      %dma_wait3A_192 = tpu.memref_slice %arg5[%arg0, %add3A_185, %dma_wait3A_191] : memref<2x10240x64xf32, #tpu.memory_space<hbm>> -> memref<1x128x64xf32, #tpu.memory_space<hbm>>
      %dma_wait3A_193 = tpu.memref_squeeze %dma_wait3A_192 : memref<1x128x64xf32, #tpu.memory_space<hbm>> -> memref<128x64xf32, #tpu.memory_space<hbm>>
      %dma_wait3A_194 = arith.constant 0 : i32
      %dma_wait3A_195 = tpu.memref_slice %arg10[%add3A_183, %dma_wait3A_194] : memref<10240x64xf32, #tpu.memory_space<vmem_shared>> -> memref<128x64xf32, #tpu.memory_space<vmem_shared>>
      tpu.wait_dma2 semaphore(%run_scoped3A : memref<!tpu.dma_semaphore, #tpu.memory_space<semaphore_mem>>) src(%dma_wait3A_195 : memref<128x64xf32, #tpu.memory_space<vmem_shared>>) dst(%dma_wait3A_193 : memref<128x64xf32, #tpu.memory_space<hbm>>)
      tpu.yield
    }) : () -> ()
    return
  }
}

#map = affine_map<(d0, d1) -> (0, 0, 0)>
module attributes {stable_mosaic.version = 14 : i64} {
  func.func @k(%arg0: i32, %arg1: i32, %arg2: memref<32x125x80xi32, #tpu.memory_space<hbm>>, %arg3: memref<2x10240x16xf32, #tpu.memory_space<hbm>>, %arg4: memref<125x80xi32, #tpu.memory_space<vmem>>, %arg5: memref<80x16xf32, #tpu.memory_space<vmem>>, %arg6: memref<128x16xf32, #tpu.memory_space<vmem>>, %arg7: memref<10240x16xf32, #tpu.memory_space<vmem_shared>>, %arg8: memref<!tpu.dma_semaphore, #tpu.memory_space<semaphore_mem>>, %arg9: memref<!tpu.dma_semaphore, #tpu.memory_space<semaphore_mem>>, %arg10: memref<!tpu.dma_semaphore, #tpu.memory_space<semaphore_mem>>) attributes {dimension_semantics = [#tpu.dimension_semantics<core_parallel>, #tpu.dimension_semantics<subcore_parallel>], iteration_bounds = array<i64: 2, 16>, scalar_prefetch = 0 : i64, scratch_operands = 7 : i64, tpu.core_type = #tpu.core_type<sc_vector_subcore>, window_params = [{transform_indices = #map}, {transform_indices = #map}]} {
    %mul3A = arith.constant 16 : i32
    %mul3A_0 = arith.muli %arg0, %mul3A : i32
    %add3A = arith.addi %mul3A_0, %arg1 : i32
    %dma_start3A = arith.constant 0 : i32
    %dma_start3A_1 = arith.constant 0 : i32
    %dma_start3A_2 = tpu.memref_slice %arg2[%add3A, %dma_start3A, %dma_start3A_1] : memref<32x125x80xi32, #tpu.memory_space<hbm>> -> memref<1x125x80xi32, #tpu.memory_space<hbm>>
    %dma_start3A_3 = tpu.memref_squeeze %dma_start3A_2 : memref<1x125x80xi32, #tpu.memory_space<hbm>> -> memref<125x80xi32, #tpu.memory_space<hbm>>
    %dma_start3A_4 = arith.constant 0 : i32
    %dma_start3A_5 = arith.constant 0 : i32
    %dma_start3A_6 = tpu.memref_slice %arg2[%add3A, %dma_start3A_4, %dma_start3A_5] : memref<32x125x80xi32, #tpu.memory_space<hbm>> -> memref<1x125x80xi32, #tpu.memory_space<hbm>>
    %dma_start3A_7 = tpu.memref_squeeze %dma_start3A_6 : memref<1x125x80xi32, #tpu.memory_space<hbm>> -> memref<125x80xi32, #tpu.memory_space<hbm>>
    tpu.enqueue_dma source(%dma_start3A_7 : memref<125x80xi32, #tpu.memory_space<hbm>>) target(%arg4 : memref<125x80xi32, #tpu.memory_space<vmem>>) target_semaphore(%arg8 : memref<!tpu.dma_semaphore, #tpu.memory_space<semaphore_mem>>)
    %scan3A = arith.constant 0 : i32
    %scan3A_8 = arith.constant 0 : i32
    %scan3A_9 = arith.constant 128 : i32
    %scan3A_10 = arith.addi %scan3A_8, %scan3A_9 : i32
    %scan3A_11 = arith.constant 1 : i32
    scf.for %scan3A_99 = %scan3A_8 to %scan3A_10 step %scan3A_11  : i32 {
      %broadcast_in_dim3A = arith.constant 0.000000e+00 : f32
      %broadcast_in_dim3A_100 = vector.broadcast %broadcast_in_dim3A : f32 to vector<16xf32>
      %swap3A = arith.index_cast %scan3A_99 : i32 to index
      %swap3A_101 = arith.constant 0 : index
      %swap3A_102 = tpu.vector_load %arg6[%swap3A, %swap3A_101] {strides = array<i32>} : memref<128x16xf32, #tpu.memory_space<vmem>>, vector<1x16xf32>,
      %swap3A_103 = vector.shape_cast %swap3A_102 : vector<1x16xf32> to vector<16xf32>
      %swap3A_104 = vector.shape_cast %broadcast_in_dim3A_100 : vector<16xf32> to vector<1x16xf32>
      tpu.vector_store %arg6[%swap3A, %swap3A_101], %swap3A_104 {strides = array<i32>} : memref<128x16xf32, #tpu.memory_space<vmem>>, vector<1x16xf32>,
    }
    %scan3A_12 = arith.constant 128 : i32
    %scan3A_13 = arith.constant 0 : i32
    %scan3A_14 = arith.constant 0 : i32
    %scan3A_15 = arith.constant 80 : i32
    %scan3A_16 = arith.addi %scan3A_14, %scan3A_15 : i32
    %scan3A_17 = arith.constant 1 : i32
    scf.for %scan3A_99 = %scan3A_14 to %scan3A_16 step %scan3A_17  : i32 {
      %broadcast_in_dim3A = arith.constant 1.000000e+00 : f32
      %broadcast_in_dim3A_100 = vector.broadcast %broadcast_in_dim3A : f32 to vector<16xf32>
      %swap3A = arith.index_cast %scan3A_99 : i32 to index
      %swap3A_101 = arith.constant 0 : index
      %swap3A_102 = tpu.vector_load %arg5[%swap3A, %swap3A_101] {strides = array<i32>} : memref<80x16xf32, #tpu.memory_space<vmem>>, vector<1x16xf32>,
      %swap3A_103 = vector.shape_cast %swap3A_102 : vector<1x16xf32> to vector<16xf32>
      %swap3A_104 = vector.shape_cast %broadcast_in_dim3A_100 : vector<16xf32> to vector<1x16xf32>
      tpu.vector_store %arg5[%swap3A, %swap3A_101], %swap3A_104 {strides = array<i32>} : memref<80x16xf32, #tpu.memory_space<vmem>>, vector<1x16xf32>,
    }
    %scan3A_18 = arith.constant 80 : i32
    %mul3A_19 = arith.constant 640 : i32
    %mul3A_20 = arith.muli %arg1, %mul3A_19 : i32
    %add3A_21 = arith.constant 0 : i32
    %add3A_22 = arith.addi %mul3A_20, %add3A_21 : i32
    "tpu.region"() ({
      %run_scoped3A = tpu.sem_alloc : memref<!tpu.dma_semaphore, #tpu.memory_space<semaphore_mem>>
      %dma_start3A_99 = arith.constant 0 : i32
      %dma_start3A_100 = tpu.memref_slice %arg7[%add3A_22, %dma_start3A_99] : memref<10240x16xf32, #tpu.memory_space<vmem_shared>> -> memref<128x16xf32, #tpu.memory_space<vmem_shared>>
      %dma_start3A_101 = arith.constant 0 : i32
      %dma_start3A_102 = tpu.memref_slice %arg7[%add3A_22, %dma_start3A_101] : memref<10240x16xf32, #tpu.memory_space<vmem_shared>> -> memref<128x16xf32, #tpu.memory_space<vmem_shared>>
      tpu.enqueue_dma source(%arg6 : memref<128x16xf32, #tpu.memory_space<vmem>>) target(%dma_start3A_102 : memref<128x16xf32, #tpu.memory_space<vmem_shared>>) target_semaphore(%run_scoped3A : memref<!tpu.dma_semaphore, #tpu.memory_space<semaphore_mem>>)
      %dma_wait3A_103 = arith.constant 0 : i32
      %dma_wait3A_104 = tpu.memref_slice %arg7[%add3A_22, %dma_wait3A_103] : memref<10240x16xf32, #tpu.memory_space<vmem_shared>> -> memref<128x16xf32, #tpu.memory_space<vmem_shared>>
      %dma_wait3A_105 = arith.constant 0 : i32
      %dma_wait3A_106 = tpu.memref_slice %arg7[%add3A_22, %dma_wait3A_105] : memref<10240x16xf32, #tpu.memory_space<vmem_shared>> -> memref<128x16xf32, #tpu.memory_space<vmem_shared>>
      tpu.wait_dma2 semaphore(%run_scoped3A : memref<!tpu.dma_semaphore, #tpu.memory_space<semaphore_mem>>) src(%arg6 : memref<128x16xf32, #tpu.memory_space<vmem>>) dst(%dma_wait3A_106 : memref<128x16xf32, #tpu.memory_space<vmem_shared>>)
      tpu.yield
    }) : () -> ()
    %add3A_23 = arith.constant 128 : i32
    %add3A_24 = arith.addi %mul3A_20, %add3A_23 : i32
    "tpu.region"() ({
      %run_scoped3A = tpu.sem_alloc : memref<!tpu.dma_semaphore, #tpu.memory_space<semaphore_mem>>
      %dma_start3A_99 = arith.constant 0 : i32
      %dma_start3A_100 = tpu.memref_slice %arg7[%add3A_24, %dma_start3A_99] : memref<10240x16xf32, #tpu.memory_space<vmem_shared>> -> memref<128x16xf32, #tpu.memory_space<vmem_shared>>
      %dma_start3A_101 = arith.constant 0 : i32
      %dma_start3A_102 = tpu.memref_slice %arg7[%add3A_24, %dma_start3A_101] : memref<10240x16xf32, #tpu.memory_space<vmem_shared>> -> memref<128x16xf32, #tpu.memory_space<vmem_shared>>
      tpu.enqueue_dma source(%arg6 : memref<128x16xf32, #tpu.memory_space<vmem>>) target(%dma_start3A_102 : memref<128x16xf32, #tpu.memory_space<vmem_shared>>) target_semaphore(%run_scoped3A : memref<!tpu.dma_semaphore, #tpu.memory_space<semaphore_mem>>)
      %dma_wait3A_103 = arith.constant 0 : i32
      %dma_wait3A_104 = tpu.memref_slice %arg7[%add3A_24, %dma_wait3A_103] : memref<10240x16xf32, #tpu.memory_space<vmem_shared>> -> memref<128x16xf32, #tpu.memory_space<vmem_shared>>
      %dma_wait3A_105 = arith.constant 0 : i32
      %dma_wait3A_106 = tpu.memref_slice %arg7[%add3A_24, %dma_wait3A_105] : memref<10240x16xf32, #tpu.memory_space<vmem_shared>> -> memref<128x16xf32, #tpu.memory_space<vmem_shared>>
      tpu.wait_dma2 semaphore(%run_scoped3A : memref<!tpu.dma_semaphore, #tpu.memory_space<semaphore_mem>>) src(%arg6 : memref<128x16xf32, #tpu.memory_space<vmem>>) dst(%dma_wait3A_106 : memref<128x16xf32, #tpu.memory_space<vmem_shared>>)
      tpu.yield
    }) : () -> ()
    %add3A_25 = arith.constant 256 : i32
    %add3A_26 = arith.addi %mul3A_20, %add3A_25 : i32
    "tpu.region"() ({
      %run_scoped3A = tpu.sem_alloc : memref<!tpu.dma_semaphore, #tpu.memory_space<semaphore_mem>>
      %dma_start3A_99 = arith.constant 0 : i32
      %dma_start3A_100 = tpu.memref_slice %arg7[%add3A_26, %dma_start3A_99] : memref<10240x16xf32, #tpu.memory_space<vmem_shared>> -> memref<128x16xf32, #tpu.memory_space<vmem_shared>>
      %dma_start3A_101 = arith.constant 0 : i32
      %dma_start3A_102 = tpu.memref_slice %arg7[%add3A_26, %dma_start3A_101] : memref<10240x16xf32, #tpu.memory_space<vmem_shared>> -> memref<128x16xf32, #tpu.memory_space<vmem_shared>>
      tpu.enqueue_dma source(%arg6 : memref<128x16xf32, #tpu.memory_space<vmem>>) target(%dma_start3A_102 : memref<128x16xf32, #tpu.memory_space<vmem_shared>>) target_semaphore(%run_scoped3A : memref<!tpu.dma_semaphore, #tpu.memory_space<semaphore_mem>>)
      %dma_wait3A_103 = arith.constant 0 : i32
      %dma_wait3A_104 = tpu.memref_slice %arg7[%add3A_26, %dma_wait3A_103] : memref<10240x16xf32, #tpu.memory_space<vmem_shared>> -> memref<128x16xf32, #tpu.memory_space<vmem_shared>>
      %dma_wait3A_105 = arith.constant 0 : i32
      %dma_wait3A_106 = tpu.memref_slice %arg7[%add3A_26, %dma_wait3A_105] : memref<10240x16xf32, #tpu.memory_space<vmem_shared>> -> memref<128x16xf32, #tpu.memory_space<vmem_shared>>
      tpu.wait_dma2 semaphore(%run_scoped3A : memref<!tpu.dma_semaphore, #tpu.memory_space<semaphore_mem>>) src(%arg6 : memref<128x16xf32, #tpu.memory_space<vmem>>) dst(%dma_wait3A_106 : memref<128x16xf32, #tpu.memory_space<vmem_shared>>)
      tpu.yield
    }) : () -> ()
    %add3A_27 = arith.constant 384 : i32
    %add3A_28 = arith.addi %mul3A_20, %add3A_27 : i32
    "tpu.region"() ({
      %run_scoped3A = tpu.sem_alloc : memref<!tpu.dma_semaphore, #tpu.memory_space<semaphore_mem>>
      %dma_start3A_99 = arith.constant 0 : i32
      %dma_start3A_100 = tpu.memref_slice %arg7[%add3A_28, %dma_start3A_99] : memref<10240x16xf32, #tpu.memory_space<vmem_shared>> -> memref<128x16xf32, #tpu.memory_space<vmem_shared>>
      %dma_start3A_101 = arith.constant 0 : i32
      %dma_start3A_102 = tpu.memref_slice %arg7[%add3A_28, %dma_start3A_101] : memref<10240x16xf32, #tpu.memory_space<vmem_shared>> -> memref<128x16xf32, #tpu.memory_space<vmem_shared>>
      tpu.enqueue_dma source(%arg6 : memref<128x16xf32, #tpu.memory_space<vmem>>) target(%dma_start3A_102 : memref<128x16xf32, #tpu.memory_space<vmem_shared>>) target_semaphore(%run_scoped3A : memref<!tpu.dma_semaphore, #tpu.memory_space<semaphore_mem>>)
      %dma_wait3A_103 = arith.constant 0 : i32
      %dma_wait3A_104 = tpu.memref_slice %arg7[%add3A_28, %dma_wait3A_103] : memref<10240x16xf32, #tpu.memory_space<vmem_shared>> -> memref<128x16xf32, #tpu.memory_space<vmem_shared>>
      %dma_wait3A_105 = arith.constant 0 : i32
      %dma_wait3A_106 = tpu.memref_slice %arg7[%add3A_28, %dma_wait3A_105] : memref<10240x16xf32, #tpu.memory_space<vmem_shared>> -> memref<128x16xf32, #tpu.memory_space<vmem_shared>>
      tpu.wait_dma2 semaphore(%run_scoped3A : memref<!tpu.dma_semaphore, #tpu.memory_space<semaphore_mem>>) src(%arg6 : memref<128x16xf32, #tpu.memory_space<vmem>>) dst(%dma_wait3A_106 : memref<128x16xf32, #tpu.memory_space<vmem_shared>>)
      tpu.yield
    }) : () -> ()
    %add3A_29 = arith.constant 512 : i32
    %add3A_30 = arith.addi %mul3A_20, %add3A_29 : i32
    "tpu.region"() ({
      %run_scoped3A = tpu.sem_alloc : memref<!tpu.dma_semaphore, #tpu.memory_space<semaphore_mem>>
      %dma_start3A_99 = arith.constant 0 : i32
      %dma_start3A_100 = tpu.memref_slice %arg7[%add3A_30, %dma_start3A_99] : memref<10240x16xf32, #tpu.memory_space<vmem_shared>> -> memref<128x16xf32, #tpu.memory_space<vmem_shared>>
      %dma_start3A_101 = arith.constant 0 : i32
      %dma_start3A_102 = tpu.memref_slice %arg7[%add3A_30, %dma_start3A_101] : memref<10240x16xf32, #tpu.memory_space<vmem_shared>> -> memref<128x16xf32, #tpu.memory_space<vmem_shared>>
      tpu.enqueue_dma source(%arg6 : memref<128x16xf32, #tpu.memory_space<vmem>>) target(%dma_start3A_102 : memref<128x16xf32, #tpu.memory_space<vmem_shared>>) target_semaphore(%run_scoped3A : memref<!tpu.dma_semaphore, #tpu.memory_space<semaphore_mem>>)
      %dma_wait3A_103 = arith.constant 0 : i32
      %dma_wait3A_104 = tpu.memref_slice %arg7[%add3A_30, %dma_wait3A_103] : memref<10240x16xf32, #tpu.memory_space<vmem_shared>> -> memref<128x16xf32, #tpu.memory_space<vmem_shared>>
      %dma_wait3A_105 = arith.constant 0 : i32
      %dma_wait3A_106 = tpu.memref_slice %arg7[%add3A_30, %dma_wait3A_105] : memref<10240x16xf32, #tpu.memory_space<vmem_shared>> -> memref<128x16xf32, #tpu.memory_space<vmem_shared>>
      tpu.wait_dma2 semaphore(%run_scoped3A : memref<!tpu.dma_semaphore, #tpu.memory_space<semaphore_mem>>) src(%arg6 : memref<128x16xf32, #tpu.memory_space<vmem>>) dst(%dma_wait3A_106 : memref<128x16xf32, #tpu.memory_space<vmem_shared>>)
      tpu.yield
    }) : () -> ()
    %dma_wait3A = arith.constant 0 : i32
    %dma_wait3A_31 = arith.constant 0 : i32
    %dma_wait3A_32 = tpu.memref_slice %arg2[%add3A, %dma_wait3A, %dma_wait3A_31] : memref<32x125x80xi32, #tpu.memory_space<hbm>> -> memref<1x125x80xi32, #tpu.memory_space<hbm>>
    %dma_wait3A_33 = tpu.memref_squeeze %dma_wait3A_32 : memref<1x125x80xi32, #tpu.memory_space<hbm>> -> memref<125x80xi32, #tpu.memory_space<hbm>>
    %dma_wait3A_34 = arith.constant 0 : i32
    %dma_wait3A_35 = arith.constant 0 : i32
    %dma_wait3A_36 = tpu.memref_slice %arg2[%add3A, %dma_wait3A_34, %dma_wait3A_35] : memref<32x125x80xi32, #tpu.memory_space<hbm>> -> memref<1x125x80xi32, #tpu.memory_space<hbm>>
    %dma_wait3A_37 = tpu.memref_squeeze %dma_wait3A_36 : memref<1x125x80xi32, #tpu.memory_space<hbm>> -> memref<125x80xi32, #tpu.memory_space<hbm>>
    tpu.wait_dma2 semaphore(%arg8 : memref<!tpu.dma_semaphore, #tpu.memory_space<semaphore_mem>>) src(%dma_wait3A_37 : memref<125x80xi32, #tpu.memory_space<hbm>>) dst(%arg4 : memref<125x80xi32, #tpu.memory_space<vmem>>)
    %barrier3A = arith.constant 0 : index
    tpu.barrier barrier_id(%barrier3A)
    %scan3A_38 = arith.constant 0 : i32
    %scan3A_39 = arith.constant 0 : i32
    %scan3A_40 = arith.constant 62 : i32
    %scan3A_41 = arith.addi %scan3A_39, %scan3A_40 : i32
    %scan3A_42 = arith.constant 1 : i32
    scf.for %scan3A_99 = %scan3A_39 to %scan3A_41 step %scan3A_42  : i32 {
      %ge3A = arith.constant 1 : i32
      %ge3A_100 = arith.cmpi sge, %scan3A_99, %ge3A : i32
      %convert_element_type3A = arith.extui %ge3A_100 : i1 to i32
      %cond3A = arith.constant 0 : i32
      %cond3A_101 = arith.cmpi ne, %convert_element_type3A, %cond3A : i32
      scf.if %cond3A_101 {
        %dma_wait3A_127 = arith.constant 0 : i32
        %dma_wait3A_128 = arith.constant 0 : i32
        %dma_wait3A_129 = arith.constant 0 : i32
        %dma_wait3A_130 = tpu.memref_slice %arg3[%dma_wait3A_127, %dma_wait3A_128, %dma_wait3A_129] : memref<2x10240x16xf32, #tpu.memory_space<hbm>> -> memref<1x80x16xf32, #tpu.memory_space<hbm>>
        %dma_wait3A_131 = tpu.memref_squeeze %dma_wait3A_130 : memref<1x80x16xf32, #tpu.memory_space<hbm>> -> memref<80x16xf32, #tpu.memory_space<hbm>>
        %dma_wait3A_132 = arith.constant 0 : i32
        %dma_wait3A_133 = arith.constant 0 : i32
        %dma_wait3A_134 = tpu.memref_slice %arg3[%dma_wait3A_127, %dma_wait3A_132, %dma_wait3A_133] : memref<2x10240x16xf32, #tpu.memory_space<hbm>> -> memref<1x80x16xf32, #tpu.memory_space<hbm>>
        %dma_wait3A_135 = tpu.memref_squeeze %dma_wait3A_134 : memref<1x80x16xf32, #tpu.memory_space<hbm>> -> memref<80x16xf32, #tpu.memory_space<hbm>>
        tpu.wait_dma2 semaphore(%arg9 : memref<!tpu.dma_semaphore, #tpu.memory_space<semaphore_mem>>) src(%dma_wait3A_135 : memref<80x16xf32, #tpu.memory_space<hbm>>) dst(%arg5 : memref<80x16xf32, #tpu.memory_space<vmem>>)
      } else {
      }
      %mul3A_102 = arith.constant 2 : i32
      %mul3A_103 = arith.muli %mul3A_102, %scan3A_99 : i32
      %add3A_104 = arith.constant 0 : i32
      %add3A_105 = arith.addi %mul3A_103, %add3A_104 : i32
      %dma_start3A_106 = arith.constant 0 : i32
      %dma_start3A_107 = tpu.memref_slice %arg4[%add3A_105, %dma_start3A_106] : memref<125x80xi32, #tpu.memory_space<vmem>> -> memref<1x80xi32, #tpu.memory_space<vmem>>
      %dma_start3A_108 = tpu.memref_squeeze %dma_start3A_107 : memref<1x80xi32, #tpu.memory_space<vmem>> -> memref<80xi32, #tpu.memory_space<vmem>>
      %dma_start3A_109 = arith.constant 0 : i32
      %dma_start3A_110 = arith.constant 0 : i32
      %dma_start3A_111 = tpu.memref_slice %arg7[%dma_start3A_109, %dma_start3A_110] : memref<10240x16xf32, #tpu.memory_space<vmem_shared>> -> memref<10240x16xf32, #tpu.memory_space<vmem_shared>>
      tpu.enqueue_indirect_dma source(%arg5 : memref<80x16xf32, #tpu.memory_space<vmem>>) target(%dma_start3A_111 : memref<10240x16xf32, #tpu.memory_space<vmem_shared>>) offsets(%dma_start3A_108 : memref<80xi32, #tpu.memory_space<vmem>>) semaphore(%arg9 : memref<!tpu.dma_semaphore, #tpu.memory_space<semaphore_mem>>) {add = true}
      %ge3A_112 = arith.constant 1 : i32
      %ge3A_113 = arith.cmpi sge, %scan3A_99, %ge3A_112 : i32
      %convert_element_type3A_114 = arith.extui %ge3A_113 : i1 to i32
      %cond3A_115 = arith.constant 0 : i32
      %cond3A_116 = arith.cmpi ne, %convert_element_type3A_114, %cond3A_115 : i32
      scf.if %cond3A_116 {
        %dma_wait3A_127 = arith.constant 0 : i32
        %dma_wait3A_128 = arith.constant 0 : i32
        %dma_wait3A_129 = arith.constant 0 : i32
        %dma_wait3A_130 = tpu.memref_slice %arg3[%dma_wait3A_127, %dma_wait3A_128, %dma_wait3A_129] : memref<2x10240x16xf32, #tpu.memory_space<hbm>> -> memref<1x80x16xf32, #tpu.memory_space<hbm>>
        %dma_wait3A_131 = tpu.memref_squeeze %dma_wait3A_130 : memref<1x80x16xf32, #tpu.memory_space<hbm>> -> memref<80x16xf32, #tpu.memory_space<hbm>>
        %dma_wait3A_132 = arith.constant 0 : i32
        %dma_wait3A_133 = arith.constant 0 : i32
        %dma_wait3A_134 = tpu.memref_slice %arg3[%dma_wait3A_127, %dma_wait3A_132, %dma_wait3A_133] : memref<2x10240x16xf32, #tpu.memory_space<hbm>> -> memref<1x80x16xf32, #tpu.memory_space<hbm>>
        %dma_wait3A_135 = tpu.memref_squeeze %dma_wait3A_134 : memref<1x80x16xf32, #tpu.memory_space<hbm>> -> memref<80x16xf32, #tpu.memory_space<hbm>>
        tpu.wait_dma2 semaphore(%arg10 : memref<!tpu.dma_semaphore, #tpu.memory_space<semaphore_mem>>) src(%dma_wait3A_135 : memref<80x16xf32, #tpu.memory_space<hbm>>) dst(%arg5 : memref<80x16xf32, #tpu.memory_space<vmem>>)
      } else {
      }
      %mul3A_117 = arith.constant 2 : i32
      %mul3A_118 = arith.muli %mul3A_117, %scan3A_99 : i32
      %add3A_119 = arith.constant 1 : i32
      %add3A_120 = arith.addi %mul3A_118, %add3A_119 : i32
      %dma_start3A_121 = arith.constant 0 : i32
      %dma_start3A_122 = tpu.memref_slice %arg4[%add3A_120, %dma_start3A_121] : memref<125x80xi32, #tpu.memory_space<vmem>> -> memref<1x80xi32, #tpu.memory_space<vmem>>
      %dma_start3A_123 = tpu.memref_squeeze %dma_start3A_122 : memref<1x80xi32, #tpu.memory_space<vmem>> -> memref<80xi32, #tpu.memory_space<vmem>>
      %dma_start3A_124 = arith.constant 0 : i32
      %dma_start3A_125 = arith.constant 0 : i32
      %dma_start3A_126 = tpu.memref_slice %arg7[%dma_start3A_124, %dma_start3A_125] : memref<10240x16xf32, #tpu.memory_space<vmem_shared>> -> memref<10240x16xf32, #tpu.memory_space<vmem_shared>>
      tpu.enqueue_indirect_dma source(%arg5 : memref<80x16xf32, #tpu.memory_space<vmem>>) target(%dma_start3A_126 : memref<10240x16xf32, #tpu.memory_space<vmem_shared>>) offsets(%dma_start3A_123 : memref<80xi32, #tpu.memory_space<vmem>>) semaphore(%arg10 : memref<!tpu.dma_semaphore, #tpu.memory_space<semaphore_mem>>) {add = true}
    }
    %scan3A_43 = arith.constant 62 : i32
    %dma_wait3A_44 = arith.constant 0 : i32
    %dma_wait3A_45 = arith.constant 0 : i32
    %dma_wait3A_46 = arith.constant 0 : i32
    %dma_wait3A_47 = tpu.memref_slice %arg3[%dma_wait3A_44, %dma_wait3A_45, %dma_wait3A_46] : memref<2x10240x16xf32, #tpu.memory_space<hbm>> -> memref<1x80x16xf32, #tpu.memory_space<hbm>>
    %dma_wait3A_48 = tpu.memref_squeeze %dma_wait3A_47 : memref<1x80x16xf32, #tpu.memory_space<hbm>> -> memref<80x16xf32, #tpu.memory_space<hbm>>
    %dma_wait3A_49 = arith.constant 0 : i32
    %dma_wait3A_50 = arith.constant 0 : i32
    %dma_wait3A_51 = tpu.memref_slice %arg3[%dma_wait3A_44, %dma_wait3A_49, %dma_wait3A_50] : memref<2x10240x16xf32, #tpu.memory_space<hbm>> -> memref<1x80x16xf32, #tpu.memory_space<hbm>>
    %dma_wait3A_52 = tpu.memref_squeeze %dma_wait3A_51 : memref<1x80x16xf32, #tpu.memory_space<hbm>> -> memref<80x16xf32, #tpu.memory_space<hbm>>
    tpu.wait_dma2 semaphore(%arg9 : memref<!tpu.dma_semaphore, #tpu.memory_space<semaphore_mem>>) src(%dma_wait3A_52 : memref<80x16xf32, #tpu.memory_space<hbm>>) dst(%arg5 : memref<80x16xf32, #tpu.memory_space<vmem>>)
    %dma_start3A_53 = arith.constant 124 : i32
    %dma_start3A_54 = arith.constant 0 : i32
    %dma_start3A_55 = tpu.memref_slice %arg4[%dma_start3A_53, %dma_start3A_54] : memref<125x80xi32, #tpu.memory_space<vmem>> -> memref<1x80xi32, #tpu.memory_space<vmem>>
    %dma_start3A_56 = tpu.memref_squeeze %dma_start3A_55 : memref<1x80xi32, #tpu.memory_space<vmem>> -> memref<80xi32, #tpu.memory_space<vmem>>
    %dma_start3A_57 = arith.constant 0 : i32
    %dma_start3A_58 = arith.constant 0 : i32
    %dma_start3A_59 = tpu.memref_slice %arg7[%dma_start3A_57, %dma_start3A_58] : memref<10240x16xf32, #tpu.memory_space<vmem_shared>> -> memref<10240x16xf32, #tpu.memory_space<vmem_shared>>
    tpu.enqueue_indirect_dma source(%arg5 : memref<80x16xf32, #tpu.memory_space<vmem>>) target(%dma_start3A_59 : memref<10240x16xf32, #tpu.memory_space<vmem_shared>>) offsets(%dma_start3A_56 : memref<80xi32, #tpu.memory_space<vmem>>) semaphore(%arg9 : memref<!tpu.dma_semaphore, #tpu.memory_space<semaphore_mem>>) {add = true}
    %dma_wait3A_60 = arith.constant 0 : i32
    %dma_wait3A_61 = arith.constant 0 : i32
    %dma_wait3A_62 = arith.constant 0 : i32
    %dma_wait3A_63 = tpu.memref_slice %arg3[%dma_wait3A_60, %dma_wait3A_61, %dma_wait3A_62] : memref<2x10240x16xf32, #tpu.memory_space<hbm>> -> memref<1x80x16xf32, #tpu.memory_space<hbm>>
    %dma_wait3A_64 = tpu.memref_squeeze %dma_wait3A_63 : memref<1x80x16xf32, #tpu.memory_space<hbm>> -> memref<80x16xf32, #tpu.memory_space<hbm>>
    %dma_wait3A_65 = arith.constant 0 : i32
    %dma_wait3A_66 = arith.constant 0 : i32
    %dma_wait3A_67 = tpu.memref_slice %arg3[%dma_wait3A_60, %dma_wait3A_65, %dma_wait3A_66] : memref<2x10240x16xf32, #tpu.memory_space<hbm>> -> memref<1x80x16xf32, #tpu.memory_space<hbm>>
    %dma_wait3A_68 = tpu.memref_squeeze %dma_wait3A_67 : memref<1x80x16xf32, #tpu.memory_space<hbm>> -> memref<80x16xf32, #tpu.memory_space<hbm>>
    tpu.wait_dma2 semaphore(%arg9 : memref<!tpu.dma_semaphore, #tpu.memory_space<semaphore_mem>>) src(%dma_wait3A_68 : memref<80x16xf32, #tpu.memory_space<hbm>>) dst(%arg5 : memref<80x16xf32, #tpu.memory_space<vmem>>)
    %dma_wait3A_69 = arith.constant 0 : i32
    %dma_wait3A_70 = arith.constant 0 : i32
    %dma_wait3A_71 = arith.constant 0 : i32
    %dma_wait3A_72 = tpu.memref_slice %arg3[%dma_wait3A_69, %dma_wait3A_70, %dma_wait3A_71] : memref<2x10240x16xf32, #tpu.memory_space<hbm>> -> memref<1x80x16xf32, #tpu.memory_space<hbm>>
    %dma_wait3A_73 = tpu.memref_squeeze %dma_wait3A_72 : memref<1x80x16xf32, #tpu.memory_space<hbm>> -> memref<80x16xf32, #tpu.memory_space<hbm>>
    %dma_wait3A_74 = arith.constant 0 : i32
    %dma_wait3A_75 = arith.constant 0 : i32
    %dma_wait3A_76 = tpu.memref_slice %arg3[%dma_wait3A_69, %dma_wait3A_74, %dma_wait3A_75] : memref<2x10240x16xf32, #tpu.memory_space<hbm>> -> memref<1x80x16xf32, #tpu.memory_space<hbm>>
    %dma_wait3A_77 = tpu.memref_squeeze %dma_wait3A_76 : memref<1x80x16xf32, #tpu.memory_space<hbm>> -> memref<80x16xf32, #tpu.memory_space<hbm>>
    tpu.wait_dma2 semaphore(%arg10 : memref<!tpu.dma_semaphore, #tpu.memory_space<semaphore_mem>>) src(%dma_wait3A_77 : memref<80x16xf32, #tpu.memory_space<hbm>>) dst(%arg5 : memref<80x16xf32, #tpu.memory_space<vmem>>)
    %barrier3A_78 = arith.constant 0 : index
    tpu.barrier barrier_id(%barrier3A_78)
    %add3A_79 = arith.constant 0 : i32
    %add3A_80 = arith.addi %mul3A_20, %add3A_79 : i32
    %add3A_81 = arith.constant 0 : i32
    %add3A_82 = arith.addi %mul3A_20, %add3A_81 : i32
    "tpu.region"() ({
      %run_scoped3A = tpu.sem_alloc : memref<!tpu.dma_semaphore, #tpu.memory_space<semaphore_mem>>
      %dma_start3A_99 = arith.constant 0 : i32
      %dma_start3A_100 = tpu.memref_slice %arg3[%arg0, %add3A_82, %dma_start3A_99] : memref<2x10240x16xf32, #tpu.memory_space<hbm>> -> memref<1x128x16xf32, #tpu.memory_space<hbm>>
      %dma_start3A_101 = tpu.memref_squeeze %dma_start3A_100 : memref<1x128x16xf32, #tpu.memory_space<hbm>> -> memref<128x16xf32, #tpu.memory_space<hbm>>
      %dma_start3A_102 = arith.constant 0 : i32
      %dma_start3A_103 = tpu.memref_slice %arg7[%add3A_80, %dma_start3A_102] : memref<10240x16xf32, #tpu.memory_space<vmem_shared>> -> memref<128x16xf32, #tpu.memory_space<vmem_shared>>
      tpu.enqueue_dma source(%dma_start3A_103 : memref<128x16xf32, #tpu.memory_space<vmem_shared>>) target(%dma_start3A_101 : memref<128x16xf32, #tpu.memory_space<hbm>>) target_semaphore(%run_scoped3A : memref<!tpu.dma_semaphore, #tpu.memory_space<semaphore_mem>>)
      %dma_wait3A_104 = arith.constant 0 : i32
      %dma_wait3A_105 = tpu.memref_slice %arg3[%arg0, %add3A_82, %dma_wait3A_104] : memref<2x10240x16xf32, #tpu.memory_space<hbm>> -> memref<1x128x16xf32, #tpu.memory_space<hbm>>
      %dma_wait3A_106 = tpu.memref_squeeze %dma_wait3A_105 : memref<1x128x16xf32, #tpu.memory_space<hbm>> -> memref<128x16xf32, #tpu.memory_space<hbm>>
      %dma_wait3A_107 = arith.constant 0 : i32
      %dma_wait3A_108 = tpu.memref_slice %arg7[%add3A_80, %dma_wait3A_107] : memref<10240x16xf32, #tpu.memory_space<vmem_shared>> -> memref<128x16xf32, #tpu.memory_space<vmem_shared>>
      tpu.wait_dma2 semaphore(%run_scoped3A : memref<!tpu.dma_semaphore, #tpu.memory_space<semaphore_mem>>) src(%dma_wait3A_108 : memref<128x16xf32, #tpu.memory_space<vmem_shared>>) dst(%dma_wait3A_106 : memref<128x16xf32, #tpu.memory_space<hbm>>)
      tpu.yield
    }) : () -> ()
    %add3A_83 = arith.constant 128 : i32
    %add3A_84 = arith.addi %mul3A_20, %add3A_83 : i32
    %add3A_85 = arith.constant 128 : i32
    %add3A_86 = arith.addi %mul3A_20, %add3A_85 : i32
    "tpu.region"() ({
      %run_scoped3A = tpu.sem_alloc : memref<!tpu.dma_semaphore, #tpu.memory_space<semaphore_mem>>
      %dma_start3A_99 = arith.constant 0 : i32
      %dma_start3A_100 = tpu.memref_slice %arg3[%arg0, %add3A_86, %dma_start3A_99] : memref<2x10240x16xf32, #tpu.memory_space<hbm>> -> memref<1x128x16xf32, #tpu.memory_space<hbm>>
      %dma_start3A_101 = tpu.memref_squeeze %dma_start3A_100 : memref<1x128x16xf32, #tpu.memory_space<hbm>> -> memref<128x16xf32, #tpu.memory_space<hbm>>
      %dma_start3A_102 = arith.constant 0 : i32
      %dma_start3A_103 = tpu.memref_slice %arg7[%add3A_84, %dma_start3A_102] : memref<10240x16xf32, #tpu.memory_space<vmem_shared>> -> memref<128x16xf32, #tpu.memory_space<vmem_shared>>
      tpu.enqueue_dma source(%dma_start3A_103 : memref<128x16xf32, #tpu.memory_space<vmem_shared>>) target(%dma_start3A_101 : memref<128x16xf32, #tpu.memory_space<hbm>>) target_semaphore(%run_scoped3A : memref<!tpu.dma_semaphore, #tpu.memory_space<semaphore_mem>>)
      %dma_wait3A_104 = arith.constant 0 : i32
      %dma_wait3A_105 = tpu.memref_slice %arg3[%arg0, %add3A_86, %dma_wait3A_104] : memref<2x10240x16xf32, #tpu.memory_space<hbm>> -> memref<1x128x16xf32, #tpu.memory_space<hbm>>
      %dma_wait3A_106 = tpu.memref_squeeze %dma_wait3A_105 : memref<1x128x16xf32, #tpu.memory_space<hbm>> -> memref<128x16xf32, #tpu.memory_space<hbm>>
      %dma_wait3A_107 = arith.constant 0 : i32
      %dma_wait3A_108 = tpu.memref_slice %arg7[%add3A_84, %dma_wait3A_107] : memref<10240x16xf32, #tpu.memory_space<vmem_shared>> -> memref<128x16xf32, #tpu.memory_space<vmem_shared>>
      tpu.wait_dma2 semaphore(%run_scoped3A : memref<!tpu.dma_semaphore, #tpu.memory_space<semaphore_mem>>) src(%dma_wait3A_108 : memref<128x16xf32, #tpu.memory_space<vmem_shared>>) dst(%dma_wait3A_106 : memref<128x16xf32, #tpu.memory_space<hbm>>)
      tpu.yield
    }) : () -> ()
    %add3A_87 = arith.constant 256 : i32
    %add3A_88 = arith.addi %mul3A_20, %add3A_87 : i32
    %add3A_89 = arith.constant 256 : i32
    %add3A_90 = arith.addi %mul3A_20, %add3A_89 : i32
    "tpu.region"() ({
      %run_scoped3A = tpu.sem_alloc : memref<!tpu.dma_semaphore, #tpu.memory_space<semaphore_mem>>
      %dma_start3A_99 = arith.constant 0 : i32
      %dma_start3A_100 = tpu.memref_slice %arg3[%arg0, %add3A_90, %dma_start3A_99] : memref<2x10240x16xf32, #tpu.memory_space<hbm>> -> memref<1x128x16xf32, #tpu.memory_space<hbm>>
      %dma_start3A_101 = tpu.memref_squeeze %dma_start3A_100 : memref<1x128x16xf32, #tpu.memory_space<hbm>> -> memref<128x16xf32, #tpu.memory_space<hbm>>
      %dma_start3A_102 = arith.constant 0 : i32
      %dma_start3A_103 = tpu.memref_slice %arg7[%add3A_88, %dma_start3A_102] : memref<10240x16xf32, #tpu.memory_space<vmem_shared>> -> memref<128x16xf32, #tpu.memory_space<vmem_shared>>
      tpu.enqueue_dma source(%dma_start3A_103 : memref<128x16xf32, #tpu.memory_space<vmem_shared>>) target(%dma_start3A_101 : memref<128x16xf32, #tpu.memory_space<hbm>>) target_semaphore(%run_scoped3A : memref<!tpu.dma_semaphore, #tpu.memory_space<semaphore_mem>>)
      %dma_wait3A_104 = arith.constant 0 : i32
      %dma_wait3A_105 = tpu.memref_slice %arg3[%arg0, %add3A_90, %dma_wait3A_104] : memref<2x10240x16xf32, #tpu.memory_space<hbm>> -> memref<1x128x16xf32, #tpu.memory_space<hbm>>
      %dma_wait3A_106 = tpu.memref_squeeze %dma_wait3A_105 : memref<1x128x16xf32, #tpu.memory_space<hbm>> -> memref<128x16xf32, #tpu.memory_space<hbm>>
      %dma_wait3A_107 = arith.constant 0 : i32
      %dma_wait3A_108 = tpu.memref_slice %arg7[%add3A_88, %dma_wait3A_107] : memref<10240x16xf32, #tpu.memory_space<vmem_shared>> -> memref<128x16xf32, #tpu.memory_space<vmem_shared>>
      tpu.wait_dma2 semaphore(%run_scoped3A : memref<!tpu.dma_semaphore, #tpu.memory_space<semaphore_mem>>) src(%dma_wait3A_108 : memref<128x16xf32, #tpu.memory_space<vmem_shared>>) dst(%dma_wait3A_106 : memref<128x16xf32, #tpu.memory_space<hbm>>)
      tpu.yield
    }) : () -> ()
    %add3A_91 = arith.constant 384 : i32
    %add3A_92 = arith.addi %mul3A_20, %add3A_91 : i32
    %add3A_93 = arith.constant 384 : i32
    %add3A_94 = arith.addi %mul3A_20, %add3A_93 : i32
    "tpu.region"() ({
      %run_scoped3A = tpu.sem_alloc : memref<!tpu.dma_semaphore, #tpu.memory_space<semaphore_mem>>
      %dma_start3A_99 = arith.constant 0 : i32
      %dma_start3A_100 = tpu.memref_slice %arg3[%arg0, %add3A_94, %dma_start3A_99] : memref<2x10240x16xf32, #tpu.memory_space<hbm>> -> memref<1x128x16xf32, #tpu.memory_space<hbm>>
      %dma_start3A_101 = tpu.memref_squeeze %dma_start3A_100 : memref<1x128x16xf32, #tpu.memory_space<hbm>> -> memref<128x16xf32, #tpu.memory_space<hbm>>
      %dma_start3A_102 = arith.constant 0 : i32
      %dma_start3A_103 = tpu.memref_slice %arg7[%add3A_92, %dma_start3A_102] : memref<10240x16xf32, #tpu.memory_space<vmem_shared>> -> memref<128x16xf32, #tpu.memory_space<vmem_shared>>
      tpu.enqueue_dma source(%dma_start3A_103 : memref<128x16xf32, #tpu.memory_space<vmem_shared>>) target(%dma_start3A_101 : memref<128x16xf32, #tpu.memory_space<hbm>>) target_semaphore(%run_scoped3A : memref<!tpu.dma_semaphore, #tpu.memory_space<semaphore_mem>>)
      %dma_wait3A_104 = arith.constant 0 : i32
      %dma_wait3A_105 = tpu.memref_slice %arg3[%arg0, %add3A_94, %dma_wait3A_104] : memref<2x10240x16xf32, #tpu.memory_space<hbm>> -> memref<1x128x16xf32, #tpu.memory_space<hbm>>
      %dma_wait3A_106 = tpu.memref_squeeze %dma_wait3A_105 : memref<1x128x16xf32, #tpu.memory_space<hbm>> -> memref<128x16xf32, #tpu.memory_space<hbm>>
      %dma_wait3A_107 = arith.constant 0 : i32
      %dma_wait3A_108 = tpu.memref_slice %arg7[%add3A_92, %dma_wait3A_107] : memref<10240x16xf32, #tpu.memory_space<vmem_shared>> -> memref<128x16xf32, #tpu.memory_space<vmem_shared>>
      tpu.wait_dma2 semaphore(%run_scoped3A : memref<!tpu.dma_semaphore, #tpu.memory_space<semaphore_mem>>) src(%dma_wait3A_108 : memref<128x16xf32, #tpu.memory_space<vmem_shared>>) dst(%dma_wait3A_106 : memref<128x16xf32, #tpu.memory_space<hbm>>)
      tpu.yield
    }) : () -> ()
    %add3A_95 = arith.constant 512 : i32
    %add3A_96 = arith.addi %mul3A_20, %add3A_95 : i32
    %add3A_97 = arith.constant 512 : i32
    %add3A_98 = arith.addi %mul3A_20, %add3A_97 : i32
    "tpu.region"() ({
      %run_scoped3A = tpu.sem_alloc : memref<!tpu.dma_semaphore, #tpu.memory_space<semaphore_mem>>
      %dma_start3A_99 = arith.constant 0 : i32
      %dma_start3A_100 = tpu.memref_slice %arg3[%arg0, %add3A_98, %dma_start3A_99] : memref<2x10240x16xf32, #tpu.memory_space<hbm>> -> memref<1x128x16xf32, #tpu.memory_space<hbm>>
      %dma_start3A_101 = tpu.memref_squeeze %dma_start3A_100 : memref<1x128x16xf32, #tpu.memory_space<hbm>> -> memref<128x16xf32, #tpu.memory_space<hbm>>
      %dma_start3A_102 = arith.constant 0 : i32
      %dma_start3A_103 = tpu.memref_slice %arg7[%add3A_96, %dma_start3A_102] : memref<10240x16xf32, #tpu.memory_space<vmem_shared>> -> memref<128x16xf32, #tpu.memory_space<vmem_shared>>
      tpu.enqueue_dma source(%dma_start3A_103 : memref<128x16xf32, #tpu.memory_space<vmem_shared>>) target(%dma_start3A_101 : memref<128x16xf32, #tpu.memory_space<hbm>>) target_semaphore(%run_scoped3A : memref<!tpu.dma_semaphore, #tpu.memory_space<semaphore_mem>>)
      %dma_wait3A_104 = arith.constant 0 : i32
      %dma_wait3A_105 = tpu.memref_slice %arg3[%arg0, %add3A_98, %dma_wait3A_104] : memref<2x10240x16xf32, #tpu.memory_space<hbm>> -> memref<1x128x16xf32, #tpu.memory_space<hbm>>
      %dma_wait3A_106 = tpu.memref_squeeze %dma_wait3A_105 : memref<1x128x16xf32, #tpu.memory_space<hbm>> -> memref<128x16xf32, #tpu.memory_space<hbm>>
      %dma_wait3A_107 = arith.constant 0 : i32
      %dma_wait3A_108 = tpu.memref_slice %arg7[%add3A_96, %dma_wait3A_107] : memref<10240x16xf32, #tpu.memory_space<vmem_shared>> -> memref<128x16xf32, #tpu.memory_space<vmem_shared>>
      tpu.wait_dma2 semaphore(%run_scoped3A : memref<!tpu.dma_semaphore, #tpu.memory_space<semaphore_mem>>) src(%dma_wait3A_108 : memref<128x16xf32, #tpu.memory_space<vmem_shared>>) dst(%dma_wait3A_106 : memref<128x16xf32, #tpu.memory_space<hbm>>)
      tpu.yield
    }) : () -> ()
    return
  }
}

#map = affine_map<(d0, d1) -> (0, 0)>
#map1 = affine_map<(d0, d1) -> (0, 0, 0)>
module attributes {stable_mosaic.version = 14 : i64} {
  func.func @k(%arg0: i32, %arg1: i32, %arg2: memref<10240x64xf32, #tpu.memory_space<hbm>>, %arg3: memref<32x125x80xi32, #tpu.memory_space<hbm>>, %arg4: memref<32x125x80xi32, #tpu.memory_space<hbm>>, %arg5: memref<2x10240x64xf32, #tpu.memory_space<hbm>>, %arg6: memref<125x80xi32, #tpu.memory_space<vmem>>, %arg7: memref<125x80xi32, #tpu.memory_space<vmem>>, %arg8: memref<4x80x64xf32, #tpu.memory_space<vmem>>, %arg9: memref<128x64xf32, #tpu.memory_space<vmem>>, %arg10: memref<10240x64xf32, #tpu.memory_space<vmem_shared>>, %arg11: memref<!tpu.dma_semaphore, #tpu.memory_space<semaphore_mem>>, %arg12: memref<!tpu.dma_semaphore, #tpu.memory_space<semaphore_mem>>, %arg13: memref<!tpu.dma_semaphore, #tpu.memory_space<semaphore_mem>>, %arg14: memref<!tpu.dma_semaphore, #tpu.memory_space<semaphore_mem>>, %arg15: memref<!tpu.dma_semaphore, #tpu.memory_space<semaphore_mem>>, %arg16: memref<!tpu.dma_semaphore, #tpu.memory_space<semaphore_mem>>, %arg17: memref<!tpu.dma_semaphore, #tpu.memory_space<semaphore_mem>>, %arg18: memref<!tpu.dma_semaphore, #tpu.memory_space<semaphore_mem>>, %arg19: memref<!tpu.dma_semaphore, #tpu.memory_space<semaphore_mem>>) attributes {dimension_semantics = [#tpu.dimension_semantics<core_parallel>, #tpu.dimension_semantics<subcore_parallel>], iteration_bounds = array<i64: 2, 16>, scalar_prefetch = 0 : i64, scratch_operands = 14 : i64, tpu.core_type = #tpu.core_type<sc_vector_subcore>, window_params = [{transform_indices = #map}, {transform_indices = #map1}, {transform_indices = #map1}, {transform_indices = #map1}]} {
    %mul3A = arith.constant 16 : i32
    %mul3A_0 = arith.muli %arg0, %mul3A : i32
    %add3A = arith.addi %mul3A_0, %arg1 : i32
    %dma_start3A = arith.constant 0 : i32
    %dma_start3A_1 = arith.constant 0 : i32
    %dma_start3A_2 = tpu.memref_slice %arg3[%add3A, %dma_start3A, %dma_start3A_1] : memref<32x125x80xi32, #tpu.memory_space<hbm>> -> memref<1x125x80xi32, #tpu.memory_space<hbm>>
    %dma_start3A_3 = tpu.memref_squeeze %dma_start3A_2 : memref<1x125x80xi32, #tpu.memory_space<hbm>> -> memref<125x80xi32, #tpu.memory_space<hbm>>
    %dma_start3A_4 = arith.constant 0 : i32
    %dma_start3A_5 = arith.constant 0 : i32
    %dma_start3A_6 = tpu.memref_slice %arg3[%add3A, %dma_start3A_4, %dma_start3A_5] : memref<32x125x80xi32, #tpu.memory_space<hbm>> -> memref<1x125x80xi32, #tpu.memory_space<hbm>>
    %dma_start3A_7 = tpu.memref_squeeze %dma_start3A_6 : memref<1x125x80xi32, #tpu.memory_space<hbm>> -> memref<125x80xi32, #tpu.memory_space<hbm>>
    tpu.enqueue_dma source(%dma_start3A_7 : memref<125x80xi32, #tpu.memory_space<hbm>>) target(%arg6 : memref<125x80xi32, #tpu.memory_space<vmem>>) target_semaphore(%arg19 : memref<!tpu.dma_semaphore, #tpu.memory_space<semaphore_mem>>)
    %dma_start3A_8 = arith.constant 0 : i32
    %dma_start3A_9 = arith.constant 0 : i32
    %dma_start3A_10 = tpu.memref_slice %arg4[%add3A, %dma_start3A_8, %dma_start3A_9] : memref<32x125x80xi32, #tpu.memory_space<hbm>> -> memref<1x125x80xi32, #tpu.memory_space<hbm>>
    %dma_start3A_11 = tpu.memref_squeeze %dma_start3A_10 : memref<1x125x80xi32, #tpu.memory_space<hbm>> -> memref<125x80xi32, #tpu.memory_space<hbm>>
    %dma_start3A_12 = arith.constant 0 : i32
    %dma_start3A_13 = arith.constant 0 : i32
    %dma_start3A_14 = tpu.memref_slice %arg4[%add3A, %dma_start3A_12, %dma_start3A_13] : memref<32x125x80xi32, #tpu.memory_space<hbm>> -> memref<1x125x80xi32, #tpu.memory_space<hbm>>
    %dma_start3A_15 = tpu.memref_squeeze %dma_start3A_14 : memref<1x125x80xi32, #tpu.memory_space<hbm>> -> memref<125x80xi32, #tpu.memory_space<hbm>>
    tpu.enqueue_dma source(%dma_start3A_15 : memref<125x80xi32, #tpu.memory_space<hbm>>) target(%arg7 : memref<125x80xi32, #tpu.memory_space<vmem>>) target_semaphore(%arg19 : memref<!tpu.dma_semaphore, #tpu.memory_space<semaphore_mem>>)
    %scan3A = arith.constant 0 : i32
    %scan3A_16 = arith.constant 0 : i32
    %scan3A_17 = arith.constant 128 : i32
    %scan3A_18 = arith.addi %scan3A_16, %scan3A_17 : i32
    %scan3A_19 = arith.constant 1 : i32
    scf.for %scan3A_186 = %scan3A_16 to %scan3A_18 step %scan3A_19  : i32 {
      %broadcast_in_dim3A = arith.constant 0.000000e+00 : f32
      %broadcast_in_dim3A_187 = vector.broadcast %broadcast_in_dim3A : f32 to vector<16xf32>
      %swap3A = arith.index_cast %scan3A_186 : i32 to index
      %swap3A_188 = arith.constant 0 : index
      %swap3A_189 = tpu.vector_load %arg9[%swap3A, %swap3A_188] {strides = array<i32>} : memref<128x64xf32, #tpu.memory_space<vmem>>, vector<1x16xf32>,
      %swap3A_190 = vector.shape_cast %swap3A_189 : vector<1x16xf32> to vector<16xf32>
      %swap3A_191 = vector.shape_cast %broadcast_in_dim3A_187 : vector<16xf32> to vector<1x16xf32>
      tpu.vector_store %arg9[%swap3A, %swap3A_188], %swap3A_191 {strides = array<i32>} : memref<128x64xf32, #tpu.memory_space<vmem>>, vector<1x16xf32>,
      %broadcast_in_dim3A_192 = arith.constant 0.000000e+00 : f32
      %broadcast_in_dim3A_193 = vector.broadcast %broadcast_in_dim3A_192 : f32 to vector<16xf32>
      %swap3A_194 = arith.index_cast %scan3A_186 : i32 to index
      %swap3A_195 = arith.constant 16 : index
      %swap3A_196 = tpu.vector_load %arg9[%swap3A_194, %swap3A_195] {strides = array<i32>} : memref<128x64xf32, #tpu.memory_space<vmem>>, vector<1x16xf32>,
      %swap3A_197 = vector.shape_cast %swap3A_196 : vector<1x16xf32> to vector<16xf32>
      %swap3A_198 = vector.shape_cast %broadcast_in_dim3A_193 : vector<16xf32> to vector<1x16xf32>
      tpu.vector_store %arg9[%swap3A_194, %swap3A_195], %swap3A_198 {strides = array<i32>} : memref<128x64xf32, #tpu.memory_space<vmem>>, vector<1x16xf32>,
      %broadcast_in_dim3A_199 = arith.constant 0.000000e+00 : f32
      %broadcast_in_dim3A_200 = vector.broadcast %broadcast_in_dim3A_199 : f32 to vector<16xf32>
      %swap3A_201 = arith.index_cast %scan3A_186 : i32 to index
      %swap3A_202 = arith.constant 32 : index
      %swap3A_203 = tpu.vector_load %arg9[%swap3A_201, %swap3A_202] {strides = array<i32>} : memref<128x64xf32, #tpu.memory_space<vmem>>, vector<1x16xf32>,
      %swap3A_204 = vector.shape_cast %swap3A_203 : vector<1x16xf32> to vector<16xf32>
      %swap3A_205 = vector.shape_cast %broadcast_in_dim3A_200 : vector<16xf32> to vector<1x16xf32>
      tpu.vector_store %arg9[%swap3A_201, %swap3A_202], %swap3A_205 {strides = array<i32>} : memref<128x64xf32, #tpu.memory_space<vmem>>, vector<1x16xf32>,
      %broadcast_in_dim3A_206 = arith.constant 0.000000e+00 : f32
      %broadcast_in_dim3A_207 = vector.broadcast %broadcast_in_dim3A_206 : f32 to vector<16xf32>
      %swap3A_208 = arith.index_cast %scan3A_186 : i32 to index
      %swap3A_209 = arith.constant 48 : index
      %swap3A_210 = tpu.vector_load %arg9[%swap3A_208, %swap3A_209] {strides = array<i32>} : memref<128x64xf32, #tpu.memory_space<vmem>>, vector<1x16xf32>,
      %swap3A_211 = vector.shape_cast %swap3A_210 : vector<1x16xf32> to vector<16xf32>
      %swap3A_212 = vector.shape_cast %broadcast_in_dim3A_207 : vector<16xf32> to vector<1x16xf32>
      tpu.vector_store %arg9[%swap3A_208, %swap3A_209], %swap3A_212 {strides = array<i32>} : memref<128x64xf32, #tpu.memory_space<vmem>>, vector<1x16xf32>,
    }
    %scan3A_20 = arith.constant 128 : i32
    %mul3A_21 = arith.constant 640 : i32
    %mul3A_22 = arith.muli %arg1, %mul3A_21 : i32
    %add3A_23 = arith.constant 0 : i32
    %add3A_24 = arith.addi %mul3A_22, %add3A_23 : i32
    "tpu.region"() ({
      %run_scoped3A = tpu.sem_alloc : memref<!tpu.dma_semaphore, #tpu.memory_space<semaphore_mem>>
      %dma_start3A_186 = arith.constant 0 : i32
      %dma_start3A_187 = tpu.memref_slice %arg10[%add3A_24, %dma_start3A_186] : memref<10240x64xf32, #tpu.memory_space<vmem_shared>> -> memref<128x64xf32, #tpu.memory_space<vmem_shared>>
      %dma_start3A_188 = arith.constant 0 : i32
      %dma_start3A_189 = tpu.memref_slice %arg10[%add3A_24, %dma_start3A_188] : memref<10240x64xf32, #tpu.memory_space<vmem_shared>> -> memref<128x64xf32, #tpu.memory_space<vmem_shared>>
      tpu.enqueue_dma source(%arg9 : memref<128x64xf32, #tpu.memory_space<vmem>>) target(%dma_start3A_189 : memref<128x64xf32, #tpu.memory_space<vmem_shared>>) target_semaphore(%run_scoped3A : memref<!tpu.dma_semaphore, #tpu.memory_space<semaphore_mem>>)
      %dma_wait3A_190 = arith.constant 0 : i32
      %dma_wait3A_191 = tpu.memref_slice %arg10[%add3A_24, %dma_wait3A_190] : memref<10240x64xf32, #tpu.memory_space<vmem_shared>> -> memref<128x64xf32, #tpu.memory_space<vmem_shared>>
      %dma_wait3A_192 = arith.constant 0 : i32
      %dma_wait3A_193 = tpu.memref_slice %arg10[%add3A_24, %dma_wait3A_192] : memref<10240x64xf32, #tpu.memory_space<vmem_shared>> -> memref<128x64xf32, #tpu.memory_space<vmem_shared>>
      tpu.wait_dma2 semaphore(%run_scoped3A : memref<!tpu.dma_semaphore, #tpu.memory_space<semaphore_mem>>) src(%arg9 : memref<128x64xf32, #tpu.memory_space<vmem>>) dst(%dma_wait3A_193 : memref<128x64xf32, #tpu.memory_space<vmem_shared>>)
      tpu.yield
    }) : () -> ()
    %add3A_25 = arith.constant 128 : i32
    %add3A_26 = arith.addi %mul3A_22, %add3A_25 : i32
    "tpu.region"() ({
      %run_scoped3A = tpu.sem_alloc : memref<!tpu.dma_semaphore, #tpu.memory_space<semaphore_mem>>
      %dma_start3A_186 = arith.constant 0 : i32
      %dma_start3A_187 = tpu.memref_slice %arg10[%add3A_26, %dma_start3A_186] : memref<10240x64xf32, #tpu.memory_space<vmem_shared>> -> memref<128x64xf32, #tpu.memory_space<vmem_shared>>
      %dma_start3A_188 = arith.constant 0 : i32
      %dma_start3A_189 = tpu.memref_slice %arg10[%add3A_26, %dma_start3A_188] : memref<10240x64xf32, #tpu.memory_space<vmem_shared>> -> memref<128x64xf32, #tpu.memory_space<vmem_shared>>
      tpu.enqueue_dma source(%arg9 : memref<128x64xf32, #tpu.memory_space<vmem>>) target(%dma_start3A_189 : memref<128x64xf32, #tpu.memory_space<vmem_shared>>) target_semaphore(%run_scoped3A : memref<!tpu.dma_semaphore, #tpu.memory_space<semaphore_mem>>)
      %dma_wait3A_190 = arith.constant 0 : i32
      %dma_wait3A_191 = tpu.memref_slice %arg10[%add3A_26, %dma_wait3A_190] : memref<10240x64xf32, #tpu.memory_space<vmem_shared>> -> memref<128x64xf32, #tpu.memory_space<vmem_shared>>
      %dma_wait3A_192 = arith.constant 0 : i32
      %dma_wait3A_193 = tpu.memref_slice %arg10[%add3A_26, %dma_wait3A_192] : memref<10240x64xf32, #tpu.memory_space<vmem_shared>> -> memref<128x64xf32, #tpu.memory_space<vmem_shared>>
      tpu.wait_dma2 semaphore(%run_scoped3A : memref<!tpu.dma_semaphore, #tpu.memory_space<semaphore_mem>>) src(%arg9 : memref<128x64xf32, #tpu.memory_space<vmem>>) dst(%dma_wait3A_193 : memref<128x64xf32, #tpu.memory_space<vmem_shared>>)
      tpu.yield
    }) : () -> ()
    %add3A_27 = arith.constant 256 : i32
    %add3A_28 = arith.addi %mul3A_22, %add3A_27 : i32
    "tpu.region"() ({
      %run_scoped3A = tpu.sem_alloc : memref<!tpu.dma_semaphore, #tpu.memory_space<semaphore_mem>>
      %dma_start3A_186 = arith.constant 0 : i32
      %dma_start3A_187 = tpu.memref_slice %arg10[%add3A_28, %dma_start3A_186] : memref<10240x64xf32, #tpu.memory_space<vmem_shared>> -> memref<128x64xf32, #tpu.memory_space<vmem_shared>>
      %dma_start3A_188 = arith.constant 0 : i32
      %dma_start3A_189 = tpu.memref_slice %arg10[%add3A_28, %dma_start3A_188] : memref<10240x64xf32, #tpu.memory_space<vmem_shared>> -> memref<128x64xf32, #tpu.memory_space<vmem_shared>>
      tpu.enqueue_dma source(%arg9 : memref<128x64xf32, #tpu.memory_space<vmem>>) target(%dma_start3A_189 : memref<128x64xf32, #tpu.memory_space<vmem_shared>>) target_semaphore(%run_scoped3A : memref<!tpu.dma_semaphore, #tpu.memory_space<semaphore_mem>>)
      %dma_wait3A_190 = arith.constant 0 : i32
      %dma_wait3A_191 = tpu.memref_slice %arg10[%add3A_28, %dma_wait3A_190] : memref<10240x64xf32, #tpu.memory_space<vmem_shared>> -> memref<128x64xf32, #tpu.memory_space<vmem_shared>>
      %dma_wait3A_192 = arith.constant 0 : i32
      %dma_wait3A_193 = tpu.memref_slice %arg10[%add3A_28, %dma_wait3A_192] : memref<10240x64xf32, #tpu.memory_space<vmem_shared>> -> memref<128x64xf32, #tpu.memory_space<vmem_shared>>
      tpu.wait_dma2 semaphore(%run_scoped3A : memref<!tpu.dma_semaphore, #tpu.memory_space<semaphore_mem>>) src(%arg9 : memref<128x64xf32, #tpu.memory_space<vmem>>) dst(%dma_wait3A_193 : memref<128x64xf32, #tpu.memory_space<vmem_shared>>)
      tpu.yield
    }) : () -> ()
    %add3A_29 = arith.constant 384 : i32
    %add3A_30 = arith.addi %mul3A_22, %add3A_29 : i32
    "tpu.region"() ({
      %run_scoped3A = tpu.sem_alloc : memref<!tpu.dma_semaphore, #tpu.memory_space<semaphore_mem>>
      %dma_start3A_186 = arith.constant 0 : i32
      %dma_start3A_187 = tpu.memref_slice %arg10[%add3A_30, %dma_start3A_186] : memref<10240x64xf32, #tpu.memory_space<vmem_shared>> -> memref<128x64xf32, #tpu.memory_space<vmem_shared>>
      %dma_start3A_188 = arith.constant 0 : i32
      %dma_start3A_189 = tpu.memref_slice %arg10[%add3A_30, %dma_start3A_188] : memref<10240x64xf32, #tpu.memory_space<vmem_shared>> -> memref<128x64xf32, #tpu.memory_space<vmem_shared>>
      tpu.enqueue_dma source(%arg9 : memref<128x64xf32, #tpu.memory_space<vmem>>) target(%dma_start3A_189 : memref<128x64xf32, #tpu.memory_space<vmem_shared>>) target_semaphore(%run_scoped3A : memref<!tpu.dma_semaphore, #tpu.memory_space<semaphore_mem>>)
      %dma_wait3A_190 = arith.constant 0 : i32
      %dma_wait3A_191 = tpu.memref_slice %arg10[%add3A_30, %dma_wait3A_190] : memref<10240x64xf32, #tpu.memory_space<vmem_shared>> -> memref<128x64xf32, #tpu.memory_space<vmem_shared>>
      %dma_wait3A_192 = arith.constant 0 : i32
      %dma_wait3A_193 = tpu.memref_slice %arg10[%add3A_30, %dma_wait3A_192] : memref<10240x64xf32, #tpu.memory_space<vmem_shared>> -> memref<128x64xf32, #tpu.memory_space<vmem_shared>>
      tpu.wait_dma2 semaphore(%run_scoped3A : memref<!tpu.dma_semaphore, #tpu.memory_space<semaphore_mem>>) src(%arg9 : memref<128x64xf32, #tpu.memory_space<vmem>>) dst(%dma_wait3A_193 : memref<128x64xf32, #tpu.memory_space<vmem_shared>>)
      tpu.yield
    }) : () -> ()
    %add3A_31 = arith.constant 512 : i32
    %add3A_32 = arith.addi %mul3A_22, %add3A_31 : i32
    "tpu.region"() ({
      %run_scoped3A = tpu.sem_alloc : memref<!tpu.dma_semaphore, #tpu.memory_space<semaphore_mem>>
      %dma_start3A_186 = arith.constant 0 : i32
      %dma_start3A_187 = tpu.memref_slice %arg10[%add3A_32, %dma_start3A_186] : memref<10240x64xf32, #tpu.memory_space<vmem_shared>> -> memref<128x64xf32, #tpu.memory_space<vmem_shared>>
      %dma_start3A_188 = arith.constant 0 : i32
      %dma_start3A_189 = tpu.memref_slice %arg10[%add3A_32, %dma_start3A_188] : memref<10240x64xf32, #tpu.memory_space<vmem_shared>> -> memref<128x64xf32, #tpu.memory_space<vmem_shared>>
      tpu.enqueue_dma source(%arg9 : memref<128x64xf32, #tpu.memory_space<vmem>>) target(%dma_start3A_189 : memref<128x64xf32, #tpu.memory_space<vmem_shared>>) target_semaphore(%run_scoped3A : memref<!tpu.dma_semaphore, #tpu.memory_space<semaphore_mem>>)
      %dma_wait3A_190 = arith.constant 0 : i32
      %dma_wait3A_191 = tpu.memref_slice %arg10[%add3A_32, %dma_wait3A_190] : memref<10240x64xf32, #tpu.memory_space<vmem_shared>> -> memref<128x64xf32, #tpu.memory_space<vmem_shared>>
      %dma_wait3A_192 = arith.constant 0 : i32
      %dma_wait3A_193 = tpu.memref_slice %arg10[%add3A_32, %dma_wait3A_192] : memref<10240x64xf32, #tpu.memory_space<vmem_shared>> -> memref<128x64xf32, #tpu.memory_space<vmem_shared>>
      tpu.wait_dma2 semaphore(%run_scoped3A : memref<!tpu.dma_semaphore, #tpu.memory_space<semaphore_mem>>) src(%arg9 : memref<128x64xf32, #tpu.memory_space<vmem>>) dst(%dma_wait3A_193 : memref<128x64xf32, #tpu.memory_space<vmem_shared>>)
      tpu.yield
    }) : () -> ()
    %dma_wait3A = arith.constant 0 : i32
    %dma_wait3A_33 = arith.constant 0 : i32
    %dma_wait3A_34 = tpu.memref_slice %arg3[%add3A, %dma_wait3A, %dma_wait3A_33] : memref<32x125x80xi32, #tpu.memory_space<hbm>> -> memref<1x125x80xi32, #tpu.memory_space<hbm>>
    %dma_wait3A_35 = tpu.memref_squeeze %dma_wait3A_34 : memref<1x125x80xi32, #tpu.memory_space<hbm>> -> memref<125x80xi32, #tpu.memory_space<hbm>>
    %dma_wait3A_36 = arith.constant 0 : i32
    %dma_wait3A_37 = arith.constant 0 : i32
    %dma_wait3A_38 = tpu.memref_slice %arg3[%add3A, %dma_wait3A_36, %dma_wait3A_37] : memref<32x125x80xi32, #tpu.memory_space<hbm>> -> memref<1x125x80xi32, #tpu.memory_space<hbm>>
    %dma_wait3A_39 = tpu.memref_squeeze %dma_wait3A_38 : memref<1x125x80xi32, #tpu.memory_space<hbm>> -> memref<125x80xi32, #tpu.memory_space<hbm>>
    tpu.wait_dma2 semaphore(%arg19 : memref<!tpu.dma_semaphore, #tpu.memory_space<semaphore_mem>>) src(%dma_wait3A_39 : memref<125x80xi32, #tpu.memory_space<hbm>>) dst(%arg6 : memref<125x80xi32, #tpu.memory_space<vmem>>)
    %dma_wait3A_40 = arith.constant 0 : i32
    %dma_wait3A_41 = arith.constant 0 : i32
    %dma_wait3A_42 = tpu.memref_slice %arg4[%add3A, %dma_wait3A_40, %dma_wait3A_41] : memref<32x125x80xi32, #tpu.memory_space<hbm>> -> memref<1x125x80xi32, #tpu.memory_space<hbm>>
    %dma_wait3A_43 = tpu.memref_squeeze %dma_wait3A_42 : memref<1x125x80xi32, #tpu.memory_space<hbm>> -> memref<125x80xi32, #tpu.memory_space<hbm>>
    %dma_wait3A_44 = arith.constant 0 : i32
    %dma_wait3A_45 = arith.constant 0 : i32
    %dma_wait3A_46 = tpu.memref_slice %arg4[%add3A, %dma_wait3A_44, %dma_wait3A_45] : memref<32x125x80xi32, #tpu.memory_space<hbm>> -> memref<1x125x80xi32, #tpu.memory_space<hbm>>
    %dma_wait3A_47 = tpu.memref_squeeze %dma_wait3A_46 : memref<1x125x80xi32, #tpu.memory_space<hbm>> -> memref<125x80xi32, #tpu.memory_space<hbm>>
    tpu.wait_dma2 semaphore(%arg19 : memref<!tpu.dma_semaphore, #tpu.memory_space<semaphore_mem>>) src(%dma_wait3A_47 : memref<125x80xi32, #tpu.memory_space<hbm>>) dst(%arg7 : memref<125x80xi32, #tpu.memory_space<vmem>>)
    %barrier3A = arith.constant 0 : index
    tpu.barrier barrier_id(%barrier3A)
    %dma_start3A_48 = arith.constant 0 : i32
    %dma_start3A_49 = arith.constant 0 : i32
    %dma_start3A_50 = arith.constant 0 : i32
    %dma_start3A_51 = arith.constant 0 : i32
    %dma_start3A_52 = tpu.memref_slice %arg8[%dma_start3A_49, %dma_start3A_50, %dma_start3A_51] : memref<4x80x64xf32, #tpu.memory_space<vmem>> -> memref<1x80x64xf32, #tpu.memory_space<vmem>>
    %dma_start3A_53 = tpu.memref_squeeze %dma_start3A_52 : memref<1x80x64xf32, #tpu.memory_space<vmem>> -> memref<80x64xf32, #tpu.memory_space<vmem>>
    %dma_start3A_54 = arith.constant 0 : i32
    %dma_start3A_55 = tpu.memref_slice %arg6[%dma_start3A_48, %dma_start3A_54] : memref<125x80xi32, #tpu.memory_space<vmem>> -> memref<1x80xi32, #tpu.memory_space<vmem>>
    %dma_start3A_56 = tpu.memref_squeeze %dma_start3A_55 : memref<1x80xi32, #tpu.memory_space<vmem>> -> memref<80xi32, #tpu.memory_space<vmem>>
    %dma_start3A_57 = arith.constant 0 : i32
    %dma_start3A_58 = arith.constant 0 : i32
    %dma_start3A_59 = tpu.memref_slice %arg2[%dma_start3A_57, %dma_start3A_58] : memref<10240x64xf32, #tpu.memory_space<hbm>> -> memref<10240x64xf32, #tpu.memory_space<hbm>>
    tpu.enqueue_indirect_dma source(%dma_start3A_59 : memref<10240x64xf32, #tpu.memory_space<hbm>>) target(%dma_start3A_53 : memref<80x64xf32, #tpu.memory_space<vmem>>) offsets(%dma_start3A_56 : memref<80xi32, #tpu.memory_space<vmem>>) semaphore(%arg11 : memref<!tpu.dma_semaphore, #tpu.memory_space<semaphore_mem>>)
    %dma_start3A_60 = arith.constant 1 : i32
    %dma_start3A_61 = arith.constant 1 : i32
    %dma_start3A_62 = arith.constant 0 : i32
    %dma_start3A_63 = arith.constant 0 : i32
    %dma_start3A_64 = tpu.memref_slice %arg8[%dma_start3A_61, %dma_start3A_62, %dma_start3A_63] : memref<4x80x64xf32, #tpu.memory_space<vmem>> -> memref<1x80x64xf32, #tpu.memory_space<vmem>>
    %dma_start3A_65 = tpu.memref_squeeze %dma_start3A_64 : memref<1x80x64xf32, #tpu.memory_space<vmem>> -> memref<80x64xf32, #tpu.memory_space<vmem>>
    %dma_start3A_66 = arith.constant 0 : i32
    %dma_start3A_67 = tpu.memref_slice %arg6[%dma_start3A_60, %dma_start3A_66] : memref<125x80xi32, #tpu.memory_space<vmem>> -> memref<1x80xi32, #tpu.memory_space<vmem>>
    %dma_start3A_68 = tpu.memref_squeeze %dma_start3A_67 : memref<1x80xi32, #tpu.memory_space<vmem>> -> memref<80xi32, #tpu.memory_space<vmem>>
    %dma_start3A_69 = arith.constant 0 : i32
    %dma_start3A_70 = arith.constant 0 : i32
    %dma_start3A_71 = tpu.memref_slice %arg2[%dma_start3A_69, %dma_start3A_70] : memref<10240x64xf32, #tpu.memory_space<hbm>> -> memref<10240x64xf32, #tpu.memory_space<hbm>>
    tpu.enqueue_indirect_dma source(%dma_start3A_71 : memref<10240x64xf32, #tpu.memory_space<hbm>>) target(%dma_start3A_65 : memref<80x64xf32, #tpu.memory_space<vmem>>) offsets(%dma_start3A_68 : memref<80xi32, #tpu.memory_space<vmem>>) semaphore(%arg12 : memref<!tpu.dma_semaphore, #tpu.memory_space<semaphore_mem>>)
    %scan3A_72 = arith.constant 0 : i32
    %scan3A_73 = arith.constant 0 : i32
    %scan3A_74 = arith.constant 31 : i32
    %scan3A_75 = arith.addi %scan3A_73, %scan3A_74 : i32
    %scan3A_76 = arith.constant 1 : i32
    scf.for %scan3A_186 = %scan3A_73 to %scan3A_75 step %scan3A_76  : i32 {
      %mul3A_187 = arith.constant 4 : i32
      %mul3A_188 = arith.muli %mul3A_187, %scan3A_186 : i32
      %add3A_189 = arith.constant 0 : i32
      %add3A_190 = arith.addi %mul3A_188, %add3A_189 : i32
      %ge3A = arith.constant 1 : i32
      %ge3A_191 = arith.cmpi sge, %scan3A_186, %ge3A : i32
      %convert_element_type3A = arith.extui %ge3A_191 : i1 to i32
      %cond3A = arith.constant 0 : i32
      %cond3A_192 = arith.cmpi ne, %convert_element_type3A, %cond3A : i32
      scf.if %cond3A_192 {
        %dma_wait3A_366 = arith.constant 2 : i32
        %dma_wait3A_367 = arith.constant 0 : i32
        %dma_wait3A_368 = arith.constant 0 : i32
        %dma_wait3A_369 = tpu.memref_slice %arg8[%dma_wait3A_366, %dma_wait3A_367, %dma_wait3A_368] : memref<4x80x64xf32, #tpu.memory_space<vmem>> -> memref<1x80x64xf32, #tpu.memory_space<vmem>>
        %dma_wait3A_370 = tpu.memref_squeeze %dma_wait3A_369 : memref<1x80x64xf32, #tpu.memory_space<vmem>> -> memref<80x64xf32, #tpu.memory_space<vmem>>
        %dma_wait3A_371 = arith.constant 0 : i32
        %dma_wait3A_372 = arith.constant 0 : i32
        %dma_wait3A_373 = tpu.memref_slice %arg2[%dma_wait3A_371, %dma_wait3A_372] : memref<10240x64xf32, #tpu.memory_space<hbm>> -> memref<80x64xf32, #tpu.memory_space<hbm>>
        %dma_wait3A_374 = arith.constant 0 : i32
        %dma_wait3A_375 = arith.constant 0 : i32
        %dma_wait3A_376 = tpu.memref_slice %arg8[%dma_wait3A_366, %dma_wait3A_374, %dma_wait3A_375] : memref<4x80x64xf32, #tpu.memory_space<vmem>> -> memref<1x80x64xf32, #tpu.memory_space<vmem>>
        %dma_wait3A_377 = tpu.memref_squeeze %dma_wait3A_376 : memref<1x80x64xf32, #tpu.memory_space<vmem>> -> memref<80x64xf32, #tpu.memory_space<vmem>>
        %dma_wait3A_378 = arith.constant 0 : i32
        %dma_wait3A_379 = arith.constant 0 : i32
        %dma_wait3A_380 = tpu.memref_slice %arg2[%dma_wait3A_378, %dma_wait3A_379] : memref<10240x64xf32, #tpu.memory_space<hbm>> -> memref<80x64xf32, #tpu.memory_space<hbm>>
        tpu.wait_dma2 semaphore(%arg17 : memref<!tpu.dma_semaphore, #tpu.memory_space<semaphore_mem>>) src(%dma_wait3A_380 : memref<80x64xf32, #tpu.memory_space<hbm>>) dst(%dma_wait3A_377 : memref<80x64xf32, #tpu.memory_space<vmem>>)
      } else {
      }
      %add3A_193 = arith.constant 2 : i32
      %add3A_194 = arith.addi %add3A_190, %add3A_193 : i32
      %dma_start3A_195 = arith.constant 2 : i32
      %dma_start3A_196 = arith.constant 0 : i32
      %dma_start3A_197 = arith.constant 0 : i32
      %dma_start3A_198 = tpu.memref_slice %arg8[%dma_start3A_195, %dma_start3A_196, %dma_start3A_197] : memref<4x80x64xf32, #tpu.memory_space<vmem>> -> memref<1x80x64xf32, #tpu.memory_space<vmem>>
      %dma_start3A_199 = tpu.memref_squeeze %dma_start3A_198 : memref<1x80x64xf32, #tpu.memory_space<vmem>> -> memref<80x64xf32, #tpu.memory_space<vmem>>
      %dma_start3A_200 = arith.constant 0 : i32
      %dma_start3A_201 = tpu.memref_slice %arg6[%add3A_194, %dma_start3A_200] : memref<125x80xi32, #tpu.memory_space<vmem>> -> memref<1x80xi32, #tpu.memory_space<vmem>>
      %dma_start3A_202 = tpu.memref_squeeze %dma_start3A_201 : memref<1x80xi32, #tpu.memory_space<vmem>> -> memref<80xi32, #tpu.memory_space<vmem>>
      %dma_start3A_203 = arith.constant 0 : i32
      %dma_start3A_204 = arith.constant 0 : i32
      %dma_start3A_205 = tpu.memref_slice %arg2[%dma_start3A_203, %dma_start3A_204] : memref<10240x64xf32, #tpu.memory_space<hbm>> -> memref<10240x64xf32, #tpu.memory_space<hbm>>
      tpu.enqueue_indirect_dma source(%dma_start3A_205 : memref<10240x64xf32, #tpu.memory_space<hbm>>) target(%dma_start3A_199 : memref<80x64xf32, #tpu.memory_space<vmem>>) offsets(%dma_start3A_202 : memref<80xi32, #tpu.memory_space<vmem>>) semaphore(%arg13 : memref<!tpu.dma_semaphore, #tpu.memory_space<semaphore_mem>>)
      %dma_wait3A_206 = arith.constant 0 : i32
      %dma_wait3A_207 = arith.constant 0 : i32
      %dma_wait3A_208 = arith.constant 0 : i32
      %dma_wait3A_209 = tpu.memref_slice %arg8[%dma_wait3A_206, %dma_wait3A_207, %dma_wait3A_208] : memref<4x80x64xf32, #tpu.memory_space<vmem>> -> memref<1x80x64xf32, #tpu.memory_space<vmem>>
      %dma_wait3A_210 = tpu.memref_squeeze %dma_wait3A_209 : memref<1x80x64xf32, #tpu.memory_space<vmem>> -> memref<80x64xf32, #tpu.memory_space<vmem>>
      %dma_wait3A_211 = arith.constant 0 : i32
      %dma_wait3A_212 = arith.constant 0 : i32
      %dma_wait3A_213 = tpu.memref_slice %arg2[%dma_wait3A_211, %dma_wait3A_212] : memref<10240x64xf32, #tpu.memory_space<hbm>> -> memref<80x64xf32, #tpu.memory_space<hbm>>
      %dma_wait3A_214 = arith.constant 0 : i32
      %dma_wait3A_215 = arith.constant 0 : i32
      %dma_wait3A_216 = tpu.memref_slice %arg8[%dma_wait3A_206, %dma_wait3A_214, %dma_wait3A_215] : memref<4x80x64xf32, #tpu.memory_space<vmem>> -> memref<1x80x64xf32, #tpu.memory_space<vmem>>
      %dma_wait3A_217 = tpu.memref_squeeze %dma_wait3A_216 : memref<1x80x64xf32, #tpu.memory_space<vmem>> -> memref<80x64xf32, #tpu.memory_space<vmem>>
      %dma_wait3A_218 = arith.constant 0 : i32
      %dma_wait3A_219 = arith.constant 0 : i32
      %dma_wait3A_220 = tpu.memref_slice %arg2[%dma_wait3A_218, %dma_wait3A_219] : memref<10240x64xf32, #tpu.memory_space<hbm>> -> memref<80x64xf32, #tpu.memory_space<hbm>>
      tpu.wait_dma2 semaphore(%arg11 : memref<!tpu.dma_semaphore, #tpu.memory_space<semaphore_mem>>) src(%dma_wait3A_220 : memref<80x64xf32, #tpu.memory_space<hbm>>) dst(%dma_wait3A_217 : memref<80x64xf32, #tpu.memory_space<vmem>>)
      %dma_start3A_221 = arith.constant 0 : i32
      %dma_start3A_222 = arith.constant 0 : i32
      %dma_start3A_223 = arith.constant 0 : i32
      %dma_start3A_224 = tpu.memref_slice %arg8[%dma_start3A_221, %dma_start3A_222, %dma_start3A_223] : memref<4x80x64xf32, #tpu.memory_space<vmem>> -> memref<1x80x64xf32, #tpu.memory_space<vmem>>
      %dma_start3A_225 = tpu.memref_squeeze %dma_start3A_224 : memref<1x80x64xf32, #tpu.memory_space<vmem>> -> memref<80x64xf32, #tpu.memory_space<vmem>>
      %dma_start3A_226 = arith.constant 0 : i32
      %dma_start3A_227 = tpu.memref_slice %arg7[%add3A_190, %dma_start3A_226] : memref<125x80xi32, #tpu.memory_space<vmem>> -> memref<1x80xi32, #tpu.memory_space<vmem>>
      %dma_start3A_228 = tpu.memref_squeeze %dma_start3A_227 : memref<1x80xi32, #tpu.memory_space<vmem>> -> memref<80xi32, #tpu.memory_space<vmem>>
      %dma_start3A_229 = arith.constant 0 : i32
      %dma_start3A_230 = arith.constant 0 : i32
      %dma_start3A_231 = tpu.memref_slice %arg10[%dma_start3A_229, %dma_start3A_230] : memref<10240x64xf32, #tpu.memory_space<vmem_shared>> -> memref<10240x64xf32, #tpu.memory_space<vmem_shared>>
      tpu.enqueue_indirect_dma source(%dma_start3A_225 : memref<80x64xf32, #tpu.memory_space<vmem>>) target(%dma_start3A_231 : memref<10240x64xf32, #tpu.memory_space<vmem_shared>>) offsets(%dma_start3A_228 : memref<80xi32, #tpu.memory_space<vmem>>) semaphore(%arg15 : memref<!tpu.dma_semaphore, #tpu.memory_space<semaphore_mem>>) {add = true}
      %add3A_232 = arith.constant 1 : i32
      %add3A_233 = arith.addi %mul3A_188, %add3A_232 : i32
      %ge3A_234 = arith.constant 1 : i32
      %ge3A_235 = arith.cmpi sge, %scan3A_186, %ge3A_234 : i32
      %convert_element_type3A_236 = arith.extui %ge3A_235 : i1 to i32
      %cond3A_237 = arith.constant 0 : i32
      %cond3A_238 = arith.cmpi ne, %convert_element_type3A_236, %cond3A_237 : i32
      scf.if %cond3A_238 {
        %dma_wait3A_366 = arith.constant 3 : i32
        %dma_wait3A_367 = arith.constant 0 : i32
        %dma_wait3A_368 = arith.constant 0 : i32
        %dma_wait3A_369 = tpu.memref_slice %arg8[%dma_wait3A_366, %dma_wait3A_367, %dma_wait3A_368] : memref<4x80x64xf32, #tpu.memory_space<vmem>> -> memref<1x80x64xf32, #tpu.memory_space<vmem>>
        %dma_wait3A_370 = tpu.memref_squeeze %dma_wait3A_369 : memref<1x80x64xf32, #tpu.memory_space<vmem>> -> memref<80x64xf32, #tpu.memory_space<vmem>>
        %dma_wait3A_371 = arith.constant 0 : i32
        %dma_wait3A_372 = arith.constant 0 : i32
        %dma_wait3A_373 = tpu.memref_slice %arg2[%dma_wait3A_371, %dma_wait3A_372] : memref<10240x64xf32, #tpu.memory_space<hbm>> -> memref<80x64xf32, #tpu.memory_space<hbm>>
        %dma_wait3A_374 = arith.constant 0 : i32
        %dma_wait3A_375 = arith.constant 0 : i32
        %dma_wait3A_376 = tpu.memref_slice %arg8[%dma_wait3A_366, %dma_wait3A_374, %dma_wait3A_375] : memref<4x80x64xf32, #tpu.memory_space<vmem>> -> memref<1x80x64xf32, #tpu.memory_space<vmem>>
        %dma_wait3A_377 = tpu.memref_squeeze %dma_wait3A_376 : memref<1x80x64xf32, #tpu.memory_space<vmem>> -> memref<80x64xf32, #tpu.memory_space<vmem>>
        %dma_wait3A_378 = arith.constant 0 : i32
        %dma_wait3A_379 = arith.constant 0 : i32
        %dma_wait3A_380 = tpu.memref_slice %arg2[%dma_wait3A_378, %dma_wait3A_379] : memref<10240x64xf32, #tpu.memory_space<hbm>> -> memref<80x64xf32, #tpu.memory_space<hbm>>
        tpu.wait_dma2 semaphore(%arg18 : memref<!tpu.dma_semaphore, #tpu.memory_space<semaphore_mem>>) src(%dma_wait3A_380 : memref<80x64xf32, #tpu.memory_space<hbm>>) dst(%dma_wait3A_377 : memref<80x64xf32, #tpu.memory_space<vmem>>)
      } else {
      }
      %add3A_239 = arith.constant 2 : i32
      %add3A_240 = arith.addi %add3A_233, %add3A_239 : i32
      %dma_start3A_241 = arith.constant 3 : i32
      %dma_start3A_242 = arith.constant 0 : i32
      %dma_start3A_243 = arith.constant 0 : i32
      %dma_start3A_244 = tpu.memref_slice %arg8[%dma_start3A_241, %dma_start3A_242, %dma_start3A_243] : memref<4x80x64xf32, #tpu.memory_space<vmem>> -> memref<1x80x64xf32, #tpu.memory_space<vmem>>
      %dma_start3A_245 = tpu.memref_squeeze %dma_start3A_244 : memref<1x80x64xf32, #tpu.memory_space<vmem>> -> memref<80x64xf32, #tpu.memory_space<vmem>>
      %dma_start3A_246 = arith.constant 0 : i32
      %dma_start3A_247 = tpu.memref_slice %arg6[%add3A_240, %dma_start3A_246] : memref<125x80xi32, #tpu.memory_space<vmem>> -> memref<1x80xi32, #tpu.memory_space<vmem>>
      %dma_start3A_248 = tpu.memref_squeeze %dma_start3A_247 : memref<1x80xi32, #tpu.memory_space<vmem>> -> memref<80xi32, #tpu.memory_space<vmem>>
      %dma_start3A_249 = arith.constant 0 : i32
      %dma_start3A_250 = arith.constant 0 : i32
      %dma_start3A_251 = tpu.memref_slice %arg2[%dma_start3A_249, %dma_start3A_250] : memref<10240x64xf32, #tpu.memory_space<hbm>> -> memref<10240x64xf32, #tpu.memory_space<hbm>>
      tpu.enqueue_indirect_dma source(%dma_start3A_251 : memref<10240x64xf32, #tpu.memory_space<hbm>>) target(%dma_start3A_245 : memref<80x64xf32, #tpu.memory_space<vmem>>) offsets(%dma_start3A_248 : memref<80xi32, #tpu.memory_space<vmem>>) semaphore(%arg14 : memref<!tpu.dma_semaphore, #tpu.memory_space<semaphore_mem>>)
      %dma_wait3A_252 = arith.constant 1 : i32
      %dma_wait3A_253 = arith.constant 0 : i32
      %dma_wait3A_254 = arith.constant 0 : i32
      %dma_wait3A_255 = tpu.memref_slice %arg8[%dma_wait3A_252, %dma_wait3A_253, %dma_wait3A_254] : memref<4x80x64xf32, #tpu.memory_space<vmem>> -> memref<1x80x64xf32, #tpu.memory_space<vmem>>
      %dma_wait3A_256 = tpu.memref_squeeze %dma_wait3A_255 : memref<1x80x64xf32, #tpu.memory_space<vmem>> -> memref<80x64xf32, #tpu.memory_space<vmem>>
      %dma_wait3A_257 = arith.constant 0 : i32
      %dma_wait3A_258 = arith.constant 0 : i32
      %dma_wait3A_259 = tpu.memref_slice %arg2[%dma_wait3A_257, %dma_wait3A_258] : memref<10240x64xf32, #tpu.memory_space<hbm>> -> memref<80x64xf32, #tpu.memory_space<hbm>>
      %dma_wait3A_260 = arith.constant 0 : i32
      %dma_wait3A_261 = arith.constant 0 : i32
      %dma_wait3A_262 = tpu.memref_slice %arg8[%dma_wait3A_252, %dma_wait3A_260, %dma_wait3A_261] : memref<4x80x64xf32, #tpu.memory_space<vmem>> -> memref<1x80x64xf32, #tpu.memory_space<vmem>>
      %dma_wait3A_263 = tpu.memref_squeeze %dma_wait3A_262 : memref<1x80x64xf32, #tpu.memory_space<vmem>> -> memref<80x64xf32, #tpu.memory_space<vmem>>
      %dma_wait3A_264 = arith.constant 0 : i32
      %dma_wait3A_265 = arith.constant 0 : i32
      %dma_wait3A_266 = tpu.memref_slice %arg2[%dma_wait3A_264, %dma_wait3A_265] : memref<10240x64xf32, #tpu.memory_space<hbm>> -> memref<80x64xf32, #tpu.memory_space<hbm>>
      tpu.wait_dma2 semaphore(%arg12 : memref<!tpu.dma_semaphore, #tpu.memory_space<semaphore_mem>>) src(%dma_wait3A_266 : memref<80x64xf32, #tpu.memory_space<hbm>>) dst(%dma_wait3A_263 : memref<80x64xf32, #tpu.memory_space<vmem>>)
      %dma_start3A_267 = arith.constant 1 : i32
      %dma_start3A_268 = arith.constant 0 : i32
      %dma_start3A_269 = arith.constant 0 : i32
      %dma_start3A_270 = tpu.memref_slice %arg8[%dma_start3A_267, %dma_start3A_268, %dma_start3A_269] : memref<4x80x64xf32, #tpu.memory_space<vmem>> -> memref<1x80x64xf32, #tpu.memory_space<vmem>>
      %dma_start3A_271 = tpu.memref_squeeze %dma_start3A_270 : memref<1x80x64xf32, #tpu.memory_space<vmem>> -> memref<80x64xf32, #tpu.memory_space<vmem>>
      %dma_start3A_272 = arith.constant 0 : i32
      %dma_start3A_273 = tpu.memref_slice %arg7[%add3A_233, %dma_start3A_272] : memref<125x80xi32, #tpu.memory_space<vmem>> -> memref<1x80xi32, #tpu.memory_space<vmem>>
      %dma_start3A_274 = tpu.memref_squeeze %dma_start3A_273 : memref<1x80xi32, #tpu.memory_space<vmem>> -> memref<80xi32, #tpu.memory_space<vmem>>
      %dma_start3A_275 = arith.constant 0 : i32
      %dma_start3A_276 = arith.constant 0 : i32
      %dma_start3A_277 = tpu.memref_slice %arg10[%dma_start3A_275, %dma_start3A_276] : memref<10240x64xf32, #tpu.memory_space<vmem_shared>> -> memref<10240x64xf32, #tpu.memory_space<vmem_shared>>
      tpu.enqueue_indirect_dma source(%dma_start3A_271 : memref<80x64xf32, #tpu.memory_space<vmem>>) target(%dma_start3A_277 : memref<10240x64xf32, #tpu.memory_space<vmem_shared>>) offsets(%dma_start3A_274 : memref<80xi32, #tpu.memory_space<vmem>>) semaphore(%arg16 : memref<!tpu.dma_semaphore, #tpu.memory_space<semaphore_mem>>) {add = true}
      %add3A_278 = arith.constant 2 : i32
      %add3A_279 = arith.addi %mul3A_188, %add3A_278 : i32
      %dma_wait3A_280 = arith.constant 0 : i32
      %dma_wait3A_281 = arith.constant 0 : i32
      %dma_wait3A_282 = arith.constant 0 : i32
      %dma_wait3A_283 = tpu.memref_slice %arg8[%dma_wait3A_280, %dma_wait3A_281, %dma_wait3A_282] : memref<4x80x64xf32, #tpu.memory_space<vmem>> -> memref<1x80x64xf32, #tpu.memory_space<vmem>>
      %dma_wait3A_284 = tpu.memref_squeeze %dma_wait3A_283 : memref<1x80x64xf32, #tpu.memory_space<vmem>> -> memref<80x64xf32, #tpu.memory_space<vmem>>
      %dma_wait3A_285 = arith.constant 0 : i32
      %dma_wait3A_286 = arith.constant 0 : i32
      %dma_wait3A_287 = tpu.memref_slice %arg2[%dma_wait3A_285, %dma_wait3A_286] : memref<10240x64xf32, #tpu.memory_space<hbm>> -> memref<80x64xf32, #tpu.memory_space<hbm>>
      %dma_wait3A_288 = arith.constant 0 : i32
      %dma_wait3A_289 = arith.constant 0 : i32
      %dma_wait3A_290 = tpu.memref_slice %arg8[%dma_wait3A_280, %dma_wait3A_288, %dma_wait3A_289] : memref<4x80x64xf32, #tpu.memory_space<vmem>> -> memref<1x80x64xf32, #tpu.memory_space<vmem>>
      %dma_wait3A_291 = tpu.memref_squeeze %dma_wait3A_290 : memref<1x80x64xf32, #tpu.memory_space<vmem>> -> memref<80x64xf32, #tpu.memory_space<vmem>>
      %dma_wait3A_292 = arith.constant 0 : i32
      %dma_wait3A_293 = arith.constant 0 : i32
      %dma_wait3A_294 = tpu.memref_slice %arg2[%dma_wait3A_292, %dma_wait3A_293] : memref<10240x64xf32, #tpu.memory_space<hbm>> -> memref<80x64xf32, #tpu.memory_space<hbm>>
      tpu.wait_dma2 semaphore(%arg15 : memref<!tpu.dma_semaphore, #tpu.memory_space<semaphore_mem>>) src(%dma_wait3A_294 : memref<80x64xf32, #tpu.memory_space<hbm>>) dst(%dma_wait3A_291 : memref<80x64xf32, #tpu.memory_space<vmem>>)
      %add3A_295 = arith.constant 2 : i32
      %add3A_296 = arith.addi %add3A_279, %add3A_295 : i32
      %dma_start3A_297 = arith.constant 0 : i32
      %dma_start3A_298 = arith.constant 0 : i32
      %dma_start3A_299 = arith.constant 0 : i32
      %dma_start3A_300 = tpu.memref_slice %arg8[%dma_start3A_297, %dma_start3A_298, %dma_start3A_299] : memref<4x80x64xf32, #tpu.memory_space<vmem>> -> memref<1x80x64xf32, #tpu.memory_space<vmem>>
      %dma_start3A_301 = tpu.memref_squeeze %dma_start3A_300 : memref<1x80x64xf32, #tpu.memory_space<vmem>> -> memref<80x64xf32, #tpu.memory_space<vmem>>
      %dma_start3A_302 = arith.constant 0 : i32
      %dma_start3A_303 = tpu.memref_slice %arg6[%add3A_296, %dma_start3A_302] : memref<125x80xi32, #tpu.memory_space<vmem>> -> memref<1x80xi32, #tpu.memory_space<vmem>>
      %dma_start3A_304 = tpu.memref_squeeze %dma_start3A_303 : memref<1x80xi32, #tpu.memory_space<vmem>> -> memref<80xi32, #tpu.memory_space<vmem>>
      %dma_start3A_305 = arith.constant 0 : i32
      %dma_start3A_306 = arith.constant 0 : i32
      %dma_start3A_307 = tpu.memref_slice %arg2[%dma_start3A_305, %dma_start3A_306] : memref<10240x64xf32, #tpu.memory_space<hbm>> -> memref<10240x64xf32, #tpu.memory_space<hbm>>
      tpu.enqueue_indirect_dma source(%dma_start3A_307 : memref<10240x64xf32, #tpu.memory_space<hbm>>) target(%dma_start3A_301 : memref<80x64xf32, #tpu.memory_space<vmem>>) offsets(%dma_start3A_304 : memref<80xi32, #tpu.memory_space<vmem>>) semaphore(%arg11 : memref<!tpu.dma_semaphore, #tpu.memory_space<semaphore_mem>>)
      %dma_wait3A_308 = arith.constant 2 : i32
      %dma_wait3A_309 = arith.constant 0 : i32
      %dma_wait3A_310 = arith.constant 0 : i32
      %dma_wait3A_311 = tpu.memref_slice %arg8[%dma_wait3A_308, %dma_wait3A_309, %dma_wait3A_310] : memref<4x80x64xf32, #tpu.memory_space<vmem>> -> memref<1x80x64xf32, #tpu.memory_space<vmem>>
      %dma_wait3A_312 = tpu.memref_squeeze %dma_wait3A_311 : memref<1x80x64xf32, #tpu.memory_space<vmem>> -> memref<80x64xf32, #tpu.memory_space<vmem>>
      %dma_wait3A_313 = arith.constant 0 : i32
      %dma_wait3A_314 = arith.constant 0 : i32
      %dma_wait3A_315 = tpu.memref_slice %arg2[%dma_wait3A_313, %dma_wait3A_314] : memref<10240x64xf32, #tpu.memory_space<hbm>> -> memref<80x64xf32, #tpu.memory_space<hbm>>
      %dma_wait3A_316 = arith.constant 0 : i32
      %dma_wait3A_317 = arith.constant 0 : i32
      %dma_wait3A_318 = tpu.memref_slice %arg8[%dma_wait3A_308, %dma_wait3A_316, %dma_wait3A_317] : memref<4x80x64xf32, #tpu.memory_space<vmem>> -> memref<1x80x64xf32, #tpu.memory_space<vmem>>
      %dma_wait3A_319 = tpu.memref_squeeze %dma_wait3A_318 : memref<1x80x64xf32, #tpu.memory_space<vmem>> -> memref<80x64xf32, #tpu.memory_space<vmem>>
      %dma_wait3A_320 = arith.constant 0 : i32
      %dma_wait3A_321 = arith.constant 0 : i32
      %dma_wait3A_322 = tpu.memref_slice %arg2[%dma_wait3A_320, %dma_wait3A_321] : memref<10240x64xf32, #tpu.memory_space<hbm>> -> memref<80x64xf32, #tpu.memory_space<hbm>>
      tpu.wait_dma2 semaphore(%arg13 : memref<!tpu.dma_semaphore, #tpu.memory_space<semaphore_mem>>) src(%dma_wait3A_322 : memref<80x64xf32, #tpu.memory_space<hbm>>) dst(%dma_wait3A_319 : memref<80x64xf32, #tpu.memory_space<vmem>>)
      %dma_start3A_323 = arith.constant 2 : i32
      %dma_start3A_324 = arith.constant 0 : i32
      %dma_start3A_325 = arith.constant 0 : i32
      %dma_start3A_326 = tpu.memref_slice %arg8[%dma_start3A_323, %dma_start3A_324, %dma_start3A_325] : memref<4x80x64xf32, #tpu.memory_space<vmem>> -> memref<1x80x64xf32, #tpu.memory_space<vmem>>
      %dma_start3A_327 = tpu.memref_squeeze %dma_start3A_326 : memref<1x80x64xf32, #tpu.memory_space<vmem>> -> memref<80x64xf32, #tpu.memory_space<vmem>>
      %dma_start3A_328 = arith.constant 0 : i32
      %dma_start3A_329 = tpu.memref_slice %arg7[%add3A_279, %dma_start3A_328] : memref<125x80xi32, #tpu.memory_space<vmem>> -> memref<1x80xi32, #tpu.memory_space<vmem>>
      %dma_start3A_330 = tpu.memref_squeeze %dma_start3A_329 : memref<1x80xi32, #tpu.memory_space<vmem>> -> memref<80xi32, #tpu.memory_space<vmem>>
      %dma_start3A_331 = arith.constant 0 : i32
      %dma_start3A_332 = arith.constant 0 : i32
      %dma_start3A_333 = tpu.memref_slice %arg10[%dma_start3A_331, %dma_start3A_332] : memref<10240x64xf32, #tpu.memory_space<vmem_shared>> -> memref<10240x64xf32, #tpu.memory_space<vmem_shared>>
      tpu.enqueue_indirect_dma source(%dma_start3A_327 : memref<80x64xf32, #tpu.memory_space<vmem>>) target(%dma_start3A_333 : memref<10240x64xf32, #tpu.memory_space<vmem_shared>>) offsets(%dma_start3A_330 : memref<80xi32, #tpu.memory_space<vmem>>) semaphore(%arg17 : memref<!tpu.dma_semaphore, #tpu.memory_space<semaphore_mem>>) {add = true}
      %add3A_334 = arith.constant 3 : i32
      %add3A_335 = arith.addi %mul3A_188, %add3A_334 : i32
      %lt3A = arith.constant 30 : i32
      %lt3A_336 = arith.cmpi slt, %scan3A_186, %lt3A : i32
      %convert_element_type3A_337 = arith.extui %lt3A_336 : i1 to i32
      %cond3A_338 = arith.constant 0 : i32
      %cond3A_339 = arith.cmpi ne, %convert_element_type3A_337, %cond3A_338 : i32
      scf.if %cond3A_339 {
        %dma_wait3A_366 = arith.constant 1 : i32
        %dma_wait3A_367 = arith.constant 0 : i32
        %dma_wait3A_368 = arith.constant 0 : i32
        %dma_wait3A_369 = tpu.memref_slice %arg8[%dma_wait3A_366, %dma_wait3A_367, %dma_wait3A_368] : memref<4x80x64xf32, #tpu.memory_space<vmem>> -> memref<1x80x64xf32, #tpu.memory_space<vmem>>
        %dma_wait3A_370 = tpu.memref_squeeze %dma_wait3A_369 : memref<1x80x64xf32, #tpu.memory_space<vmem>> -> memref<80x64xf32, #tpu.memory_space<vmem>>
        %dma_wait3A_371 = arith.constant 0 : i32
        %dma_wait3A_372 = arith.constant 0 : i32
        %dma_wait3A_373 = tpu.memref_slice %arg2[%dma_wait3A_371, %dma_wait3A_372] : memref<10240x64xf32, #tpu.memory_space<hbm>> -> memref<80x64xf32, #tpu.memory_space<hbm>>
        %dma_wait3A_374 = arith.constant 0 : i32
        %dma_wait3A_375 = arith.constant 0 : i32
        %dma_wait3A_376 = tpu.memref_slice %arg8[%dma_wait3A_366, %dma_wait3A_374, %dma_wait3A_375] : memref<4x80x64xf32, #tpu.memory_space<vmem>> -> memref<1x80x64xf32, #tpu.memory_space<vmem>>
        %dma_wait3A_377 = tpu.memref_squeeze %dma_wait3A_376 : memref<1x80x64xf32, #tpu.memory_space<vmem>> -> memref<80x64xf32, #tpu.memory_space<vmem>>
        %dma_wait3A_378 = arith.constant 0 : i32
        %dma_wait3A_379 = arith.constant 0 : i32
        %dma_wait3A_380 = tpu.memref_slice %arg2[%dma_wait3A_378, %dma_wait3A_379] : memref<10240x64xf32, #tpu.memory_space<hbm>> -> memref<80x64xf32, #tpu.memory_space<hbm>>
        tpu.wait_dma2 semaphore(%arg16 : memref<!tpu.dma_semaphore, #tpu.memory_space<semaphore_mem>>) src(%dma_wait3A_380 : memref<80x64xf32, #tpu.memory_space<hbm>>) dst(%dma_wait3A_377 : memref<80x64xf32, #tpu.memory_space<vmem>>)
        %add3A_381 = arith.constant 2 : i32
        %add3A_382 = arith.addi %add3A_335, %add3A_381 : i32
        %dma_start3A_383 = arith.constant 1 : i32
        %dma_start3A_384 = arith.constant 0 : i32
        %dma_start3A_385 = arith.constant 0 : i32
        %dma_start3A_386 = tpu.memref_slice %arg8[%dma_start3A_383, %dma_start3A_384, %dma_start3A_385] : memref<4x80x64xf32, #tpu.memory_space<vmem>> -> memref<1x80x64xf32, #tpu.memory_space<vmem>>
        %dma_start3A_387 = tpu.memref_squeeze %dma_start3A_386 : memref<1x80x64xf32, #tpu.memory_space<vmem>> -> memref<80x64xf32, #tpu.memory_space<vmem>>
        %dma_start3A_388 = arith.constant 0 : i32
        %dma_start3A_389 = tpu.memref_slice %arg6[%add3A_382, %dma_start3A_388] : memref<125x80xi32, #tpu.memory_space<vmem>> -> memref<1x80xi32, #tpu.memory_space<vmem>>
        %dma_start3A_390 = tpu.memref_squeeze %dma_start3A_389 : memref<1x80xi32, #tpu.memory_space<vmem>> -> memref<80xi32, #tpu.memory_space<vmem>>
        %dma_start3A_391 = arith.constant 0 : i32
        %dma_start3A_392 = arith.constant 0 : i32
        %dma_start3A_393 = tpu.memref_slice %arg2[%dma_start3A_391, %dma_start3A_392] : memref<10240x64xf32, #tpu.memory_space<hbm>> -> memref<10240x64xf32, #tpu.memory_space<hbm>>
        tpu.enqueue_indirect_dma source(%dma_start3A_393 : memref<10240x64xf32, #tpu.memory_space<hbm>>) target(%dma_start3A_387 : memref<80x64xf32, #tpu.memory_space<vmem>>) offsets(%dma_start3A_390 : memref<80xi32, #tpu.memory_space<vmem>>) semaphore(%arg12 : memref<!tpu.dma_semaphore, #tpu.memory_space<semaphore_mem>>)
      } else {
      }
      %dma_wait3A_340 = arith.constant 3 : i32
      %dma_wait3A_341 = arith.constant 0 : i32
      %dma_wait3A_342 = arith.constant 0 : i32
      %dma_wait3A_343 = tpu.memref_slice %arg8[%dma_wait3A_340, %dma_wait3A_341, %dma_wait3A_342] : memref<4x80x64xf32, #tpu.memory_space<vmem>> -> memref<1x80x64xf32, #tpu.memory_space<vmem>>
      %dma_wait3A_344 = tpu.memref_squeeze %dma_wait3A_343 : memref<1x80x64xf32, #tpu.memory_space<vmem>> -> memref<80x64xf32, #tpu.memory_space<vmem>>
      %dma_wait3A_345 = arith.constant 0 : i32
      %dma_wait3A_346 = arith.constant 0 : i32
      %dma_wait3A_347 = tpu.memref_slice %arg2[%dma_wait3A_345, %dma_wait3A_346] : memref<10240x64xf32, #tpu.memory_space<hbm>> -> memref<80x64xf32, #tpu.memory_space<hbm>>
      %dma_wait3A_348 = arith.constant 0 : i32
      %dma_wait3A_349 = arith.constant 0 : i32
      %dma_wait3A_350 = tpu.memref_slice %arg8[%dma_wait3A_340, %dma_wait3A_348, %dma_wait3A_349] : memref<4x80x64xf32, #tpu.memory_space<vmem>> -> memref<1x80x64xf32, #tpu.memory_space<vmem>>
      %dma_wait3A_351 = tpu.memref_squeeze %dma_wait3A_350 : memref<1x80x64xf32, #tpu.memory_space<vmem>> -> memref<80x64xf32, #tpu.memory_space<vmem>>
      %dma_wait3A_352 = arith.constant 0 : i32
      %dma_wait3A_353 = arith.constant 0 : i32
      %dma_wait3A_354 = tpu.memref_slice %arg2[%dma_wait3A_352, %dma_wait3A_353] : memref<10240x64xf32, #tpu.memory_space<hbm>> -> memref<80x64xf32, #tpu.memory_space<hbm>>
      tpu.wait_dma2 semaphore(%arg14 : memref<!tpu.dma_semaphore, #tpu.memory_space<semaphore_mem>>) src(%dma_wait3A_354 : memref<80x64xf32, #tpu.memory_space<hbm>>) dst(%dma_wait3A_351 : memref<80x64xf32, #tpu.memory_space<vmem>>)
      %dma_start3A_355 = arith.constant 3 : i32
      %dma_start3A_356 = arith.constant 0 : i32
      %dma_start3A_357 = arith.constant 0 : i32
      %dma_start3A_358 = tpu.memref_slice %arg8[%dma_start3A_355, %dma_start3A_356, %dma_start3A_357] : memref<4x80x64xf32, #tpu.memory_space<vmem>> -> memref<1x80x64xf32, #tpu.memory_space<vmem>>
      %dma_start3A_359 = tpu.memref_squeeze %dma_start3A_358 : memref<1x80x64xf32, #tpu.memory_space<vmem>> -> memref<80x64xf32, #tpu.memory_space<vmem>>
      %dma_start3A_360 = arith.constant 0 : i32
      %dma_start3A_361 = tpu.memref_slice %arg7[%add3A_335, %dma_start3A_360] : memref<125x80xi32, #tpu.memory_space<vmem>> -> memref<1x80xi32, #tpu.memory_space<vmem>>
      %dma_start3A_362 = tpu.memref_squeeze %dma_start3A_361 : memref<1x80xi32, #tpu.memory_space<vmem>> -> memref<80xi32, #tpu.memory_space<vmem>>
      %dma_start3A_363 = arith.constant 0 : i32
      %dma_start3A_364 = arith.constant 0 : i32
      %dma_start3A_365 = tpu.memref_slice %arg10[%dma_start3A_363, %dma_start3A_364] : memref<10240x64xf32, #tpu.memory_space<vmem_shared>> -> memref<10240x64xf32, #tpu.memory_space<vmem_shared>>
      tpu.enqueue_indirect_dma source(%dma_start3A_359 : memref<80x64xf32, #tpu.memory_space<vmem>>) target(%dma_start3A_365 : memref<10240x64xf32, #tpu.memory_space<vmem_shared>>) offsets(%dma_start3A_362 : memref<80xi32, #tpu.memory_space<vmem>>) semaphore(%arg18 : memref<!tpu.dma_semaphore, #tpu.memory_space<semaphore_mem>>) {add = true}
    }
    %scan3A_77 = arith.constant 31 : i32
    %dma_wait3A_78 = arith.constant 0 : i32
    %dma_wait3A_79 = arith.constant 0 : i32
    %dma_wait3A_80 = arith.constant 0 : i32
    %dma_wait3A_81 = tpu.memref_slice %arg8[%dma_wait3A_78, %dma_wait3A_79, %dma_wait3A_80] : memref<4x80x64xf32, #tpu.memory_space<vmem>> -> memref<1x80x64xf32, #tpu.memory_space<vmem>>
    %dma_wait3A_82 = tpu.memref_squeeze %dma_wait3A_81 : memref<1x80x64xf32, #tpu.memory_space<vmem>> -> memref<80x64xf32, #tpu.memory_space<vmem>>
    %dma_wait3A_83 = arith.constant 0 : i32
    %dma_wait3A_84 = arith.constant 0 : i32
    %dma_wait3A_85 = tpu.memref_slice %arg2[%dma_wait3A_83, %dma_wait3A_84] : memref<10240x64xf32, #tpu.memory_space<hbm>> -> memref<80x64xf32, #tpu.memory_space<hbm>>
    %dma_wait3A_86 = arith.constant 0 : i32
    %dma_wait3A_87 = arith.constant 0 : i32
    %dma_wait3A_88 = tpu.memref_slice %arg8[%dma_wait3A_78, %dma_wait3A_86, %dma_wait3A_87] : memref<4x80x64xf32, #tpu.memory_space<vmem>> -> memref<1x80x64xf32, #tpu.memory_space<vmem>>
    %dma_wait3A_89 = tpu.memref_squeeze %dma_wait3A_88 : memref<1x80x64xf32, #tpu.memory_space<vmem>> -> memref<80x64xf32, #tpu.memory_space<vmem>>
    %dma_wait3A_90 = arith.constant 0 : i32
    %dma_wait3A_91 = arith.constant 0 : i32
    %dma_wait3A_92 = tpu.memref_slice %arg2[%dma_wait3A_90, %dma_wait3A_91] : memref<10240x64xf32, #tpu.memory_space<hbm>> -> memref<80x64xf32, #tpu.memory_space<hbm>>
    tpu.wait_dma2 semaphore(%arg11 : memref<!tpu.dma_semaphore, #tpu.memory_space<semaphore_mem>>) src(%dma_wait3A_92 : memref<80x64xf32, #tpu.memory_space<hbm>>) dst(%dma_wait3A_89 : memref<80x64xf32, #tpu.memory_space<vmem>>)
    %dma_start3A_93 = arith.constant 0 : i32
    %dma_start3A_94 = arith.constant 124 : i32
    %dma_start3A_95 = arith.constant 0 : i32
    %dma_start3A_96 = arith.constant 0 : i32
    %dma_start3A_97 = tpu.memref_slice %arg8[%dma_start3A_93, %dma_start3A_95, %dma_start3A_96] : memref<4x80x64xf32, #tpu.memory_space<vmem>> -> memref<1x80x64xf32, #tpu.memory_space<vmem>>
    %dma_start3A_98 = tpu.memref_squeeze %dma_start3A_97 : memref<1x80x64xf32, #tpu.memory_space<vmem>> -> memref<80x64xf32, #tpu.memory_space<vmem>>
    %dma_start3A_99 = arith.constant 0 : i32
    %dma_start3A_100 = tpu.memref_slice %arg7[%dma_start3A_94, %dma_start3A_99] : memref<125x80xi32, #tpu.memory_space<vmem>> -> memref<1x80xi32, #tpu.memory_space<vmem>>
    %dma_start3A_101 = tpu.memref_squeeze %dma_start3A_100 : memref<1x80xi32, #tpu.memory_space<vmem>> -> memref<80xi32, #tpu.memory_space<vmem>>
    %dma_start3A_102 = arith.constant 0 : i32
    %dma_start3A_103 = arith.constant 0 : i32
    %dma_start3A_104 = tpu.memref_slice %arg10[%dma_start3A_102, %dma_start3A_103] : memref<10240x64xf32, #tpu.memory_space<vmem_shared>> -> memref<10240x64xf32, #tpu.memory_space<vmem_shared>>
    tpu.enqueue_indirect_dma source(%dma_start3A_98 : memref<80x64xf32, #tpu.memory_space<vmem>>) target(%dma_start3A_104 : memref<10240x64xf32, #tpu.memory_space<vmem_shared>>) offsets(%dma_start3A_101 : memref<80xi32, #tpu.memory_space<vmem>>) semaphore(%arg15 : memref<!tpu.dma_semaphore, #tpu.memory_space<semaphore_mem>>) {add = true}
    %dma_wait3A_105 = arith.constant 0 : i32
    %dma_wait3A_106 = arith.constant 0 : i32
    %dma_wait3A_107 = arith.constant 0 : i32
    %dma_wait3A_108 = tpu.memref_slice %arg8[%dma_wait3A_105, %dma_wait3A_106, %dma_wait3A_107] : memref<4x80x64xf32, #tpu.memory_space<vmem>> -> memref<1x80x64xf32, #tpu.memory_space<vmem>>
    %dma_wait3A_109 = tpu.memref_squeeze %dma_wait3A_108 : memref<1x80x64xf32, #tpu.memory_space<vmem>> -> memref<80x64xf32, #tpu.memory_space<vmem>>
    %dma_wait3A_110 = arith.constant 0 : i32
    %dma_wait3A_111 = arith.constant 0 : i32
    %dma_wait3A_112 = tpu.memref_slice %arg2[%dma_wait3A_110, %dma_wait3A_111] : memref<10240x64xf32, #tpu.memory_space<hbm>> -> memref<80x64xf32, #tpu.memory_space<hbm>>
    %dma_wait3A_113 = arith.constant 0 : i32
    %dma_wait3A_114 = arith.constant 0 : i32
    %dma_wait3A_115 = tpu.memref_slice %arg8[%dma_wait3A_105, %dma_wait3A_113, %dma_wait3A_114] : memref<4x80x64xf32, #tpu.memory_space<vmem>> -> memref<1x80x64xf32, #tpu.memory_space<vmem>>
    %dma_wait3A_116 = tpu.memref_squeeze %dma_wait3A_115 : memref<1x80x64xf32, #tpu.memory_space<vmem>> -> memref<80x64xf32, #tpu.memory_space<vmem>>
    %dma_wait3A_117 = arith.constant 0 : i32
    %dma_wait3A_118 = arith.constant 0 : i32
    %dma_wait3A_119 = tpu.memref_slice %arg2[%dma_wait3A_117, %dma_wait3A_118] : memref<10240x64xf32, #tpu.memory_space<hbm>> -> memref<80x64xf32, #tpu.memory_space<hbm>>
    tpu.wait_dma2 semaphore(%arg15 : memref<!tpu.dma_semaphore, #tpu.memory_space<semaphore_mem>>) src(%dma_wait3A_119 : memref<80x64xf32, #tpu.memory_space<hbm>>) dst(%dma_wait3A_116 : memref<80x64xf32, #tpu.memory_space<vmem>>)
    %dma_wait3A_120 = arith.constant 1 : i32
    %dma_wait3A_121 = arith.constant 0 : i32
    %dma_wait3A_122 = arith.constant 0 : i32
    %dma_wait3A_123 = tpu.memref_slice %arg8[%dma_wait3A_120, %dma_wait3A_121, %dma_wait3A_122] : memref<4x80x64xf32, #tpu.memory_space<vmem>> -> memref<1x80x64xf32, #tpu.memory_space<vmem>>
    %dma_wait3A_124 = tpu.memref_squeeze %dma_wait3A_123 : memref<1x80x64xf32, #tpu.memory_space<vmem>> -> memref<80x64xf32, #tpu.memory_space<vmem>>
    %dma_wait3A_125 = arith.constant 0 : i32
    %dma_wait3A_126 = arith.constant 0 : i32
    %dma_wait3A_127 = tpu.memref_slice %arg2[%dma_wait3A_125, %dma_wait3A_126] : memref<10240x64xf32, #tpu.memory_space<hbm>> -> memref<80x64xf32, #tpu.memory_space<hbm>>
    %dma_wait3A_128 = arith.constant 0 : i32
    %dma_wait3A_129 = arith.constant 0 : i32
    %dma_wait3A_130 = tpu.memref_slice %arg8[%dma_wait3A_120, %dma_wait3A_128, %dma_wait3A_129] : memref<4x80x64xf32, #tpu.memory_space<vmem>> -> memref<1x80x64xf32, #tpu.memory_space<vmem>>
    %dma_wait3A_131 = tpu.memref_squeeze %dma_wait3A_130 : memref<1x80x64xf32, #tpu.memory_space<vmem>> -> memref<80x64xf32, #tpu.memory_space<vmem>>
    %dma_wait3A_132 = arith.constant 0 : i32
    %dma_wait3A_133 = arith.constant 0 : i32
    %dma_wait3A_134 = tpu.memref_slice %arg2[%dma_wait3A_132, %dma_wait3A_133] : memref<10240x64xf32, #tpu.memory_space<hbm>> -> memref<80x64xf32, #tpu.memory_space<hbm>>
    tpu.wait_dma2 semaphore(%arg16 : memref<!tpu.dma_semaphore, #tpu.memory_space<semaphore_mem>>) src(%dma_wait3A_134 : memref<80x64xf32, #tpu.memory_space<hbm>>) dst(%dma_wait3A_131 : memref<80x64xf32, #tpu.memory_space<vmem>>)
    %dma_wait3A_135 = arith.constant 2 : i32
    %dma_wait3A_136 = arith.constant 0 : i32
    %dma_wait3A_137 = arith.constant 0 : i32
    %dma_wait3A_138 = tpu.memref_slice %arg8[%dma_wait3A_135, %dma_wait3A_136, %dma_wait3A_137] : memref<4x80x64xf32, #tpu.memory_space<vmem>> -> memref<1x80x64xf32, #tpu.memory_space<vmem>>
    %dma_wait3A_139 = tpu.memref_squeeze %dma_wait3A_138 : memref<1x80x64xf32, #tpu.memory_space<vmem>> -> memref<80x64xf32, #tpu.memory_space<vmem>>
    %dma_wait3A_140 = arith.constant 0 : i32
    %dma_wait3A_141 = arith.constant 0 : i32
    %dma_wait3A_142 = tpu.memref_slice %arg2[%dma_wait3A_140, %dma_wait3A_141] : memref<10240x64xf32, #tpu.memory_space<hbm>> -> memref<80x64xf32, #tpu.memory_space<hbm>>
    %dma_wait3A_143 = arith.constant 0 : i32
    %dma_wait3A_144 = arith.constant 0 : i32
    %dma_wait3A_145 = tpu.memref_slice %arg8[%dma_wait3A_135, %dma_wait3A_143, %dma_wait3A_144] : memref<4x80x64xf32, #tpu.memory_space<vmem>> -> memref<1x80x64xf32, #tpu.memory_space<vmem>>
    %dma_wait3A_146 = tpu.memref_squeeze %dma_wait3A_145 : memref<1x80x64xf32, #tpu.memory_space<vmem>> -> memref<80x64xf32, #tpu.memory_space<vmem>>
    %dma_wait3A_147 = arith.constant 0 : i32
    %dma_wait3A_148 = arith.constant 0 : i32
    %dma_wait3A_149 = tpu.memref_slice %arg2[%dma_wait3A_147, %dma_wait3A_148] : memref<10240x64xf32, #tpu.memory_space<hbm>> -> memref<80x64xf32, #tpu.memory_space<hbm>>
    tpu.wait_dma2 semaphore(%arg17 : memref<!tpu.dma_semaphore, #tpu.memory_space<semaphore_mem>>) src(%dma_wait3A_149 : memref<80x64xf32, #tpu.memory_space<hbm>>) dst(%dma_wait3A_146 : memref<80x64xf32, #tpu.memory_space<vmem>>)
    %dma_wait3A_150 = arith.constant 3 : i32
    %dma_wait3A_151 = arith.constant 0 : i32
    %dma_wait3A_152 = arith.constant 0 : i32
    %dma_wait3A_153 = tpu.memref_slice %arg8[%dma_wait3A_150, %dma_wait3A_151, %dma_wait3A_152] : memref<4x80x64xf32, #tpu.memory_space<vmem>> -> memref<1x80x64xf32, #tpu.memory_space<vmem>>
    %dma_wait3A_154 = tpu.memref_squeeze %dma_wait3A_153 : memref<1x80x64xf32, #tpu.memory_space<vmem>> -> memref<80x64xf32, #tpu.memory_space<vmem>>
    %dma_wait3A_155 = arith.constant 0 : i32
    %dma_wait3A_156 = arith.constant 0 : i32
    %dma_wait3A_157 = tpu.memref_slice %arg2[%dma_wait3A_155, %dma_wait3A_156] : memref<10240x64xf32, #tpu.memory_space<hbm>> -> memref<80x64xf32, #tpu.memory_space<hbm>>
    %dma_wait3A_158 = arith.constant 0 : i32
    %dma_wait3A_159 = arith.constant 0 : i32
    %dma_wait3A_160 = tpu.memref_slice %arg8[%dma_wait3A_150, %dma_wait3A_158, %dma_wait3A_159] : memref<4x80x64xf32, #tpu.memory_space<vmem>> -> memref<1x80x64xf32, #tpu.memory_space<vmem>>
    %dma_wait3A_161 = tpu.memref_squeeze %dma_wait3A_160 : memref<1x80x64xf32, #tpu.memory_space<vmem>> -> memref<80x64xf32, #tpu.memory_space<vmem>>
    %dma_wait3A_162 = arith.constant 0 : i32
    %dma_wait3A_163 = arith.constant 0 : i32
    %dma_wait3A_164 = tpu.memref_slice %arg2[%dma_wait3A_162, %dma_wait3A_163] : memref<10240x64xf32, #tpu.memory_space<hbm>> -> memref<80x64xf32, #tpu.memory_space<hbm>>
    tpu.wait_dma2 semaphore(%arg18 : memref<!tpu.dma_semaphore, #tpu.memory_space<semaphore_mem>>) src(%dma_wait3A_164 : memref<80x64xf32, #tpu.memory_space<hbm>>) dst(%dma_wait3A_161 : memref<80x64xf32, #tpu.memory_space<vmem>>)
    %barrier3A_165 = arith.constant 0 : index
    tpu.barrier barrier_id(%barrier3A_165)
    %add3A_166 = arith.constant 0 : i32
    %add3A_167 = arith.addi %mul3A_22, %add3A_166 : i32
    %add3A_168 = arith.constant 0 : i32
    %add3A_169 = arith.addi %mul3A_22, %add3A_168 : i32
    "tpu.region"() ({
      %run_scoped3A = tpu.sem_alloc : memref<!tpu.dma_semaphore, #tpu.memory_space<semaphore_mem>>
      %dma_start3A_186 = arith.constant 0 : i32
      %dma_start3A_187 = tpu.memref_slice %arg5[%arg0, %add3A_169, %dma_start3A_186] : memref<2x10240x64xf32, #tpu.memory_space<hbm>> -> memref<1x128x64xf32, #tpu.memory_space<hbm>>
      %dma_start3A_188 = tpu.memref_squeeze %dma_start3A_187 : memref<1x128x64xf32, #tpu.memory_space<hbm>> -> memref<128x64xf32, #tpu.memory_space<hbm>>
      %dma_start3A_189 = arith.constant 0 : i32
      %dma_start3A_190 = tpu.memref_slice %arg10[%add3A_167, %dma_start3A_189] : memref<10240x64xf32, #tpu.memory_space<vmem_shared>> -> memref<128x64xf32, #tpu.memory_space<vmem_shared>>
      tpu.enqueue_dma source(%dma_start3A_190 : memref<128x64xf32, #tpu.memory_space<vmem_shared>>) target(%dma_start3A_188 : memref<128x64xf32, #tpu.memory_space<hbm>>) target_semaphore(%run_scoped3A : memref<!tpu.dma_semaphore, #tpu.memory_space<semaphore_mem>>)
      %dma_wait3A_191 = arith.constant 0 : i32
      %dma_wait3A_192 = tpu.memref_slice %arg5[%arg0, %add3A_169, %dma_wait3A_191] : memref<2x10240x64xf32, #tpu.memory_space<hbm>> -> memref<1x128x64xf32, #tpu.memory_space<hbm>>
      %dma_wait3A_193 = tpu.memref_squeeze %dma_wait3A_192 : memref<1x128x64xf32, #tpu.memory_space<hbm>> -> memref<128x64xf32, #tpu.memory_space<hbm>>
      %dma_wait3A_194 = arith.constant 0 : i32
      %dma_wait3A_195 = tpu.memref_slice %arg10[%add3A_167, %dma_wait3A_194] : memref<10240x64xf32, #tpu.memory_space<vmem_shared>> -> memref<128x64xf32, #tpu.memory_space<vmem_shared>>
      tpu.wait_dma2 semaphore(%run_scoped3A : memref<!tpu.dma_semaphore, #tpu.memory_space<semaphore_mem>>) src(%dma_wait3A_195 : memref<128x64xf32, #tpu.memory_space<vmem_shared>>) dst(%dma_wait3A_193 : memref<128x64xf32, #tpu.memory_space<hbm>>)
      tpu.yield
    }) : () -> ()
    %add3A_170 = arith.constant 128 : i32
    %add3A_171 = arith.addi %mul3A_22, %add3A_170 : i32
    %add3A_172 = arith.constant 128 : i32
    %add3A_173 = arith.addi %mul3A_22, %add3A_172 : i32
    "tpu.region"() ({
      %run_scoped3A = tpu.sem_alloc : memref<!tpu.dma_semaphore, #tpu.memory_space<semaphore_mem>>
      %dma_start3A_186 = arith.constant 0 : i32
      %dma_start3A_187 = tpu.memref_slice %arg5[%arg0, %add3A_173, %dma_start3A_186] : memref<2x10240x64xf32, #tpu.memory_space<hbm>> -> memref<1x128x64xf32, #tpu.memory_space<hbm>>
      %dma_start3A_188 = tpu.memref_squeeze %dma_start3A_187 : memref<1x128x64xf32, #tpu.memory_space<hbm>> -> memref<128x64xf32, #tpu.memory_space<hbm>>
      %dma_start3A_189 = arith.constant 0 : i32
      %dma_start3A_190 = tpu.memref_slice %arg10[%add3A_171, %dma_start3A_189] : memref<10240x64xf32, #tpu.memory_space<vmem_shared>> -> memref<128x64xf32, #tpu.memory_space<vmem_shared>>
      tpu.enqueue_dma source(%dma_start3A_190 : memref<128x64xf32, #tpu.memory_space<vmem_shared>>) target(%dma_start3A_188 : memref<128x64xf32, #tpu.memory_space<hbm>>) target_semaphore(%run_scoped3A : memref<!tpu.dma_semaphore, #tpu.memory_space<semaphore_mem>>)
      %dma_wait3A_191 = arith.constant 0 : i32
      %dma_wait3A_192 = tpu.memref_slice %arg5[%arg0, %add3A_173, %dma_wait3A_191] : memref<2x10240x64xf32, #tpu.memory_space<hbm>> -> memref<1x128x64xf32, #tpu.memory_space<hbm>>
      %dma_wait3A_193 = tpu.memref_squeeze %dma_wait3A_192 : memref<1x128x64xf32, #tpu.memory_space<hbm>> -> memref<128x64xf32, #tpu.memory_space<hbm>>
      %dma_wait3A_194 = arith.constant 0 : i32
      %dma_wait3A_195 = tpu.memref_slice %arg10[%add3A_171, %dma_wait3A_194] : memref<10240x64xf32, #tpu.memory_space<vmem_shared>> -> memref<128x64xf32, #tpu.memory_space<vmem_shared>>
      tpu.wait_dma2 semaphore(%run_scoped3A : memref<!tpu.dma_semaphore, #tpu.memory_space<semaphore_mem>>) src(%dma_wait3A_195 : memref<128x64xf32, #tpu.memory_space<vmem_shared>>) dst(%dma_wait3A_193 : memref<128x64xf32, #tpu.memory_space<hbm>>)
      tpu.yield
    }) : () -> ()
    %add3A_174 = arith.constant 256 : i32
    %add3A_175 = arith.addi %mul3A_22, %add3A_174 : i32
    %add3A_176 = arith.constant 256 : i32
    %add3A_177 = arith.addi %mul3A_22, %add3A_176 : i32
    "tpu.region"() ({
      %run_scoped3A = tpu.sem_alloc : memref<!tpu.dma_semaphore, #tpu.memory_space<semaphore_mem>>
      %dma_start3A_186 = arith.constant 0 : i32
      %dma_start3A_187 = tpu.memref_slice %arg5[%arg0, %add3A_177, %dma_start3A_186] : memref<2x10240x64xf32, #tpu.memory_space<hbm>> -> memref<1x128x64xf32, #tpu.memory_space<hbm>>
      %dma_start3A_188 = tpu.memref_squeeze %dma_start3A_187 : memref<1x128x64xf32, #tpu.memory_space<hbm>> -> memref<128x64xf32, #tpu.memory_space<hbm>>
      %dma_start3A_189 = arith.constant 0 : i32
      %dma_start3A_190 = tpu.memref_slice %arg10[%add3A_175, %dma_start3A_189] : memref<10240x64xf32, #tpu.memory_space<vmem_shared>> -> memref<128x64xf32, #tpu.memory_space<vmem_shared>>
      tpu.enqueue_dma source(%dma_start3A_190 : memref<128x64xf32, #tpu.memory_space<vmem_shared>>) target(%dma_start3A_188 : memref<128x64xf32, #tpu.memory_space<hbm>>) target_semaphore(%run_scoped3A : memref<!tpu.dma_semaphore, #tpu.memory_space<semaphore_mem>>)
      %dma_wait3A_191 = arith.constant 0 : i32
      %dma_wait3A_192 = tpu.memref_slice %arg5[%arg0, %add3A_177, %dma_wait3A_191] : memref<2x10240x64xf32, #tpu.memory_space<hbm>> -> memref<1x128x64xf32, #tpu.memory_space<hbm>>
      %dma_wait3A_193 = tpu.memref_squeeze %dma_wait3A_192 : memref<1x128x64xf32, #tpu.memory_space<hbm>> -> memref<128x64xf32, #tpu.memory_space<hbm>>
      %dma_wait3A_194 = arith.constant 0 : i32
      %dma_wait3A_195 = tpu.memref_slice %arg10[%add3A_175, %dma_wait3A_194] : memref<10240x64xf32, #tpu.memory_space<vmem_shared>> -> memref<128x64xf32, #tpu.memory_space<vmem_shared>>
      tpu.wait_dma2 semaphore(%run_scoped3A : memref<!tpu.dma_semaphore, #tpu.memory_space<semaphore_mem>>) src(%dma_wait3A_195 : memref<128x64xf32, #tpu.memory_space<vmem_shared>>) dst(%dma_wait3A_193 : memref<128x64xf32, #tpu.memory_space<hbm>>)
      tpu.yield
    }) : () -> ()
    %add3A_178 = arith.constant 384 : i32
    %add3A_179 = arith.addi %mul3A_22, %add3A_178 : i32
    %add3A_180 = arith.constant 384 : i32
    %add3A_181 = arith.addi %mul3A_22, %add3A_180 : i32
    "tpu.region"() ({
      %run_scoped3A = tpu.sem_alloc : memref<!tpu.dma_semaphore, #tpu.memory_space<semaphore_mem>>
      %dma_start3A_186 = arith.constant 0 : i32
      %dma_start3A_187 = tpu.memref_slice %arg5[%arg0, %add3A_181, %dma_start3A_186] : memref<2x10240x64xf32, #tpu.memory_space<hbm>> -> memref<1x128x64xf32, #tpu.memory_space<hbm>>
      %dma_start3A_188 = tpu.memref_squeeze %dma_start3A_187 : memref<1x128x64xf32, #tpu.memory_space<hbm>> -> memref<128x64xf32, #tpu.memory_space<hbm>>
      %dma_start3A_189 = arith.constant 0 : i32
      %dma_start3A_190 = tpu.memref_slice %arg10[%add3A_179, %dma_start3A_189] : memref<10240x64xf32, #tpu.memory_space<vmem_shared>> -> memref<128x64xf32, #tpu.memory_space<vmem_shared>>
      tpu.enqueue_dma source(%dma_start3A_190 : memref<128x64xf32, #tpu.memory_space<vmem_shared>>) target(%dma_start3A_188 : memref<128x64xf32, #tpu.memory_space<hbm>>) target_semaphore(%run_scoped3A : memref<!tpu.dma_semaphore, #tpu.memory_space<semaphore_mem>>)
      %dma_wait3A_191 = arith.constant 0 : i32
      %dma_wait3A_192 = tpu.memref_slice %arg5[%arg0, %add3A_181, %dma_wait3A_191] : memref<2x10240x64xf32, #tpu.memory_space<hbm>> -> memref<1x128x64xf32, #tpu.memory_space<hbm>>
      %dma_wait3A_193 = tpu.memref_squeeze %dma_wait3A_192 : memref<1x128x64xf32, #tpu.memory_space<hbm>> -> memref<128x64xf32, #tpu.memory_space<hbm>>
      %dma_wait3A_194 = arith.constant 0 : i32
      %dma_wait3A_195 = tpu.memref_slice %arg10[%add3A_179, %dma_wait3A_194] : memref<10240x64xf32, #tpu.memory_space<vmem_shared>> -> memref<128x64xf32, #tpu.memory_space<vmem_shared>>
      tpu.wait_dma2 semaphore(%run_scoped3A : memref<!tpu.dma_semaphore, #tpu.memory_space<semaphore_mem>>) src(%dma_wait3A_195 : memref<128x64xf32, #tpu.memory_space<vmem_shared>>) dst(%dma_wait3A_193 : memref<128x64xf32, #tpu.memory_space<hbm>>)
      tpu.yield
    }) : () -> ()
    %add3A_182 = arith.constant 512 : i32
    %add3A_183 = arith.addi %mul3A_22, %add3A_182 : i32
    %add3A_184 = arith.constant 512 : i32
    %add3A_185 = arith.addi %mul3A_22, %add3A_184 : i32
    "tpu.region"() ({
      %run_scoped3A = tpu.sem_alloc : memref<!tpu.dma_semaphore, #tpu.memory_space<semaphore_mem>>
      %dma_start3A_186 = arith.constant 0 : i32
      %dma_start3A_187 = tpu.memref_slice %arg5[%arg0, %add3A_185, %dma_start3A_186] : memref<2x10240x64xf32, #tpu.memory_space<hbm>> -> memref<1x128x64xf32, #tpu.memory_space<hbm>>
      %dma_start3A_188 = tpu.memref_squeeze %dma_start3A_187 : memref<1x128x64xf32, #tpu.memory_space<hbm>> -> memref<128x64xf32, #tpu.memory_space<hbm>>
      %dma_start3A_189 = arith.constant 0 : i32
      %dma_start3A_190 = tpu.memref_slice %arg10[%add3A_183, %dma_start3A_189] : memref<10240x64xf32, #tpu.memory_space<vmem_shared>> -> memref<128x64xf32, #tpu.memory_space<vmem_shared>>
      tpu.enqueue_dma source(%dma_start3A_190 : memref<128x64xf32, #tpu.memory_space<vmem_shared>>) target(%dma_start3A_188 : memref<128x64xf32, #tpu.memory_space<hbm>>) target_semaphore(%run_scoped3A : memref<!tpu.dma_semaphore, #tpu.memory_space<semaphore_mem>>)
      %dma_wait3A_191 = arith.constant 0 : i32
      %dma_wait3A_192 = tpu.memref_slice %arg5[%arg0, %add3A_185, %dma_wait3A_191] : memref<2x10240x64xf32, #tpu.memory_space<hbm>> -> memref<1x128x64xf32, #tpu.memory_space<hbm>>
      %dma_wait3A_193 = tpu.memref_squeeze %dma_wait3A_192 : memref<1x128x64xf32, #tpu.memory_space<hbm>> -> memref<128x64xf32, #tpu.memory_space<hbm>>
      %dma_wait3A_194 = arith.constant 0 : i32
      %dma_wait3A_195 = tpu.memref_slice %arg10[%add3A_183, %dma_wait3A_194] : memref<10240x64xf32, #tpu.memory_space<vmem_shared>> -> memref<128x64xf32, #tpu.memory_space<vmem_shared>>
      tpu.wait_dma2 semaphore(%run_scoped3A : memref<!tpu.dma_semaphore, #tpu.memory_space<semaphore_mem>>) src(%dma_wait3A_195 : memref<128x64xf32, #tpu.memory_space<vmem_shared>>) dst(%dma_wait3A_193 : memref<128x64xf32, #tpu.memory_space<hbm>>)
      tpu.yield
    }) : () -> ()
    return
  }
}

module attributes {stable_mosaic.version = 14 : i64} {
  func.func @body(%arg0: memref<2x10240x16xf32, #tpu.memory_space<vmem>>, %arg1: memref<10000x128xf32, #tpu.memory_space<vmem>>, %arg2: memref<128x64xf32, #tpu.memory_space<vmem>>, %arg3: memref<10000x1xf32, #tpu.memory_space<vmem>>, %arg4: memref<10240x64xf32, #tpu.memory_space<vmem>>) attributes {dimension_semantics = [], scalar_prefetch = 0 : i64, scratch_operands = 0 : i64, tpu.core_type = #tpu.core_type<tc>} {
    %get3A = arith.constant 0 : index
    %get3A_0 = arith.constant 0 : index
    %get3A_1 = arith.constant 0 : index
    %get3A_2 = vector.load %arg0[%get3A, %get3A_0, %get3A_1] : memref<2x10240x16xf32, #tpu.memory_space<vmem>>, vector<1x10000x1xf32>
    %get3A_3 = vector.shape_cast %get3A_2 : vector<1x10000x1xf32> to vector<10000x1xf32>
    %get3A_4 = arith.constant 1 : index
    %get3A_5 = arith.constant 0 : index
    %get3A_6 = arith.constant 0 : index
    %get3A_7 = vector.load %arg0[%get3A_4, %get3A_5, %get3A_6] : memref<2x10240x16xf32, #tpu.memory_space<vmem>>, vector<1x10000x1xf32>
    %get3A_8 = vector.shape_cast %get3A_7 : vector<1x10000x1xf32> to vector<10000x1xf32>
    %add3A = arith.addf %get3A_3, %get3A_8 : vector<10000x1xf32>
    %add3A_9 = arith.constant 1.000000e+00 : f32
    %add3A_10 = vector.broadcast %add3A_9 : f32 to vector<10000x1xf32>
    %add3A_11 = arith.addf %add3A, %add3A_10 : vector<10000x1xf32>
    %rsqrt3A = math.rsqrt %add3A_11 : vector<10000x1xf32>
    %swap3A = arith.constant 0 : index
    %swap3A_12 = arith.constant 0 : index
    %swap3A_13 = vector.load %arg3[%swap3A, %swap3A_12] : memref<10000x1xf32, #tpu.memory_space<vmem>>, vector<10000x1xf32>
    tpu.vector_store %arg3[%swap3A, %swap3A_12], %rsqrt3A {strides = array<i32>} : memref<10000x1xf32, #tpu.memory_space<vmem>>, vector<10000x1xf32>,
    %get3A_14 = arith.constant 0 : index
    %get3A_15 = arith.constant 0 : index
    %get3A_16 = vector.load %arg1[%get3A_14, %get3A_15] : memref<10000x128xf32, #tpu.memory_space<vmem>>, vector<10000x128xf32>
    %get3A_17 = arith.constant 0 : index
    %get3A_18 = arith.constant 0 : index
    %get3A_19 = vector.load %arg2[%get3A_17, %get3A_18] : memref<128x64xf32, #tpu.memory_space<vmem>>, vector<128x64xf32>
    %dot_general3A = arith.constant dense<0.000000e+00> : vector<10000x64xf32>
    %dot_general3A_20 = tpu.matmul %get3A_16, %get3A_19, %dot_general3A {dimension_numbers = #tpu.dot_dimension_numbers<[1], [0], [0], [1], [0, 0, 1, 1], [], []>, transpose_lhs_hint = false} : vector<10000x128xf32>, vector<128x64xf32>, vector<10000x64xf32> -> vector<10000x64xf32>
    %mul3A = vector.broadcast %rsqrt3A : vector<10000x1xf32> to vector<10000x64xf32>
    %mul3A_21 = arith.mulf %mul3A, %dot_general3A_20 : vector<10000x64xf32>
    %swap3A_22 = arith.constant 0 : index
    %swap3A_23 = arith.constant 0 : index
    %swap3A_24 = vector.load %arg4[%swap3A_22, %swap3A_23] : memref<10240x64xf32, #tpu.memory_space<vmem>>, vector<10000x64xf32>
    tpu.vector_store %arg4[%swap3A_22, %swap3A_23], %mul3A_21 {strides = array<i32>} : memref<10240x64xf32, #tpu.memory_space<vmem>>, vector<10000x64xf32>,
    %broadcast_in_dim3A = arith.constant 0.000000e+00 : f32
    %broadcast_in_dim3A_25 = vector.broadcast %broadcast_in_dim3A : f32 to vector<240x64xf32>
    %swap3A_26 = arith.constant 10000 : index
    %swap3A_27 = arith.constant 0 : index
    %swap3A_28 = vector.load %arg4[%swap3A_26, %swap3A_27] : memref<10240x64xf32, #tpu.memory_space<vmem>>, vector<240x64xf32>
    tpu.vector_store %arg4[%swap3A_26, %swap3A_27], %broadcast_in_dim3A_25 {strides = array<i32>} : memref<10240x64xf32, #tpu.memory_space<vmem>>, vector<240x64xf32>,
    return
  }
}

module attributes {stable_mosaic.version = 14 : i64} {
  func.func @body(%arg0: memref<2x10240x64xf32, #tpu.memory_space<vmem>>, %arg1: memref<10240x64xf32, #tpu.memory_space<vmem>>, %arg2: memref<10000x1xf32, #tpu.memory_space<vmem>>, %arg3: memref<1x64xf32, #tpu.memory_space<vmem>>, %arg4: memref<1x64xf32, #tpu.memory_space<vmem>>, %arg5: memref<1x64xf32, #tpu.memory_space<vmem>>, %arg6: memref<64x64xf32, #tpu.memory_space<vmem>>, %arg7: memref<10240x64xf32, #tpu.memory_space<vmem>>) attributes {dimension_semantics = [], scalar_prefetch = 0 : i64, scratch_operands = 0 : i64, tpu.core_type = #tpu.core_type<tc>} {
    %get3A = arith.constant 0 : index
    %get3A_0 = arith.constant 0 : index
    %get3A_1 = vector.load %arg2[%get3A, %get3A_0] : memref<10000x1xf32, #tpu.memory_space<vmem>>, vector<10000x1xf32>
    %get3A_2 = arith.constant 0 : index
    %get3A_3 = arith.constant 0 : index
    %get3A_4 = arith.constant 0 : index
    %get3A_5 = vector.load %arg0[%get3A_2, %get3A_3, %get3A_4] : memref<2x10240x64xf32, #tpu.memory_space<vmem>>, vector<1x10000x64xf32>
    %get3A_6 = vector.shape_cast %get3A_5 : vector<1x10000x64xf32> to vector<10000x64xf32>
    %get3A_7 = arith.constant 1 : index
    %get3A_8 = arith.constant 0 : index
    %get3A_9 = arith.constant 0 : index
    %get3A_10 = vector.load %arg0[%get3A_7, %get3A_8, %get3A_9] : memref<2x10240x64xf32, #tpu.memory_space<vmem>>, vector<1x10000x64xf32>
    %get3A_11 = vector.shape_cast %get3A_10 : vector<1x10000x64xf32> to vector<10000x64xf32>
    %add3A = arith.addf %get3A_6, %get3A_11 : vector<10000x64xf32>
    %get3A_12 = arith.constant 0 : index
    %get3A_13 = arith.constant 0 : index
    %get3A_14 = vector.load %arg1[%get3A_12, %get3A_13] : memref<10240x64xf32, #tpu.memory_space<vmem>>, vector<10000x64xf32>
    %add3A_15 = arith.addf %add3A, %get3A_14 : vector<10000x64xf32>
    %mul3A = vector.broadcast %get3A_1 : vector<10000x1xf32> to vector<10000x64xf32>
    %mul3A_16 = arith.mulf %mul3A, %add3A_15 : vector<10000x64xf32>
    %get3A_17 = arith.constant 0 : index
    %get3A_18 = arith.constant 0 : index
    %get3A_19 = vector.load %arg3[%get3A_17, %get3A_18] : memref<1x64xf32, #tpu.memory_space<vmem>>, vector<1x64xf32>
    %add3A_20 = vector.broadcast %get3A_19 : vector<1x64xf32> to vector<10000x64xf32>
    %add3A_21 = arith.addf %mul3A_16, %add3A_20 : vector<10000x64xf32>
    %reduce_sum3A = arith.constant dense<0.000000e+00> : vector<64xf32>
    %reduce_sum3A_22 = vector.multi_reduction <add>, %add3A_21, %reduce_sum3A [0] : vector<10000x64xf32> to vector<64xf32>
    %broadcast_in_dim3A = vector.shape_cast %reduce_sum3A_22 : vector<64xf32> to vector<1x64xf32>
    %div3A = arith.constant 1.000000e+04 : f32
    %div3A_23 = vector.broadcast %div3A : f32 to vector<1x64xf32>
    %div3A_24 = arith.divf %broadcast_in_dim3A, %div3A_23 : vector<1x64xf32>
    %sub3A = vector.broadcast %div3A_24 : vector<1x64xf32> to vector<10000x64xf32>
    %sub3A_25 = arith.subf %add3A_21, %sub3A : vector<10000x64xf32>
    %mul3A_26 = arith.mulf %sub3A_25, %sub3A_25 : vector<10000x64xf32>
    %reduce_sum3A_27 = arith.constant dense<0.000000e+00> : vector<64xf32>
    %reduce_sum3A_28 = vector.multi_reduction <add>, %mul3A_26, %reduce_sum3A_27 [0] : vector<10000x64xf32> to vector<64xf32>
    %broadcast_in_dim3A_29 = vector.shape_cast %reduce_sum3A_28 : vector<64xf32> to vector<1x64xf32>
    %div3A_30 = arith.constant 1.000000e+04 : f32
    %div3A_31 = vector.broadcast %div3A_30 : f32 to vector<1x64xf32>
    %div3A_32 = arith.divf %broadcast_in_dim3A_29, %div3A_31 : vector<1x64xf32>
    %get3A_33 = arith.constant 0 : index
    %get3A_34 = arith.constant 0 : index
    %get3A_35 = vector.load %arg4[%get3A_33, %get3A_34] : memref<1x64xf32, #tpu.memory_space<vmem>>, vector<1x64xf32>
    %mul3A_36 = vector.broadcast %get3A_35 : vector<1x64xf32> to vector<10000x64xf32>
    %mul3A_37 = arith.mulf %mul3A_36, %sub3A_25 : vector<10000x64xf32>
    %add3A_38 = arith.constant 9.99999974E-6 : f32
    %add3A_39 = vector.broadcast %add3A_38 : f32 to vector<1x64xf32>
    %add3A_40 = arith.addf %div3A_32, %add3A_39 : vector<1x64xf32>
    %rsqrt3A = math.rsqrt %add3A_40 : vector<1x64xf32>
    %mul3A_41 = vector.broadcast %rsqrt3A : vector<1x64xf32> to vector<10000x64xf32>
    %mul3A_42 = arith.mulf %mul3A_37, %mul3A_41 : vector<10000x64xf32>
    %get3A_43 = arith.constant 0 : index
    %get3A_44 = arith.constant 0 : index
    %get3A_45 = vector.load %arg5[%get3A_43, %get3A_44] : memref<1x64xf32, #tpu.memory_space<vmem>>, vector<1x64xf32>
    %add3A_46 = vector.broadcast %get3A_45 : vector<1x64xf32> to vector<10000x64xf32>
    %add3A_47 = arith.addf %mul3A_42, %add3A_46 : vector<10000x64xf32>
    %max3A = arith.constant 0.000000e+00 : f32
    %max3A_48 = vector.broadcast %max3A : f32 to vector<10000x64xf32>
    %max3A_49 = arith.maximumf %add3A_47, %max3A_48 : vector<10000x64xf32>
    %get3A_50 = arith.constant 0 : index
    %get3A_51 = arith.constant 0 : index
    %get3A_52 = vector.load %arg6[%get3A_50, %get3A_51] : memref<64x64xf32, #tpu.memory_space<vmem>>, vector<64x64xf32>
    %dot_general3A = arith.constant dense<0.000000e+00> : vector<10000x64xf32>
    %dot_general3A_53 = tpu.matmul %max3A_49, %get3A_52, %dot_general3A {dimension_numbers = #tpu.dot_dimension_numbers<[1], [0], [0], [1], [0, 0, 1, 1], [], []>, transpose_lhs_hint = false} : vector<10000x64xf32>, vector<64x64xf32>, vector<10000x64xf32> -> vector<10000x64xf32>
    %mul3A_54 = vector.broadcast %get3A_1 : vector<10000x1xf32> to vector<10000x64xf32>
    %mul3A_55 = arith.mulf %mul3A_54, %dot_general3A_53 : vector<10000x64xf32>
    %swap3A = arith.constant 0 : index
    %swap3A_56 = arith.constant 0 : index
    %swap3A_57 = vector.load %arg7[%swap3A, %swap3A_56] : memref<10240x64xf32, #tpu.memory_space<vmem>>, vector<10000x64xf32>
    tpu.vector_store %arg7[%swap3A, %swap3A_56], %mul3A_55 {strides = array<i32>} : memref<10240x64xf32, #tpu.memory_space<vmem>>, vector<10000x64xf32>,
    %broadcast_in_dim3A_58 = arith.constant 0.000000e+00 : f32
    %broadcast_in_dim3A_59 = vector.broadcast %broadcast_in_dim3A_58 : f32 to vector<240x64xf32>
    %swap3A_60 = arith.constant 10000 : index
    %swap3A_61 = arith.constant 0 : index
    %swap3A_62 = vector.load %arg7[%swap3A_60, %swap3A_61] : memref<10240x64xf32, #tpu.memory_space<vmem>>, vector<240x64xf32>
    tpu.vector_store %arg7[%swap3A_60, %swap3A_61], %broadcast_in_dim3A_59 {strides = array<i32>} : memref<10240x64xf32, #tpu.memory_space<vmem>>, vector<240x64xf32>,
    return
  }
}

module attributes {stable_mosaic.version = 14 : i64} {
  func.func @body(%arg0: memref<2x10240x64xf32, #tpu.memory_space<vmem>>, %arg1: memref<10240x64xf32, #tpu.memory_space<vmem>>, %arg2: memref<10000x1xf32, #tpu.memory_space<vmem>>, %arg3: memref<1x64xf32, #tpu.memory_space<vmem>>, %arg4: memref<1x64xf32, #tpu.memory_space<vmem>>, %arg5: memref<1x64xf32, #tpu.memory_space<vmem>>, %arg6: memref<10000x1xi32, #tpu.memory_space<vmem>>, %arg7: memref<64x64xf32, #tpu.memory_space<vmem>>, %arg8: memref<1x64xf32, #tpu.memory_space<vmem>>, %arg9: memref<64x2xf32, #tpu.memory_space<vmem>>, %arg10: memref<1x2xf32, #tpu.memory_space<vmem>>, %arg11: memref<64x2xf32, #tpu.memory_space<vmem>>) attributes {dimension_semantics = [], scalar_prefetch = 0 : i64, scratch_operands = 0 : i64, tpu.core_type = #tpu.core_type<tc>} {
    %get3A = arith.constant 0 : index
    %get3A_0 = arith.constant 0 : index
    %get3A_1 = vector.load %arg2[%get3A, %get3A_0] : memref<10000x1xf32, #tpu.memory_space<vmem>>, vector<10000x1xf32>
    %get3A_2 = arith.constant 0 : index
    %get3A_3 = arith.constant 0 : index
    %get3A_4 = arith.constant 0 : index
    %get3A_5 = vector.load %arg0[%get3A_2, %get3A_3, %get3A_4] : memref<2x10240x64xf32, #tpu.memory_space<vmem>>, vector<1x10000x64xf32>
    %get3A_6 = vector.shape_cast %get3A_5 : vector<1x10000x64xf32> to vector<10000x64xf32>
    %get3A_7 = arith.constant 1 : index
    %get3A_8 = arith.constant 0 : index
    %get3A_9 = arith.constant 0 : index
    %get3A_10 = vector.load %arg0[%get3A_7, %get3A_8, %get3A_9] : memref<2x10240x64xf32, #tpu.memory_space<vmem>>, vector<1x10000x64xf32>
    %get3A_11 = vector.shape_cast %get3A_10 : vector<1x10000x64xf32> to vector<10000x64xf32>
    %add3A = arith.addf %get3A_6, %get3A_11 : vector<10000x64xf32>
    %get3A_12 = arith.constant 0 : index
    %get3A_13 = arith.constant 0 : index
    %get3A_14 = vector.load %arg1[%get3A_12, %get3A_13] : memref<10240x64xf32, #tpu.memory_space<vmem>>, vector<10000x64xf32>
    %add3A_15 = arith.addf %add3A, %get3A_14 : vector<10000x64xf32>
    %mul3A = vector.broadcast %get3A_1 : vector<10000x1xf32> to vector<10000x64xf32>
    %mul3A_16 = arith.mulf %mul3A, %add3A_15 : vector<10000x64xf32>
    %get3A_17 = arith.constant 0 : index
    %get3A_18 = arith.constant 0 : index
    %get3A_19 = vector.load %arg3[%get3A_17, %get3A_18] : memref<1x64xf32, #tpu.memory_space<vmem>>, vector<1x64xf32>
    %add3A_20 = vector.broadcast %get3A_19 : vector<1x64xf32> to vector<10000x64xf32>
    %add3A_21 = arith.addf %mul3A_16, %add3A_20 : vector<10000x64xf32>
    %reduce_sum3A = arith.constant dense<0.000000e+00> : vector<64xf32>
    %reduce_sum3A_22 = vector.multi_reduction <add>, %add3A_21, %reduce_sum3A [0] : vector<10000x64xf32> to vector<64xf32>
    %broadcast_in_dim3A = vector.shape_cast %reduce_sum3A_22 : vector<64xf32> to vector<1x64xf32>
    %div3A = arith.constant 1.000000e+04 : f32
    %div3A_23 = vector.broadcast %div3A : f32 to vector<1x64xf32>
    %div3A_24 = arith.divf %broadcast_in_dim3A, %div3A_23 : vector<1x64xf32>
    %sub3A = vector.broadcast %div3A_24 : vector<1x64xf32> to vector<10000x64xf32>
    %sub3A_25 = arith.subf %add3A_21, %sub3A : vector<10000x64xf32>
    %mul3A_26 = arith.mulf %sub3A_25, %sub3A_25 : vector<10000x64xf32>
    %reduce_sum3A_27 = arith.constant dense<0.000000e+00> : vector<64xf32>
    %reduce_sum3A_28 = vector.multi_reduction <add>, %mul3A_26, %reduce_sum3A_27 [0] : vector<10000x64xf32> to vector<64xf32>
    %broadcast_in_dim3A_29 = vector.shape_cast %reduce_sum3A_28 : vector<64xf32> to vector<1x64xf32>
    %div3A_30 = arith.constant 1.000000e+04 : f32
    %div3A_31 = vector.broadcast %div3A_30 : f32 to vector<1x64xf32>
    %div3A_32 = arith.divf %broadcast_in_dim3A_29, %div3A_31 : vector<1x64xf32>
    %get3A_33 = arith.constant 0 : index
    %get3A_34 = arith.constant 0 : index
    %get3A_35 = vector.load %arg4[%get3A_33, %get3A_34] : memref<1x64xf32, #tpu.memory_space<vmem>>, vector<1x64xf32>
    %mul3A_36 = vector.broadcast %get3A_35 : vector<1x64xf32> to vector<10000x64xf32>
    %mul3A_37 = arith.mulf %mul3A_36, %sub3A_25 : vector<10000x64xf32>
    %add3A_38 = arith.constant 9.99999974E-6 : f32
    %add3A_39 = vector.broadcast %add3A_38 : f32 to vector<1x64xf32>
    %add3A_40 = arith.addf %div3A_32, %add3A_39 : vector<1x64xf32>
    %rsqrt3A = math.rsqrt %add3A_40 : vector<1x64xf32>
    %mul3A_41 = vector.broadcast %rsqrt3A : vector<1x64xf32> to vector<10000x64xf32>
    %mul3A_42 = arith.mulf %mul3A_37, %mul3A_41 : vector<10000x64xf32>
    %get3A_43 = arith.constant 0 : index
    %get3A_44 = arith.constant 0 : index
    %get3A_45 = vector.load %arg5[%get3A_43, %get3A_44] : memref<1x64xf32, #tpu.memory_space<vmem>>, vector<1x64xf32>
    %add3A_46 = vector.broadcast %get3A_45 : vector<1x64xf32> to vector<10000x64xf32>
    %add3A_47 = arith.addf %mul3A_42, %add3A_46 : vector<10000x64xf32>
    %max3A = arith.constant 0.000000e+00 : f32
    %max3A_48 = vector.broadcast %max3A : f32 to vector<10000x64xf32>
    %max3A_49 = arith.maximumf %add3A_47, %max3A_48 : vector<10000x64xf32>
    %iota3A = tpu.iota {dimensions = array<i32: 1>} : vector<1x64xi32>
    %get3A_50 = arith.constant 0 : index
    %get3A_51 = arith.constant 0 : index
    %get3A_52 = vector.load %arg6[%get3A_50, %get3A_51] : memref<10000x1xi32, #tpu.memory_space<vmem>>, vector<10000x1xi32>
    %eq3A = vector.broadcast %get3A_52 : vector<10000x1xi32> to vector<10000x64xi32>
    %eq3A_53 = vector.broadcast %iota3A : vector<1x64xi32> to vector<10000x64xi32>
    %eq3A_54 = arith.cmpi eq, %eq3A, %eq3A_53 : vector<10000x64xi32>
    %convert_element_type3A = arith.extui %eq3A_54 : vector<10000x64xi1> to vector<10000x64xi32>
    %convert_element_type3A_55 = arith.sitofp %convert_element_type3A : vector<10000x64xi32> to vector<10000x64xf32>
    %dot_general3A = arith.constant dense<0.000000e+00> : vector<64x64xf32>
    %dot_general3A_56 = tpu.matmul %convert_element_type3A_55, %max3A_49, %dot_general3A {dimension_numbers = #tpu.dot_dimension_numbers<[0], [0], [1], [1], [0, 1, 1, 1], [], []>, transpose_lhs_hint = false} : vector<10000x64xf32>, vector<10000x64xf32>, vector<64x64xf32> -> vector<64x64xf32>
    %broadcast_in_dim3A_57 = arith.constant 1.000000e+00 : f32
    %broadcast_in_dim3A_58 = vector.broadcast %broadcast_in_dim3A_57 : f32 to vector<10000x1xf32>
    %dot_general3A_59 = arith.constant dense<0.000000e+00> : vector<64x1xf32>
    %dot_general3A_60 = tpu.matmul %convert_element_type3A_55, %broadcast_in_dim3A_58, %dot_general3A_59 {dimension_numbers = #tpu.dot_dimension_numbers<[0], [0], [1], [1], [0, 1, 1, 1], [], []>, transpose_lhs_hint = false} : vector<10000x64xf32>, vector<10000x1xf32>, vector<64x1xf32> -> vector<64x1xf32>
    %max3A_61 = arith.constant 1.000000e+00 : f32
    %max3A_62 = vector.broadcast %max3A_61 : f32 to vector<64x1xf32>
    %max3A_63 = arith.maximumf %dot_general3A_60, %max3A_62 : vector<64x1xf32>
    %div3A_64 = vector.broadcast %max3A_63 : vector<64x1xf32> to vector<64x64xf32>
    %div3A_65 = arith.divf %dot_general3A_56, %div3A_64 : vector<64x64xf32>
    %get3A_66 = arith.constant 0 : index
    %get3A_67 = arith.constant 0 : index
    %get3A_68 = vector.load %arg7[%get3A_66, %get3A_67] : memref<64x64xf32, #tpu.memory_space<vmem>>, vector<64x64xf32>
    %dot_general3A_69 = arith.constant dense<0.000000e+00> : vector<64x64xf32>
    %dot_general3A_70 = tpu.matmul %div3A_65, %get3A_68, %dot_general3A_69 {dimension_numbers = #tpu.dot_dimension_numbers<[1], [0], [0], [1], [0, 0, 1, 1], [], []>, transpose_lhs_hint = false} : vector<64x64xf32>, vector<64x64xf32>, vector<64x64xf32> -> vector<64x64xf32>
    %get3A_71 = arith.constant 0 : index
    %get3A_72 = arith.constant 0 : index
    %get3A_73 = vector.load %arg8[%get3A_71, %get3A_72] : memref<1x64xf32, #tpu.memory_space<vmem>>, vector<1x64xf32>
    %add3A_74 = vector.broadcast %get3A_73 : vector<1x64xf32> to vector<64x64xf32>
    %add3A_75 = arith.addf %dot_general3A_70, %add3A_74 : vector<64x64xf32>
    %max3A_76 = arith.constant 0.000000e+00 : f32
    %max3A_77 = vector.broadcast %max3A_76 : f32 to vector<64x64xf32>
    %max3A_78 = arith.maximumf %add3A_75, %max3A_77 : vector<64x64xf32>
    %get3A_79 = arith.constant 0 : index
    %get3A_80 = arith.constant 0 : index
    %get3A_81 = vector.load %arg9[%get3A_79, %get3A_80] : memref<64x2xf32, #tpu.memory_space<vmem>>, vector<64x2xf32>
    %dot_general3A_82 = arith.constant dense<0.000000e+00> : vector<64x2xf32>
    %dot_general3A_83 = tpu.matmul %max3A_78, %get3A_81, %dot_general3A_82 {dimension_numbers = #tpu.dot_dimension_numbers<[1], [0], [0], [1], [0, 0, 1, 1], [], []>, transpose_lhs_hint = false} : vector<64x64xf32>, vector<64x2xf32>, vector<64x2xf32> -> vector<64x2xf32>
    %get3A_84 = arith.constant 0 : index
    %get3A_85 = arith.constant 0 : index
    %get3A_86 = vector.load %arg10[%get3A_84, %get3A_85] : memref<1x2xf32, #tpu.memory_space<vmem>>, vector<1x2xf32>
    %add3A_87 = vector.broadcast %get3A_86 : vector<1x2xf32> to vector<64x2xf32>
    %add3A_88 = arith.addf %dot_general3A_83, %add3A_87 : vector<64x2xf32>
    %swap3A = arith.constant 0 : index
    %swap3A_89 = arith.constant 0 : index
    %swap3A_90 = vector.load %arg11[%swap3A, %swap3A_89] : memref<64x2xf32, #tpu.memory_space<vmem>>, vector<64x2xf32>
    tpu.vector_store %arg11[%swap3A, %swap3A_89], %add3A_88 {strides = array<i32>} : memref<64x2xf32, #tpu.memory_space<vmem>>, vector<64x2xf32>,
    return
  }
}

</mosaic_0001>

<sc_bundles>
// kernel: kernel.10.cloned.1.call-start
scs
__scs_entry_jumppad:
0x0: {  	(pc) =	sbr.rel $0x88, $3  }
0x1: {  	(tag) =	ssettag $0x0;
	lr =	simm.s32 $0x1  }
0x2: {  	[smem:$0x3F8E] =	sst lr;
	_ =	strace $0xD0000000  }
0x3: {  	_ = 	snop  }
0x4: {  	_ = 	snop  }
0x5: {  	_ = 	snop  }
0x6: {  	_ = 	snop  }
0x7: {  	_ = 	snop  }
__scs_overlays_trampoline_lowered:
0x8: {  	[smem:$0x3F9D] =	sst s0  }
0x9: {  	[smem:$0x3F9E] =	sst s1  }
0xa: {  	[smem:$0x3F9F] =	sst s2  }
0xb: {  	[smem:$0x3FA0] =	sst s3  }
0xc: {  	[smem:$0x3FA1] =	sst s4  }
0xd: {  	[smem:$0x3FA2] =	sst s5  }
0xe: {  	[smem:$0x3FA3] =	sst s6  }
0xf: {  	[smem:$0x3FA4] =	sst s7  }
0x10: {  	[smem:$0x3FA5] =	sst s8  }
0x11: {  	[smem:$0x3FA6] =	sst s9;
	s0 =	simm.s32 @!p0 $0x0  }
0x12: {  	s1 =	sld [smem:$0x3F8C];
	s0 =	simm.s32 @p0 $0x1  }
0x13: {  	[smem:$0x3FA7] =	sst s0;
	s0 =	simm.s32 @!p1 $0x0  }
0x14: {  	s2 =	sld [smem:$0x3F8B];
	s0 =	simm.s32 @p1 $0x1  }
0x15: {  	[smem:$0x3FA8] =	sst s0;
	s0 =	simm.s32 @!p2 $0x0  }
0x16: {  	s3 =	sld [smem:$0x3FDB];
	s0 =	simm.s32 @p2 $0x1  }
0x17: {  	s4 =	simm.s32 $0x1BF5;
	[smem:$0x3FAA] =	sst s0  }
0x18: {  	s0 =	sld [smem:$0x3F8D];
	_ =	swait.ge [sflag:s4], $0x0  }
0x19: {  	s7 =	sld [smem:$0x3F8E]  }
0x1a: {  	s8 =	sadd.s32 $0xFFFFE003, lr  }
0x1b: {  	s9 =	sadd.s32 $0xFFFFFEF7, lr;
	s5 =	simm.s32 $0xFFFFFFFF;
	p2 =	slt.u32 s8, $0xFFFFF086  }
0x1c: {  	p1 =	slt.u32 s9, $0xF7A;
	s5 =	simm.s32 @!p2 $0x0  }
0x1d: {  	s5 =	simm.s32 @p1 $0x1;
	p0 =	seq.s32 s7, s2  }
0x1e: {  	s7 =	smul.u32 @!p0 $0xF7A, s2;
	p2 =	seq.s32 @!p0 s5, $0x0  }
0x1f: {  	s9 =	smul.u32 $0xF7A, s1;
	s8 =	simm.s32 @!p0 $0x1BF5;
	p2 =	por !p2, p0  }
0x20: {  	[sflag:s8] =	ssyncset.s32 @!p0 $0xFFFFF086;
	s6 =	sadd.s32 @!p0 s3, s7;
	s7 =	simm.s32 @!p0 $0x108  }
0x21: {  	s3 =	sadd.s32 s3, s9;
	s6 =	sadd.s32 @!p0 $0x88, s6;
	s7 =	simm.s32 @p2 $0x1082  }
0x22: {  	[simem:s7], [sflag:s8] =	dma.local @!p0 [hbm:s6], $0xF7A  }
0x23: {  	s9 =	sor.u32 $0xD0000000, s2;
	s6 =	simm.s32 $0x108;
	_ =	swait.ge @!p0 [sflag:s8], $0x0  }
0x24: {  	s3 =	sadd.s32 $0x88, s3;
	s6 =	simm.s32 @!p1 $0x1082;
	[sflag:s4] =	ssyncset.s32 $0xFFFFF086  }
0x25: {  	[simem:s6], [sflag:s4] =	dma.local [hbm:s3], $0xF7A  }
0x26: {  	[smem:$0x3F8E] =	sst s1;
	(tag) =	ssettag s2;
	_ =	strace s9  }
0x27: {  	s1 =	sld [smem:$0x3F9E]  }
0x28: {  	s2 =	sld [smem:$0x3F9F]  }
0x29: {  	s4 =	sld [smem:$0x3FA1]  }
0x2a: {  	p0 =	seq.s32 s5, $0x0;
	s5 =	sld [smem:$0x3FA2]  }
0x2b: {  	s6 =	sld [smem:$0x3FA3]  }
0x2c: {  	s7 =	sld [smem:$0x3FA4]  }
0x2d: {  	s3 =	simm.s32 $0x108;
	s8 =	sld [smem:$0x3FA5]  }
0x2e: {  	s3 =	simm.s32 @!p0 $0x1082;
	s9 =	sld [smem:$0x3FA6]  }
0x2f: {  	lr =	sadd.s32 s0, s3;
	s0 =	sld [smem:$0x3F9D]  }
0x30: {  	s3 =	sld [smem:$0x3FA0]  }
0x31: {  	[smem:$0x3FA9] =	sst s10  }
0x32: {  	s10 =	sld [smem:$0x3FA7];
	_ =	sdelay $0x3  }
0x33: {  	p0 =	seq.s32 s10, $0x1;
	s10 =	sld [smem:$0x3FA9];
	_ =	sdelay $0x3  }
0x34: {  	[smem:$0x3FA9] =	sst s10  }
0x35: {  	s10 =	sld [smem:$0x3FA8];
	_ =	sdelay $0x3  }
0x36: {  	p1 =	seq.s32 s10, $0x1;
	s10 =	sld [smem:$0x3FA9];
	_ =	sdelay $0x3  }
0x37: {  	[smem:$0x3FA9] =	sst s10  }
0x38: {  	s10 =	sld [smem:$0x3FAA]  }
0x39: {  	_ = 	snop;
	(pc) =	sbr.ind lr, $3  }
0x3a: {  	_ = 	snop  }
0x3b: {  	_ = 	snop  }
0x3c: {  	p2 =	seq.s32 s10, $0x1;
	s10 =	sld [smem:$0x3FA9]  }
0x3d: {  	_ =	shalt  }
0x3e: {  	_ =	shalt  }
0x3f: {  	_ =	shalt  }
0x40: {  	_ =	shalt  }
0x41: {  	_ =	shalt  }
0x42: {  	_ =	shalt  }
0x43: {  	_ =	shalt  }
0x44: {  	_ =	shalt  }
0x45: {  	_ =	shalt  }
0x46: {  	_ =	shalt  }
0x47: {  	_ =	shalt  }
0x48: {  	_ =	shalt  }
0x49: {  	_ =	shalt  }
0x4a: {  	_ =	shalt  }
0x4b: {  	_ =	shalt  }
0x4c: {  	_ =	shalt  }
0x4d: {  	_ =	shalt  }
0x4e: {  	_ =	shalt  }
0x4f: {  	_ =	shalt  }
0x50: {  	_ =	shalt  }
0x51: {  	_ =	shalt  }
0x52: {  	_ =	shalt  }
0x53: {  	_ =	shalt  }
0x54: {  	_ =	shalt  }
0x55: {  	_ =	shalt  }
0x56: {  	_ =	shalt  }
0x57: {  	_ =	shalt  }
0x58: {  	_ =	shalt  }
0x59: {  	_ =	shalt  }
0x5a: {  	_ =	shalt  }
0x5b: {  	_ =	shalt  }
0x5c: {  	_ =	shalt  }
0x5d: {  	_ =	shalt  }
0x5e: {  	_ =	shalt  }
0x5f: {  	_ =	shalt  }
0x60: {  	_ =	shalt  }
0x61: {  	_ =	shalt  }
0x62: {  	_ =	shalt  }
0x63: {  	_ =	shalt  }
0x64: {  	_ =	shalt  }
0x65: {  	_ =	shalt  }
0x66: {  	_ =	shalt  }
0x67: {  	_ =	shalt  }
0x68: {  	_ =	shalt  }
0x69: {  	_ =	shalt  }
0x6a: {  	_ =	shalt  }
0x6b: {  	_ =	shalt  }
0x6c: {  	_ =	shalt  }
0x6d: {  	_ =	shalt  }
0x6e: {  	_ =	shalt  }
0x6f: {  	_ =	shalt  }
0x70: {  	_ =	shalt  }
0x71: {  	_ =	shalt  }
0x72: {  	_ =	shalt  }
0x73: {  	_ =	shalt  }
0x74: {  	_ =	shalt  }
0x75: {  	_ =	shalt  }
0x76: {  	_ =	shalt  }
0x77: {  	_ =	shalt  }
0x78: {  	_ =	shalt  }
0x79: {  	_ =	shalt  }
0x7a: {  	_ =	shalt  }
0x7b: {  	_ =	shalt  }
0x7c: {  	_ =	shalt  }
0x7d: {  	_ =	shalt  }
0x7e: {  	_ =	shalt  }
0x7f: {  	_ =	shalt  }
0x80: {  	_ =	shalt  }
0x81: {  	_ =	shalt  }
0x82: {  	_ =	shalt  }
0x83: {  	_ =	shalt  }
0x84: {  	_ =	shalt  }
0x85: {  	_ =	shalt  }
0x86: {  	_ =	shalt  }
0x87: {  	_ =	shalt  }
.Lfunc_end0:
.L_simem_size_0:
called_computation_lowered:
.L_overlay_start_0:
0x88: {  	s2 =	sld [smem:$0x3FD9]  }
0x89: {  	s3 =	sld [smem:$0x3FFE];
	_ =	sdelay $0x1  }
0x8a: {  	s1 =	srdreg.scid  }
0x8b: {  	s0 =	sand.u32 $0x1, s1  }
0x8c: {  	s16 =	sshll.u32 s0, $0xA;
	s2 =	sadd.s32 s3, s2  }
0x8d: {  	s2 =	sadd.s32 s2, s16  }
0x8e: {  	[smem:$0x3FB5] =	sst s2  }
0x8f: {  	_ = 	snop  }
0x90: {  	(tm) =	ssettm $0x1  }
0x91: {  	s17 =	sld [smem:$0x3FFB];
	_ =	sdelay $0x3  }
0x92: {  	_ =	strace s17  }
0x93: {  	s2 =	sld [smem:$0x3FFC];
	_ =	sdelay $0x3  }
0x94: {  	_ =	strace s2  }
0x95: {  	s2 =	sld [smem:$0x3FFD];
	_ =	sdelay $0x3  }
0x96: {  	_ =	strace s2  }
0x97: {  	_ =	strace $0x8FFFFFFF  }
0x98: {  	s18 =	sld [smem:$0x3FDB];
	_ =	sdelay $0x1  }
0x99: {  	s19 =	simm.s32 $_scs_section_size  }
0x9a: {  	s4 =	simm.s32 $_size__tile_overlayer_lowered;
	s5 =	simm.s32 $_tile_overlayer_lowered  }
0x9b: {  	s22 =	simm.s32 $0x1BFF;
	s21 =	sshll.u32 s5, $0x1;
	s2 =	sadd.s32 s19, s18  }
0x9c: {  	s6 =	simm.s32 $0x0;
	s20 =	sshll.u32 s4, $0x1;
	s4 =	sadd.s32 s21, s2  }
0x9d: {  	[timem:s6], [sflag:s22] =	dma.local [hbm:s4], s20  }
0x9e: {  	_ =	swait.ge [sflag:s22], s20  }
0x9f: {  	s3 =	ssub.s32 $0x0, s20;
	[sflag:s22] =	ssyncset.done $0x0  }
0xa0: {  	[sflag:s22] =	ssyncadd.s32 s3;
	_ =	sdelay $0x1  }
0xa1: {  	s23 =	simm.s32 $0x1B8B  }
0xa2: {  	_ =	swait.ge [sflag:s23], $0x1  }
0xa3: {  	[sflag:s23] =	ssyncset.done $0x0  }
0xa4: {  	s25 =	simm.s32 $0x1B8E;
	s24 =	sld [smem:$0x3FFE];
	[sflag:s23] =	ssyncadd.s32 $0xFFFFFFFF  }
0xa5: {  	s26 =	simm.s32 $execute0_lowered;
	[smem:$0x3FD2] =	sst s25  }
0xa6: {  	s4 =	sshll.u32 s26, $0x1;
	_ =	strace $0x80000046;
	[dreg:$0x1] =	wrdreg $0xFFFFFFFF  }
0xa7: {  	s28 =	simm.s32 $_size_execute0_lowered;
	s2 =	sadd.s32 s2, s4;
	[dreg:$0x0] =	wrdreg $0x0  }
0xa8: {  	s4 =	sshll.u32 s28, $0x1;
	[dreg:$0x2] =	wrdreg s2  }
0xa9: {  	[dreg:$0x3] =	wrdreg s4  }
0xaa: {  	[dreg:$0x4] =	wrdreg $0xC0  }
0xab: {  	_ =	task [dreg:s6], $0x5FFFF  }
0xac: {  	[dreg:$0x1] =	wrdreg $0xFFFFFFFF  }
0xad: {  	[dreg:$0x0] =	wrdreg $0x60  }
0xae: {  	[dreg:$0x2] =	wrdreg s24  }
0xaf: {  	[dreg:$0x3] =	wrdreg $0x34100  }
0xb0: {  	[dreg:$0x4] =	wrdreg $0x9  }
0xb1: {  	_ =	task.clear_ibuf [dreg:s6], $0x5FFFF;
	_ =	strace $0x90000046  }
0xb2: {  	s29 =	simm.s32 $0x9;
	_ =	strace $0x80000048  }
0xb3: {  	_ =	swait.ge [sflag:s29], $0x1  }
0xb4: {  	[sflag:s29] =	ssyncadd.s32 $0xFFFFFFFF  }
0xb5: {  	_ =	strace $0x90000048  }
0xb6: {  	_ =	sfence  }
0xb7: {  	s30 =	sld [smem:$0x0];
	_ =	sdelay $0x2  }
0xb8: {  	s31 =	sshll.u32 s1, $0xD;
	s1 =	sshrl.u32 s1, $0x2  }
0xb9: {  	s3 =	sand.u32 $0x4000, s31;
	s1 =	sadd.s32 s1, s30  }
0xba: {  	s0 =	sor.u32 s3, s0;
	s1 =	sshll.u32 s1, $0x11  }
0xbb: {  	s0 =	sor.u32 s1, s0  }
0xbc: {  	s0 =	sadd.s32 $0x8F2B, s0  }
0xbd: {  	[sflag:s0] =	ssyncadd.remote.s32 $0x1  }
0xbe: {  	_ =	sfence.sel $0xFFFF  }
0xbf: {  	[dreg:$0x0] =	wrdreg $0xFFFFFFFF;
	(pc) =	sbr.abs _section_cstart, $3  }
0xc0: {  	[dreg:$0x1] =	wrdreg $0xFFFFFFFF  }
0xc1: {  	_ =	task.clear_ibuf [dreg:s6], $0x2FFFF;
	_ =	strace $0x9FFFFFFF  }
0xc2: {  	(tm) =	ssettm $0x7FFFFFFF  }
0xc3: {  	_ =	shalt  }
tec
execute0_lowered:
.L_overlay_start_1:
0x0: {  	(tag) =	ssettag $0x1  }
0x1: {  	s4 =	rddreg [dreg:$0x0]  }
0x2: {  	s0 =	srdreg.scid;
	s2 =	rddreg [dreg:$0x1]  }
0x3: {  	s1 =	stileid.u32;
	s3 =	simm.s32 $0x0;
	s19 =	simm.s32 $0x50  }
0x4: {  	s20 =	simm.s32 $0x2710;
	s21 =	simm.s32 $0x2;
	s22 =	simm.s32 $0x3  }
0x5: {  	s23 =	simm.s32 $0x26C0;
	s6 =	sand.u32 $0x1, s0;
	s0 =	rddreg [dreg:$0x2]  }
0x6: {  	s24 =	simm.s32 $0x0;
	[smem:$0x7FF] =	sst s3;
	s9 =	smul.u32 $0x2800, s1  }
0x7: {  	s14 =	sadd.s32 $0x17000, s4;
	s5 =	sshll.u32 s6, $0x4;
	s7 =	ssub.s32 $0x2, s6  }
0x8: {  	_ =	strace $0x80000047;
	s16 =	smul.u32 $0x28000, s6;
	s5 =	sor.u32 s1, s5  }
0x9: {  	s8 =	sshrl.u32 s7, $0x1;
	s10 =	sadd.s32 $0x800, s9;
	s12 =	sadd.s32 $0x1000, s9  }
0xa: {  	s13 =	sadd.s32 $0x1800, s9;
	s17 =	sadd.s32 $0x2000, s9;
	s5 =	smul.u32 $0x4E2, s5  }
0xb: {  	s15 =	ssub.s32 s7, s8;
	s6 =	sadd.s32 s10, s2;
	s7 =	sadd.s32 s12, s2  }
0xc: {  	s8 =	sadd.s32 s13, s2;
	s11 =	sadd.s32 s9, s16;
	s10 =	sadd.s32 s16, s10  }
0xd: {  	s12 =	sadd.s32 s16, s12;
	s13 =	sadd.s32 s16, s13;
	s16 =	sadd.s32 s16, s17  }
0xe: {  	s11 =	sshrl.u32 s11, $0x3;
	s18 =	sshrl.u32 s10, $0x3;
	s12 =	sshrl.u32 s12, $0x3  }
0xf: {  	s13 =	sshrl.u32 s13, $0x3;
	s16 =	sshrl.u32 s16, $0x3;
	s15 =	smax.u32 s15, $0x1  }
0x10: {  	s5 =	sadd.s32 s5, s4;
	s10 =	sadd.s32 s14, s11;
	s11 =	sadd.s32 s14, s18  }
0x11: {  	s12 =	sadd.s32 s14, s12;
	s13 =	sadd.s32 s14, s13;
	s14 =	sadd.s32 s14, s16  }
0x12: {  	s16 =	simm.s32 $0x2C10;
	s18 =	simm.s32 $0x1;
	s4 =	sadd.s32 $0xD200, s5  }
0x13: {  	v0 =	vimm.f32 $0.0e+00;
	v1 =	vimm.f32 $1.000000000e+00;
	s5 =	sadd.s32 s9, s2;
	s9 =	sadd.s32 s17, s2;
	s17 =	simm.s32 $0x4  }
.LBB2_1:
0x14: {  	[tilespmem:s3], [sflag:$0x1] =	stream.linear.gather [hbm4b:s4+s3], $0x2710, $0x38;
	[tilespmem:$0x5C10] =	vst v63  }
0x15: {  	s25 =	simm.s32 $0x0  }
.LBB2_2:
0x16: {  	p0 =	sne.s32 s25, $0x1FC0  }
.Ltmp0:
0x17: {  	_ = 	snop;
	(pc) =	sbr.rel @p0 .LBB2_2-.Ltmp0, $3  }
0x18: {  	_ =	sdelay $0x1  }
0x19: {  	s26 =	sshra.s32 s25, $0x2  }
0x1a: {  	s25 =	sadd.s32 $0x40, s25;
	[tilespmem:s26+$0x2C10] =	vst v0  }
0x1b: {  	s25 =	simm.s32 $0x40;
	s26 =	simm.s32 $0x0  }
.LBB2_4:
0x1c: {  	p0 =	sne.s32 s25, $0x13C0;
	[tilespmem:s26+$0x2710] =	vst v1;
	s26 =	smov.u32 s25;
	s25 =	sadd.s32 $0x40, s25  }
.Ltmp1:
0x1d: {  	(pc) =	sbr.rel @p0 .LBB2_4-.Ltmp1, $2  }
0x1e: {  	_ =	sdelay $0x2  }
0x1f: {  	s26 =	sshra.s32 s26, $0x2  }
0x20: {  	[tilespmem:s26+$0x2710] =	vst v1  }
0x21: {  	[spmem:s5] =	stream.linear.scatter [tilespmem:s16], [sflag:$0x4], $0x800, $0x38;
	[tilespmem:$0x5C10] =	vst v63  }
0x22: {  	_ =	swait.ge [sflag:s17], $0x800  }
0x23: {  	[sflag:s17] =	ssyncset.done $0x0  }
0x24: {  	[sflag:s17] =	ssyncadd.s32 $0xFFFFF800  }
0x25: {  	[spmem:s6] =	stream.linear.scatter [tilespmem:s16], [sflag:$0x4], $0x800, $0x38;
	[tilespmem:$0x5C10] =	vst v63  }
0x26: {  	_ =	swait.ge [sflag:s17], $0x800  }
0x27: {  	[sflag:s17] =	ssyncset.done $0x0  }
0x28: {  	[sflag:s17] =	ssyncadd.s32 $0xFFFFF800  }
0x29: {  	[spmem:s7] =	stream.linear.scatter [tilespmem:s16], [sflag:$0x4], $0x800, $0x38;
	[tilespmem:$0x5C10] =	vst v63  }
0x2a: {  	_ =	swait.ge [sflag:s17], $0x800  }
0x2b: {  	[sflag:s17] =	ssyncset.done $0x0  }
0x2c: {  	[sflag:s17] =	ssyncadd.s32 $0xFFFFF800  }
0x2d: {  	[spmem:s8] =	stream.linear.scatter [tilespmem:s16], [sflag:$0x4], $0x800, $0x38;
	[tilespmem:$0x5C10] =	vst v63  }
0x2e: {  	_ =	swait.ge [sflag:s17], $0x800  }
0x2f: {  	[sflag:s17] =	ssyncset.done $0x0  }
0x30: {  	[sflag:s17] =	ssyncadd.s32 $0xFFFFF800  }
0x31: {  	[spmem:s9] =	stream.linear.scatter [tilespmem:s16], [sflag:$0x4], $0x800, $0x38;
	[tilespmem:$0x5C10] =	vst v63  }
0x32: {  	_ =	swait.ge [sflag:s17], $0x800  }
0x33: {  	[sflag:s17] =	ssyncset.done $0x0  }
0x34: {  	[sflag:s17] =	ssyncadd.s32 $0xFFFFF800  }
0x35: {  	_ =	swait.ge [sflag:s18], $0x2710  }
0x36: {  	[sflag:s18] =	ssyncset.done $0x0  }
0x37: {  	[sflag:s18] =	ssyncadd.s32 $0xFFFFD8F0  }
0x38: {  	[bflag:$0x0] =	sbarrier.arrive $0xFFFF  }
0x39: {  	[spmem:s2] =	stream.indirect.scatter.add.f32 [tilespmem:s20], [sflag:$0x2], $0x10, s3, s19, $0xb8;
	[tilespmem:$0x5C10] =	vst v63  }
0x3a: {  	_ = 	snop  }
0x3b: {  	[spmem:s2] =	stream.indirect.scatter.add.f32 [tilespmem:s20], [sflag:$0x3], $0x10, s19, s19, $0xb8;
	[tilespmem:$0x5C10] =	vst v63  }
0x3c: {  	_ =	swait.ge [sflag:s21], $0x500  }
0x3d: {  	[sflag:s21] =	ssyncset.done $0x0  }
0x3e: {  	s25 =	simm.s32 $0xA0;
	[sflag:s21] =	ssyncadd.s32 $0xFFFFFB00  }
0x3f: {  	[spmem:s2] =	stream.indirect.scatter.add.f32 [tilespmem:s20], [sflag:$0x2], $0x10, s25, s19, $0xb8;
	[tilespmem:$0x5C10] =	vst v63  }
0x40: {  	_ =	swait.ge [sflag:s22], $0x500  }
0x41: {  	[sflag:s22] =	ssyncset.done $0x0  }
0x42: {  	s26 =	simm.s32 $0xF0;
	s25 =	simm.s32 $0xFFFF6A00;
	[sflag:s22] =	ssyncadd.s32 $0xFFFFFB00  }
.LBB2_6:
0x43: {  	[spmem:s2] =	stream.indirect.scatter.add.f32 [tilespmem:s20], [sflag:$0x3], $0x10, s26, s19, $0xb8;
	[tilespmem:$0x5C10] =	vst v63  }
0x44: {  	s26 =	smov.u32 s25  }
0x45: {  	p0 =	sne.s32 s25, $0xFFFFFD80;
	s25 =	sadd.s32 $0x280, s25;
	_ =	swait.ge [sflag:s21], $0x500  }
0x46: {  	s26 =	sshra.s32 s26, $0x2;
	[sflag:s21] =	ssyncset.done $0x0  }
.Ltmp2:
0x47: {  	s28 =	sadd.s32 $0x26C0, s26;
	[sflag:s21] =	ssyncadd.s32 $0xFFFFFB00;
	(pc) =	sbr.rel @p0 .LBB2_6-.Ltmp2, $4  }
0x48: {  	[spmem:s2] =	stream.indirect.scatter.add.f32 [tilespmem:s20], [sflag:$0x2], $0x10, s28, s19, $0xb8;
	[tilespmem:$0x5C10] =	vst v63  }
0x49: {  	_ =	swait.ge [sflag:s22], $0x500  }
0x4a: {  	[sflag:s22] =	ssyncset.done $0x0  }
0x4b: {  	s26 =	sadd.s32 $0x2710, s26;
	[sflag:s22] =	ssyncadd.s32 $0xFFFFFB00  }
0x4c: {  	[spmem:s2] =	stream.indirect.scatter.add.f32 [tilespmem:s20], [sflag:$0x3], $0x10, s26, s19, $0xb8;
	[tilespmem:$0x5C10] =	vst v63  }
0x4d: {  	_ =	swait.ge [sflag:s21], $0x500  }
0x4e: {  	[sflag:s21] =	ssyncset.done $0x0  }
0x4f: {  	[sflag:s21] =	ssyncadd.s32 $0xFFFFFB00  }
0x50: {  	[spmem:s2] =	stream.indirect.scatter.add.f32 [tilespmem:s20], [sflag:$0x2], $0x10, s23, s19, $0xb8;
	[tilespmem:$0x5C10] =	vst v63  }
0x51: {  	_ =	swait.ge [sflag:s21], $0x500  }
0x52: {  	[sflag:s21] =	ssyncset.done $0x0  }
0x53: {  	[sflag:s21] =	ssyncadd.s32 $0xFFFFFB00  }
0x54: {  	_ =	swait.ge [sflag:s22], $0x500  }
0x55: {  	[sflag:s22] =	ssyncset.done $0x0  }
0x56: {  	s25 =	sshll.u32 s1, $0x6;
	[sflag:s22] =	ssyncadd.s32 $0xFFFFFB00  }
0x57: {  	s31 =	sshrl.u32 s5, $0x3;
	s25 =	sor.u32 $0x1C04, s25;
	[bflag:$0x0] =	sbarrier.arrive $0xFFFF  }
0x58: {  	[hbm:s10], [sflag:s25] =	dma.local [spmem:s31], $0x100  }
0x59: {  	_ =	swait.ge [sflag:s17], $0x100  }
0x5a: {  	[sflag:s17] =	ssyncset.done $0x0  }
0x5b: {  	s28 =	sshrl.u32 s6, $0x3;
	[sflag:s17] =	ssyncadd.s32 $0xFFFFFF00  }
0x5c: {  	[hbm:s11], [sflag:s25] =	dma.local [spmem:s28], $0x100  }
0x5d: {  	_ =	swait.ge [sflag:s17], $0x100  }
0x5e: {  	[sflag:s17] =	ssyncset.done $0x0  }
0x5f: {  	s29 =	sshrl.u32 s7, $0x3;
	[sflag:s17] =	ssyncadd.s32 $0xFFFFFF00  }
0x60: {  	[hbm:s12], [sflag:s25] =	dma.local [spmem:s29], $0x100  }
0x61: {  	_ =	swait.ge [sflag:s17], $0x100  }
0x62: {  	[sflag:s17] =	ssyncset.done $0x0  }
0x63: {  	s30 =	sshrl.u32 s8, $0x3;
	[sflag:s17] =	ssyncadd.s32 $0xFFFFFF00  }
0x64: {  	[hbm:s13], [sflag:s25] =	dma.local [spmem:s30], $0x100  }
0x65: {  	s24 =	sadd.s32 $0x1, s24;
	_ =	swait.ge [sflag:s17], $0x100  }
0x66: {  	p0 =	sne.s32 s24, s15;
	[sflag:s17] =	ssyncset.done $0x0  }
.Ltmp3:
0x67: {  	s31 =	sshrl.u32 s9, $0x3;
	[sflag:s17] =	ssyncadd.s32 $0xFFFFFF00;
	(pc) =	sbr.rel @p0 .LBB2_1-.Ltmp3, $4  }
0x68: {  	[hbm:s14], [sflag:s25] =	dma.local [spmem:s31], $0x100  }
0x69: {  	_ =	swait.ge [sflag:s17], $0x100  }
0x6a: {  	[sflag:s17] =	ssyncset.done $0x0  }
0x6b: {  	[sflag:s17] =	ssyncadd.s32 $0xFFFFFF00  }
0x6c: {  	_ =	sfence.sel $0x180000  }
0x6d: {  	[bflag:$0x0] =	sbarrier.arrive $0xFFFF  }
0x6e: {  	p0 =	sne.s32 s1, $0x0;
	_ =	strace $0x90000047  }
0x6f: {  	s0 =	sadd.s32 @!p0 $0x100000, s0;
	[bflag:$0x2] =	sbarrier.arrive $0xFFFF  }
0x70: {  	[sflag:s0] =	ssyncadd.tile.s32 @!p0 $0x1;
	_ =	shalt  }
.Lfunc_end2:
_tile_overlayer_lowered:
.L_overlay_start_2:
0x71: {  	(tag) =	ssettag $0x2  }
0x72: {  	s0 =	rddreg [dreg:$0x0];
	s2 =	stileid.u32  }
0x73: {  	s1 =	rddreg [dreg:$0x1];
	p0 =	sne.s32 s2, $0x0  }
0x74: {  	s3 =	rddreg [dreg:$0x2];
	[bflag:$0x3] =	sbarrier.arrive $0xFFFF;
	s2 =	simm.s32 @!p0 $0x1C04  }
0x75: {  	[timem:s3], [sflag:s2] =	dma.local @!p0 [hbm:s0], s1  }
0x76: {  	s0 =	simm.s32 @!p0 $0x4  }
0x77: {  	_ =	swait.ge @!p0 [sflag:s0], s1  }
0x78: {  	s1 =	ssub.s32 @!p0 $0x0, s1;
	[sflag:s0] =	ssyncset.done @!p0 $0x0  }
0x79: {  	[sflag:s0] =	ssyncadd.s32 @!p0 s1  }
0x7a: {  	[bflag:$0x3] =	sbarrier.arrive $0xFFFF  }
0x7b: {  	_ =	shalt  }

// kernel: kernel.13.cloned.1.call-start
scs
__scs_entry_jumppad:
0x0: {  	(pc) =	sbr.rel $0x88, $3  }
0x1: {  	(tag) =	ssettag $0x0;
	lr =	simm.s32 $0x1  }
0x2: {  	[smem:$0x3F8E] =	sst lr;
	_ =	strace $0xD0000000  }
0x3: {  	_ = 	snop  }
0x4: {  	_ = 	snop  }
0x5: {  	_ = 	snop  }
0x6: {  	_ = 	snop  }
0x7: {  	_ = 	snop  }
__scs_overlays_trampoline_lowered:
0x8: {  	[smem:$0x3F9D] =	sst s0  }
0x9: {  	[smem:$0x3F9E] =	sst s1  }
0xa: {  	[smem:$0x3F9F] =	sst s2  }
0xb: {  	[smem:$0x3FA0] =	sst s3  }
0xc: {  	[smem:$0x3FA1] =	sst s4  }
0xd: {  	[smem:$0x3FA2] =	sst s5  }
0xe: {  	[smem:$0x3FA3] =	sst s6  }
0xf: {  	[smem:$0x3FA4] =	sst s7  }
0x10: {  	[smem:$0x3FA5] =	sst s8  }
0x11: {  	[smem:$0x3FA6] =	sst s9;
	s0 =	simm.s32 @!p0 $0x0  }
0x12: {  	s1 =	sld [smem:$0x3F8C];
	s0 =	simm.s32 @p0 $0x1  }
0x13: {  	[smem:$0x3FA7] =	sst s0;
	s0 =	simm.s32 @!p1 $0x0  }
0x14: {  	s2 =	sld [smem:$0x3F8B];
	s0 =	simm.s32 @p1 $0x1  }
0x15: {  	[smem:$0x3FA8] =	sst s0;
	s0 =	simm.s32 @!p2 $0x0  }
0x16: {  	s3 =	sld [smem:$0x3FDB];
	s0 =	simm.s32 @p2 $0x1  }
0x17: {  	s4 =	simm.s32 $0x1BF5;
	[smem:$0x3FAA] =	sst s0  }
0x18: {  	s0 =	sld [smem:$0x3F8D];
	_ =	swait.ge [sflag:s4], $0x0  }
0x19: {  	s7 =	sld [smem:$0x3F8E]  }
0x1a: {  	s8 =	sadd.s32 $0xFFFFE003, lr  }
0x1b: {  	s9 =	sadd.s32 $0xFFFFFEF7, lr;
	s5 =	simm.s32 $0xFFFFFFFF;
	p2 =	slt.u32 s8, $0xFFFFF086  }
0x1c: {  	p1 =	slt.u32 s9, $0xF7A;
	s5 =	simm.s32 @!p2 $0x0  }
0x1d: {  	s5 =	simm.s32 @p1 $0x1;
	p0 =	seq.s32 s7, s2  }
0x1e: {  	s7 =	smul.u32 @!p0 $0xF7A, s2;
	p2 =	seq.s32 @!p0 s5, $0x0  }
0x1f: {  	s9 =	smul.u32 $0xF7A, s1;
	s8 =	simm.s32 @!p0 $0x1BF5;
	p2 =	por !p2, p0  }
0x20: {  	[sflag:s8] =	ssyncset.s32 @!p0 $0xFFFFF086;
	s6 =	sadd.s32 @!p0 s3, s7;
	s7 =	simm.s32 @!p0 $0x108  }
0x21: {  	s3 =	sadd.s32 s3, s9;
	s6 =	sadd.s32 @!p0 $0x88, s6;
	s7 =	simm.s32 @p2 $0x1082  }
0x22: {  	[simem:s7], [sflag:s8] =	dma.local @!p0 [hbm:s6], $0xF7A  }
0x23: {  	s9 =	sor.u32 $0xD0000000, s2;
	s6 =	simm.s32 $0x108;
	_ =	swait.ge @!p0 [sflag:s8], $0x0  }
0x24: {  	s3 =	sadd.s32 $0x88, s3;
	s6 =	simm.s32 @!p1 $0x1082;
	[sflag:s4] =	ssyncset.s32 $0xFFFFF086  }
0x25: {  	[simem:s6], [sflag:s4] =	dma.local [hbm:s3], $0xF7A  }
0x26: {  	[smem:$0x3F8E] =	sst s1;
	(tag) =	ssettag s2;
	_ =	strace s9  }
0x27: {  	s1 =	sld [smem:$0x3F9E]  }
0x28: {  	s2 =	sld [smem:$0x3F9F]  }
0x29: {  	s4 =	sld [smem:$0x3FA1]  }
0x2a: {  	p0 =	seq.s32 s5, $0x0;
	s5 =	sld [smem:$0x3FA2]  }
0x2b: {  	s6 =	sld [smem:$0x3FA3]  }
0x2c: {  	s7 =	sld [smem:$0x3FA4]  }
0x2d: {  	s3 =	simm.s32 $0x108;
	s8 =	sld [smem:$0x3FA5]  }
0x2e: {  	s3 =	simm.s32 @!p0 $0x1082;
	s9 =	sld [smem:$0x3FA6]  }
0x2f: {  	lr =	sadd.s32 s0, s3;
	s0 =	sld [smem:$0x3F9D]  }
0x30: {  	s3 =	sld [smem:$0x3FA0]  }
0x31: {  	[smem:$0x3FA9] =	sst s10  }
0x32: {  	s10 =	sld [smem:$0x3FA7];
	_ =	sdelay $0x3  }
0x33: {  	p0 =	seq.s32 s10, $0x1;
	s10 =	sld [smem:$0x3FA9];
	_ =	sdelay $0x3  }
0x34: {  	[smem:$0x3FA9] =	sst s10  }
0x35: {  	s10 =	sld [smem:$0x3FA8];
	_ =	sdelay $0x3  }
0x36: {  	p1 =	seq.s32 s10, $0x1;
	s10 =	sld [smem:$0x3FA9];
	_ =	sdelay $0x3  }
0x37: {  	[smem:$0x3FA9] =	sst s10  }
0x38: {  	s10 =	sld [smem:$0x3FAA]  }
0x39: {  	_ = 	snop;
	(pc) =	sbr.ind lr, $3  }
0x3a: {  	_ = 	snop  }
0x3b: {  	_ = 	snop  }
0x3c: {  	p2 =	seq.s32 s10, $0x1;
	s10 =	sld [smem:$0x3FA9]  }
0x3d: {  	_ =	shalt  }
0x3e: {  	_ =	shalt  }
0x3f: {  	_ =	shalt  }
0x40: {  	_ =	shalt  }
0x41: {  	_ =	shalt  }
0x42: {  	_ =	shalt  }
0x43: {  	_ =	shalt  }
0x44: {  	_ =	shalt  }
0x45: {  	_ =	shalt  }
0x46: {  	_ =	shalt  }
0x47: {  	_ =	shalt  }
0x48: {  	_ =	shalt  }
0x49: {  	_ =	shalt  }
0x4a: {  	_ =	shalt  }
0x4b: {  	_ =	shalt  }
0x4c: {  	_ =	shalt  }
0x4d: {  	_ =	shalt  }
0x4e: {  	_ =	shalt  }
0x4f: {  	_ =	shalt  }
0x50: {  	_ =	shalt  }
0x51: {  	_ =	shalt  }
0x52: {  	_ =	shalt  }
0x53: {  	_ =	shalt  }
0x54: {  	_ =	shalt  }
0x55: {  	_ =	shalt  }
0x56: {  	_ =	shalt  }
0x57: {  	_ =	shalt  }
0x58: {  	_ =	shalt  }
0x59: {  	_ =	shalt  }
0x5a: {  	_ =	shalt  }
0x5b: {  	_ =	shalt  }
0x5c: {  	_ =	shalt  }
0x5d: {  	_ =	shalt  }
0x5e: {  	_ =	shalt  }
0x5f: {  	_ =	shalt  }
0x60: {  	_ =	shalt  }
0x61: {  	_ =	shalt  }
0x62: {  	_ =	shalt  }
0x63: {  	_ =	shalt  }
0x64: {  	_ =	shalt  }
0x65: {  	_ =	shalt  }
0x66: {  	_ =	shalt  }
0x67: {  	_ =	shalt  }
0x68: {  	_ =	shalt  }
0x69: {  	_ =	shalt  }
0x6a: {  	_ =	shalt  }
0x6b: {  	_ =	shalt  }
0x6c: {  	_ =	shalt  }
0x6d: {  	_ =	shalt  }
0x6e: {  	_ =	shalt  }
0x6f: {  	_ =	shalt  }
0x70: {  	_ =	shalt  }
0x71: {  	_ =	shalt  }
0x72: {  	_ =	shalt  }
0x73: {  	_ =	shalt  }
0x74: {  	_ =	shalt  }
0x75: {  	_ =	shalt  }
0x76: {  	_ =	shalt  }
0x77: {  	_ =	shalt  }
0x78: {  	_ =	shalt  }
0x79: {  	_ =	shalt  }
0x7a: {  	_ =	shalt  }
0x7b: {  	_ =	shalt  }
0x7c: {  	_ =	shalt  }
0x7d: {  	_ =	shalt  }
0x7e: {  	_ =	shalt  }
0x7f: {  	_ =	shalt  }
0x80: {  	_ =	shalt  }
0x81: {  	_ =	shalt  }
0x82: {  	_ =	shalt  }
0x83: {  	_ =	shalt  }
0x84: {  	_ =	shalt  }
0x85: {  	_ =	shalt  }
0x86: {  	_ =	shalt  }
0x87: {  	_ =	shalt  }
.Lfunc_end0:
.L_simem_size_0:
called_computation.1_lowered:
.L_overlay_start_0:
0x88: {  	s2 =	sld [smem:$0x3FD9]  }
0x89: {  	s3 =	sld [smem:$0x3FFE];
	_ =	sdelay $0x1  }
0x8a: {  	s1 =	srdreg.scid  }
0x8b: {  	s0 =	sand.u32 $0x1, s1  }
0x8c: {  	s16 =	sshll.u32 s0, $0xA;
	s2 =	sadd.s32 s3, s2  }
0x8d: {  	s2 =	sadd.s32 s2, s16  }
0x8e: {  	[smem:$0x3FB5] =	sst s2  }
0x8f: {  	_ = 	snop  }
0x90: {  	(tm) =	ssettm $0x1  }
0x91: {  	s17 =	sld [smem:$0x3FFB];
	_ =	sdelay $0x3  }
0x92: {  	_ =	strace s17  }
0x93: {  	s2 =	sld [smem:$0x3FFC];
	_ =	sdelay $0x3  }
0x94: {  	_ =	strace s2  }
0x95: {  	s2 =	sld [smem:$0x3FFD];
	_ =	sdelay $0x3  }
0x96: {  	_ =	strace s2  }
0x97: {  	_ =	strace $0x8FFFFFFF  }
0x98: {  	s18 =	sld [smem:$0x3FDB];
	_ =	sdelay $0x1  }
0x99: {  	s19 =	simm.s32 $_scs_section_size  }
0x9a: {  	s4 =	simm.s32 $_size__tile_overlayer_lowered;
	s5 =	simm.s32 $_tile_overlayer_lowered  }
0x9b: {  	s22 =	simm.s32 $0x1BFF;
	s21 =	sshll.u32 s5, $0x1;
	s2 =	sadd.s32 s19, s18  }
0x9c: {  	s6 =	simm.s32 $0x0;
	s20 =	sshll.u32 s4, $0x1;
	s4 =	sadd.s32 s21, s2  }
0x9d: {  	[timem:s6], [sflag:s22] =	dma.local [hbm:s4], s20  }
0x9e: {  	_ =	swait.ge [sflag:s22], s20  }
0x9f: {  	s3 =	ssub.s32 $0x0, s20;
	[sflag:s22] =	ssyncset.done $0x0  }
0xa0: {  	[sflag:s22] =	ssyncadd.s32 s3;
	_ =	sdelay $0x1  }
0xa1: {  	s23 =	simm.s32 $0x1B8B  }
0xa2: {  	_ =	swait.ge [sflag:s23], $0x1  }
0xa3: {  	[sflag:s23] =	ssyncset.done $0x0  }
0xa4: {  	s25 =	simm.s32 $0x1B8E;
	s24 =	sld [smem:$0x3FFE];
	[sflag:s23] =	ssyncadd.s32 $0xFFFFFFFF  }
0xa5: {  	s26 =	simm.s32 $execute0_lowered;
	[smem:$0x3FD2] =	sst s25  }
0xa6: {  	s4 =	sshll.u32 s26, $0x1;
	_ =	strace $0x80000049;
	[dreg:$0x1] =	wrdreg $0xFFFFFFFF  }
0xa7: {  	s28 =	simm.s32 $_size_execute0_lowered;
	s2 =	sadd.s32 s2, s4;
	[dreg:$0x0] =	wrdreg $0x0  }
0xa8: {  	s4 =	sshll.u32 s28, $0x1;
	[dreg:$0x2] =	wrdreg s2  }
0xa9: {  	[dreg:$0x3] =	wrdreg s4  }
0xaa: {  	[dreg:$0x4] =	wrdreg $0xC0  }
0xab: {  	_ =	task [dreg:s6], $0x5FFFF  }
0xac: {  	[dreg:$0x1] =	wrdreg $0xFFFFFFFF  }
0xad: {  	[dreg:$0x0] =	wrdreg $0x60  }
0xae: {  	[dreg:$0x2] =	wrdreg s24  }
0xaf: {  	[dreg:$0x3] =	wrdreg $0xBE200  }
0xb0: {  	[dreg:$0x4] =	wrdreg $0x9  }
0xb1: {  	_ =	task.clear_ibuf [dreg:s6], $0x5FFFF;
	_ =	strace $0x90000049  }
0xb2: {  	s29 =	simm.s32 $0x9;
	_ =	strace $0x8000004B  }
0xb3: {  	_ =	swait.ge [sflag:s29], $0x1  }
0xb4: {  	[sflag:s29] =	ssyncadd.s32 $0xFFFFFFFF  }
0xb5: {  	_ =	strace $0x9000004B  }
0xb6: {  	_ =	sfence  }
0xb7: {  	s30 =	sld [smem:$0x0];
	_ =	sdelay $0x2  }
0xb8: {  	s31 =	sshll.u32 s1, $0xD;
	s1 =	sshrl.u32 s1, $0x2  }
0xb9: {  	s3 =	sand.u32 $0x4000, s31;
	s1 =	sadd.s32 s1, s30  }
0xba: {  	s0 =	sor.u32 s3, s0;
	s1 =	sshll.u32 s1, $0x11  }
0xbb: {  	s0 =	sor.u32 s1, s0  }
0xbc: {  	s0 =	sadd.s32 $0x8F2B, s0  }
0xbd: {  	[sflag:s0] =	ssyncadd.remote.s32 $0x1  }
0xbe: {  	_ =	sfence.sel $0xFFFF  }
0xbf: {  	[dreg:$0x0] =	wrdreg $0xFFFFFFFF;
	(pc) =	sbr.abs _section_cstart, $3  }
0xc0: {  	[dreg:$0x1] =	wrdreg $0xFFFFFFFF  }
0xc1: {  	_ =	task.clear_ibuf [dreg:s6], $0x2FFFF;
	_ =	strace $0x9FFFFFFF  }
0xc2: {  	(tm) =	ssettm $0x7FFFFFFF  }
0xc3: {  	_ =	shalt  }
tec
execute0_lowered:
.L_overlay_start_1:
0x0: {  	(tag) =	ssettag $0x1  }
0x1: {  	s0 =	rddreg [dreg:$0x0]  }
0x2: {  	s1 =	rddreg [dreg:$0x1];
	s2 =	srdreg.scid;
	s4 =	simm.s32 $0x0  }
0x3: {  	s7 =	stileid.u32;
	s19 =	simm.s32 $0x9E20;
	s20 =	simm.s32 $0xA  }
0x4: {  	s21 =	simm.s32 $0x9;
	s28 =	simm.s32 $0x1;
	s30 =	simm.s32 $0x8A20  }
0x5: {  	s31 =	simm.s32 $0x2;
	s29 =	simm.s32 $0x3;
	s2 =	sand.u32 $0x1, s2  }
0x6: {  	[smem:$0x7FF] =	sst s4;
	s4 =	sadd.s32 $0x17000, s0;
	s11 =	smul.u32 $0xA000, s7  }
0x7: {  	s3 =	sshll.u32 s2, $0x4;
	_ =	strace $0x8000004A;
	s5 =	ssub.s32 $0x2, s2  }
0x8: {  	s2 =	smul.u32 $0xA0000, s2;
	s3 =	sor.u32 s7, s3;
	s6 =	sshrl.u32 s5, $0x1  }
0x9: {  	s7 =	sadd.s32 s11, s1;
	s23 =	sadd.s32 $0x2000, s11;
	s24 =	sadd.s32 $0x4000, s11  }
0xa: {  	s12 =	sadd.s32 $0x6000, s11;
	s14 =	sadd.s32 $0x8000, s11;
	s3 =	smul.u32 $0x4E2, s3  }
0xb: {  	s5 =	ssub.s32 s5, s6;
	s8 =	sadd.s32 s23, s1;
	s9 =	sadd.s32 s24, s1  }
0xc: {  	s10 =	sadd.s32 s12, s1;
	s13 =	sadd.s32 s11, s2;
	s11 =	sadd.s32 s14, s1  }
0xd: {  	s25 =	sadd.s32 s2, s24;
	s26 =	sadd.s32 s2, s12;
	s24 =	simm.s32 $0x6220  }
0xe: {  	s13 =	sshrl.u32 s13, $0x3;
	s6 =	sshrl.u32 s26, $0x3;
	s17 =	smax.u32 s5, $0x1  }
0xf: {  	s26 =	simm.s32 $0x7620;
	s5 =	simm.s32 $0x8;
	s3 =	sadd.s32 s3, s0  }
0x10: {  	s0 =	sadd.s32 $0x2B000, s0;
	s22 =	sadd.s32 $0x3400, s3;
	s3 =	sadd.s32 $0xD200, s3  }
0x11: {  	s13 =	sadd.s32 s0, s13;
	s15 =	sadd.s32 s0, s6;
	[dreg:$0x3] =	wrdreg s22  }
0x12: {  	s6 =	simm.s32 $0x0;
	[dreg:$0x4] =	wrdreg s3;
	s3 =	sadd.s32 s2, s23  }
0x13: {  	[dreg:$0x5] =	wrdreg s13;
	s2 =	sadd.s32 s2, s14;
	s22 =	simm.s32 $0x50  }
0x14: {  	s23 =	simm.s32 $0x4E20;
	s3 =	sshrl.u32 s3, $0x3;
	s2 =	sshrl.u32 s2, $0x3  }
0x15: {  	s3 =	sadd.s32 s0, s3;
	s16 =	sadd.s32 s0, s2;
	s2 =	simm.s32 $0x5  }
0x16: {  	[dreg:$0x6] =	wrdreg s3;
	s3 =	sshrl.u32 s25, $0x3;
	s25 =	simm.s32 $0x6  }
0x17: {  	v0 =	vimm.f32 $0.0e+00;
	s14 =	sadd.s32 s0, s3;
	s0 =	simm.s32 $0x4;
	s3 =	simm.s32 $0x7  }
.LBB2_1:
0x18: {  	s12 =	simm.s32 $0x0;
	s13 =	rddreg [dreg:$0x3]  }
0x19: {  	[tilespmem:s12], [sflag:$0x9] =	stream.linear.gather [hbm4b:s13+s12], $0x2710, $0x38;
	[tilespmem:$0x15E20] =	vst v63  }
0x1a: {  	s18 =	simm.s32 $0x2710;
	s13 =	rddreg [dreg:$0x4]  }
0x1b: {  	[tilespmem:s18], [sflag:$0x9] =	stream.linear.gather [hbm4b:s13+s12], $0x2710, $0x38;
	[tilespmem:$0x15E20] =	vst v63  }
0x1c: {  	s13 =	simm.s32 $0x100;
	s12 =	simm.s32 $0x0  }
.LBB2_2:
0x1d: {  	p0 =	sne.s32 s13, $0x7F00;
	[tilespmem:s12+$0x9E50] =	vst v0;
	s18 =	smov.u32 s13;
	s13 =	sadd.s32 $0x100, s13  }
.Ltmp0:
0x1e: {  	[tilespmem:s12+$0x9E40] =	vst v0;
	(pc) =	sbr.rel @p0 .LBB2_2-.Ltmp0, $3  }
0x1f: {  	[tilespmem:s12+$0x9E20] =	vst v0  }
0x20: {  	[tilespmem:s12+$0x9E30] =	vst v0;
	_ =	sdelay $0x1  }
0x21: {  	s12 =	sshra.s32 s18, $0x2  }
0x22: {  	[tilespmem:s12+$0x9E50] =	vst v0  }
0x23: {  	[tilespmem:s12+$0x9E40] =	vst v0  }
0x24: {  	[tilespmem:s12+$0x9E20] =	vst v0  }
0x25: {  	[tilespmem:s12+$0x9E30] =	vst v0  }
0x26: {  	[spmem:s7] =	stream.linear.scatter [tilespmem:s19], [sflag:$0xA], $0x2000, $0x38;
	[tilespmem:$0x15E20] =	vst v63  }
0x27: {  	_ =	swait.ge [sflag:s20], $0x2000  }
0x28: {  	[sflag:s20] =	ssyncset.done $0x0  }
0x29: {  	[sflag:s20] =	ssyncadd.s32 $0xFFFFE000  }
0x2a: {  	[spmem:s8] =	stream.linear.scatter [tilespmem:s19], [sflag:$0xA], $0x2000, $0x38;
	[tilespmem:$0x15E20] =	vst v63  }
0x2b: {  	_ =	swait.ge [sflag:s20], $0x2000  }
0x2c: {  	[sflag:s20] =	ssyncset.done $0x0  }
0x2d: {  	[sflag:s20] =	ssyncadd.s32 $0xFFFFE000  }
0x2e: {  	[spmem:s9] =	stream.linear.scatter [tilespmem:s19], [sflag:$0xA], $0x2000, $0x38;
	[tilespmem:$0x15E20] =	vst v63  }
0x2f: {  	_ =	swait.ge [sflag:s20], $0x2000  }
0x30: {  	[sflag:s20] =	ssyncset.done $0x0  }
0x31: {  	[sflag:s20] =	ssyncadd.s32 $0xFFFFE000  }
0x32: {  	[spmem:s10] =	stream.linear.scatter [tilespmem:s19], [sflag:$0xA], $0x2000, $0x38;
	[tilespmem:$0x15E20] =	vst v63  }
0x33: {  	_ =	swait.ge [sflag:s20], $0x2000  }
0x34: {  	[sflag:s20] =	ssyncset.done $0x0  }
0x35: {  	[sflag:s20] =	ssyncadd.s32 $0xFFFFE000  }
0x36: {  	[spmem:s11] =	stream.linear.scatter [tilespmem:s19], [sflag:$0xA], $0x2000, $0x38;
	[tilespmem:$0x15E20] =	vst v63  }
0x37: {  	_ =	swait.ge [sflag:s20], $0x2000  }
0x38: {  	[sflag:s20] =	ssyncset.done $0x0  }
0x39: {  	[sflag:s20] =	ssyncadd.s32 $0xFFFFE000  }
0x3a: {  	_ =	swait.ge [sflag:s21], $0x2710  }
0x3b: {  	[sflag:s21] =	ssyncset.done $0x0  }
0x3c: {  	[sflag:s21] =	ssyncadd.s32 $0xFFFFD8F0  }
0x3d: {  	_ =	swait.ge [sflag:s21], $0x2710  }
0x3e: {  	[sflag:s21] =	ssyncset.done $0x0  }
0x3f: {  	[sflag:s21] =	ssyncadd.s32 $0xFFFFD8F0  }
0x40: {  	s13 =	simm.s32 $0x0;
	[bflag:$0x0] =	sbarrier.arrive $0xFFFF  }
0x41: {  	[tilespmem:s23], [sflag:$0x1] =	stream.indirect.gather [hbm4b:s4+s22], $0x40, s13, s22, $0xb8;
	[tilespmem:$0x15E20] =	vst v63  }
0x42: {  	_ = 	snop  }
0x43: {  	[tilespmem:s24], [sflag:$0x2] =	stream.indirect.gather [hbm4b:s4+s22], $0x40, s22, s22, $0xb8;
	[tilespmem:$0x15E20] =	vst v63  }
0x44: {  	s18 =	simm.s32 $0xA0  }
0x45: {  	[tilespmem:s26], [sflag:$0x3] =	stream.indirect.gather [hbm4b:s4+s22], $0x40, s18, s22, $0xb8;
	[tilespmem:$0x15E20] =	vst v63  }
0x46: {  	_ =	swait.ge [sflag:s28], $0x1400  }
0x47: {  	[sflag:s28] =	ssyncset.done $0x0  }
0x48: {  	s13 =	simm.s32 $0x2710;
	[sflag:s28] =	ssyncadd.s32 $0xFFFFEC00  }
0x49: {  	[spmem:s1] =	stream.indirect.scatter.add.f32 [tilespmem:s23], [sflag:$0x5], $0x40, s13, s22, $0xb8;
	[tilespmem:$0x15E20] =	vst v63  }
0x4a: {  	s18 =	simm.s32 $0xF0  }
0x4b: {  	[tilespmem:s30], [sflag:$0x4] =	stream.indirect.gather [hbm4b:s4+s22], $0x40, s18, s22, $0xb8;
	[tilespmem:$0x15E20] =	vst v63  }
0x4c: {  	_ =	swait.ge [sflag:s31], $0x1400  }
0x4d: {  	[sflag:s31] =	ssyncset.done $0x0  }
0x4e: {  	s13 =	simm.s32 $0x2760;
	[sflag:s31] =	ssyncadd.s32 $0xFFFFEC00  }
0x4f: {  	[spmem:s1] =	stream.indirect.scatter.add.f32 [tilespmem:s24], [sflag:$0x6], $0x40, s13, s22, $0xb8;
	[tilespmem:$0x15E20] =	vst v63  }
0x50: {  	_ =	swait.ge [sflag:s2], $0x1400  }
0x51: {  	[sflag:s2] =	ssyncset.done $0x0  }
0x52: {  	s18 =	simm.s32 $0x140;
	[sflag:s2] =	ssyncadd.s32 $0xFFFFEC00  }
0x53: {  	[tilespmem:s23], [sflag:$0x1] =	stream.indirect.gather [hbm4b:s4+s22], $0x40, s18, s22, $0xb8;
	[tilespmem:$0x15E20] =	vst v63  }
0x54: {  	_ =	swait.ge [sflag:s29], $0x1400  }
0x55: {  	[sflag:s29] =	ssyncset.done $0x0  }
0x56: {  	s13 =	simm.s32 $0x27B0;
	[sflag:s29] =	ssyncadd.s32 $0xFFFFEC00  }
0x57: {  	[spmem:s1] =	stream.indirect.scatter.add.f32 [tilespmem:s26], [sflag:$0x7], $0x40, s13, s22, $0xb8;
	[tilespmem:$0x15E20] =	vst v63  }
0x58: {  	_ =	swait.ge [sflag:s25], $0x1400  }
0x59: {  	[sflag:s25] =	ssyncset.done $0x0  }
0x5a: {  	s18 =	simm.s32 $0x190;
	[sflag:s25] =	ssyncadd.s32 $0xFFFFEC00  }
0x5b: {  	[tilespmem:s24], [sflag:$0x2] =	stream.indirect.gather [hbm4b:s4+s22], $0x40, s18, s22, $0xb8;
	[tilespmem:$0x15E20] =	vst v63  }
0x5c: {  	_ =	swait.ge [sflag:s0], $0x1400  }
0x5d: {  	[sflag:s0] =	ssyncset.done $0x0  }
0x5e: {  	s13 =	simm.s32 $0x2800;
	[sflag:s0] =	ssyncadd.s32 $0xFFFFEC00  }
0x5f: {  	[spmem:s1] =	stream.indirect.scatter.add.f32 [tilespmem:s30], [sflag:$0x8], $0x40, s13, s22, $0xb8;
	[tilespmem:$0x15E20] =	vst v63  }
0x60: {  	_ =	swait.ge [sflag:s3], $0x1400  }
0x61: {  	[sflag:s3] =	ssyncset.done $0x0  }
0x62: {  	s18 =	simm.s32 $0x1E0;
	[sflag:s3] =	ssyncadd.s32 $0xFFFFEC00  }
0x63: {  	[tilespmem:s26], [sflag:$0x3] =	stream.indirect.gather [hbm4b:s4+s22], $0x40, s18, s22, $0xb8;
	[tilespmem:$0x15E20] =	vst v63  }
0x64: {  	_ =	swait.ge [sflag:s28], $0x1400  }
0x65: {  	[sflag:s28] =	ssyncset.done $0x0  }
0x66: {  	s13 =	simm.s32 $0x2850;
	[sflag:s28] =	ssyncadd.s32 $0xFFFFEC00  }
0x67: {  	[spmem:s1] =	stream.indirect.scatter.add.f32 [tilespmem:s23], [sflag:$0x5], $0x40, s13, s22, $0xb8;
	[tilespmem:$0x15E20] =	vst v63  }
0x68: {  	_ =	swait.ge [sflag:s5], $0x1400  }
0x69: {  	[sflag:s5] =	ssyncset.done $0x0  }
0x6a: {  	s18 =	simm.s32 $0x230;
	[sflag:s5] =	ssyncadd.s32 $0xFFFFEC00  }
0x6b: {  	[tilespmem:s30], [sflag:$0x4] =	stream.indirect.gather [hbm4b:s4+s22], $0x40, s18, s22, $0xb8;
	[tilespmem:$0x15E20] =	vst v63  }
0x6c: {  	_ =	swait.ge [sflag:s31], $0x1400  }
0x6d: {  	[sflag:s31] =	ssyncset.done $0x0  }
0x6e: {  	s13 =	simm.s32 $0x28A0;
	[sflag:s31] =	ssyncadd.s32 $0xFFFFEC00  }
0x6f: {  	[spmem:s1] =	stream.indirect.scatter.add.f32 [tilespmem:s24], [sflag:$0x6], $0x40, s13, s22, $0xb8;
	[tilespmem:$0x15E20] =	vst v63  }
0x70: {  	_ =	swait.ge [sflag:s2], $0x1400  }
0x71: {  	[sflag:s2] =	ssyncset.done $0x0  }
0x72: {  	s18 =	simm.s32 $0x280;
	[sflag:s2] =	ssyncadd.s32 $0xFFFFEC00  }
0x73: {  	[tilespmem:s23], [sflag:$0x1] =	stream.indirect.gather [hbm4b:s4+s22], $0x40, s18, s22, $0xb8;
	[tilespmem:$0x15E20] =	vst v63  }
0x74: {  	_ =	swait.ge [sflag:s29], $0x1400  }
0x75: {  	[sflag:s29] =	ssyncset.done $0x0  }
0x76: {  	s13 =	simm.s32 $0x28F0;
	[sflag:s29] =	ssyncadd.s32 $0xFFFFEC00  }
0x77: {  	[spmem:s1] =	stream.indirect.scatter.add.f32 [tilespmem:s26], [sflag:$0x7], $0x40, s13, s22, $0xb8;
	[tilespmem:$0x15E20] =	vst v63  }
0x78: {  	_ =	swait.ge [sflag:s25], $0x1400  }
0x79: {  	[sflag:s25] =	ssyncset.done $0x0  }
0x7a: {  	s18 =	simm.s32 $0x2D0;
	[sflag:s25] =	ssyncadd.s32 $0xFFFFEC00  }
0x7b: {  	[tilespmem:s24], [sflag:$0x2] =	stream.indirect.gather [hbm4b:s4+s22], $0x40, s18, s22, $0xb8;
	[tilespmem:$0x15E20] =	vst v63  }
0x7c: {  	_ =	swait.ge [sflag:s0], $0x1400  }
0x7d: {  	[sflag:s0] =	ssyncset.done $0x0  }
0x7e: {  	s12 =	simm.s32 $0x500;
	s13 =	simm.s32 $0x2940;
	[sflag:s0] =	ssyncadd.s32 $0xFFFFEC00  }
.LBB2_4:
0x7f: {  	[spmem:s1] =	stream.indirect.scatter.add.f32 [tilespmem:s30], [sflag:$0x8], $0x40, s13, s22, $0xb8;
	[tilespmem:$0x15E20] =	vst v63  }
0x80: {  	s13 =	smov.u32 s12;
	s12 =	sadd.s32 $0x500, s12;
	_ =	swait.ge [sflag:s3], $0x1400  }
0x81: {  	s13 =	sshra.s32 s13, $0x2;
	p0 =	sne.s32 s12, $0x9100;
	[sflag:s3] =	ssyncset.done $0x0  }
0x82: {  	s18 =	sadd.s32 $0x1E0, s13;
	[sflag:s3] =	ssyncadd.s32 $0xFFFFEC00  }
0x83: {  	[tilespmem:s26], [sflag:$0x3] =	stream.indirect.gather [hbm4b:s4+s22], $0x40, s18, s22, $0xb8;
	[tilespmem:$0x15E20] =	vst v63  }
0x84: {  	_ =	swait.ge [sflag:s28], $0x1400  }
0x85: {  	[sflag:s28] =	ssyncset.done $0x0  }
0x86: {  	s18 =	sadd.s32 $0x2850, s13;
	[sflag:s28] =	ssyncadd.s32 $0xFFFFEC00  }
0x87: {  	[spmem:s1] =	stream.indirect.scatter.add.f32 [tilespmem:s23], [sflag:$0x5], $0x40, s18, s22, $0xb8;
	[tilespmem:$0x15E20] =	vst v63  }
0x88: {  	_ =	swait.ge [sflag:s5], $0x1400  }
0x89: {  	[sflag:s5] =	ssyncset.done $0x0  }
0x8a: {  	s18 =	sadd.s32 $0x230, s13;
	[sflag:s5] =	ssyncadd.s32 $0xFFFFEC00  }
0x8b: {  	[tilespmem:s30], [sflag:$0x4] =	stream.indirect.gather [hbm4b:s4+s22], $0x40, s18, s22, $0xb8;
	[tilespmem:$0x15E20] =	vst v63  }
0x8c: {  	_ =	swait.ge [sflag:s31], $0x1400  }
0x8d: {  	[sflag:s31] =	ssyncset.done $0x0  }
0x8e: {  	s18 =	sadd.s32 $0x28A0, s13;
	[sflag:s31] =	ssyncadd.s32 $0xFFFFEC00  }
0x8f: {  	[spmem:s1] =	stream.indirect.scatter.add.f32 [tilespmem:s24], [sflag:$0x6], $0x40, s18, s22, $0xb8;
	[tilespmem:$0x15E20] =	vst v63  }
0x90: {  	_ =	swait.ge [sflag:s2], $0x1400  }
0x91: {  	[sflag:s2] =	ssyncset.done $0x0  }
0x92: {  	s18 =	sadd.s32 $0x280, s13;
	[sflag:s2] =	ssyncadd.s32 $0xFFFFEC00  }
0x93: {  	[tilespmem:s23], [sflag:$0x1] =	stream.indirect.gather [hbm4b:s4+s22], $0x40, s18, s22, $0xb8;
	[tilespmem:$0x15E20] =	vst v63  }
0x94: {  	_ =	swait.ge [sflag:s29], $0x1400  }
0x95: {  	[sflag:s29] =	ssyncset.done $0x0  }
0x96: {  	s18 =	sadd.s32 $0x28F0, s13;
	[sflag:s29] =	ssyncadd.s32 $0xFFFFEC00  }
0x97: {  	[spmem:s1] =	stream.indirect.scatter.add.f32 [tilespmem:s26], [sflag:$0x7], $0x40, s18, s22, $0xb8;
	[tilespmem:$0x15E20] =	vst v63  }
0x98: {  	_ =	swait.ge [sflag:s25], $0x1400  }
0x99: {  	[sflag:s25] =	ssyncset.done $0x0  }
.Ltmp1:
0x9a: {  	s18 =	sadd.s32 $0x2D0, s13;
	[sflag:s25] =	ssyncadd.s32 $0xFFFFEC00;
	(pc) =	sbr.rel @p0 .LBB2_4-.Ltmp1, $4  }
0x9b: {  	[tilespmem:s24], [sflag:$0x2] =	stream.indirect.gather [hbm4b:s4+s22], $0x40, s18, s22, $0xb8;
	[tilespmem:$0x15E20] =	vst v63  }
0x9c: {  	_ =	swait.ge [sflag:s0], $0x1400  }
0x9d: {  	[sflag:s0] =	ssyncset.done $0x0  }
0x9e: {  	s13 =	sadd.s32 $0x2940, s13;
	[sflag:s0] =	ssyncadd.s32 $0xFFFFEC00  }
0x9f: {  	[spmem:s1] =	stream.indirect.scatter.add.f32 [tilespmem:s30], [sflag:$0x8], $0x40, s13, s22, $0xb8;
	[tilespmem:$0x15E20] =	vst v63  }
0xa0: {  	_ =	swait.ge [sflag:s3], $0x1400  }
0xa1: {  	s12 =	sshra.s32 s12, $0x2;
	[sflag:s3] =	ssyncset.done $0x0  }
0xa2: {  	s18 =	sadd.s32 $0x1E0, s12;
	[sflag:s3] =	ssyncadd.s32 $0xFFFFEC00  }
0xa3: {  	[tilespmem:s26], [sflag:$0x3] =	stream.indirect.gather [hbm4b:s4+s22], $0x40, s18, s22, $0xb8;
	[tilespmem:$0x15E20] =	vst v63  }
0xa4: {  	_ =	swait.ge [sflag:s28], $0x1400  }
0xa5: {  	[sflag:s28] =	ssyncset.done $0x0  }
0xa6: {  	s18 =	sadd.s32 $0x2850, s12;
	[sflag:s28] =	ssyncadd.s32 $0xFFFFEC00  }
0xa7: {  	[spmem:s1] =	stream.indirect.scatter.add.f32 [tilespmem:s23], [sflag:$0x5], $0x40, s18, s22, $0xb8;
	[tilespmem:$0x15E20] =	vst v63  }
0xa8: {  	_ =	swait.ge [sflag:s5], $0x1400  }
0xa9: {  	[sflag:s5] =	ssyncset.done $0x0  }
0xaa: {  	s18 =	sadd.s32 $0x230, s12;
	[sflag:s5] =	ssyncadd.s32 $0xFFFFEC00  }
0xab: {  	[tilespmem:s30], [sflag:$0x4] =	stream.indirect.gather [hbm4b:s4+s22], $0x40, s18, s22, $0xb8;
	[tilespmem:$0x15E20] =	vst v63  }
0xac: {  	_ =	swait.ge [sflag:s31], $0x1400  }
0xad: {  	[sflag:s31] =	ssyncset.done $0x0  }
0xae: {  	s18 =	sadd.s32 $0x28A0, s12;
	[sflag:s31] =	ssyncadd.s32 $0xFFFFEC00  }
0xaf: {  	[spmem:s1] =	stream.indirect.scatter.add.f32 [tilespmem:s24], [sflag:$0x6], $0x40, s18, s22, $0xb8;
	[tilespmem:$0x15E20] =	vst v63  }
0xb0: {  	_ =	swait.ge [sflag:s2], $0x1400  }
0xb1: {  	[sflag:s2] =	ssyncset.done $0x0  }
0xb2: {  	s18 =	sadd.s32 $0x280, s12;
	[sflag:s2] =	ssyncadd.s32 $0xFFFFEC00  }
0xb3: {  	[tilespmem:s23], [sflag:$0x1] =	stream.indirect.gather [hbm4b:s4+s22], $0x40, s18, s22, $0xb8;
	[tilespmem:$0x15E20] =	vst v63  }
0xb4: {  	_ =	swait.ge [sflag:s29], $0x1400  }
0xb5: {  	[sflag:s29] =	ssyncset.done $0x0  }
0xb6: {  	s18 =	sadd.s32 $0x28F0, s12;
	[sflag:s29] =	ssyncadd.s32 $0xFFFFEC00  }
0xb7: {  	[spmem:s1] =	stream.indirect.scatter.add.f32 [tilespmem:s26], [sflag:$0x7], $0x40, s18, s22, $0xb8;
	[tilespmem:$0x15E20] =	vst v63  }
0xb8: {  	_ =	swait.ge [sflag:s0], $0x1400  }
0xb9: {  	[sflag:s0] =	ssyncset.done $0x0  }
0xba: {  	s12 =	sadd.s32 $0x2940, s12;
	[sflag:s0] =	ssyncadd.s32 $0xFFFFEC00  }
0xbb: {  	[spmem:s1] =	stream.indirect.scatter.add.f32 [tilespmem:s30], [sflag:$0x8], $0x40, s12, s22, $0xb8;
	[tilespmem:$0x15E20] =	vst v63  }
0xbc: {  	_ =	swait.ge [sflag:s28], $0x1400  }
0xbd: {  	[sflag:s28] =	ssyncset.done $0x0  }
0xbe: {  	s18 =	simm.s32 $0x4DD0;
	[sflag:s28] =	ssyncadd.s32 $0xFFFFEC00  }
0xbf: {  	[spmem:s1] =	stream.indirect.scatter.add.f32 [tilespmem:s23], [sflag:$0x5], $0x40, s18, s22, $0xb8;
	[tilespmem:$0x15E20] =	vst v63  }
0xc0: {  	_ =	swait.ge [sflag:s2], $0x1400  }
0xc1: {  	[sflag:s2] =	ssyncset.done $0x0  }
0xc2: {  	[sflag:s2] =	ssyncadd.s32 $0xFFFFEC00  }
0xc3: {  	_ =	swait.ge [sflag:s25], $0x1400  }
0xc4: {  	[sflag:s25] =	ssyncset.done $0x0  }
0xc5: {  	[sflag:s25] =	ssyncadd.s32 $0xFFFFEC00  }
0xc6: {  	_ =	swait.ge [sflag:s3], $0x1400  }
0xc7: {  	[sflag:s3] =	ssyncset.done $0x0  }
0xc8: {  	[sflag:s3] =	ssyncadd.s32 $0xFFFFEC00  }
0xc9: {  	_ =	swait.ge [sflag:s5], $0x1400  }
0xca: {  	[sflag:s5] =	ssyncset.done $0x0  }
0xcb: {  	s13 =	stileid.u32;
	[sflag:s5] =	ssyncadd.s32 $0xFFFFEC00  }
0xcc: {  	s12 =	sshll.u32 s13, $0x6;
	[bflag:$0x0] =	sbarrier.arrive $0xFFFF  }
0xcd: {  	s13 =	sshrl.u32 s7, $0x3;
	s12 =	sor.u32 $0x1C0A, s12;
	s18 =	rddreg [dreg:$0x5]  }
0xce: {  	[hbm:s18], [sflag:s12] =	dma.local [spmem:s13], $0x400  }
0xcf: {  	_ =	swait.ge [sflag:s20], $0x400  }
0xd0: {  	[sflag:s20] =	ssyncset.done $0x0  }
0xd1: {  	s13 =	sshrl.u32 s8, $0x3;
	s18 =	rddreg [dreg:$0x6];
	[sflag:s20] =	ssyncadd.s32 $0xFFFFFC00  }
0xd2: {  	[hbm:s18], [sflag:s12] =	dma.local [spmem:s13], $0x400  }
0xd3: {  	_ =	swait.ge [sflag:s20], $0x400  }
0xd4: {  	[sflag:s20] =	ssyncset.done $0x0  }
0xd5: {  	s18 =	sshrl.u32 s9, $0x3;
	[sflag:s20] =	ssyncadd.s32 $0xFFFFFC00  }
0xd6: {  	[hbm:s14], [sflag:s12] =	dma.local [spmem:s18], $0x400  }
0xd7: {  	_ =	swait.ge [sflag:s20], $0x400  }
0xd8: {  	[sflag:s20] =	ssyncset.done $0x0  }
0xd9: {  	s18 =	sshrl.u32 s10, $0x3;
	[sflag:s20] =	ssyncadd.s32 $0xFFFFFC00  }
0xda: {  	[hbm:s15], [sflag:s12] =	dma.local [spmem:s18], $0x400  }
0xdb: {  	s6 =	sadd.s32 $0x1, s6;
	_ =	swait.ge [sflag:s20], $0x400  }
0xdc: {  	p0 =	sne.s32 s6, s17;
	[sflag:s20] =	ssyncset.done $0x0  }
.Ltmp2:
0xdd: {  	s18 =	sshrl.u32 s11, $0x3;
	[sflag:s20] =	ssyncadd.s32 $0xFFFFFC00;
	(pc) =	sbr.rel @p0 .LBB2_1-.Ltmp2, $4  }
0xde: {  	[hbm:s16], [sflag:s12] =	dma.local [spmem:s18], $0x400  }
0xdf: {  	_ =	swait.ge [sflag:s20], $0x400  }
0xe0: {  	[sflag:s20] =	ssyncset.done $0x0  }
0xe1: {  	[sflag:s20] =	ssyncadd.s32 $0xFFFFFC00  }
0xe2: {  	_ =	sfence.sel $0x180000  }
0xe3: {  	[bflag:$0x0] =	sbarrier.arrive $0xFFFF  }
0xe4: {  	_ =	strace $0x9000004A  }
0xe5: {  	s0 =	stileid.u32;
	[bflag:$0x2] =	sbarrier.arrive $0xFFFF  }
0xe6: {  	p0 =	sne.s32 s0, $0x0;
	s0 =	rddreg [dreg:$0x2]  }
0xe7: {  	s0 =	sadd.s32 @!p0 $0x100000, s0  }
0xe8: {  	[sflag:s0] =	ssyncadd.tile.s32 @!p0 $0x1;
	_ =	shalt  }
.Lfunc_end2:
_tile_overlayer_lowered:
.L_overlay_start_2:
0xe9: {  	(tag) =	ssettag $0x2  }
0xea: {  	s0 =	rddreg [dreg:$0x0];
	s2 =	stileid.u32  }
0xeb: {  	s1 =	rddreg [dreg:$0x1];
	p0 =	sne.s32 s2, $0x0  }
0xec: {  	s3 =	rddreg [dreg:$0x2];
	[bflag:$0x3] =	sbarrier.arrive $0xFFFF;
	s2 =	simm.s32 @!p0 $0x1C0A  }
0xed: {  	[timem:s3], [sflag:s2] =	dma.local @!p0 [hbm:s0], s1  }
0xee: {  	s0 =	simm.s32 @!p0 $0xA  }
0xef: {  	_ =	swait.ge @!p0 [sflag:s0], s1  }
0xf0: {  	s1 =	ssub.s32 @!p0 $0x0, s1;
	[sflag:s0] =	ssyncset.done @!p0 $0x0  }
0xf1: {  	[sflag:s0] =	ssyncadd.s32 @!p0 s1  }
0xf2: {  	[bflag:$0x3] =	sbarrier.arrive $0xFFFF  }
0xf3: {  	_ =	shalt  }

// kernel: kernel.16.cloned.1.call-start
scs
__scs_entry_jumppad:
0x0: {  	(pc) =	sbr.rel $0x88, $3  }
0x1: {  	(tag) =	ssettag $0x0;
	lr =	simm.s32 $0x1  }
0x2: {  	[smem:$0x3F8E] =	sst lr;
	_ =	strace $0xD0000000  }
0x3: {  	_ = 	snop  }
0x4: {  	_ = 	snop  }
0x5: {  	_ = 	snop  }
0x6: {  	_ = 	snop  }
0x7: {  	_ = 	snop  }
__scs_overlays_trampoline_lowered:
0x8: {  	[smem:$0x3F9D] =	sst s0  }
0x9: {  	[smem:$0x3F9E] =	sst s1  }
0xa: {  	[smem:$0x3F9F] =	sst s2  }
0xb: {  	[smem:$0x3FA0] =	sst s3  }
0xc: {  	[smem:$0x3FA1] =	sst s4  }
0xd: {  	[smem:$0x3FA2] =	sst s5  }
0xe: {  	[smem:$0x3FA3] =	sst s6  }
0xf: {  	[smem:$0x3FA4] =	sst s7  }
0x10: {  	[smem:$0x3FA5] =	sst s8  }
0x11: {  	[smem:$0x3FA6] =	sst s9;
	s0 =	simm.s32 @!p0 $0x0  }
0x12: {  	s1 =	sld [smem:$0x3F8C];
	s0 =	simm.s32 @p0 $0x1  }
0x13: {  	[smem:$0x3FA7] =	sst s0;
	s0 =	simm.s32 @!p1 $0x0  }
0x14: {  	s2 =	sld [smem:$0x3F8B];
	s0 =	simm.s32 @p1 $0x1  }
0x15: {  	[smem:$0x3FA8] =	sst s0;
	s0 =	simm.s32 @!p2 $0x0  }
0x16: {  	s3 =	sld [smem:$0x3FDB];
	s0 =	simm.s32 @p2 $0x1  }
0x17: {  	s4 =	simm.s32 $0x1BF5;
	[smem:$0x3FAA] =	sst s0  }
0x18: {  	s0 =	sld [smem:$0x3F8D];
	_ =	swait.ge [sflag:s4], $0x0  }
0x19: {  	s7 =	sld [smem:$0x3F8E]  }
0x1a: {  	s8 =	sadd.s32 $0xFFFFE003, lr  }
0x1b: {  	s9 =	sadd.s32 $0xFFFFFEF7, lr;
	s5 =	simm.s32 $0xFFFFFFFF;
	p2 =	slt.u32 s8, $0xFFFFF086  }
0x1c: {  	p1 =	slt.u32 s9, $0xF7A;
	s5 =	simm.s32 @!p2 $0x0  }
0x1d: {  	s5 =	simm.s32 @p1 $0x1;
	p0 =	seq.s32 s7, s2  }
0x1e: {  	s7 =	smul.u32 @!p0 $0xF7A, s2;
	p2 =	seq.s32 @!p0 s5, $0x0  }
0x1f: {  	s9 =	smul.u32 $0xF7A, s1;
	s8 =	simm.s32 @!p0 $0x1BF5;
	p2 =	por !p2, p0  }
0x20: {  	[sflag:s8] =	ssyncset.s32 @!p0 $0xFFFFF086;
	s6 =	sadd.s32 @!p0 s3, s7;
	s7 =	simm.s32 @!p0 $0x108  }
0x21: {  	s3 =	sadd.s32 s3, s9;
	s6 =	sadd.s32 @!p0 $0x88, s6;
	s7 =	simm.s32 @p2 $0x1082  }
0x22: {  	[simem:s7], [sflag:s8] =	dma.local @!p0 [hbm:s6], $0xF7A  }
0x23: {  	s9 =	sor.u32 $0xD0000000, s2;
	s6 =	simm.s32 $0x108;
	_ =	swait.ge @!p0 [sflag:s8], $0x0  }
0x24: {  	s3 =	sadd.s32 $0x88, s3;
	s6 =	simm.s32 @!p1 $0x1082;
	[sflag:s4] =	ssyncset.s32 $0xFFFFF086  }
0x25: {  	[simem:s6], [sflag:s4] =	dma.local [hbm:s3], $0xF7A  }
0x26: {  	[smem:$0x3F8E] =	sst s1;
	(tag) =	ssettag s2;
	_ =	strace s9  }
0x27: {  	s1 =	sld [smem:$0x3F9E]  }
0x28: {  	s2 =	sld [smem:$0x3F9F]  }
0x29: {  	s4 =	sld [smem:$0x3FA1]  }
0x2a: {  	p0 =	seq.s32 s5, $0x0;
	s5 =	sld [smem:$0x3FA2]  }
0x2b: {  	s6 =	sld [smem:$0x3FA3]  }
0x2c: {  	s7 =	sld [smem:$0x3FA4]  }
0x2d: {  	s3 =	simm.s32 $0x108;
	s8 =	sld [smem:$0x3FA5]  }
0x2e: {  	s3 =	simm.s32 @!p0 $0x1082;
	s9 =	sld [smem:$0x3FA6]  }
0x2f: {  	lr =	sadd.s32 s0, s3;
	s0 =	sld [smem:$0x3F9D]  }
0x30: {  	s3 =	sld [smem:$0x3FA0]  }
0x31: {  	[smem:$0x3FA9] =	sst s10  }
0x32: {  	s10 =	sld [smem:$0x3FA7];
	_ =	sdelay $0x3  }
0x33: {  	p0 =	seq.s32 s10, $0x1;
	s10 =	sld [smem:$0x3FA9];
	_ =	sdelay $0x3  }
0x34: {  	[smem:$0x3FA9] =	sst s10  }
0x35: {  	s10 =	sld [smem:$0x3FA8];
	_ =	sdelay $0x3  }
0x36: {  	p1 =	seq.s32 s10, $0x1;
	s10 =	sld [smem:$0x3FA9];
	_ =	sdelay $0x3  }
0x37: {  	[smem:$0x3FA9] =	sst s10  }
0x38: {  	s10 =	sld [smem:$0x3FAA]  }
0x39: {  	_ = 	snop;
	(pc) =	sbr.ind lr, $3  }
0x3a: {  	_ = 	snop  }
0x3b: {  	_ = 	snop  }
0x3c: {  	p2 =	seq.s32 s10, $0x1;
	s10 =	sld [smem:$0x3FA9]  }
0x3d: {  	_ =	shalt  }
0x3e: {  	_ =	shalt  }
0x3f: {  	_ =	shalt  }
0x40: {  	_ =	shalt  }
0x41: {  	_ =	shalt  }
0x42: {  	_ =	shalt  }
0x43: {  	_ =	shalt  }
0x44: {  	_ =	shalt  }
0x45: {  	_ =	shalt  }
0x46: {  	_ =	shalt  }
0x47: {  	_ =	shalt  }
0x48: {  	_ =	shalt  }
0x49: {  	_ =	shalt  }
0x4a: {  	_ =	shalt  }
0x4b: {  	_ =	shalt  }
0x4c: {  	_ =	shalt  }
0x4d: {  	_ =	shalt  }
0x4e: {  	_ =	shalt  }
0x4f: {  	_ =	shalt  }
0x50: {  	_ =	shalt  }
0x51: {  	_ =	shalt  }
0x52: {  	_ =	shalt  }
0x53: {  	_ =	shalt  }
0x54: {  	_ =	shalt  }
0x55: {  	_ =	shalt  }
0x56: {  	_ =	shalt  }
0x57: {  	_ =	shalt  }
0x58: {  	_ =	shalt  }
0x59: {  	_ =	shalt  }
0x5a: {  	_ =	shalt  }
0x5b: {  	_ =	shalt  }
0x5c: {  	_ =	shalt  }
0x5d: {  	_ =	shalt  }
0x5e: {  	_ =	shalt  }
0x5f: {  	_ =	shalt  }
0x60: {  	_ =	shalt  }
0x61: {  	_ =	shalt  }
0x62: {  	_ =	shalt  }
0x63: {  	_ =	shalt  }
0x64: {  	_ =	shalt  }
0x65: {  	_ =	shalt  }
0x66: {  	_ =	shalt  }
0x67: {  	_ =	shalt  }
0x68: {  	_ =	shalt  }
0x69: {  	_ =	shalt  }
0x6a: {  	_ =	shalt  }
0x6b: {  	_ =	shalt  }
0x6c: {  	_ =	shalt  }
0x6d: {  	_ =	shalt  }
0x6e: {  	_ =	shalt  }
0x6f: {  	_ =	shalt  }
0x70: {  	_ =	shalt  }
0x71: {  	_ =	shalt  }
0x72: {  	_ =	shalt  }
0x73: {  	_ =	shalt  }
0x74: {  	_ =	shalt  }
0x75: {  	_ =	shalt  }
0x76: {  	_ =	shalt  }
0x77: {  	_ =	shalt  }
0x78: {  	_ =	shalt  }
0x79: {  	_ =	shalt  }
0x7a: {  	_ =	shalt  }
0x7b: {  	_ =	shalt  }
0x7c: {  	_ =	shalt  }
0x7d: {  	_ =	shalt  }
0x7e: {  	_ =	shalt  }
0x7f: {  	_ =	shalt  }
0x80: {  	_ =	shalt  }
0x81: {  	_ =	shalt  }
0x82: {  	_ =	shalt  }
0x83: {  	_ =	shalt  }
0x84: {  	_ =	shalt  }
0x85: {  	_ =	shalt  }
0x86: {  	_ =	shalt  }
0x87: {  	_ =	shalt  }
.Lfunc_end0:
.L_simem_size_0:
called_computation.2_lowered:
.L_overlay_start_0:
0x88: {  	s2 =	sld [smem:$0x3FD9]  }
0x89: {  	s3 =	sld [smem:$0x3FFE];
	_ =	sdelay $0x1  }
0x8a: {  	s1 =	srdreg.scid  }
0x8b: {  	s0 =	sand.u32 $0x1, s1  }
0x8c: {  	s16 =	sshll.u32 s0, $0xA;
	s2 =	sadd.s32 s3, s2  }
0x8d: {  	s2 =	sadd.s32 s2, s16  }
0x8e: {  	[smem:$0x3FB5] =	sst s2  }
0x8f: {  	_ = 	snop  }
0x90: {  	(tm) =	ssettm $0x1  }
0x91: {  	s17 =	sld [smem:$0x3FFB];
	_ =	sdelay $0x3  }
0x92: {  	_ =	strace s17  }
0x93: {  	s2 =	sld [smem:$0x3FFC];
	_ =	sdelay $0x3  }
0x94: {  	_ =	strace s2  }
0x95: {  	s2 =	sld [smem:$0x3FFD];
	_ =	sdelay $0x3  }
0x96: {  	_ =	strace s2  }
0x97: {  	_ =	strace $0x8FFFFFFF  }
0x98: {  	s18 =	sld [smem:$0x3FDB];
	_ =	sdelay $0x1  }
0x99: {  	s19 =	simm.s32 $_scs_section_size  }
0x9a: {  	s4 =	simm.s32 $_size__tile_overlayer_lowered;
	s5 =	simm.s32 $_tile_overlayer_lowered  }
0x9b: {  	s22 =	simm.s32 $0x1BFF;
	s21 =	sshll.u32 s5, $0x1;
	s2 =	sadd.s32 s19, s18  }
0x9c: {  	s6 =	simm.s32 $0x0;
	s20 =	sshll.u32 s4, $0x1;
	s4 =	sadd.s32 s21, s2  }
0x9d: {  	[timem:s6], [sflag:s22] =	dma.local [hbm:s4], s20  }
0x9e: {  	_ =	swait.ge [sflag:s22], s20  }
0x9f: {  	s3 =	ssub.s32 $0x0, s20;
	[sflag:s22] =	ssyncset.done $0x0  }
0xa0: {  	[sflag:s22] =	ssyncadd.s32 s3;
	_ =	sdelay $0x1  }
0xa1: {  	s23 =	simm.s32 $0x1B8B  }
0xa2: {  	_ =	swait.ge [sflag:s23], $0x1  }
0xa3: {  	[sflag:s23] =	ssyncset.done $0x0  }
0xa4: {  	s25 =	simm.s32 $0x1B8E;
	s24 =	sld [smem:$0x3FFE];
	[sflag:s23] =	ssyncadd.s32 $0xFFFFFFFF  }
0xa5: {  	s26 =	simm.s32 $execute0_lowered;
	[smem:$0x3FD2] =	sst s25  }
0xa6: {  	s4 =	sshll.u32 s26, $0x1;
	_ =	strace $0x8000004C;
	[dreg:$0x1] =	wrdreg $0xFFFFFFFF  }
0xa7: {  	s28 =	simm.s32 $_size_execute0_lowered;
	s2 =	sadd.s32 s2, s4;
	[dreg:$0x0] =	wrdreg $0x0  }
0xa8: {  	s4 =	sshll.u32 s28, $0x1;
	[dreg:$0x2] =	wrdreg s2  }
0xa9: {  	[dreg:$0x3] =	wrdreg s4  }
0xaa: {  	[dreg:$0x4] =	wrdreg $0xC0  }
0xab: {  	_ =	task [dreg:s6], $0x5FFFF  }
0xac: {  	[dreg:$0x1] =	wrdreg $0xFFFFFFFF  }
0xad: {  	[dreg:$0x0] =	wrdreg $0x60  }
0xae: {  	[dreg:$0x2] =	wrdreg s24  }
0xaf: {  	[dreg:$0x3] =	wrdreg $0xBE200  }
0xb0: {  	[dreg:$0x4] =	wrdreg $0x9  }
0xb1: {  	_ =	task.clear_ibuf [dreg:s6], $0x5FFFF;
	_ =	strace $0x9000004C  }
0xb2: {  	s29 =	simm.s32 $0x9;
	_ =	strace $0x8000004E  }
0xb3: {  	_ =	swait.ge [sflag:s29], $0x1  }
0xb4: {  	[sflag:s29] =	ssyncadd.s32 $0xFFFFFFFF  }
0xb5: {  	_ =	strace $0x9000004E  }
0xb6: {  	_ =	sfence  }
0xb7: {  	s30 =	sld [smem:$0x0];
	_ =	sdelay $0x2  }
0xb8: {  	s31 =	sshll.u32 s1, $0xD;
	s1 =	sshrl.u32 s1, $0x2  }
0xb9: {  	s3 =	sand.u32 $0x4000, s31;
	s1 =	sadd.s32 s1, s30  }
0xba: {  	s0 =	sor.u32 s3, s0;
	s1 =	sshll.u32 s1, $0x11  }
0xbb: {  	s0 =	sor.u32 s1, s0  }
0xbc: {  	s0 =	sadd.s32 $0x8F2B, s0  }
0xbd: {  	[sflag:s0] =	ssyncadd.remote.s32 $0x1  }
0xbe: {  	_ =	sfence.sel $0xFFFF  }
0xbf: {  	[dreg:$0x0] =	wrdreg $0xFFFFFFFF;
	(pc) =	sbr.abs _section_cstart, $3  }
0xc0: {  	[dreg:$0x1] =	wrdreg $0xFFFFFFFF  }
0xc1: {  	_ =	task.clear_ibuf [dreg:s6], $0x2FFFF;
	_ =	strace $0x9FFFFFFF  }
0xc2: {  	(tm) =	ssettm $0x7FFFFFFF  }
0xc3: {  	_ =	shalt  }
tec
execute0_lowered:
.L_overlay_start_1:
0x0: {  	(tag) =	ssettag $0x1  }
0x1: {  	s0 =	rddreg [dreg:$0x0]  }
0x2: {  	s1 =	rddreg [dreg:$0x1];
	s2 =	srdreg.scid;
	s4 =	simm.s32 $0x0  }
0x3: {  	s7 =	stileid.u32;
	s19 =	simm.s32 $0x9E20;
	s20 =	simm.s32 $0xA  }
0x4: {  	s21 =	simm.s32 $0x9;
	s28 =	simm.s32 $0x1;
	s30 =	simm.s32 $0x8A20  }
0x5: {  	s31 =	simm.s32 $0x2;
	s29 =	simm.s32 $0x3;
	s2 =	sand.u32 $0x1, s2  }
0x6: {  	[smem:$0x7FF] =	sst s4;
	s4 =	sadd.s32 $0x17000, s0;
	s11 =	smul.u32 $0xA000, s7  }
0x7: {  	s3 =	sshll.u32 s2, $0x4;
	_ =	strace $0x8000004D;
	s5 =	ssub.s32 $0x2, s2  }
0x8: {  	s2 =	smul.u32 $0xA0000, s2;
	s3 =	sor.u32 s7, s3;
	s6 =	sshrl.u32 s5, $0x1  }
0x9: {  	s7 =	sadd.s32 s11, s1;
	s23 =	sadd.s32 $0x2000, s11;
	s24 =	sadd.s32 $0x4000, s11  }
0xa: {  	s12 =	sadd.s32 $0x6000, s11;
	s14 =	sadd.s32 $0x8000, s11;
	s3 =	smul.u32 $0x4E2, s3  }
0xb: {  	s5 =	ssub.s32 s5, s6;
	s8 =	sadd.s32 s23, s1;
	s9 =	sadd.s32 s24, s1  }
0xc: {  	s10 =	sadd.s32 s12, s1;
	s13 =	sadd.s32 s11, s2;
	s11 =	sadd.s32 s14, s1  }
0xd: {  	s25 =	sadd.s32 s2, s24;
	s26 =	sadd.s32 s2, s12;
	s24 =	simm.s32 $0x6220  }
0xe: {  	s13 =	sshrl.u32 s13, $0x3;
	s6 =	sshrl.u32 s26, $0x3;
	s17 =	smax.u32 s5, $0x1  }
0xf: {  	s26 =	simm.s32 $0x7620;
	s5 =	simm.s32 $0x8;
	s3 =	sadd.s32 s3, s0  }
0x10: {  	s0 =	sadd.s32 $0x2B000, s0;
	s22 =	sadd.s32 $0x3400, s3;
	s3 =	sadd.s32 $0xD200, s3  }
0x11: {  	s13 =	sadd.s32 s0, s13;
	s15 =	sadd.s32 s0, s6;
	[dreg:$0x3] =	wrdreg s22  }
0x12: {  	s6 =	simm.s32 $0x0;
	[dreg:$0x4] =	wrdreg s3;
	s3 =	sadd.s32 s2, s23  }
0x13: {  	[dreg:$0x5] =	wrdreg s13;
	s2 =	sadd.s32 s2, s14;
	s22 =	simm.s32 $0x50  }
0x14: {  	s23 =	simm.s32 $0x4E20;
	s3 =	sshrl.u32 s3, $0x3;
	s2 =	sshrl.u32 s2, $0x3  }
0x15: {  	s3 =	sadd.s32 s0, s3;
	s16 =	sadd.s32 s0, s2;
	s2 =	simm.s32 $0x5  }
0x16: {  	[dreg:$0x6] =	wrdreg s3;
	s3 =	sshrl.u32 s25, $0x3;
	s25 =	simm.s32 $0x6  }
0x17: {  	v0 =	vimm.f32 $0.0e+00;
	s14 =	sadd.s32 s0, s3;
	s0 =	simm.s32 $0x4;
	s3 =	simm.s32 $0x7  }
.LBB2_1:
0x18: {  	s12 =	simm.s32 $0x0;
	s13 =	rddreg [dreg:$0x3]  }
0x19: {  	[tilespmem:s12], [sflag:$0x9] =	stream.linear.gather [hbm4b:s13+s12], $0x2710, $0x38;
	[tilespmem:$0x15E20] =	vst v63  }
0x1a: {  	s18 =	simm.s32 $0x2710;
	s13 =	rddreg [dreg:$0x4]  }
0x1b: {  	[tilespmem:s18], [sflag:$0x9] =	stream.linear.gather [hbm4b:s13+s12], $0x2710, $0x38;
	[tilespmem:$0x15E20] =	vst v63  }
0x1c: {  	s13 =	simm.s32 $0x100;
	s12 =	simm.s32 $0x0  }
.LBB2_2:
0x1d: {  	p0 =	sne.s32 s13, $0x7F00;
	[tilespmem:s12+$0x9E50] =	vst v0;
	s18 =	smov.u32 s13;
	s13 =	sadd.s32 $0x100, s13  }
.Ltmp0:
0x1e: {  	[tilespmem:s12+$0x9E40] =	vst v0;
	(pc) =	sbr.rel @p0 .LBB2_2-.Ltmp0, $3  }
0x1f: {  	[tilespmem:s12+$0x9E20] =	vst v0  }
0x20: {  	[tilespmem:s12+$0x9E30] =	vst v0;
	_ =	sdelay $0x1  }
0x21: {  	s12 =	sshra.s32 s18, $0x2  }
0x22: {  	[tilespmem:s12+$0x9E50] =	vst v0  }
0x23: {  	[tilespmem:s12+$0x9E40] =	vst v0  }
0x24: {  	[tilespmem:s12+$0x9E20] =	vst v0  }
0x25: {  	[tilespmem:s12+$0x9E30] =	vst v0  }
0x26: {  	[spmem:s7] =	stream.linear.scatter [tilespmem:s19], [sflag:$0xA], $0x2000, $0x38;
	[tilespmem:$0x15E20] =	vst v63  }
0x27: {  	_ =	swait.ge [sflag:s20], $0x2000  }
0x28: {  	[sflag:s20] =	ssyncset.done $0x0  }
0x29: {  	[sflag:s20] =	ssyncadd.s32 $0xFFFFE000  }
0x2a: {  	[spmem:s8] =	stream.linear.scatter [tilespmem:s19], [sflag:$0xA], $0x2000, $0x38;
	[tilespmem:$0x15E20] =	vst v63  }
0x2b: {  	_ =	swait.ge [sflag:s20], $0x2000  }
0x2c: {  	[sflag:s20] =	ssyncset.done $0x0  }
0x2d: {  	[sflag:s20] =	ssyncadd.s32 $0xFFFFE000  }
0x2e: {  	[spmem:s9] =	stream.linear.scatter [tilespmem:s19], [sflag:$0xA], $0x2000, $0x38;
	[tilespmem:$0x15E20] =	vst v63  }
0x2f: {  	_ =	swait.ge [sflag:s20], $0x2000  }
0x30: {  	[sflag:s20] =	ssyncset.done $0x0  }
0x31: {  	[sflag:s20] =	ssyncadd.s32 $0xFFFFE000  }
0x32: {  	[spmem:s10] =	stream.linear.scatter [tilespmem:s19], [sflag:$0xA], $0x2000, $0x38;
	[tilespmem:$0x15E20] =	vst v63  }
0x33: {  	_ =	swait.ge [sflag:s20], $0x2000  }
0x34: {  	[sflag:s20] =	ssyncset.done $0x0  }
0x35: {  	[sflag:s20] =	ssyncadd.s32 $0xFFFFE000  }
0x36: {  	[spmem:s11] =	stream.linear.scatter [tilespmem:s19], [sflag:$0xA], $0x2000, $0x38;
	[tilespmem:$0x15E20] =	vst v63  }
0x37: {  	_ =	swait.ge [sflag:s20], $0x2000  }
0x38: {  	[sflag:s20] =	ssyncset.done $0x0  }
0x39: {  	[sflag:s20] =	ssyncadd.s32 $0xFFFFE000  }
0x3a: {  	_ =	swait.ge [sflag:s21], $0x2710  }
0x3b: {  	[sflag:s21] =	ssyncset.done $0x0  }
0x3c: {  	[sflag:s21] =	ssyncadd.s32 $0xFFFFD8F0  }
0x3d: {  	_ =	swait.ge [sflag:s21], $0x2710  }
0x3e: {  	[sflag:s21] =	ssyncset.done $0x0  }
0x3f: {  	[sflag:s21] =	ssyncadd.s32 $0xFFFFD8F0  }
0x40: {  	s13 =	simm.s32 $0x0;
	[bflag:$0x0] =	sbarrier.arrive $0xFFFF  }
0x41: {  	[tilespmem:s23], [sflag:$0x1] =	stream.indirect.gather [hbm4b:s4+s22], $0x40, s13, s22, $0xb8;
	[tilespmem:$0x15E20] =	vst v63  }
0x42: {  	_ = 	snop  }
0x43: {  	[tilespmem:s24], [sflag:$0x2] =	stream.indirect.gather [hbm4b:s4+s22], $0x40, s22, s22, $0xb8;
	[tilespmem:$0x15E20] =	vst v63  }
0x44: {  	s18 =	simm.s32 $0xA0  }
0x45: {  	[tilespmem:s26], [sflag:$0x3] =	stream.indirect.gather [hbm4b:s4+s22], $0x40, s18, s22, $0xb8;
	[tilespmem:$0x15E20] =	vst v63  }
0x46: {  	_ =	swait.ge [sflag:s28], $0x1400  }
0x47: {  	[sflag:s28] =	ssyncset.done $0x0  }
0x48: {  	s13 =	simm.s32 $0x2710;
	[sflag:s28] =	ssyncadd.s32 $0xFFFFEC00  }
0x49: {  	[spmem:s1] =	stream.indirect.scatter.add.f32 [tilespmem:s23], [sflag:$0x5], $0x40, s13, s22, $0xb8;
	[tilespmem:$0x15E20] =	vst v63  }
0x4a: {  	s18 =	simm.s32 $0xF0  }
0x4b: {  	[tilespmem:s30], [sflag:$0x4] =	stream.indirect.gather [hbm4b:s4+s22], $0x40, s18, s22, $0xb8;
	[tilespmem:$0x15E20] =	vst v63  }
0x4c: {  	_ =	swait.ge [sflag:s31], $0x1400  }
0x4d: {  	[sflag:s31] =	ssyncset.done $0x0  }
0x4e: {  	s13 =	simm.s32 $0x2760;
	[sflag:s31] =	ssyncadd.s32 $0xFFFFEC00  }
0x4f: {  	[spmem:s1] =	stream.indirect.scatter.add.f32 [tilespmem:s24], [sflag:$0x6], $0x40, s13, s22, $0xb8;
	[tilespmem:$0x15E20] =	vst v63  }
0x50: {  	_ =	swait.ge [sflag:s2], $0x1400  }
0x51: {  	[sflag:s2] =	ssyncset.done $0x0  }
0x52: {  	s18 =	simm.s32 $0x140;
	[sflag:s2] =	ssyncadd.s32 $0xFFFFEC00  }
0x53: {  	[tilespmem:s23], [sflag:$0x1] =	stream.indirect.gather [hbm4b:s4+s22], $0x40, s18, s22, $0xb8;
	[tilespmem:$0x15E20] =	vst v63  }
0x54: {  	_ =	swait.ge [sflag:s29], $0x1400  }
0x55: {  	[sflag:s29] =	ssyncset.done $0x0  }
0x56: {  	s13 =	simm.s32 $0x27B0;
	[sflag:s29] =	ssyncadd.s32 $0xFFFFEC00  }
0x57: {  	[spmem:s1] =	stream.indirect.scatter.add.f32 [tilespmem:s26], [sflag:$0x7], $0x40, s13, s22, $0xb8;
	[tilespmem:$0x15E20] =	vst v63  }
0x58: {  	_ =	swait.ge [sflag:s25], $0x1400  }
0x59: {  	[sflag:s25] =	ssyncset.done $0x0  }
0x5a: {  	s18 =	simm.s32 $0x190;
	[sflag:s25] =	ssyncadd.s32 $0xFFFFEC00  }
0x5b: {  	[tilespmem:s24], [sflag:$0x2] =	stream.indirect.gather [hbm4b:s4+s22], $0x40, s18, s22, $0xb8;
	[tilespmem:$0x15E20] =	vst v63  }
0x5c: {  	_ =	swait.ge [sflag:s0], $0x1400  }
0x5d: {  	[sflag:s0] =	ssyncset.done $0x0  }
0x5e: {  	s13 =	simm.s32 $0x2800;
	[sflag:s0] =	ssyncadd.s32 $0xFFFFEC00  }
0x5f: {  	[spmem:s1] =	stream.indirect.scatter.add.f32 [tilespmem:s30], [sflag:$0x8], $0x40, s13, s22, $0xb8;
	[tilespmem:$0x15E20] =	vst v63  }
0x60: {  	_ =	swait.ge [sflag:s3], $0x1400  }
0x61: {  	[sflag:s3] =	ssyncset.done $0x0  }
0x62: {  	s18 =	simm.s32 $0x1E0;
	[sflag:s3] =	ssyncadd.s32 $0xFFFFEC00  }
0x63: {  	[tilespmem:s26], [sflag:$0x3] =	stream.indirect.gather [hbm4b:s4+s22], $0x40, s18, s22, $0xb8;
	[tilespmem:$0x15E20] =	vst v63  }
0x64: {  	_ =	swait.ge [sflag:s28], $0x1400  }
0x65: {  	[sflag:s28] =	ssyncset.done $0x0  }
0x66: {  	s13 =	simm.s32 $0x2850;
	[sflag:s28] =	ssyncadd.s32 $0xFFFFEC00  }
0x67: {  	[spmem:s1] =	stream.indirect.scatter.add.f32 [tilespmem:s23], [sflag:$0x5], $0x40, s13, s22, $0xb8;
	[tilespmem:$0x15E20] =	vst v63  }
0x68: {  	_ =	swait.ge [sflag:s5], $0x1400  }
0x69: {  	[sflag:s5] =	ssyncset.done $0x0  }
0x6a: {  	s18 =	simm.s32 $0x230;
	[sflag:s5] =	ssyncadd.s32 $0xFFFFEC00  }
0x6b: {  	[tilespmem:s30], [sflag:$0x4] =	stream.indirect.gather [hbm4b:s4+s22], $0x40, s18, s22, $0xb8;
	[tilespmem:$0x15E20] =	vst v63  }
0x6c: {  	_ =	swait.ge [sflag:s31], $0x1400  }
0x6d: {  	[sflag:s31] =	ssyncset.done $0x0  }
0x6e: {  	s13 =	simm.s32 $0x28A0;
	[sflag:s31] =	ssyncadd.s32 $0xFFFFEC00  }
0x6f: {  	[spmem:s1] =	stream.indirect.scatter.add.f32 [tilespmem:s24], [sflag:$0x6], $0x40, s13, s22, $0xb8;
	[tilespmem:$0x15E20] =	vst v63  }
0x70: {  	_ =	swait.ge [sflag:s2], $0x1400  }
0x71: {  	[sflag:s2] =	ssyncset.done $0x0  }
0x72: {  	s18 =	simm.s32 $0x280;
	[sflag:s2] =	ssyncadd.s32 $0xFFFFEC00  }
0x73: {  	[tilespmem:s23], [sflag:$0x1] =	stream.indirect.gather [hbm4b:s4+s22], $0x40, s18, s22, $0xb8;
	[tilespmem:$0x15E20] =	vst v63  }
0x74: {  	_ =	swait.ge [sflag:s29], $0x1400  }
0x75: {  	[sflag:s29] =	ssyncset.done $0x0  }
0x76: {  	s13 =	simm.s32 $0x28F0;
	[sflag:s29] =	ssyncadd.s32 $0xFFFFEC00  }
0x77: {  	[spmem:s1] =	stream.indirect.scatter.add.f32 [tilespmem:s26], [sflag:$0x7], $0x40, s13, s22, $0xb8;
	[tilespmem:$0x15E20] =	vst v63  }
0x78: {  	_ =	swait.ge [sflag:s25], $0x1400  }
0x79: {  	[sflag:s25] =	ssyncset.done $0x0  }
0x7a: {  	s18 =	simm.s32 $0x2D0;
	[sflag:s25] =	ssyncadd.s32 $0xFFFFEC00  }
0x7b: {  	[tilespmem:s24], [sflag:$0x2] =	stream.indirect.gather [hbm4b:s4+s22], $0x40, s18, s22, $0xb8;
	[tilespmem:$0x15E20] =	vst v63  }
0x7c: {  	_ =	swait.ge [sflag:s0], $0x1400  }
0x7d: {  	[sflag:s0] =	ssyncset.done $0x0  }
0x7e: {  	s12 =	simm.s32 $0x500;
	s13 =	simm.s32 $0x2940;
	[sflag:s0] =	ssyncadd.s32 $0xFFFFEC00  }
.LBB2_4:
0x7f: {  	[spmem:s1] =	stream.indirect.scatter.add.f32 [tilespmem:s30], [sflag:$0x8], $0x40, s13, s22, $0xb8;
	[tilespmem:$0x15E20] =	vst v63  }
0x80: {  	s13 =	smov.u32 s12;
	s12 =	sadd.s32 $0x500, s12;
	_ =	swait.ge [sflag:s3], $0x1400  }
0x81: {  	s13 =	sshra.s32 s13, $0x2;
	p0 =	sne.s32 s12, $0x9100;
	[sflag:s3] =	ssyncset.done $0x0  }
0x82: {  	s18 =	sadd.s32 $0x1E0, s13;
	[sflag:s3] =	ssyncadd.s32 $0xFFFFEC00  }
0x83: {  	[tilespmem:s26], [sflag:$0x3] =	stream.indirect.gather [hbm4b:s4+s22], $0x40, s18, s22, $0xb8;
	[tilespmem:$0x15E20] =	vst v63  }
0x84: {  	_ =	swait.ge [sflag:s28], $0x1400  }
0x85: {  	[sflag:s28] =	ssyncset.done $0x0  }
0x86: {  	s18 =	sadd.s32 $0x2850, s13;
	[sflag:s28] =	ssyncadd.s32 $0xFFFFEC00  }
0x87: {  	[spmem:s1] =	stream.indirect.scatter.add.f32 [tilespmem:s23], [sflag:$0x5], $0x40, s18, s22, $0xb8;
	[tilespmem:$0x15E20] =	vst v63  }
0x88: {  	_ =	swait.ge [sflag:s5], $0x1400  }
0x89: {  	[sflag:s5] =	ssyncset.done $0x0  }
0x8a: {  	s18 =	sadd.s32 $0x230, s13;
	[sflag:s5] =	ssyncadd.s32 $0xFFFFEC00  }
0x8b: {  	[tilespmem:s30], [sflag:$0x4] =	stream.indirect.gather [hbm4b:s4+s22], $0x40, s18, s22, $0xb8;
	[tilespmem:$0x15E20] =	vst v63  }
0x8c: {  	_ =	swait.ge [sflag:s31], $0x1400  }
0x8d: {  	[sflag:s31] =	ssyncset.done $0x0  }
0x8e: {  	s18 =	sadd.s32 $0x28A0, s13;
	[sflag:s31] =	ssyncadd.s32 $0xFFFFEC00  }
0x8f: {  	[spmem:s1] =	stream.indirect.scatter.add.f32 [tilespmem:s24], [sflag:$0x6], $0x40, s18, s22, $0xb8;
	[tilespmem:$0x15E20] =	vst v63  }
0x90: {  	_ =	swait.ge [sflag:s2], $0x1400  }
0x91: {  	[sflag:s2] =	ssyncset.done $0x0  }
0x92: {  	s18 =	sadd.s32 $0x280, s13;
	[sflag:s2] =	ssyncadd.s32 $0xFFFFEC00  }
0x93: {  	[tilespmem:s23], [sflag:$0x1] =	stream.indirect.gather [hbm4b:s4+s22], $0x40, s18, s22, $0xb8;
	[tilespmem:$0x15E20] =	vst v63  }
0x94: {  	_ =	swait.ge [sflag:s29], $0x1400  }
0x95: {  	[sflag:s29] =	ssyncset.done $0x0  }
0x96: {  	s18 =	sadd.s32 $0x28F0, s13;
	[sflag:s29] =	ssyncadd.s32 $0xFFFFEC00  }
0x97: {  	[spmem:s1] =	stream.indirect.scatter.add.f32 [tilespmem:s26], [sflag:$0x7], $0x40, s18, s22, $0xb8;
	[tilespmem:$0x15E20] =	vst v63  }
0x98: {  	_ =	swait.ge [sflag:s25], $0x1400  }
0x99: {  	[sflag:s25] =	ssyncset.done $0x0  }
.Ltmp1:
0x9a: {  	s18 =	sadd.s32 $0x2D0, s13;
	[sflag:s25] =	ssyncadd.s32 $0xFFFFEC00;
	(pc) =	sbr.rel @p0 .LBB2_4-.Ltmp1, $4  }
0x9b: {  	[tilespmem:s24], [sflag:$0x2] =	stream.indirect.gather [hbm4b:s4+s22], $0x40, s18, s22, $0xb8;
	[tilespmem:$0x15E20] =	vst v63  }
0x9c: {  	_ =	swait.ge [sflag:s0], $0x1400  }
0x9d: {  	[sflag:s0] =	ssyncset.done $0x0  }
0x9e: {  	s13 =	sadd.s32 $0x2940, s13;
	[sflag:s0] =	ssyncadd.s32 $0xFFFFEC00  }
0x9f: {  	[spmem:s1] =	stream.indirect.scatter.add.f32 [tilespmem:s30], [sflag:$0x8], $0x40, s13, s22, $0xb8;
	[tilespmem:$0x15E20] =	vst v63  }
0xa0: {  	_ =	swait.ge [sflag:s3], $0x1400  }
0xa1: {  	s12 =	sshra.s32 s12, $0x2;
	[sflag:s3] =	ssyncset.done $0x0  }
0xa2: {  	s18 =	sadd.s32 $0x1E0, s12;
	[sflag:s3] =	ssyncadd.s32 $0xFFFFEC00  }
0xa3: {  	[tilespmem:s26], [sflag:$0x3] =	stream.indirect.gather [hbm4b:s4+s22], $0x40, s18, s22, $0xb8;
	[tilespmem:$0x15E20] =	vst v63  }
0xa4: {  	_ =	swait.ge [sflag:s28], $0x1400  }
0xa5: {  	[sflag:s28] =	ssyncset.done $0x0  }
0xa6: {  	s18 =	sadd.s32 $0x2850, s12;
	[sflag:s28] =	ssyncadd.s32 $0xFFFFEC00  }
0xa7: {  	[spmem:s1] =	stream.indirect.scatter.add.f32 [tilespmem:s23], [sflag:$0x5], $0x40, s18, s22, $0xb8;
	[tilespmem:$0x15E20] =	vst v63  }
0xa8: {  	_ =	swait.ge [sflag:s5], $0x1400  }
0xa9: {  	[sflag:s5] =	ssyncset.done $0x0  }
0xaa: {  	s18 =	sadd.s32 $0x230, s12;
	[sflag:s5] =	ssyncadd.s32 $0xFFFFEC00  }
0xab: {  	[tilespmem:s30], [sflag:$0x4] =	stream.indirect.gather [hbm4b:s4+s22], $0x40, s18, s22, $0xb8;
	[tilespmem:$0x15E20] =	vst v63  }
0xac: {  	_ =	swait.ge [sflag:s31], $0x1400  }
0xad: {  	[sflag:s31] =	ssyncset.done $0x0  }
0xae: {  	s18 =	sadd.s32 $0x28A0, s12;
	[sflag:s31] =	ssyncadd.s32 $0xFFFFEC00  }
0xaf: {  	[spmem:s1] =	stream.indirect.scatter.add.f32 [tilespmem:s24], [sflag:$0x6], $0x40, s18, s22, $0xb8;
	[tilespmem:$0x15E20] =	vst v63  }
0xb0: {  	_ =	swait.ge [sflag:s2], $0x1400  }
0xb1: {  	[sflag:s2] =	ssyncset.done $0x0  }
0xb2: {  	s18 =	sadd.s32 $0x280, s12;
	[sflag:s2] =	ssyncadd.s32 $0xFFFFEC00  }
0xb3: {  	[tilespmem:s23], [sflag:$0x1] =	stream.indirect.gather [hbm4b:s4+s22], $0x40, s18, s22, $0xb8;
	[tilespmem:$0x15E20] =	vst v63  }
0xb4: {  	_ =	swait.ge [sflag:s29], $0x1400  }
0xb5: {  	[sflag:s29] =	ssyncset.done $0x0  }
0xb6: {  	s18 =	sadd.s32 $0x28F0, s12;
	[sflag:s29] =	ssyncadd.s32 $0xFFFFEC00  }
0xb7: {  	[spmem:s1] =	stream.indirect.scatter.add.f32 [tilespmem:s26], [sflag:$0x7], $0x40, s18, s22, $0xb8;
	[tilespmem:$0x15E20] =	vst v63  }
0xb8: {  	_ =	swait.ge [sflag:s0], $0x1400  }
0xb9: {  	[sflag:s0] =	ssyncset.done $0x0  }
0xba: {  	s12 =	sadd.s32 $0x2940, s12;
	[sflag:s0] =	ssyncadd.s32 $0xFFFFEC00  }
0xbb: {  	[spmem:s1] =	stream.indirect.scatter.add.f32 [tilespmem:s30], [sflag:$0x8], $0x40, s12, s22, $0xb8;
	[tilespmem:$0x15E20] =	vst v63  }
0xbc: {  	_ =	swait.ge [sflag:s28], $0x1400  }
0xbd: {  	[sflag:s28] =	ssyncset.done $0x0  }
0xbe: {  	s18 =	simm.s32 $0x4DD0;
	[sflag:s28] =	ssyncadd.s32 $0xFFFFEC00  }
0xbf: {  	[spmem:s1] =	stream.indirect.scatter.add.f32 [tilespmem:s23], [sflag:$0x5], $0x40, s18, s22, $0xb8;
	[tilespmem:$0x15E20] =	vst v63  }
0xc0: {  	_ =	swait.ge [sflag:s2], $0x1400  }
0xc1: {  	[sflag:s2] =	ssyncset.done $0x0  }
0xc2: {  	[sflag:s2] =	ssyncadd.s32 $0xFFFFEC00  }
0xc3: {  	_ =	swait.ge [sflag:s25], $0x1400  }
0xc4: {  	[sflag:s25] =	ssyncset.done $0x0  }
0xc5: {  	[sflag:s25] =	ssyncadd.s32 $0xFFFFEC00  }
0xc6: {  	_ =	swait.ge [sflag:s3], $0x1400  }
0xc7: {  	[sflag:s3] =	ssyncset.done $0x0  }
0xc8: {  	[sflag:s3] =	ssyncadd.s32 $0xFFFFEC00  }
0xc9: {  	_ =	swait.ge [sflag:s5], $0x1400  }
0xca: {  	[sflag:s5] =	ssyncset.done $0x0  }
0xcb: {  	s13 =	stileid.u32;
	[sflag:s5] =	ssyncadd.s32 $0xFFFFEC00  }
0xcc: {  	s12 =	sshll.u32 s13, $0x6;
	[bflag:$0x0] =	sbarrier.arrive $0xFFFF  }
0xcd: {  	s13 =	sshrl.u32 s7, $0x3;
	s12 =	sor.u32 $0x1C0A, s12;
	s18 =	rddreg [dreg:$0x5]  }
0xce: {  	[hbm:s18], [sflag:s12] =	dma.local [spmem:s13], $0x400  }
0xcf: {  	_ =	swait.ge [sflag:s20], $0x400  }
0xd0: {  	[sflag:s20] =	ssyncset.done $0x0  }
0xd1: {  	s13 =	sshrl.u32 s8, $0x3;
	s18 =	rddreg [dreg:$0x6];
	[sflag:s20] =	ssyncadd.s32 $0xFFFFFC00  }
0xd2: {  	[hbm:s18], [sflag:s12] =	dma.local [spmem:s13], $0x400  }
0xd3: {  	_ =	swait.ge [sflag:s20], $0x400  }
0xd4: {  	[sflag:s20] =	ssyncset.done $0x0  }
0xd5: {  	s18 =	sshrl.u32 s9, $0x3;
	[sflag:s20] =	ssyncadd.s32 $0xFFFFFC00  }
0xd6: {  	[hbm:s14], [sflag:s12] =	dma.local [spmem:s18], $0x400  }
0xd7: {  	_ =	swait.ge [sflag:s20], $0x400  }
0xd8: {  	[sflag:s20] =	ssyncset.done $0x0  }
0xd9: {  	s18 =	sshrl.u32 s10, $0x3;
	[sflag:s20] =	ssyncadd.s32 $0xFFFFFC00  }
0xda: {  	[hbm:s15], [sflag:s12] =	dma.local [spmem:s18], $0x400  }
0xdb: {  	s6 =	sadd.s32 $0x1, s6;
	_ =	swait.ge [sflag:s20], $0x400  }
0xdc: {  	p0 =	sne.s32 s6, s17;
	[sflag:s20] =	ssyncset.done $0x0  }
.Ltmp2:
0xdd: {  	s18 =	sshrl.u32 s11, $0x3;
	[sflag:s20] =	ssyncadd.s32 $0xFFFFFC00;
	(pc) =	sbr.rel @p0 .LBB2_1-.Ltmp2, $4  }
0xde: {  	[hbm:s16], [sflag:s12] =	dma.local [spmem:s18], $0x400  }
0xdf: {  	_ =	swait.ge [sflag:s20], $0x400  }
0xe0: {  	[sflag:s20] =	ssyncset.done $0x0  }
0xe1: {  	[sflag:s20] =	ssyncadd.s32 $0xFFFFFC00  }
0xe2: {  	_ =	sfence.sel $0x180000  }
0xe3: {  	[bflag:$0x0] =	sbarrier.arrive $0xFFFF  }
0xe4: {  	_ =	strace $0x9000004D  }
0xe5: {  	s0 =	stileid.u32;
	[bflag:$0x2] =	sbarrier.arrive $0xFFFF  }
0xe6: {  	p0 =	sne.s32 s0, $0x0;
	s0 =	rddreg [dreg:$0x2]  }
0xe7: {  	s0 =	sadd.s32 @!p0 $0x100000, s0  }
0xe8: {  	[sflag:s0] =	ssyncadd.tile.s32 @!p0 $0x1;
	_ =	shalt  }
.Lfunc_end2:
_tile_overlayer_lowered:
.L_overlay_start_2:
0xe9: {  	(tag) =	ssettag $0x2  }
0xea: {  	s0 =	rddreg [dreg:$0x0];
	s2 =	stileid.u32  }
0xeb: {  	s1 =	rddreg [dreg:$0x1];
	p0 =	sne.s32 s2, $0x0  }
0xec: {  	s3 =	rddreg [dreg:$0x2];
	[bflag:$0x3] =	sbarrier.arrive $0xFFFF;
	s2 =	simm.s32 @!p0 $0x1C0A  }
0xed: {  	[timem:s3], [sflag:s2] =	dma.local @!p0 [hbm:s0], s1  }
0xee: {  	s0 =	simm.s32 @!p0 $0xA  }
0xef: {  	_ =	swait.ge @!p0 [sflag:s0], s1  }
0xf0: {  	s1 =	ssub.s32 @!p0 $0x0, s1;
	[sflag:s0] =	ssyncset.done @!p0 $0x0  }
0xf1: {  	[sflag:s0] =	ssyncadd.s32 @!p0 s1  }
0xf2: {  	[bflag:$0x3] =	sbarrier.arrive $0xFFFF  }
0xf3: {  	_ =	shalt  }

// kernel: kernel.19.cloned.1.call-start
scs
__scs_entry_jumppad:
0x0: {  	(pc) =	sbr.rel $0x88, $3  }
0x1: {  	(tag) =	ssettag $0x0;
	lr =	simm.s32 $0x1  }
0x2: {  	[smem:$0x3F8E] =	sst lr;
	_ =	strace $0xD0000000  }
0x3: {  	_ = 	snop  }
0x4: {  	_ = 	snop  }
0x5: {  	_ = 	snop  }
0x6: {  	_ = 	snop  }
0x7: {  	_ = 	snop  }
__scs_overlays_trampoline_lowered:
0x8: {  	[smem:$0x3F9D] =	sst s0  }
0x9: {  	[smem:$0x3F9E] =	sst s1  }
0xa: {  	[smem:$0x3F9F] =	sst s2  }
0xb: {  	[smem:$0x3FA0] =	sst s3  }
0xc: {  	[smem:$0x3FA1] =	sst s4  }
0xd: {  	[smem:$0x3FA2] =	sst s5  }
0xe: {  	[smem:$0x3FA3] =	sst s6  }
0xf: {  	[smem:$0x3FA4] =	sst s7  }
0x10: {  	[smem:$0x3FA5] =	sst s8  }
0x11: {  	[smem:$0x3FA6] =	sst s9;
	s0 =	simm.s32 @!p0 $0x0  }
0x12: {  	s1 =	sld [smem:$0x3F8C];
	s0 =	simm.s32 @p0 $0x1  }
0x13: {  	[smem:$0x3FA7] =	sst s0;
	s0 =	simm.s32 @!p1 $0x0  }
0x14: {  	s2 =	sld [smem:$0x3F8B];
	s0 =	simm.s32 @p1 $0x1  }
0x15: {  	[smem:$0x3FA8] =	sst s0;
	s0 =	simm.s32 @!p2 $0x0  }
0x16: {  	s3 =	sld [smem:$0x3FDB];
	s0 =	simm.s32 @p2 $0x1  }
0x17: {  	s4 =	simm.s32 $0x1BF5;
	[smem:$0x3FAA] =	sst s0  }
0x18: {  	s0 =	sld [smem:$0x3F8D];
	_ =	swait.ge [sflag:s4], $0x0  }
0x19: {  	s7 =	sld [smem:$0x3F8E]  }
0x1a: {  	s8 =	sadd.s32 $0xFFFFE003, lr  }
0x1b: {  	s9 =	sadd.s32 $0xFFFFFEF7, lr;
	s5 =	simm.s32 $0xFFFFFFFF;
	p2 =	slt.u32 s8, $0xFFFFF086  }
0x1c: {  	p1 =	slt.u32 s9, $0xF7A;
	s5 =	simm.s32 @!p2 $0x0  }
0x1d: {  	s5 =	simm.s32 @p1 $0x1;
	p0 =	seq.s32 s7, s2  }
0x1e: {  	s7 =	smul.u32 @!p0 $0xF7A, s2;
	p2 =	seq.s32 @!p0 s5, $0x0  }
0x1f: {  	s9 =	smul.u32 $0xF7A, s1;
	s8 =	simm.s32 @!p0 $0x1BF5;
	p2 =	por !p2, p0  }
0x20: {  	[sflag:s8] =	ssyncset.s32 @!p0 $0xFFFFF086;
	s6 =	sadd.s32 @!p0 s3, s7;
	s7 =	simm.s32 @!p0 $0x108  }
0x21: {  	s3 =	sadd.s32 s3, s9;
	s6 =	sadd.s32 @!p0 $0x88, s6;
	s7 =	simm.s32 @p2 $0x1082  }
0x22: {  	[simem:s7], [sflag:s8] =	dma.local @!p0 [hbm:s6], $0xF7A  }
0x23: {  	s9 =	sor.u32 $0xD0000000, s2;
	s6 =	simm.s32 $0x108;
	_ =	swait.ge @!p0 [sflag:s8], $0x0  }
0x24: {  	s3 =	sadd.s32 $0x88, s3;
	s6 =	simm.s32 @!p1 $0x1082;
	[sflag:s4] =	ssyncset.s32 $0xFFFFF086  }
0x25: {  	[simem:s6], [sflag:s4] =	dma.local [hbm:s3], $0xF7A  }
0x26: {  	[smem:$0x3F8E] =	sst s1;
	(tag) =	ssettag s2;
	_ =	strace s9  }
0x27: {  	s1 =	sld [smem:$0x3F9E]  }
0x28: {  	s2 =	sld [smem:$0x3F9F]  }
0x29: {  	s4 =	sld [smem:$0x3FA1]  }
0x2a: {  	p0 =	seq.s32 s5, $0x0;
	s5 =	sld [smem:$0x3FA2]  }
0x2b: {  	s6 =	sld [smem:$0x3FA3]  }
0x2c: {  	s7 =	sld [smem:$0x3FA4]  }
0x2d: {  	s3 =	simm.s32 $0x108;
	s8 =	sld [smem:$0x3FA5]  }
0x2e: {  	s3 =	simm.s32 @!p0 $0x1082;
	s9 =	sld [smem:$0x3FA6]  }
0x2f: {  	lr =	sadd.s32 s0, s3;
	s0 =	sld [smem:$0x3F9D]  }
0x30: {  	s3 =	sld [smem:$0x3FA0]  }
0x31: {  	[smem:$0x3FA9] =	sst s10  }
0x32: {  	s10 =	sld [smem:$0x3FA7];
	_ =	sdelay $0x3  }
0x33: {  	p0 =	seq.s32 s10, $0x1;
	s10 =	sld [smem:$0x3FA9];
	_ =	sdelay $0x3  }
0x34: {  	[smem:$0x3FA9] =	sst s10  }
0x35: {  	s10 =	sld [smem:$0x3FA8];
	_ =	sdelay $0x3  }
0x36: {  	p1 =	seq.s32 s10, $0x1;
	s10 =	sld [smem:$0x3FA9];
	_ =	sdelay $0x3  }
0x37: {  	[smem:$0x3FA9] =	sst s10  }
0x38: {  	s10 =	sld [smem:$0x3FAA]  }
0x39: {  	_ = 	snop;
	(pc) =	sbr.ind lr, $3  }
0x3a: {  	_ = 	snop  }
0x3b: {  	_ = 	snop  }
0x3c: {  	p2 =	seq.s32 s10, $0x1;
	s10 =	sld [smem:$0x3FA9]  }
0x3d: {  	_ =	shalt  }
0x3e: {  	_ =	shalt  }
0x3f: {  	_ =	shalt  }
0x40: {  	_ =	shalt  }
0x41: {  	_ =	shalt  }
0x42: {  	_ =	shalt  }
0x43: {  	_ =	shalt  }
0x44: {  	_ =	shalt  }
0x45: {  	_ =	shalt  }
0x46: {  	_ =	shalt  }
0x47: {  	_ =	shalt  }
0x48: {  	_ =	shalt  }
0x49: {  	_ =	shalt  }
0x4a: {  	_ =	shalt  }
0x4b: {  	_ =	shalt  }
0x4c: {  	_ =	shalt  }
0x4d: {  	_ =	shalt  }
0x4e: {  	_ =	shalt  }
0x4f: {  	_ =	shalt  }
0x50: {  	_ =	shalt  }
0x51: {  	_ =	shalt  }
0x52: {  	_ =	shalt  }
0x53: {  	_ =	shalt  }
0x54: {  	_ =	shalt  }
0x55: {  	_ =	shalt  }
0x56: {  	_ =	shalt  }
0x57: {  	_ =	shalt  }
0x58: {  	_ =	shalt  }
0x59: {  	_ =	shalt  }
0x5a: {  	_ =	shalt  }
0x5b: {  	_ =	shalt  }
0x5c: {  	_ =	shalt  }
0x5d: {  	_ =	shalt  }
0x5e: {  	_ =	shalt  }
0x5f: {  	_ =	shalt  }
0x60: {  	_ =	shalt  }
0x61: {  	_ =	shalt  }
0x62: {  	_ =	shalt  }
0x63: {  	_ =	shalt  }
0x64: {  	_ =	shalt  }
0x65: {  	_ =	shalt  }
0x66: {  	_ =	shalt  }
0x67: {  	_ =	shalt  }
0x68: {  	_ =	shalt  }
0x69: {  	_ =	shalt  }
0x6a: {  	_ =	shalt  }
0x6b: {  	_ =	shalt  }
0x6c: {  	_ =	shalt  }
0x6d: {  	_ =	shalt  }
0x6e: {  	_ =	shalt  }
0x6f: {  	_ =	shalt  }
0x70: {  	_ =	shalt  }
0x71: {  	_ =	shalt  }
0x72: {  	_ =	shalt  }
0x73: {  	_ =	shalt  }
0x74: {  	_ =	shalt  }
0x75: {  	_ =	shalt  }
0x76: {  	_ =	shalt  }
0x77: {  	_ =	shalt  }
0x78: {  	_ =	shalt  }
0x79: {  	_ =	shalt  }
0x7a: {  	_ =	shalt  }
0x7b: {  	_ =	shalt  }
0x7c: {  	_ =	shalt  }
0x7d: {  	_ =	shalt  }
0x7e: {  	_ =	shalt  }
0x7f: {  	_ =	shalt  }
0x80: {  	_ =	shalt  }
0x81: {  	_ =	shalt  }
0x82: {  	_ =	shalt  }
0x83: {  	_ =	shalt  }
0x84: {  	_ =	shalt  }
0x85: {  	_ =	shalt  }
0x86: {  	_ =	shalt  }
0x87: {  	_ =	shalt  }
.Lfunc_end0:
.L_simem_size_0:
called_computation.3_lowered:
.L_overlay_start_0:
0x88: {  	s2 =	sld [smem:$0x3FD9]  }
0x89: {  	s3 =	sld [smem:$0x3FFE];
	_ =	sdelay $0x1  }
0x8a: {  	s1 =	srdreg.scid  }
0x8b: {  	s0 =	sand.u32 $0x1, s1  }
0x8c: {  	s16 =	sshll.u32 s0, $0xA;
	s2 =	sadd.s32 s3, s2  }
0x8d: {  	s2 =	sadd.s32 s2, s16  }
0x8e: {  	[smem:$0x3FB5] =	sst s2  }
0x8f: {  	_ = 	snop  }
0x90: {  	(tm) =	ssettm $0x1  }
0x91: {  	s17 =	sld [smem:$0x3FFB];
	_ =	sdelay $0x3  }
0x92: {  	_ =	strace s17  }
0x93: {  	s2 =	sld [smem:$0x3FFC];
	_ =	sdelay $0x3  }
0x94: {  	_ =	strace s2  }
0x95: {  	s2 =	sld [smem:$0x3FFD];
	_ =	sdelay $0x3  }
0x96: {  	_ =	strace s2  }
0x97: {  	_ =	strace $0x8FFFFFFF  }
0x98: {  	s18 =	sld [smem:$0x3FDB];
	_ =	sdelay $0x1  }
0x99: {  	s19 =	simm.s32 $_scs_section_size  }
0x9a: {  	s4 =	simm.s32 $_size__tile_overlayer_lowered;
	s5 =	simm.s32 $_tile_overlayer_lowered  }
0x9b: {  	s22 =	simm.s32 $0x1BFF;
	s21 =	sshll.u32 s5, $0x1;
	s2 =	sadd.s32 s19, s18  }
0x9c: {  	s6 =	simm.s32 $0x0;
	s20 =	sshll.u32 s4, $0x1;
	s4 =	sadd.s32 s21, s2  }
0x9d: {  	[timem:s6], [sflag:s22] =	dma.local [hbm:s4], s20  }
0x9e: {  	_ =	swait.ge [sflag:s22], s20  }
0x9f: {  	s3 =	ssub.s32 $0x0, s20;
	[sflag:s22] =	ssyncset.done $0x0  }
0xa0: {  	[sflag:s22] =	ssyncadd.s32 s3;
	_ =	sdelay $0x1  }
0xa1: {  	s23 =	simm.s32 $0x1B8B  }
0xa2: {  	_ =	swait.ge [sflag:s23], $0x1  }
0xa3: {  	[sflag:s23] =	ssyncset.done $0x0  }
0xa4: {  	s25 =	simm.s32 $0x1B8E;
	s24 =	sld [smem:$0x3FFE];
	[sflag:s23] =	ssyncadd.s32 $0xFFFFFFFF  }
0xa5: {  	s26 =	simm.s32 $execute0_lowered;
	[smem:$0x3FD2] =	sst s25  }
0xa6: {  	s4 =	sshll.u32 s26, $0x1;
	_ =	strace $0x8000004F;
	[dreg:$0x1] =	wrdreg $0xFFFFFFFF  }
0xa7: {  	s28 =	simm.s32 $_size_execute0_lowered;
	s2 =	sadd.s32 s2, s4;
	[dreg:$0x0] =	wrdreg $0x0  }
0xa8: {  	s4 =	sshll.u32 s28, $0x1;
	[dreg:$0x2] =	wrdreg s2  }
0xa9: {  	[dreg:$0x3] =	wrdreg s4  }
0xaa: {  	[dreg:$0x4] =	wrdreg $0xC0  }
0xab: {  	_ =	task [dreg:s6], $0x5FFFF  }
0xac: {  	[dreg:$0x1] =	wrdreg $0xFFFFFFFF  }
0xad: {  	[dreg:$0x0] =	wrdreg $0x60  }
0xae: {  	[dreg:$0x2] =	wrdreg s24  }
0xaf: {  	[dreg:$0x3] =	wrdreg $0xBE200  }
0xb0: {  	[dreg:$0x4] =	wrdreg $0x9  }
0xb1: {  	_ =	task.clear_ibuf [dreg:s6], $0x5FFFF;
	_ =	strace $0x9000004F  }
0xb2: {  	s29 =	simm.s32 $0x9;
	_ =	strace $0x80000051  }
0xb3: {  	_ =	swait.ge [sflag:s29], $0x1  }
0xb4: {  	[sflag:s29] =	ssyncadd.s32 $0xFFFFFFFF  }
0xb5: {  	_ =	strace $0x90000051  }
0xb6: {  	_ =	sfence  }
0xb7: {  	s30 =	sld [smem:$0x0];
	_ =	sdelay $0x2  }
0xb8: {  	s31 =	sshll.u32 s1, $0xD;
	s1 =	sshrl.u32 s1, $0x2  }
0xb9: {  	s3 =	sand.u32 $0x4000, s31;
	s1 =	sadd.s32 s1, s30  }
0xba: {  	s0 =	sor.u32 s3, s0;
	s1 =	sshll.u32 s1, $0x11  }
0xbb: {  	s0 =	sor.u32 s1, s0  }
0xbc: {  	s0 =	sadd.s32 $0x8F2B, s0  }
0xbd: {  	[sflag:s0] =	ssyncadd.remote.s32 $0x1  }
0xbe: {  	_ =	sfence.sel $0xFFFF  }
0xbf: {  	[dreg:$0x0] =	wrdreg $0xFFFFFFFF;
	(pc) =	sbr.abs _section_cstart, $3  }
0xc0: {  	[dreg:$0x1] =	wrdreg $0xFFFFFFFF  }
0xc1: {  	_ =	task.clear_ibuf [dreg:s6], $0x2FFFF;
	_ =	strace $0x9FFFFFFF  }
0xc2: {  	(tm) =	ssettm $0x7FFFFFFF  }
0xc3: {  	_ =	shalt  }
tec
execute0_lowered:
.L_overlay_start_1:
0x0: {  	(tag) =	ssettag $0x1  }
0x1: {  	s0 =	rddreg [dreg:$0x0]  }
0x2: {  	s1 =	rddreg [dreg:$0x1];
	s2 =	srdreg.scid;
	s4 =	simm.s32 $0x0  }
0x3: {  	s7 =	stileid.u32;
	s19 =	simm.s32 $0x9E20;
	s20 =	simm.s32 $0xA  }
0x4: {  	s21 =	simm.s32 $0x9;
	s28 =	simm.s32 $0x1;
	s30 =	simm.s32 $0x8A20  }
0x5: {  	s31 =	simm.s32 $0x2;
	s29 =	simm.s32 $0x3;
	s2 =	sand.u32 $0x1, s2  }
0x6: {  	[smem:$0x7FF] =	sst s4;
	s4 =	sadd.s32 $0x17000, s0;
	s11 =	smul.u32 $0xA000, s7  }
0x7: {  	s3 =	sshll.u32 s2, $0x4;
	_ =	strace $0x80000050;
	s5 =	ssub.s32 $0x2, s2  }
0x8: {  	s2 =	smul.u32 $0xA0000, s2;
	s3 =	sor.u32 s7, s3;
	s6 =	sshrl.u32 s5, $0x1  }
0x9: {  	s7 =	sadd.s32 s11, s1;
	s23 =	sadd.s32 $0x2000, s11;
	s24 =	sadd.s32 $0x4000, s11  }
0xa: {  	s12 =	sadd.s32 $0x6000, s11;
	s14 =	sadd.s32 $0x8000, s11;
	s3 =	smul.u32 $0x4E2, s3  }
0xb: {  	s5 =	ssub.s32 s5, s6;
	s8 =	sadd.s32 s23, s1;
	s9 =	sadd.s32 s24, s1  }
0xc: {  	s10 =	sadd.s32 s12, s1;
	s13 =	sadd.s32 s11, s2;
	s11 =	sadd.s32 s14, s1  }
0xd: {  	s25 =	sadd.s32 s2, s24;
	s26 =	sadd.s32 s2, s12;
	s24 =	simm.s32 $0x6220  }
0xe: {  	s13 =	sshrl.u32 s13, $0x3;
	s6 =	sshrl.u32 s26, $0x3;
	s17 =	smax.u32 s5, $0x1  }
0xf: {  	s26 =	simm.s32 $0x7620;
	s5 =	simm.s32 $0x8;
	s3 =	sadd.s32 s3, s0  }
0x10: {  	s0 =	sadd.s32 $0x2B000, s0;
	s22 =	sadd.s32 $0x3400, s3;
	s3 =	sadd.s32 $0xD200, s3  }
0x11: {  	s13 =	sadd.s32 s0, s13;
	s15 =	sadd.s32 s0, s6;
	[dreg:$0x3] =	wrdreg s22  }
0x12: {  	s6 =	simm.s32 $0x0;
	[dreg:$0x4] =	wrdreg s3;
	s3 =	sadd.s32 s2, s23  }
0x13: {  	[dreg:$0x5] =	wrdreg s13;
	s2 =	sadd.s32 s2, s14;
	s22 =	simm.s32 $0x50  }
0x14: {  	s23 =	simm.s32 $0x4E20;
	s3 =	sshrl.u32 s3, $0x3;
	s2 =	sshrl.u32 s2, $0x3  }
0x15: {  	s3 =	sadd.s32 s0, s3;
	s16 =	sadd.s32 s0, s2;
	s2 =	simm.s32 $0x5  }
0x16: {  	[dreg:$0x6] =	wrdreg s3;
	s3 =	sshrl.u32 s25, $0x3;
	s25 =	simm.s32 $0x6  }
0x17: {  	v0 =	vimm.f32 $0.0e+00;
	s14 =	sadd.s32 s0, s3;
	s0 =	simm.s32 $0x4;
	s3 =	simm.s32 $0x7  }
.LBB2_1:
0x18: {  	s12 =	simm.s32 $0x0;
	s13 =	rddreg [dreg:$0x3]  }
0x19: {  	[tilespmem:s12], [sflag:$0x9] =	stream.linear.gather [hbm4b:s13+s12], $0x2710, $0x38;
	[tilespmem:$0x15E20] =	vst v63  }
0x1a: {  	s18 =	simm.s32 $0x2710;
	s13 =	rddreg [dreg:$0x4]  }
0x1b: {  	[tilespmem:s18], [sflag:$0x9] =	stream.linear.gather [hbm4b:s13+s12], $0x2710, $0x38;
	[tilespmem:$0x15E20] =	vst v63  }
0x1c: {  	s13 =	simm.s32 $0x100;
	s12 =	simm.s32 $0x0  }
.LBB2_2:
0x1d: {  	p0 =	sne.s32 s13, $0x7F00;
	[tilespmem:s12+$0x9E50] =	vst v0;
	s18 =	smov.u32 s13;
	s13 =	sadd.s32 $0x100, s13  }
.Ltmp0:
0x1e: {  	[tilespmem:s12+$0x9E40] =	vst v0;
	(pc) =	sbr.rel @p0 .LBB2_2-.Ltmp0, $3  }
0x1f: {  	[tilespmem:s12+$0x9E20] =	vst v0  }
0x20: {  	[tilespmem:s12+$0x9E30] =	vst v0;
	_ =	sdelay $0x1  }
0x21: {  	s12 =	sshra.s32 s18, $0x2  }
0x22: {  	[tilespmem:s12+$0x9E50] =	vst v0  }
0x23: {  	[tilespmem:s12+$0x9E40] =	vst v0  }
0x24: {  	[tilespmem:s12+$0x9E20] =	vst v0  }
0x25: {  	[tilespmem:s12+$0x9E30] =	vst v0  }
0x26: {  	[spmem:s7] =	stream.linear.scatter [tilespmem:s19], [sflag:$0xA], $0x2000, $0x38;
	[tilespmem:$0x15E20] =	vst v63  }
0x27: {  	_ =	swait.ge [sflag:s20], $0x2000  }
0x28: {  	[sflag:s20] =	ssyncset.done $0x0  }
0x29: {  	[sflag:s20] =	ssyncadd.s32 $0xFFFFE000  }
0x2a: {  	[spmem:s8] =	stream.linear.scatter [tilespmem:s19], [sflag:$0xA], $0x2000, $0x38;
	[tilespmem:$0x15E20] =	vst v63  }
0x2b: {  	_ =	swait.ge [sflag:s20], $0x2000  }
0x2c: {  	[sflag:s20] =	ssyncset.done $0x0  }
0x2d: {  	[sflag:s20] =	ssyncadd.s32 $0xFFFFE000  }
0x2e: {  	[spmem:s9] =	stream.linear.scatter [tilespmem:s19], [sflag:$0xA], $0x2000, $0x38;
	[tilespmem:$0x15E20] =	vst v63  }
0x2f: {  	_ =	swait.ge [sflag:s20], $0x2000  }
0x30: {  	[sflag:s20] =	ssyncset.done $0x0  }
0x31: {  	[sflag:s20] =	ssyncadd.s32 $0xFFFFE000  }
0x32: {  	[spmem:s10] =	stream.linear.scatter [tilespmem:s19], [sflag:$0xA], $0x2000, $0x38;
	[tilespmem:$0x15E20] =	vst v63  }
0x33: {  	_ =	swait.ge [sflag:s20], $0x2000  }
0x34: {  	[sflag:s20] =	ssyncset.done $0x0  }
0x35: {  	[sflag:s20] =	ssyncadd.s32 $0xFFFFE000  }
0x36: {  	[spmem:s11] =	stream.linear.scatter [tilespmem:s19], [sflag:$0xA], $0x2000, $0x38;
	[tilespmem:$0x15E20] =	vst v63  }
0x37: {  	_ =	swait.ge [sflag:s20], $0x2000  }
0x38: {  	[sflag:s20] =	ssyncset.done $0x0  }
0x39: {  	[sflag:s20] =	ssyncadd.s32 $0xFFFFE000  }
0x3a: {  	_ =	swait.ge [sflag:s21], $0x2710  }
0x3b: {  	[sflag:s21] =	ssyncset.done $0x0  }
0x3c: {  	[sflag:s21] =	ssyncadd.s32 $0xFFFFD8F0  }
0x3d: {  	_ =	swait.ge [sflag:s21], $0x2710  }
0x3e: {  	[sflag:s21] =	ssyncset.done $0x0  }
0x3f: {  	[sflag:s21] =	ssyncadd.s32 $0xFFFFD8F0  }
0x40: {  	s13 =	simm.s32 $0x0;
	[bflag:$0x0] =	sbarrier.arrive $0xFFFF  }
0x41: {  	[tilespmem:s23], [sflag:$0x1] =	stream.indirect.gather [hbm4b:s4+s22], $0x40, s13, s22, $0xb8;
	[tilespmem:$0x15E20] =	vst v63  }
0x42: {  	_ = 	snop  }
0x43: {  	[tilespmem:s24], [sflag:$0x2] =	stream.indirect.gather [hbm4b:s4+s22], $0x40, s22, s22, $0xb8;
	[tilespmem:$0x15E20] =	vst v63  }
0x44: {  	s18 =	simm.s32 $0xA0  }
0x45: {  	[tilespmem:s26], [sflag:$0x3] =	stream.indirect.gather [hbm4b:s4+s22], $0x40, s18, s22, $0xb8;
	[tilespmem:$0x15E20] =	vst v63  }
0x46: {  	_ =	swait.ge [sflag:s28], $0x1400  }
0x47: {  	[sflag:s28] =	ssyncset.done $0x0  }
0x48: {  	s13 =	simm.s32 $0x2710;
	[sflag:s28] =	ssyncadd.s32 $0xFFFFEC00  }
0x49: {  	[spmem:s1] =	stream.indirect.scatter.add.f32 [tilespmem:s23], [sflag:$0x5], $0x40, s13, s22, $0xb8;
	[tilespmem:$0x15E20] =	vst v63  }
0x4a: {  	s18 =	simm.s32 $0xF0  }
0x4b: {  	[tilespmem:s30], [sflag:$0x4] =	stream.indirect.gather [hbm4b:s4+s22], $0x40, s18, s22, $0xb8;
	[tilespmem:$0x15E20] =	vst v63  }
0x4c: {  	_ =	swait.ge [sflag:s31], $0x1400  }
0x4d: {  	[sflag:s31] =	ssyncset.done $0x0  }
0x4e: {  	s13 =	simm.s32 $0x2760;
	[sflag:s31] =	ssyncadd.s32 $0xFFFFEC00  }
0x4f: {  	[spmem:s1] =	stream.indirect.scatter.add.f32 [tilespmem:s24], [sflag:$0x6], $0x40, s13, s22, $0xb8;
	[tilespmem:$0x15E20] =	vst v63  }
0x50: {  	_ =	swait.ge [sflag:s2], $0x1400  }
0x51: {  	[sflag:s2] =	ssyncset.done $0x0  }
0x52: {  	s18 =	simm.s32 $0x140;
	[sflag:s2] =	ssyncadd.s32 $0xFFFFEC00  }
0x53: {  	[tilespmem:s23], [sflag:$0x1] =	stream.indirect.gather [hbm4b:s4+s22], $0x40, s18, s22, $0xb8;
	[tilespmem:$0x15E20] =	vst v63  }
0x54: {  	_ =	swait.ge [sflag:s29], $0x1400  }
0x55: {  	[sflag:s29] =	ssyncset.done $0x0  }
0x56: {  	s13 =	simm.s32 $0x27B0;
	[sflag:s29] =	ssyncadd.s32 $0xFFFFEC00  }
0x57: {  	[spmem:s1] =	stream.indirect.scatter.add.f32 [tilespmem:s26], [sflag:$0x7], $0x40, s13, s22, $0xb8;
	[tilespmem:$0x15E20] =	vst v63  }
0x58: {  	_ =	swait.ge [sflag:s25], $0x1400  }
0x59: {  	[sflag:s25] =	ssyncset.done $0x0  }
0x5a: {  	s18 =	simm.s32 $0x190;
	[sflag:s25] =	ssyncadd.s32 $0xFFFFEC00  }
0x5b: {  	[tilespmem:s24], [sflag:$0x2] =	stream.indirect.gather [hbm4b:s4+s22], $0x40, s18, s22, $0xb8;
	[tilespmem:$0x15E20] =	vst v63  }
0x5c: {  	_ =	swait.ge [sflag:s0], $0x1400  }
0x5d: {  	[sflag:s0] =	ssyncset.done $0x0  }
0x5e: {  	s13 =	simm.s32 $0x2800;
	[sflag:s0] =	ssyncadd.s32 $0xFFFFEC00  }
0x5f: {  	[spmem:s1] =	stream.indirect.scatter.add.f32 [tilespmem:s30], [sflag:$0x8], $0x40, s13, s22, $0xb8;
	[tilespmem:$0x15E20] =	vst v63  }
0x60: {  	_ =	swait.ge [sflag:s3], $0x1400  }
0x61: {  	[sflag:s3] =	ssyncset.done $0x0  }
0x62: {  	s18 =	simm.s32 $0x1E0;
	[sflag:s3] =	ssyncadd.s32 $0xFFFFEC00  }
0x63: {  	[tilespmem:s26], [sflag:$0x3] =	stream.indirect.gather [hbm4b:s4+s22], $0x40, s18, s22, $0xb8;
	[tilespmem:$0x15E20] =	vst v63  }
0x64: {  	_ =	swait.ge [sflag:s28], $0x1400  }
0x65: {  	[sflag:s28] =	ssyncset.done $0x0  }
0x66: {  	s13 =	simm.s32 $0x2850;
	[sflag:s28] =	ssyncadd.s32 $0xFFFFEC00  }
0x67: {  	[spmem:s1] =	stream.indirect.scatter.add.f32 [tilespmem:s23], [sflag:$0x5], $0x40, s13, s22, $0xb8;
	[tilespmem:$0x15E20] =	vst v63  }
0x68: {  	_ =	swait.ge [sflag:s5], $0x1400  }
0x69: {  	[sflag:s5] =	ssyncset.done $0x0  }
0x6a: {  	s18 =	simm.s32 $0x230;
	[sflag:s5] =	ssyncadd.s32 $0xFFFFEC00  }
0x6b: {  	[tilespmem:s30], [sflag:$0x4] =	stream.indirect.gather [hbm4b:s4+s22], $0x40, s18, s22, $0xb8;
	[tilespmem:$0x15E20] =	vst v63  }
0x6c: {  	_ =	swait.ge [sflag:s31], $0x1400  }
0x6d: {  	[sflag:s31] =	ssyncset.done $0x0  }
0x6e: {  	s13 =	simm.s32 $0x28A0;
	[sflag:s31] =	ssyncadd.s32 $0xFFFFEC00  }
0x6f: {  	[spmem:s1] =	stream.indirect.scatter.add.f32 [tilespmem:s24], [sflag:$0x6], $0x40, s13, s22, $0xb8;
	[tilespmem:$0x15E20] =	vst v63  }
0x70: {  	_ =	swait.ge [sflag:s2], $0x1400  }
0x71: {  	[sflag:s2] =	ssyncset.done $0x0  }
0x72: {  	s18 =	simm.s32 $0x280;
	[sflag:s2] =	ssyncadd.s32 $0xFFFFEC00  }
0x73: {  	[tilespmem:s23], [sflag:$0x1] =	stream.indirect.gather [hbm4b:s4+s22], $0x40, s18, s22, $0xb8;
	[tilespmem:$0x15E20] =	vst v63  }
0x74: {  	_ =	swait.ge [sflag:s29], $0x1400  }
0x75: {  	[sflag:s29] =	ssyncset.done $0x0  }
0x76: {  	s13 =	simm.s32 $0x28F0;
	[sflag:s29] =	ssyncadd.s32 $0xFFFFEC00  }
0x77: {  	[spmem:s1] =	stream.indirect.scatter.add.f32 [tilespmem:s26], [sflag:$0x7], $0x40, s13, s22, $0xb8;
	[tilespmem:$0x15E20] =	vst v63  }
0x78: {  	_ =	swait.ge [sflag:s25], $0x1400  }
0x79: {  	[sflag:s25] =	ssyncset.done $0x0  }
0x7a: {  	s18 =	simm.s32 $0x2D0;
	[sflag:s25] =	ssyncadd.s32 $0xFFFFEC00  }
0x7b: {  	[tilespmem:s24], [sflag:$0x2] =	stream.indirect.gather [hbm4b:s4+s22], $0x40, s18, s22, $0xb8;
	[tilespmem:$0x15E20] =	vst v63  }
0x7c: {  	_ =	swait.ge [sflag:s0], $0x1400  }
0x7d: {  	[sflag:s0] =	ssyncset.done $0x0  }
0x7e: {  	s12 =	simm.s32 $0x500;
	s13 =	simm.s32 $0x2940;
	[sflag:s0] =	ssyncadd.s32 $0xFFFFEC00  }
.LBB2_4:
0x7f: {  	[spmem:s1] =	stream.indirect.scatter.add.f32 [tilespmem:s30], [sflag:$0x8], $0x40, s13, s22, $0xb8;
	[tilespmem:$0x15E20] =	vst v63  }
0x80: {  	s13 =	smov.u32 s12;
	s12 =	sadd.s32 $0x500, s12;
	_ =	swait.ge [sflag:s3], $0x1400  }
0x81: {  	s13 =	sshra.s32 s13, $0x2;
	p0 =	sne.s32 s12, $0x9100;
	[sflag:s3] =	ssyncset.done $0x0  }
0x82: {  	s18 =	sadd.s32 $0x1E0, s13;
	[sflag:s3] =	ssyncadd.s32 $0xFFFFEC00  }
0x83: {  	[tilespmem:s26], [sflag:$0x3] =	stream.indirect.gather [hbm4b:s4+s22], $0x40, s18, s22, $0xb8;
	[tilespmem:$0x15E20] =	vst v63  }
0x84: {  	_ =	swait.ge [sflag:s28], $0x1400  }
0x85: {  	[sflag:s28] =	ssyncset.done $0x0  }
0x86: {  	s18 =	sadd.s32 $0x2850, s13;
	[sflag:s28] =	ssyncadd.s32 $0xFFFFEC00  }
0x87: {  	[spmem:s1] =	stream.indirect.scatter.add.f32 [tilespmem:s23], [sflag:$0x5], $0x40, s18, s22, $0xb8;
	[tilespmem:$0x15E20] =	vst v63  }
0x88: {  	_ =	swait.ge [sflag:s5], $0x1400  }
0x89: {  	[sflag:s5] =	ssyncset.done $0x0  }
0x8a: {  	s18 =	sadd.s32 $0x230, s13;
	[sflag:s5] =	ssyncadd.s32 $0xFFFFEC00  }
0x8b: {  	[tilespmem:s30], [sflag:$0x4] =	stream.indirect.gather [hbm4b:s4+s22], $0x40, s18, s22, $0xb8;
	[tilespmem:$0x15E20] =	vst v63  }
0x8c: {  	_ =	swait.ge [sflag:s31], $0x1400  }
0x8d: {  	[sflag:s31] =	ssyncset.done $0x0  }
0x8e: {  	s18 =	sadd.s32 $0x28A0, s13;
	[sflag:s31] =	ssyncadd.s32 $0xFFFFEC00  }
0x8f: {  	[spmem:s1] =	stream.indirect.scatter.add.f32 [tilespmem:s24], [sflag:$0x6], $0x40, s18, s22, $0xb8;
	[tilespmem:$0x15E20] =	vst v63  }
0x90: {  	_ =	swait.ge [sflag:s2], $0x1400  }
0x91: {  	[sflag:s2] =	ssyncset.done $0x0  }
0x92: {  	s18 =	sadd.s32 $0x280, s13;
	[sflag:s2] =	ssyncadd.s32 $0xFFFFEC00  }
0x93: {  	[tilespmem:s23], [sflag:$0x1] =	stream.indirect.gather [hbm4b:s4+s22], $0x40, s18, s22, $0xb8;
	[tilespmem:$0x15E20] =	vst v63  }
0x94: {  	_ =	swait.ge [sflag:s29], $0x1400  }
0x95: {  	[sflag:s29] =	ssyncset.done $0x0  }
0x96: {  	s18 =	sadd.s32 $0x28F0, s13;
	[sflag:s29] =	ssyncadd.s32 $0xFFFFEC00  }
0x97: {  	[spmem:s1] =	stream.indirect.scatter.add.f32 [tilespmem:s26], [sflag:$0x7], $0x40, s18, s22, $0xb8;
	[tilespmem:$0x15E20] =	vst v63  }
0x98: {  	_ =	swait.ge [sflag:s25], $0x1400  }
0x99: {  	[sflag:s25] =	ssyncset.done $0x0  }
.Ltmp1:
0x9a: {  	s18 =	sadd.s32 $0x2D0, s13;
	[sflag:s25] =	ssyncadd.s32 $0xFFFFEC00;
	(pc) =	sbr.rel @p0 .LBB2_4-.Ltmp1, $4  }
0x9b: {  	[tilespmem:s24], [sflag:$0x2] =	stream.indirect.gather [hbm4b:s4+s22], $0x40, s18, s22, $0xb8;
	[tilespmem:$0x15E20] =	vst v63  }
0x9c: {  	_ =	swait.ge [sflag:s0], $0x1400  }
0x9d: {  	[sflag:s0] =	ssyncset.done $0x0  }
0x9e: {  	s13 =	sadd.s32 $0x2940, s13;
	[sflag:s0] =	ssyncadd.s32 $0xFFFFEC00  }
0x9f: {  	[spmem:s1] =	stream.indirect.scatter.add.f32 [tilespmem:s30], [sflag:$0x8], $0x40, s13, s22, $0xb8;
	[tilespmem:$0x15E20] =	vst v63  }
0xa0: {  	_ =	swait.ge [sflag:s3], $0x1400  }
0xa1: {  	s12 =	sshra.s32 s12, $0x2;
	[sflag:s3] =	ssyncset.done $0x0  }
0xa2: {  	s18 =	sadd.s32 $0x1E0, s12;
	[sflag:s3] =	ssyncadd.s32 $0xFFFFEC00  }
0xa3: {  	[tilespmem:s26], [sflag:$0x3] =	stream.indirect.gather [hbm4b:s4+s22], $0x40, s18, s22, $0xb8;
	[tilespmem:$0x15E20] =	vst v63  }
0xa4: {  	_ =	swait.ge [sflag:s28], $0x1400  }
0xa5: {  	[sflag:s28] =	ssyncset.done $0x0  }
0xa6: {  	s18 =	sadd.s32 $0x2850, s12;
	[sflag:s28] =	ssyncadd.s32 $0xFFFFEC00  }
0xa7: {  	[spmem:s1] =	stream.indirect.scatter.add.f32 [tilespmem:s23], [sflag:$0x5], $0x40, s18, s22, $0xb8;
	[tilespmem:$0x15E20] =	vst v63  }
0xa8: {  	_ =	swait.ge [sflag:s5], $0x1400  }
0xa9: {  	[sflag:s5] =	ssyncset.done $0x0  }
0xaa: {  	s18 =	sadd.s32 $0x230, s12;
	[sflag:s5] =	ssyncadd.s32 $0xFFFFEC00  }
0xab: {  	[tilespmem:s30], [sflag:$0x4] =	stream.indirect.gather [hbm4b:s4+s22], $0x40, s18, s22, $0xb8;
	[tilespmem:$0x15E20] =	vst v63  }
0xac: {  	_ =	swait.ge [sflag:s31], $0x1400  }
0xad: {  	[sflag:s31] =	ssyncset.done $0x0  }
0xae: {  	s18 =	sadd.s32 $0x28A0, s12;
	[sflag:s31] =	ssyncadd.s32 $0xFFFFEC00  }
0xaf: {  	[spmem:s1] =	stream.indirect.scatter.add.f32 [tilespmem:s24], [sflag:$0x6], $0x40, s18, s22, $0xb8;
	[tilespmem:$0x15E20] =	vst v63  }
0xb0: {  	_ =	swait.ge [sflag:s2], $0x1400  }
0xb1: {  	[sflag:s2] =	ssyncset.done $0x0  }
0xb2: {  	s18 =	sadd.s32 $0x280, s12;
	[sflag:s2] =	ssyncadd.s32 $0xFFFFEC00  }
0xb3: {  	[tilespmem:s23], [sflag:$0x1] =	stream.indirect.gather [hbm4b:s4+s22], $0x40, s18, s22, $0xb8;
	[tilespmem:$0x15E20] =	vst v63  }
0xb4: {  	_ =	swait.ge [sflag:s29], $0x1400  }
0xb5: {  	[sflag:s29] =	ssyncset.done $0x0  }
0xb6: {  	s18 =	sadd.s32 $0x28F0, s12;
	[sflag:s29] =	ssyncadd.s32 $0xFFFFEC00  }
0xb7: {  	[spmem:s1] =	stream.indirect.scatter.add.f32 [tilespmem:s26], [sflag:$0x7], $0x40, s18, s22, $0xb8;
	[tilespmem:$0x15E20] =	vst v63  }
0xb8: {  	_ =	swait.ge [sflag:s0], $0x1400  }
0xb9: {  	[sflag:s0] =	ssyncset.done $0x0  }
0xba: {  	s12 =	sadd.s32 $0x2940, s12;
	[sflag:s0] =	ssyncadd.s32 $0xFFFFEC00  }
0xbb: {  	[spmem:s1] =	stream.indirect.scatter.add.f32 [tilespmem:s30], [sflag:$0x8], $0x40, s12, s22, $0xb8;
	[tilespmem:$0x15E20] =	vst v63  }
0xbc: {  	_ =	swait.ge [sflag:s28], $0x1400  }
0xbd: {  	[sflag:s28] =	ssyncset.done $0x0  }
0xbe: {  	s18 =	simm.s32 $0x4DD0;
	[sflag:s28] =	ssyncadd.s32 $0xFFFFEC00  }
0xbf: {  	[spmem:s1] =	stream.indirect.scatter.add.f32 [tilespmem:s23], [sflag:$0x5], $0x40, s18, s22, $0xb8;
	[tilespmem:$0x15E20] =	vst v63  }
0xc0: {  	_ =	swait.ge [sflag:s2], $0x1400  }
0xc1: {  	[sflag:s2] =	ssyncset.done $0x0  }
0xc2: {  	[sflag:s2] =	ssyncadd.s32 $0xFFFFEC00  }
0xc3: {  	_ =	swait.ge [sflag:s25], $0x1400  }
0xc4: {  	[sflag:s25] =	ssyncset.done $0x0  }
0xc5: {  	[sflag:s25] =	ssyncadd.s32 $0xFFFFEC00  }
0xc6: {  	_ =	swait.ge [sflag:s3], $0x1400  }
0xc7: {  	[sflag:s3] =	ssyncset.done $0x0  }
0xc8: {  	[sflag:s3] =	ssyncadd.s32 $0xFFFFEC00  }
0xc9: {  	_ =	swait.ge [sflag:s5], $0x1400  }
0xca: {  	[sflag:s5] =	ssyncset.done $0x0  }
0xcb: {  	s13 =	stileid.u32;
	[sflag:s5] =	ssyncadd.s32 $0xFFFFEC00  }
0xcc: {  	s12 =	sshll.u32 s13, $0x6;
	[bflag:$0x0] =	sbarrier.arrive $0xFFFF  }
0xcd: {  	s13 =	sshrl.u32 s7, $0x3;
	s12 =	sor.u32 $0x1C0A, s12;
	s18 =	rddreg [dreg:$0x5]  }
0xce: {  	[hbm:s18], [sflag:s12] =	dma.local [spmem:s13], $0x400  }
0xcf: {  	_ =	swait.ge [sflag:s20], $0x400  }
0xd0: {  	[sflag:s20] =	ssyncset.done $0x0  }
0xd1: {  	s13 =	sshrl.u32 s8, $0x3;
	s18 =	rddreg [dreg:$0x6];
	[sflag:s20] =	ssyncadd.s32 $0xFFFFFC00  }
0xd2: {  	[hbm:s18], [sflag:s12] =	dma.local [spmem:s13], $0x400  }
0xd3: {  	_ =	swait.ge [sflag:s20], $0x400  }
0xd4: {  	[sflag:s20] =	ssyncset.done $0x0  }
0xd5: {  	s18 =	sshrl.u32 s9, $0x3;
	[sflag:s20] =	ssyncadd.s32 $0xFFFFFC00  }
0xd6: {  	[hbm:s14], [sflag:s12] =	dma.local [spmem:s18], $0x400  }
0xd7: {  	_ =	swait.ge [sflag:s20], $0x400  }
0xd8: {  	[sflag:s20] =	ssyncset.done $0x0  }
0xd9: {  	s18 =	sshrl.u32 s10, $0x3;
	[sflag:s20] =	ssyncadd.s32 $0xFFFFFC00  }
0xda: {  	[hbm:s15], [sflag:s12] =	dma.local [spmem:s18], $0x400  }
0xdb: {  	s6 =	sadd.s32 $0x1, s6;
	_ =	swait.ge [sflag:s20], $0x400  }
0xdc: {  	p0 =	sne.s32 s6, s17;
	[sflag:s20] =	ssyncset.done $0x0  }
.Ltmp2:
0xdd: {  	s18 =	sshrl.u32 s11, $0x3;
	[sflag:s20] =	ssyncadd.s32 $0xFFFFFC00;
	(pc) =	sbr.rel @p0 .LBB2_1-.Ltmp2, $4  }
0xde: {  	[hbm:s16], [sflag:s12] =	dma.local [spmem:s18], $0x400  }
0xdf: {  	_ =	swait.ge [sflag:s20], $0x400  }
0xe0: {  	[sflag:s20] =	ssyncset.done $0x0  }
0xe1: {  	[sflag:s20] =	ssyncadd.s32 $0xFFFFFC00  }
0xe2: {  	_ =	sfence.sel $0x180000  }
0xe3: {  	[bflag:$0x0] =	sbarrier.arrive $0xFFFF  }
0xe4: {  	_ =	strace $0x90000050  }
0xe5: {  	s0 =	stileid.u32;
	[bflag:$0x2] =	sbarrier.arrive $0xFFFF  }
0xe6: {  	p0 =	sne.s32 s0, $0x0;
	s0 =	rddreg [dreg:$0x2]  }
0xe7: {  	s0 =	sadd.s32 @!p0 $0x100000, s0  }
0xe8: {  	[sflag:s0] =	ssyncadd.tile.s32 @!p0 $0x1;
	_ =	shalt  }
.Lfunc_end2:
_tile_overlayer_lowered:
.L_overlay_start_2:
0xe9: {  	(tag) =	ssettag $0x2  }
0xea: {  	s0 =	rddreg [dreg:$0x0];
	s2 =	stileid.u32  }
0xeb: {  	s1 =	rddreg [dreg:$0x1];
	p0 =	sne.s32 s2, $0x0  }
0xec: {  	s3 =	rddreg [dreg:$0x2];
	[bflag:$0x3] =	sbarrier.arrive $0xFFFF;
	s2 =	simm.s32 @!p0 $0x1C0A  }
0xed: {  	[timem:s3], [sflag:s2] =	dma.local @!p0 [hbm:s0], s1  }
0xee: {  	s0 =	simm.s32 @!p0 $0xA  }
0xef: {  	_ =	swait.ge @!p0 [sflag:s0], s1  }
0xf0: {  	s1 =	ssub.s32 @!p0 $0x0, s1;
	[sflag:s0] =	ssyncset.done @!p0 $0x0  }
0xf1: {  	[sflag:s0] =	ssyncadd.s32 @!p0 s1  }
0xf2: {  	[bflag:$0x3] =	sbarrier.arrive $0xFFFF  }
0xf3: {  	_ =	shalt  }

</sc_bundles>
